<compile_context>
chip_gen: v7x
topology: tpu7x:2x2x1
jax: 0.10.2.dev20260603
libtpu: 0.0.44.dev20260713+nightly
codegen_flags: <defaults>
</compile_context>

<pallas_src>
import functools

import jax
import jax.numpy as jnp
from jax import lax
from jax.experimental import pallas as pl
from jax.experimental.pallas import tpu as pltpu
from jax.experimental.pallas import tpu_sc as plsc

M, D, B = 8192, 8192, 32
NNZ = 671088
NW = 32
GS = 128
CH = -(-(-(-NNZ // NW)) // GS) * GS
NNZ_PAD = NW * CH
NSUB = CH // GS
BN = 256
RPT = D // 16


def _sc_sparse_partials(xT, idx_p, dlt_p, zeros):
    mesh = plsc.VectorSubcoreMesh(core_axis_name="c", subcore_axis_name="s")

    @functools.partial(
        pl.kernel,
        mesh=mesh,
        compiler_params=pltpu.CompilerParams(use_tc_tiling_on_sc=False),
        out_type=jax.ShapeDtypeStruct((2 * D, B), jnp.float32),
        scratch_types=[
            pltpu.VMEM((GS,), jnp.int32),
            pltpu.VMEM((GS,), jnp.int32),
            pltpu.VMEM((GS,), jnp.int32),
            pltpu.VMEM((GS,), jnp.float32),
            pltpu.VMEM((GS, B), jnp.float32),
            pltpu.VMEM_SHARED((D, B), jnp.float32),
            pltpu.SemaphoreType.DMA,
        ],
    )
    def k(xT_hbm, idx_hbm, dlt_hbm, z_hbm, out_hbm,
          idxb, rb, cb, db, rows, acc, sem):
        cid = lax.axis_index("c")
        sid = lax.axis_index("s")
        wid = cid * 16 + sid
        pltpu.sync_copy(z_hbm.at[pl.ds(sid * RPT, RPT)],
                        acc.at[pl.ds(sid * RPT, RPT)])
        plsc.subcore_barrier()
        base = wid * CH

        def body(j, carry):
            off = base + j * GS
            pltpu.sync_copy(idx_hbm.at[pl.ds(off, GS)], idxb)
            pltpu.sync_copy(dlt_hbm.at[pl.ds(off, GS)], db)
            for t in range(GS // 16):
                sl = pl.ds(t * 16, 16)
                v = idxb[sl]
                rb[sl] = lax.shift_right_logical(v, 13)
                cb[sl] = lax.bitwise_and(v, D - 1)
            pltpu.async_copy(xT_hbm.at[rb], rows, sem).wait()
            for g in range(GS // 16):
                dvec = db[pl.ds(g * 16, 16)]
                for l in range(16):
                    dscal = dvec[l]
                    i = g * 16 + l
                    for h in range(B // 16):
                        sl = pl.ds(h * 16, 16)
                        rows[i, sl] = rows[i, sl] * dscal
            pltpu.sync_copy(rows, acc.at[cb], add=True)
            return carry

        lax.fori_loop(0, NSUB, body, 0)
        plsc.subcore_barrier()
        pltpu.sync_copy(acc.at[pl.ds(sid * RPT, RPT)],
                        out_hbm.at[pl.ds(cid * D + sid * RPT, RPT)])

    return k(xT, idx_p, dlt_p, zeros)


def _mm_body(x_ref, w_ref, p_ref, o_ref):
    d = jnp.dot(x_ref[...], w_ref[...], preferred_element_type=jnp.float32)
    p = p_ref[0] + p_ref[1]
    o_ref[...] = d + p.T


def _matmul_add(x, W, P3):
    grid = (D // BN,)
    return pl.pallas_call(
        _mm_body,
        grid=grid,
        in_specs=[
            pl.BlockSpec((B, M), lambda j: (0, 0)),
            pl.BlockSpec((M, BN), lambda j: (0, j)),
            pl.BlockSpec((2, BN, B), lambda j: (0, j, 0)),
        ],
        out_specs=pl.BlockSpec((B, BN), lambda j: (0, j)),
        out_shape=jax.ShapeDtypeStruct((B, D), jnp.float32),
    )(x, W, P3)


def kernel(W, deltas, x, idx):
    pad = NNZ_PAD - NNZ
    idx_p = jnp.concatenate([idx, jnp.zeros((pad,), jnp.int32)])
    dlt_p = jnp.concatenate([deltas, jnp.zeros((pad,), jnp.float32)])
    xT = x.T
    zeros = jnp.zeros((D, B), jnp.float32)
    P = _sc_sparse_partials(xT, idx_p, dlt_p, zeros)
    P3 = P.reshape(2, D, B)
    return _matmul_add(x, W, P3)

# --- scband reference (transcript-rebuilt; emitter-appended) ---
"""Pipeline reference for scband-spa-rta-15375982919719 (READ-ONLY COPY).

The authoritative reference and input builder live on the scoring server;
editing this copy changes nothing except your own understanding.
"""

import jax, jax.numpy as jnp
import numpy as np

M, D = 8192, 8192
NNZ = 671088
B = 32

def setup_inputs(seed: int = 0) -> dict:
    key = jax.random.key(seed)
    k1, k2, k3, k4 = jax.random.split(key, 4)
    W = jax.random.normal(k1, (M, D), dtype=jnp.float32) * 0.02
    deltas = jax.random.normal(k2, (NNZ,), dtype=jnp.float32) * 0.01
    x = jax.random.normal(k3, (B, D), dtype=jnp.float32)
    idx = jax.random.randint(k4, (NNZ,), 0, M * D, dtype=jnp.int32)
    return {"W": W, "deltas": deltas, "x": x, "idx": idx}

def reference(W, deltas, x, idx):
    # SpaRTA merge step: scatter-add the sparse trainable deltas into the
    # frozen base parameter at the sampled flat indices, then run the
    # wrapped model forward (here: the linear layer owning this weight).
    W_flat = W.reshape(-1)
    W_adapted = W_flat.at[idx].add(deltas).reshape(W.shape)
    out = x @ W_adapted
    return out

if __name__ == "__main__":
    import jax
    _d = setup_inputs()
    print(jax.jit(kernel)(*tuple(_d.values())))

</pallas_src>

<mosaic_0001>
#map = affine_map<(d0, d1) -> (0, 0)>
#map1 = affine_map<(d0, d1) -> (0)>
module attributes {stable_mosaic.version = 14 : i64} {
  func.func @k(%arg0: i32, %arg1: i32, %arg2: memref<8192x32xf32, #tpu.memory_space<hbm>>, %arg3: memref<671744xi32, #tpu.memory_space<hbm>>, %arg4: memref<671744xf32, #tpu.memory_space<hbm>>, %arg5: memref<8192x32xf32, #tpu.memory_space<hbm>>, %arg6: memref<16384x32xf32, #tpu.memory_space<hbm>>, %arg7: memref<128xi32, #tpu.memory_space<vmem>>, %arg8: memref<128xi32, #tpu.memory_space<vmem>>, %arg9: memref<128xi32, #tpu.memory_space<vmem>>, %arg10: memref<128xf32, #tpu.memory_space<vmem>>, %arg11: memref<128x32xf32, #tpu.memory_space<vmem>>, %arg12: memref<8192x32xf32, #tpu.memory_space<vmem_shared>>, %arg13: memref<!tpu.dma_semaphore, #tpu.memory_space<semaphore_mem>>) attributes {dimension_semantics = [#tpu.dimension_semantics<core_parallel>, #tpu.dimension_semantics<subcore_parallel>], iteration_bounds = array<i64: 2, 16>, scalar_prefetch = 0 : i64, scratch_operands = 7 : i64, tpu.core_type = #tpu.core_type<sc_vector_subcore>, window_params = [{transform_indices = #map}, {transform_indices = #map1}, {transform_indices = #map1}, {transform_indices = #map}, {transform_indices = #map}]} {
    %mul3A = arith.constant 16 : i32
    %mul3A_0 = arith.muli %arg0, %mul3A : i32
    %add3A = arith.addi %mul3A_0, %arg1 : i32
    %mul3A_1 = arith.constant 512 : i32
    %mul3A_2 = arith.muli %arg1, %mul3A_1 : i32
    %mul3A_3 = arith.constant 512 : i32
    %mul3A_4 = arith.muli %arg1, %mul3A_3 : i32
    "tpu.region"() ({
      %run_scoped3A = tpu.sem_alloc : memref<!tpu.dma_semaphore, #tpu.memory_space<semaphore_mem>>
      %dma_start3A = arith.constant 0 : i32
      %dma_start3A_20 = tpu.memref_slice %arg12[%mul3A_4, %dma_start3A] : memref<8192x32xf32, #tpu.memory_space<vmem_shared>> -> memref<512x32xf32, #tpu.memory_space<vmem_shared>>
      %dma_start3A_21 = arith.constant 0 : i32
      %dma_start3A_22 = tpu.memref_slice %arg5[%mul3A_2, %dma_start3A_21] : memref<8192x32xf32, #tpu.memory_space<hbm>> -> memref<512x32xf32, #tpu.memory_space<hbm>>
      tpu.enqueue_dma source(%dma_start3A_22 : memref<512x32xf32, #tpu.memory_space<hbm>>) target(%dma_start3A_20 : memref<512x32xf32, #tpu.memory_space<vmem_shared>>) target_semaphore(%run_scoped3A : memref<!tpu.dma_semaphore, #tpu.memory_space<semaphore_mem>>)
      %dma_wait3A = arith.constant 0 : i32
      %dma_wait3A_23 = tpu.memref_slice %arg12[%mul3A_4, %dma_wait3A] : memref<8192x32xf32, #tpu.memory_space<vmem_shared>> -> memref<512x32xf32, #tpu.memory_space<vmem_shared>>
      %dma_wait3A_24 = arith.constant 0 : i32
      %dma_wait3A_25 = tpu.memref_slice %arg5[%mul3A_2, %dma_wait3A_24] : memref<8192x32xf32, #tpu.memory_space<hbm>> -> memref<512x32xf32, #tpu.memory_space<hbm>>
      tpu.wait_dma2 semaphore(%run_scoped3A : memref<!tpu.dma_semaphore, #tpu.memory_space<semaphore_mem>>) src(%dma_wait3A_25 : memref<512x32xf32, #tpu.memory_space<hbm>>) dst(%dma_wait3A_23 : memref<512x32xf32, #tpu.memory_space<vmem_shared>>)
      tpu.yield
    }) : () -> ()
    %barrier3A = arith.constant 0 : index
    tpu.barrier barrier_id(%barrier3A)
    %mul3A_5 = arith.constant 20992 : i32
    %mul3A_6 = arith.muli %add3A, %mul3A_5 : i32
    %scan3A = arith.constant 0 : i32
    %scan3A_7 = arith.constant 0 : i32
    %scan3A_8 = arith.constant 164 : i32
    %scan3A_9 = arith.addi %scan3A_7, %scan3A_8 : i32
    %scan3A_10 = arith.constant 1 : i32
    scf.for %scan3A_20 = %scan3A_7 to %scan3A_9 step %scan3A_10  : i32 {
      %mul3A_21 = arith.constant 128 : i32
      %mul3A_22 = arith.muli %scan3A_20, %mul3A_21 : i32
      %add3A_23 = arith.addi %mul3A_6, %mul3A_22 : i32
      "tpu.region"() ({
        %run_scoped3A = tpu.sem_alloc : memref<!tpu.dma_semaphore, #tpu.memory_space<semaphore_mem>>
        %dma_start3A_3766 = tpu.memref_slice %arg3[%add3A_23] : memref<671744xi32, #tpu.memory_space<hbm>> -> memref<128xi32, #tpu.memory_space<hbm>>
        %dma_start3A_3767 = tpu.memref_slice %arg3[%add3A_23] : memref<671744xi32, #tpu.memory_space<hbm>> -> memref<128xi32, #tpu.memory_space<hbm>>
        tpu.enqueue_dma source(%dma_start3A_3767 : memref<128xi32, #tpu.memory_space<hbm>>) target(%arg7 : memref<128xi32, #tpu.memory_space<vmem>>) target_semaphore(%run_scoped3A : memref<!tpu.dma_semaphore, #tpu.memory_space<semaphore_mem>>)
        %dma_wait3A_3768 = tpu.memref_slice %arg3[%add3A_23] : memref<671744xi32, #tpu.memory_space<hbm>> -> memref<128xi32, #tpu.memory_space<hbm>>
        %dma_wait3A_3769 = tpu.memref_slice %arg3[%add3A_23] : memref<671744xi32, #tpu.memory_space<hbm>> -> memref<128xi32, #tpu.memory_space<hbm>>
        tpu.wait_dma2 semaphore(%run_scoped3A : memref<!tpu.dma_semaphore, #tpu.memory_space<semaphore_mem>>) src(%dma_wait3A_3769 : memref<128xi32, #tpu.memory_space<hbm>>) dst(%arg7 : memref<128xi32, #tpu.memory_space<vmem>>)
        tpu.yield
      }) : () -> ()
      "tpu.region"() ({
        %run_scoped3A = tpu.sem_alloc : memref<!tpu.dma_semaphore, #tpu.memory_space<semaphore_mem>>
        %dma_start3A_3766 = tpu.memref_slice %arg4[%add3A_23] : memref<671744xf32, #tpu.memory_space<hbm>> -> memref<128xf32, #tpu.memory_space<hbm>>
        %dma_start3A_3767 = tpu.memref_slice %arg4[%add3A_23] : memref<671744xf32, #tpu.memory_space<hbm>> -> memref<128xf32, #tpu.memory_space<hbm>>
        tpu.enqueue_dma source(%dma_start3A_3767 : memref<128xf32, #tpu.memory_space<hbm>>) target(%arg10 : memref<128xf32, #tpu.memory_space<vmem>>) target_semaphore(%run_scoped3A : memref<!tpu.dma_semaphore, #tpu.memory_space<semaphore_mem>>)
        %dma_wait3A_3768 = tpu.memref_slice %arg4[%add3A_23] : memref<671744xf32, #tpu.memory_space<hbm>> -> memref<128xf32, #tpu.memory_space<hbm>>
        %dma_wait3A_3769 = tpu.memref_slice %arg4[%add3A_23] : memref<671744xf32, #tpu.memory_space<hbm>> -> memref<128xf32, #tpu.memory_space<hbm>>
        tpu.wait_dma2 semaphore(%run_scoped3A : memref<!tpu.dma_semaphore, #tpu.memory_space<semaphore_mem>>) src(%dma_wait3A_3769 : memref<128xf32, #tpu.memory_space<hbm>>) dst(%arg10 : memref<128xf32, #tpu.memory_space<vmem>>)
        tpu.yield
      }) : () -> ()
      %get3A = arith.constant 0 : index
      %get3A_24 = tpu.vector_load %arg7[%get3A] {strides = array<i32>} : memref<128xi32, #tpu.memory_space<vmem>>, vector<16xi32>,
      %get3A_25 = vector.shape_cast %get3A_24 : vector<16xi32> to vector<16xi32>
      %shift_right_logical3A = arith.constant 13 : i32
      %shift_right_logical3A_26 = vector.broadcast %shift_right_logical3A : i32 to vector<16xi32>
      %shift_right_logical3A_27 = arith.shrui %get3A_25, %shift_right_logical3A_26 : vector<16xi32>
      %swap3A = arith.constant 0 : index
      %swap3A_28 = tpu.vector_load %arg8[%swap3A] {strides = array<i32>} : memref<128xi32, #tpu.memory_space<vmem>>, vector<16xi32>,
      %swap3A_29 = vector.shape_cast %swap3A_28 : vector<16xi32> to vector<16xi32>
      %swap3A_30 = vector.shape_cast %shift_right_logical3A_27 : vector<16xi32> to vector<16xi32>
      tpu.vector_store %arg8[%swap3A], %swap3A_30 {strides = array<i32>} : memref<128xi32, #tpu.memory_space<vmem>>, vector<16xi32>,
      %and3A = arith.constant 8191 : i32
      %and3A_31 = vector.broadcast %and3A : i32 to vector<16xi32>
      %and3A_32 = arith.andi %get3A_25, %and3A_31 : vector<16xi32>
      %swap3A_33 = arith.constant 0 : index
      %swap3A_34 = tpu.vector_load %arg9[%swap3A_33] {strides = array<i32>} : memref<128xi32, #tpu.memory_space<vmem>>, vector<16xi32>,
      %swap3A_35 = vector.shape_cast %swap3A_34 : vector<16xi32> to vector<16xi32>
      %swap3A_36 = vector.shape_cast %and3A_32 : vector<16xi32> to vector<16xi32>
      tpu.vector_store %arg9[%swap3A_33], %swap3A_36 {strides = array<i32>} : memref<128xi32, #tpu.memory_space<vmem>>, vector<16xi32>,
      %get3A_37 = arith.constant 16 : index
      %get3A_38 = tpu.vector_load %arg7[%get3A_37] {strides = array<i32>} : memref<128xi32, #tpu.memory_space<vmem>>, vector<16xi32>,
      %get3A_39 = vector.shape_cast %get3A_38 : vector<16xi32> to vector<16xi32>
      %shift_right_logical3A_40 = arith.constant 13 : i32
      %shift_right_logical3A_41 = vector.broadcast %shift_right_logical3A_40 : i32 to vector<16xi32>
      %shift_right_logical3A_42 = arith.shrui %get3A_39, %shift_right_logical3A_41 : vector<16xi32>
      %swap3A_43 = arith.constant 16 : index
      %swap3A_44 = tpu.vector_load %arg8[%swap3A_43] {strides = array<i32>} : memref<128xi32, #tpu.memory_space<vmem>>, vector<16xi32>,
      %swap3A_45 = vector.shape_cast %swap3A_44 : vector<16xi32> to vector<16xi32>
      %swap3A_46 = vector.shape_cast %shift_right_logical3A_42 : vector<16xi32> to vector<16xi32>
      tpu.vector_store %arg8[%swap3A_43], %swap3A_46 {strides = array<i32>} : memref<128xi32, #tpu.memory_space<vmem>>, vector<16xi32>,
      %and3A_47 = arith.constant 8191 : i32
      %and3A_48 = vector.broadcast %and3A_47 : i32 to vector<16xi32>
      %and3A_49 = arith.andi %get3A_39, %and3A_48 : vector<16xi32>
      %swap3A_50 = arith.constant 16 : index
      %swap3A_51 = tpu.vector_load %arg9[%swap3A_50] {strides = array<i32>} : memref<128xi32, #tpu.memory_space<vmem>>, vector<16xi32>,
      %swap3A_52 = vector.shape_cast %swap3A_51 : vector<16xi32> to vector<16xi32>
      %swap3A_53 = vector.shape_cast %and3A_49 : vector<16xi32> to vector<16xi32>
      tpu.vector_store %arg9[%swap3A_50], %swap3A_53 {strides = array<i32>} : memref<128xi32, #tpu.memory_space<vmem>>, vector<16xi32>,
      %get3A_54 = arith.constant 32 : index
      %get3A_55 = tpu.vector_load %arg7[%get3A_54] {strides = array<i32>} : memref<128xi32, #tpu.memory_space<vmem>>, vector<16xi32>,
      %get3A_56 = vector.shape_cast %get3A_55 : vector<16xi32> to vector<16xi32>
      %shift_right_logical3A_57 = arith.constant 13 : i32
      %shift_right_logical3A_58 = vector.broadcast %shift_right_logical3A_57 : i32 to vector<16xi32>
      %shift_right_logical3A_59 = arith.shrui %get3A_56, %shift_right_logical3A_58 : vector<16xi32>
      %swap3A_60 = arith.constant 32 : index
      %swap3A_61 = tpu.vector_load %arg8[%swap3A_60] {strides = array<i32>} : memref<128xi32, #tpu.memory_space<vmem>>, vector<16xi32>,
      %swap3A_62 = vector.shape_cast %swap3A_61 : vector<16xi32> to vector<16xi32>
      %swap3A_63 = vector.shape_cast %shift_right_logical3A_59 : vector<16xi32> to vector<16xi32>
      tpu.vector_store %arg8[%swap3A_60], %swap3A_63 {strides = array<i32>} : memref<128xi32, #tpu.memory_space<vmem>>, vector<16xi32>,
      %and3A_64 = arith.constant 8191 : i32
      %and3A_65 = vector.broadcast %and3A_64 : i32 to vector<16xi32>
      %and3A_66 = arith.andi %get3A_56, %and3A_65 : vector<16xi32>
      %swap3A_67 = arith.constant 32 : index
      %swap3A_68 = tpu.vector_load %arg9[%swap3A_67] {strides = array<i32>} : memref<128xi32, #tpu.memory_space<vmem>>, vector<16xi32>,
      %swap3A_69 = vector.shape_cast %swap3A_68 : vector<16xi32> to vector<16xi32>
      %swap3A_70 = vector.shape_cast %and3A_66 : vector<16xi32> to vector<16xi32>
      tpu.vector_store %arg9[%swap3A_67], %swap3A_70 {strides = array<i32>} : memref<128xi32, #tpu.memory_space<vmem>>, vector<16xi32>,
      %get3A_71 = arith.constant 48 : index
      %get3A_72 = tpu.vector_load %arg7[%get3A_71] {strides = array<i32>} : memref<128xi32, #tpu.memory_space<vmem>>, vector<16xi32>,
      %get3A_73 = vector.shape_cast %get3A_72 : vector<16xi32> to vector<16xi32>
      %shift_right_logical3A_74 = arith.constant 13 : i32
      %shift_right_logical3A_75 = vector.broadcast %shift_right_logical3A_74 : i32 to vector<16xi32>
      %shift_right_logical3A_76 = arith.shrui %get3A_73, %shift_right_logical3A_75 : vector<16xi32>
      %swap3A_77 = arith.constant 48 : index
      %swap3A_78 = tpu.vector_load %arg8[%swap3A_77] {strides = array<i32>} : memref<128xi32, #tpu.memory_space<vmem>>, vector<16xi32>,
      %swap3A_79 = vector.shape_cast %swap3A_78 : vector<16xi32> to vector<16xi32>
      %swap3A_80 = vector.shape_cast %shift_right_logical3A_76 : vector<16xi32> to vector<16xi32>
      tpu.vector_store %arg8[%swap3A_77], %swap3A_80 {strides = array<i32>} : memref<128xi32, #tpu.memory_space<vmem>>, vector<16xi32>,
      %and3A_81 = arith.constant 8191 : i32
      %and3A_82 = vector.broadcast %and3A_81 : i32 to vector<16xi32>
      %and3A_83 = arith.andi %get3A_73, %and3A_82 : vector<16xi32>
      %swap3A_84 = arith.constant 48 : index
      %swap3A_85 = tpu.vector_load %arg9[%swap3A_84] {strides = array<i32>} : memref<128xi32, #tpu.memory_space<vmem>>, vector<16xi32>,
      %swap3A_86 = vector.shape_cast %swap3A_85 : vector<16xi32> to vector<16xi32>
      %swap3A_87 = vector.shape_cast %and3A_83 : vector<16xi32> to vector<16xi32>
      tpu.vector_store %arg9[%swap3A_84], %swap3A_87 {strides = array<i32>} : memref<128xi32, #tpu.memory_space<vmem>>, vector<16xi32>,
      %get3A_88 = arith.constant 64 : index
      %get3A_89 = tpu.vector_load %arg7[%get3A_88] {strides = array<i32>} : memref<128xi32, #tpu.memory_space<vmem>>, vector<16xi32>,
      %get3A_90 = vector.shape_cast %get3A_89 : vector<16xi32> to vector<16xi32>
      %shift_right_logical3A_91 = arith.constant 13 : i32
      %shift_right_logical3A_92 = vector.broadcast %shift_right_logical3A_91 : i32 to vector<16xi32>
      %shift_right_logical3A_93 = arith.shrui %get3A_90, %shift_right_logical3A_92 : vector<16xi32>
      %swap3A_94 = arith.constant 64 : index
      %swap3A_95 = tpu.vector_load %arg8[%swap3A_94] {strides = array<i32>} : memref<128xi32, #tpu.memory_space<vmem>>, vector<16xi32>,
      %swap3A_96 = vector.shape_cast %swap3A_95 : vector<16xi32> to vector<16xi32>
      %swap3A_97 = vector.shape_cast %shift_right_logical3A_93 : vector<16xi32> to vector<16xi32>
      tpu.vector_store %arg8[%swap3A_94], %swap3A_97 {strides = array<i32>} : memref<128xi32, #tpu.memory_space<vmem>>, vector<16xi32>,
      %and3A_98 = arith.constant 8191 : i32
      %and3A_99 = vector.broadcast %and3A_98 : i32 to vector<16xi32>
      %and3A_100 = arith.andi %get3A_90, %and3A_99 : vector<16xi32>
      %swap3A_101 = arith.constant 64 : index
      %swap3A_102 = tpu.vector_load %arg9[%swap3A_101] {strides = array<i32>} : memref<128xi32, #tpu.memory_space<vmem>>, vector<16xi32>,
      %swap3A_103 = vector.shape_cast %swap3A_102 : vector<16xi32> to vector<16xi32>
      %swap3A_104 = vector.shape_cast %and3A_100 : vector<16xi32> to vector<16xi32>
      tpu.vector_store %arg9[%swap3A_101], %swap3A_104 {strides = array<i32>} : memref<128xi32, #tpu.memory_space<vmem>>, vector<16xi32>,
      %get3A_105 = arith.constant 80 : index
      %get3A_106 = tpu.vector_load %arg7[%get3A_105] {strides = array<i32>} : memref<128xi32, #tpu.memory_space<vmem>>, vector<16xi32>,
      %get3A_107 = vector.shape_cast %get3A_106 : vector<16xi32> to vector<16xi32>
      %shift_right_logical3A_108 = arith.constant 13 : i32
      %shift_right_logical3A_109 = vector.broadcast %shift_right_logical3A_108 : i32 to vector<16xi32>
      %shift_right_logical3A_110 = arith.shrui %get3A_107, %shift_right_logical3A_109 : vector<16xi32>
      %swap3A_111 = arith.constant 80 : index
      %swap3A_112 = tpu.vector_load %arg8[%swap3A_111] {strides = array<i32>} : memref<128xi32, #tpu.memory_space<vmem>>, vector<16xi32>,
      %swap3A_113 = vector.shape_cast %swap3A_112 : vector<16xi32> to vector<16xi32>
      %swap3A_114 = vector.shape_cast %shift_right_logical3A_110 : vector<16xi32> to vector<16xi32>
      tpu.vector_store %arg8[%swap3A_111], %swap3A_114 {strides = array<i32>} : memref<128xi32, #tpu.memory_space<vmem>>, vector<16xi32>,
      %and3A_115 = arith.constant 8191 : i32
      %and3A_116 = vector.broadcast %and3A_115 : i32 to vector<16xi32>
      %and3A_117 = arith.andi %get3A_107, %and3A_116 : vector<16xi32>
      %swap3A_118 = arith.constant 80 : index
      %swap3A_119 = tpu.vector_load %arg9[%swap3A_118] {strides = array<i32>} : memref<128xi32, #tpu.memory_space<vmem>>, vector<16xi32>,
      %swap3A_120 = vector.shape_cast %swap3A_119 : vector<16xi32> to vector<16xi32>
      %swap3A_121 = vector.shape_cast %and3A_117 : vector<16xi32> to vector<16xi32>
      tpu.vector_store %arg9[%swap3A_118], %swap3A_121 {strides = array<i32>} : memref<128xi32, #tpu.memory_space<vmem>>, vector<16xi32>,
      %get3A_122 = arith.constant 96 : index
      %get3A_123 = tpu.vector_load %arg7[%get3A_122] {strides = array<i32>} : memref<128xi32, #tpu.memory_space<vmem>>, vector<16xi32>,
      %get3A_124 = vector.shape_cast %get3A_123 : vector<16xi32> to vector<16xi32>
      %shift_right_logical3A_125 = arith.constant 13 : i32
      %shift_right_logical3A_126 = vector.broadcast %shift_right_logical3A_125 : i32 to vector<16xi32>
      %shift_right_logical3A_127 = arith.shrui %get3A_124, %shift_right_logical3A_126 : vector<16xi32>
      %swap3A_128 = arith.constant 96 : index
      %swap3A_129 = tpu.vector_load %arg8[%swap3A_128] {strides = array<i32>} : memref<128xi32, #tpu.memory_space<vmem>>, vector<16xi32>,
      %swap3A_130 = vector.shape_cast %swap3A_129 : vector<16xi32> to vector<16xi32>
      %swap3A_131 = vector.shape_cast %shift_right_logical3A_127 : vector<16xi32> to vector<16xi32>
      tpu.vector_store %arg8[%swap3A_128], %swap3A_131 {strides = array<i32>} : memref<128xi32, #tpu.memory_space<vmem>>, vector<16xi32>,
      %and3A_132 = arith.constant 8191 : i32
      %and3A_133 = vector.broadcast %and3A_132 : i32 to vector<16xi32>
      %and3A_134 = arith.andi %get3A_124, %and3A_133 : vector<16xi32>
      %swap3A_135 = arith.constant 96 : index
      %swap3A_136 = tpu.vector_load %arg9[%swap3A_135] {strides = array<i32>} : memref<128xi32, #tpu.memory_space<vmem>>, vector<16xi32>,
      %swap3A_137 = vector.shape_cast %swap3A_136 : vector<16xi32> to vector<16xi32>
      %swap3A_138 = vector.shape_cast %and3A_134 : vector<16xi32> to vector<16xi32>
      tpu.vector_store %arg9[%swap3A_135], %swap3A_138 {strides = array<i32>} : memref<128xi32, #tpu.memory_space<vmem>>, vector<16xi32>,
      %get3A_139 = arith.constant 112 : index
      %get3A_140 = tpu.vector_load %arg7[%get3A_139] {strides = array<i32>} : memref<128xi32, #tpu.memory_space<vmem>>, vector<16xi32>,
      %get3A_141 = vector.shape_cast %get3A_140 : vector<16xi32> to vector<16xi32>
      %shift_right_logical3A_142 = arith.constant 13 : i32
      %shift_right_logical3A_143 = vector.broadcast %shift_right_logical3A_142 : i32 to vector<16xi32>
      %shift_right_logical3A_144 = arith.shrui %get3A_141, %shift_right_logical3A_143 : vector<16xi32>
      %swap3A_145 = arith.constant 112 : index
      %swap3A_146 = tpu.vector_load %arg8[%swap3A_145] {strides = array<i32>} : memref<128xi32, #tpu.memory_space<vmem>>, vector<16xi32>,
      %swap3A_147 = vector.shape_cast %swap3A_146 : vector<16xi32> to vector<16xi32>
      %swap3A_148 = vector.shape_cast %shift_right_logical3A_144 : vector<16xi32> to vector<16xi32>
      tpu.vector_store %arg8[%swap3A_145], %swap3A_148 {strides = array<i32>} : memref<128xi32, #tpu.memory_space<vmem>>, vector<16xi32>,
      %and3A_149 = arith.constant 8191 : i32
      %and3A_150 = vector.broadcast %and3A_149 : i32 to vector<16xi32>
      %and3A_151 = arith.andi %get3A_141, %and3A_150 : vector<16xi32>
      %swap3A_152 = arith.constant 112 : index
      %swap3A_153 = tpu.vector_load %arg9[%swap3A_152] {strides = array<i32>} : memref<128xi32, #tpu.memory_space<vmem>>, vector<16xi32>,
      %swap3A_154 = vector.shape_cast %swap3A_153 : vector<16xi32> to vector<16xi32>
      %swap3A_155 = vector.shape_cast %and3A_151 : vector<16xi32> to vector<16xi32>
      tpu.vector_store %arg9[%swap3A_152], %swap3A_155 {strides = array<i32>} : memref<128xi32, #tpu.memory_space<vmem>>, vector<16xi32>,
      %dma_start3A = arith.constant 0 : i32
      %dma_start3A_156 = arith.constant 0 : i32
      %dma_start3A_157 = tpu.memref_slice %arg2[%dma_start3A, %dma_start3A_156] : memref<8192x32xf32, #tpu.memory_space<hbm>> -> memref<8192x32xf32, #tpu.memory_space<hbm>>
      tpu.enqueue_indirect_dma source(%dma_start3A_157 : memref<8192x32xf32, #tpu.memory_space<hbm>>) target(%arg11 : memref<128x32xf32, #tpu.memory_space<vmem>>) offsets(%arg8 : memref<128xi32, #tpu.memory_space<vmem>>) semaphore(%arg13 : memref<!tpu.dma_semaphore, #tpu.memory_space<semaphore_mem>>)
      %dma_wait3A = arith.constant 0 : i32
      %dma_wait3A_158 = arith.constant 0 : i32
      %dma_wait3A_159 = tpu.memref_slice %arg2[%dma_wait3A, %dma_wait3A_158] : memref<8192x32xf32, #tpu.memory_space<hbm>> -> memref<8192x32xf32, #tpu.memory_space<hbm>>
      tpu.wait_indirect_dma semaphore(%arg13 : memref<!tpu.dma_semaphore, #tpu.memory_space<semaphore_mem>>) src(%dma_wait3A_159 : memref<8192x32xf32, #tpu.memory_space<hbm>>) dst(%arg11 : memref<128x32xf32, #tpu.memory_space<vmem>>)
      %get3A_160 = arith.constant 0 : index
      %get3A_161 = tpu.vector_load %arg10[%get3A_160] {strides = array<i32>} : memref<128xf32, #tpu.memory_space<vmem>>, vector<16xf32>,
      %get3A_162 = vector.shape_cast %get3A_161 : vector<16xf32> to vector<16xf32>
      %slice3A = vector.extract_strided_slice %get3A_162 {offsets = [0], sizes = [1], strides = [1]} : vector<16xf32> to vector<1xf32>
      %squeeze3A = vector.extract %slice3A[0] : f32 from vector<1xf32>
      %get3A_163 = arith.constant 0 : i32
      %get3A_164 = arith.index_cast %get3A_163 : i32 to index
      %get3A_165 = arith.constant 0 : index
      %get3A_166 = tpu.vector_load %arg11[%get3A_164, %get3A_165] {strides = array<i32>} : memref<128x32xf32, #tpu.memory_space<vmem>>, vector<1x16xf32>,
      %get3A_167 = vector.shape_cast %get3A_166 : vector<1x16xf32> to vector<16xf32>
      %mul3A_168 = vector.broadcast %squeeze3A : f32 to vector<16xf32>
      %mul3A_169 = arith.mulf %get3A_167, %mul3A_168 : vector<16xf32>
      %swap3A_170 = arith.constant 0 : i32
      %swap3A_171 = arith.index_cast %swap3A_170 : i32 to index
      %swap3A_172 = arith.constant 0 : index
      %swap3A_173 = tpu.vector_load %arg11[%swap3A_171, %swap3A_172] {strides = array<i32>} : memref<128x32xf32, #tpu.memory_space<vmem>>, vector<1x16xf32>,
      %swap3A_174 = vector.shape_cast %swap3A_173 : vector<1x16xf32> to vector<16xf32>
      %swap3A_175 = vector.shape_cast %mul3A_169 : vector<16xf32> to vector<1x16xf32>
      tpu.vector_store %arg11[%swap3A_171, %swap3A_172], %swap3A_175 {strides = array<i32>} : memref<128x32xf32, #tpu.memory_space<vmem>>, vector<1x16xf32>,
      %get3A_176 = arith.constant 0 : i32
      %get3A_177 = arith.index_cast %get3A_176 : i32 to index
      %get3A_178 = arith.constant 16 : index
      %get3A_179 = tpu.vector_load %arg11[%get3A_177, %get3A_178] {strides = array<i32>} : memref<128x32xf32, #tpu.memory_space<vmem>>, vector<1x16xf32>,
      %get3A_180 = vector.shape_cast %get3A_179 : vector<1x16xf32> to vector<16xf32>
      %mul3A_181 = vector.broadcast %squeeze3A : f32 to vector<16xf32>
      %mul3A_182 = arith.mulf %get3A_180, %mul3A_181 : vector<16xf32>
      %swap3A_183 = arith.constant 0 : i32
      %swap3A_184 = arith.index_cast %swap3A_183 : i32 to index
      %swap3A_185 = arith.constant 16 : index
      %swap3A_186 = tpu.vector_load %arg11[%swap3A_184, %swap3A_185] {strides = array<i32>} : memref<128x32xf32, #tpu.memory_space<vmem>>, vector<1x16xf32>,
      %swap3A_187 = vector.shape_cast %swap3A_186 : vector<1x16xf32> to vector<16xf32>
      %swap3A_188 = vector.shape_cast %mul3A_182 : vector<16xf32> to vector<1x16xf32>
      tpu.vector_store %arg11[%swap3A_184, %swap3A_185], %swap3A_188 {strides = array<i32>} : memref<128x32xf32, #tpu.memory_space<vmem>>, vector<1x16xf32>,
      %slice3A_189 = vector.extract_strided_slice %get3A_162 {offsets = [1], sizes = [1], strides = [1]} : vector<16xf32> to vector<1xf32>
      %squeeze3A_190 = vector.extract %slice3A_189[0] : f32 from vector<1xf32>
      %get3A_191 = arith.constant 1 : i32
      %get3A_192 = arith.index_cast %get3A_191 : i32 to index
      %get3A_193 = arith.constant 0 : index
      %get3A_194 = tpu.vector_load %arg11[%get3A_192, %get3A_193] {strides = array<i32>} : memref<128x32xf32, #tpu.memory_space<vmem>>, vector<1x16xf32>,
      %get3A_195 = vector.shape_cast %get3A_194 : vector<1x16xf32> to vector<16xf32>
      %mul3A_196 = vector.broadcast %squeeze3A_190 : f32 to vector<16xf32>
      %mul3A_197 = arith.mulf %get3A_195, %mul3A_196 : vector<16xf32>
      %swap3A_198 = arith.constant 1 : i32
      %swap3A_199 = arith.index_cast %swap3A_198 : i32 to index
      %swap3A_200 = arith.constant 0 : index
      %swap3A_201 = tpu.vector_load %arg11[%swap3A_199, %swap3A_200] {strides = array<i32>} : memref<128x32xf32, #tpu.memory_space<vmem>>, vector<1x16xf32>,
      %swap3A_202 = vector.shape_cast %swap3A_201 : vector<1x16xf32> to vector<16xf32>
      %swap3A_203 = vector.shape_cast %mul3A_197 : vector<16xf32> to vector<1x16xf32>
      tpu.vector_store %arg11[%swap3A_199, %swap3A_200], %swap3A_203 {strides = array<i32>} : memref<128x32xf32, #tpu.memory_space<vmem>>, vector<1x16xf32>,
      %get3A_204 = arith.constant 1 : i32
      %get3A_205 = arith.index_cast %get3A_204 : i32 to index
      %get3A_206 = arith.constant 16 : index
      %get3A_207 = tpu.vector_load %arg11[%get3A_205, %get3A_206] {strides = array<i32>} : memref<128x32xf32, #tpu.memory_space<vmem>>, vector<1x16xf32>,
      %get3A_208 = vector.shape_cast %get3A_207 : vector<1x16xf32> to vector<16xf32>
      %mul3A_209 = vector.broadcast %squeeze3A_190 : f32 to vector<16xf32>
      %mul3A_210 = arith.mulf %get3A_208, %mul3A_209 : vector<16xf32>
      %swap3A_211 = arith.constant 1 : i32
      %swap3A_212 = arith.index_cast %swap3A_211 : i32 to index
      %swap3A_213 = arith.constant 16 : index
      %swap3A_214 = tpu.vector_load %arg11[%swap3A_212, %swap3A_213] {strides = array<i32>} : memref<128x32xf32, #tpu.memory_space<vmem>>, vector<1x16xf32>,
      %swap3A_215 = vector.shape_cast %swap3A_214 : vector<1x16xf32> to vector<16xf32>
      %swap3A_216 = vector.shape_cast %mul3A_210 : vector<16xf32> to vector<1x16xf32>
      tpu.vector_store %arg11[%swap3A_212, %swap3A_213], %swap3A_216 {strides = array<i32>} : memref<128x32xf32, #tpu.memory_space<vmem>>, vector<1x16xf32>,
      %slice3A_217 = vector.extract_strided_slice %get3A_162 {offsets = [2], sizes = [1], strides = [1]} : vector<16xf32> to vector<1xf32>
      %squeeze3A_218 = vector.extract %slice3A_217[0] : f32 from vector<1xf32>
      %get3A_219 = arith.constant 2 : i32
      %get3A_220 = arith.index_cast %get3A_219 : i32 to index
      %get3A_221 = arith.constant 0 : index
      %get3A_222 = tpu.vector_load %arg11[%get3A_220, %get3A_221] {strides = array<i32>} : memref<128x32xf32, #tpu.memory_space<vmem>>, vector<1x16xf32>,
      %get3A_223 = vector.shape_cast %get3A_222 : vector<1x16xf32> to vector<16xf32>
      %mul3A_224 = vector.broadcast %squeeze3A_218 : f32 to vector<16xf32>
      %mul3A_225 = arith.mulf %get3A_223, %mul3A_224 : vector<16xf32>
      %swap3A_226 = arith.constant 2 : i32
      %swap3A_227 = arith.index_cast %swap3A_226 : i32 to index
      %swap3A_228 = arith.constant 0 : index
      %swap3A_229 = tpu.vector_load %arg11[%swap3A_227, %swap3A_228] {strides = array<i32>} : memref<128x32xf32, #tpu.memory_space<vmem>>, vector<1x16xf32>,
      %swap3A_230 = vector.shape_cast %swap3A_229 : vector<1x16xf32> to vector<16xf32>
      %swap3A_231 = vector.shape_cast %mul3A_225 : vector<16xf32> to vector<1x16xf32>
      tpu.vector_store %arg11[%swap3A_227, %swap3A_228], %swap3A_231 {strides = array<i32>} : memref<128x32xf32, #tpu.memory_space<vmem>>, vector<1x16xf32>,
      %get3A_232 = arith.constant 2 : i32
      %get3A_233 = arith.index_cast %get3A_232 : i32 to index
      %get3A_234 = arith.constant 16 : index
      %get3A_235 = tpu.vector_load %arg11[%get3A_233, %get3A_234] {strides = array<i32>} : memref<128x32xf32, #tpu.memory_space<vmem>>, vector<1x16xf32>,
      %get3A_236 = vector.shape_cast %get3A_235 : vector<1x16xf32> to vector<16xf32>
      %mul3A_237 = vector.broadcast %squeeze3A_218 : f32 to vector<16xf32>
      %mul3A_238 = arith.mulf %get3A_236, %mul3A_237 : vector<16xf32>
      %swap3A_239 = arith.constant 2 : i32
      %swap3A_240 = arith.index_cast %swap3A_239 : i32 to index
      %swap3A_241 = arith.constant 16 : index
      %swap3A_242 = tpu.vector_load %arg11[%swap3A_240, %swap3A_241] {strides = array<i32>} : memref<128x32xf32, #tpu.memory_space<vmem>>, vector<1x16xf32>,
      %swap3A_243 = vector.shape_cast %swap3A_242 : vector<1x16xf32> to vector<16xf32>
      %swap3A_244 = vector.shape_cast %mul3A_238 : vector<16xf32> to vector<1x16xf32>
      tpu.vector_store %arg11[%swap3A_240, %swap3A_241], %swap3A_244 {strides = array<i32>} : memref<128x32xf32, #tpu.memory_space<vmem>>, vector<1x16xf32>,
      %slice3A_245 = vector.extract_strided_slice %get3A_162 {offsets = [3], sizes = [1], strides = [1]} : vector<16xf32> to vector<1xf32>
      %squeeze3A_246 = vector.extract %slice3A_245[0] : f32 from vector<1xf32>
      %get3A_247 = arith.constant 3 : i32
      %get3A_248 = arith.index_cast %get3A_247 : i32 to index
      %get3A_249 = arith.constant 0 : index
      %get3A_250 = tpu.vector_load %arg11[%get3A_248, %get3A_249] {strides = array<i32>} : memref<128x32xf32, #tpu.memory_space<vmem>>, vector<1x16xf32>,
      %get3A_251 = vector.shape_cast %get3A_250 : vector<1x16xf32> to vector<16xf32>
      %mul3A_252 = vector.broadcast %squeeze3A_246 : f32 to vector<16xf32>
      %mul3A_253 = arith.mulf %get3A_251, %mul3A_252 : vector<16xf32>
      %swap3A_254 = arith.constant 3 : i32
      %swap3A_255 = arith.index_cast %swap3A_254 : i32 to index
      %swap3A_256 = arith.constant 0 : index
      %swap3A_257 = tpu.vector_load %arg11[%swap3A_255, %swap3A_256] {strides = array<i32>} : memref<128x32xf32, #tpu.memory_space<vmem>>, vector<1x16xf32>,
      %swap3A_258 = vector.shape_cast %swap3A_257 : vector<1x16xf32> to vector<16xf32>
      %swap3A_259 = vector.shape_cast %mul3A_253 : vector<16xf32> to vector<1x16xf32>
      tpu.vector_store %arg11[%swap3A_255, %swap3A_256], %swap3A_259 {strides = array<i32>} : memref<128x32xf32, #tpu.memory_space<vmem>>, vector<1x16xf32>,
      %get3A_260 = arith.constant 3 : i32
      %get3A_261 = arith.index_cast %get3A_260 : i32 to index
      %get3A_262 = arith.constant 16 : index
      %get3A_263 = tpu.vector_load %arg11[%get3A_261, %get3A_262] {strides = array<i32>} : memref<128x32xf32, #tpu.memory_space<vmem>>, vector<1x16xf32>,
      %get3A_264 = vector.shape_cast %get3A_263 : vector<1x16xf32> to vector<16xf32>
      %mul3A_265 = vector.broadcast %squeeze3A_246 : f32 to vector<16xf32>
      %mul3A_266 = arith.mulf %get3A_264, %mul3A_265 : vector<16xf32>
      %swap3A_267 = arith.constant 3 : i32
      %swap3A_268 = arith.index_cast %swap3A_267 : i32 to index
      %swap3A_269 = arith.constant 16 : index
      %swap3A_270 = tpu.vector_load %arg11[%swap3A_268, %swap3A_269] {strides = array<i32>} : memref<128x32xf32, #tpu.memory_space<vmem>>, vector<1x16xf32>,
      %swap3A_271 = vector.shape_cast %swap3A_270 : vector<1x16xf32> to vector<16xf32>
      %swap3A_272 = vector.shape_cast %mul3A_266 : vector<16xf32> to vector<1x16xf32>
      tpu.vector_store %arg11[%swap3A_268, %swap3A_269], %swap3A_272 {strides = array<i32>} : memref<128x32xf32, #tpu.memory_space<vmem>>, vector<1x16xf32>,
      %slice3A_273 = vector.extract_strided_slice %get3A_162 {offsets = [4], sizes = [1], strides = [1]} : vector<16xf32> to vector<1xf32>
      %squeeze3A_274 = vector.extract %slice3A_273[0] : f32 from vector<1xf32>
      %get3A_275 = arith.constant 4 : i32
      %get3A_276 = arith.index_cast %get3A_275 : i32 to index
      %get3A_277 = arith.constant 0 : index
      %get3A_278 = tpu.vector_load %arg11[%get3A_276, %get3A_277] {strides = array<i32>} : memref<128x32xf32, #tpu.memory_space<vmem>>, vector<1x16xf32>,
      %get3A_279 = vector.shape_cast %get3A_278 : vector<1x16xf32> to vector<16xf32>
      %mul3A_280 = vector.broadcast %squeeze3A_274 : f32 to vector<16xf32>
      %mul3A_281 = arith.mulf %get3A_279, %mul3A_280 : vector<16xf32>
      %swap3A_282 = arith.constant 4 : i32
      %swap3A_283 = arith.index_cast %swap3A_282 : i32 to index
      %swap3A_284 = arith.constant 0 : index
      %swap3A_285 = tpu.vector_load %arg11[%swap3A_283, %swap3A_284] {strides = array<i32>} : memref<128x32xf32, #tpu.memory_space<vmem>>, vector<1x16xf32>,
      %swap3A_286 = vector.shape_cast %swap3A_285 : vector<1x16xf32> to vector<16xf32>
      %swap3A_287 = vector.shape_cast %mul3A_281 : vector<16xf32> to vector<1x16xf32>
      tpu.vector_store %arg11[%swap3A_283, %swap3A_284], %swap3A_287 {strides = array<i32>} : memref<128x32xf32, #tpu.memory_space<vmem>>, vector<1x16xf32>,
      %get3A_288 = arith.constant 4 : i32
      %get3A_289 = arith.index_cast %get3A_288 : i32 to index
      %get3A_290 = arith.constant 16 : index
      %get3A_291 = tpu.vector_load %arg11[%get3A_289, %get3A_290] {strides = array<i32>} : memref<128x32xf32, #tpu.memory_space<vmem>>, vector<1x16xf32>,
      %get3A_292 = vector.shape_cast %get3A_291 : vector<1x16xf32> to vector<16xf32>
      %mul3A_293 = vector.broadcast %squeeze3A_274 : f32 to vector<16xf32>
      %mul3A_294 = arith.mulf %get3A_292, %mul3A_293 : vector<16xf32>
      %swap3A_295 = arith.constant 4 : i32
      %swap3A_296 = arith.index_cast %swap3A_295 : i32 to index
      %swap3A_297 = arith.constant 16 : index
      %swap3A_298 = tpu.vector_load %arg11[%swap3A_296, %swap3A_297] {strides = array<i32>} : memref<128x32xf32, #tpu.memory_space<vmem>>, vector<1x16xf32>,
      %swap3A_299 = vector.shape_cast %swap3A_298 : vector<1x16xf32> to vector<16xf32>
      %swap3A_300 = vector.shape_cast %mul3A_294 : vector<16xf32> to vector<1x16xf32>
      tpu.vector_store %arg11[%swap3A_296, %swap3A_297], %swap3A_300 {strides = array<i32>} : memref<128x32xf32, #tpu.memory_space<vmem>>, vector<1x16xf32>,
      %slice3A_301 = vector.extract_strided_slice %get3A_162 {offsets = [5], sizes = [1], strides = [1]} : vector<16xf32> to vector<1xf32>
      %squeeze3A_302 = vector.extract %slice3A_301[0] : f32 from vector<1xf32>
      %get3A_303 = arith.constant 5 : i32
      %get3A_304 = arith.index_cast %get3A_303 : i32 to index
      %get3A_305 = arith.constant 0 : index
      %get3A_306 = tpu.vector_load %arg11[%get3A_304, %get3A_305] {strides = array<i32>} : memref<128x32xf32, #tpu.memory_space<vmem>>, vector<1x16xf32>,
      %get3A_307 = vector.shape_cast %get3A_306 : vector<1x16xf32> to vector<16xf32>
      %mul3A_308 = vector.broadcast %squeeze3A_302 : f32 to vector<16xf32>
      %mul3A_309 = arith.mulf %get3A_307, %mul3A_308 : vector<16xf32>
      %swap3A_310 = arith.constant 5 : i32
      %swap3A_311 = arith.index_cast %swap3A_310 : i32 to index
      %swap3A_312 = arith.constant 0 : index
      %swap3A_313 = tpu.vector_load %arg11[%swap3A_311, %swap3A_312] {strides = array<i32>} : memref<128x32xf32, #tpu.memory_space<vmem>>, vector<1x16xf32>,
      %swap3A_314 = vector.shape_cast %swap3A_313 : vector<1x16xf32> to vector<16xf32>
      %swap3A_315 = vector.shape_cast %mul3A_309 : vector<16xf32> to vector<1x16xf32>
      tpu.vector_store %arg11[%swap3A_311, %swap3A_312], %swap3A_315 {strides = array<i32>} : memref<128x32xf32, #tpu.memory_space<vmem>>, vector<1x16xf32>,
      %get3A_316 = arith.constant 5 : i32
      %get3A_317 = arith.index_cast %get3A_316 : i32 to index
      %get3A_318 = arith.constant 16 : index
      %get3A_319 = tpu.vector_load %arg11[%get3A_317, %get3A_318] {strides = array<i32>} : memref<128x32xf32, #tpu.memory_space<vmem>>, vector<1x16xf32>,
      %get3A_320 = vector.shape_cast %get3A_319 : vector<1x16xf32> to vector<16xf32>
      %mul3A_321 = vector.broadcast %squeeze3A_302 : f32 to vector<16xf32>
      %mul3A_322 = arith.mulf %get3A_320, %mul3A_321 : vector<16xf32>
      %swap3A_323 = arith.constant 5 : i32
      %swap3A_324 = arith.index_cast %swap3A_323 : i32 to index
      %swap3A_325 = arith.constant 16 : index
      %swap3A_326 = tpu.vector_load %arg11[%swap3A_324, %swap3A_325] {strides = array<i32>} : memref<128x32xf32, #tpu.memory_space<vmem>>, vector<1x16xf32>,
      %swap3A_327 = vector.shape_cast %swap3A_326 : vector<1x16xf32> to vector<16xf32>
      %swap3A_328 = vector.shape_cast %mul3A_322 : vector<16xf32> to vector<1x16xf32>
      tpu.vector_store %arg11[%swap3A_324, %swap3A_325], %swap3A_328 {strides = array<i32>} : memref<128x32xf32, #tpu.memory_space<vmem>>, vector<1x16xf32>,
      %slice3A_329 = vector.extract_strided_slice %get3A_162 {offsets = [6], sizes = [1], strides = [1]} : vector<16xf32> to vector<1xf32>
      %squeeze3A_330 = vector.extract %slice3A_329[0] : f32 from vector<1xf32>
      %get3A_331 = arith.constant 6 : i32
      %get3A_332 = arith.index_cast %get3A_331 : i32 to index
      %get3A_333 = arith.constant 0 : index
      %get3A_334 = tpu.vector_load %arg11[%get3A_332, %get3A_333] {strides = array<i32>} : memref<128x32xf32, #tpu.memory_space<vmem>>, vector<1x16xf32>,
      %get3A_335 = vector.shape_cast %get3A_334 : vector<1x16xf32> to vector<16xf32>
      %mul3A_336 = vector.broadcast %squeeze3A_330 : f32 to vector<16xf32>
      %mul3A_337 = arith.mulf %get3A_335, %mul3A_336 : vector<16xf32>
      %swap3A_338 = arith.constant 6 : i32
      %swap3A_339 = arith.index_cast %swap3A_338 : i32 to index
      %swap3A_340 = arith.constant 0 : index
      %swap3A_341 = tpu.vector_load %arg11[%swap3A_339, %swap3A_340] {strides = array<i32>} : memref<128x32xf32, #tpu.memory_space<vmem>>, vector<1x16xf32>,
      %swap3A_342 = vector.shape_cast %swap3A_341 : vector<1x16xf32> to vector<16xf32>
      %swap3A_343 = vector.shape_cast %mul3A_337 : vector<16xf32> to vector<1x16xf32>
      tpu.vector_store %arg11[%swap3A_339, %swap3A_340], %swap3A_343 {strides = array<i32>} : memref<128x32xf32, #tpu.memory_space<vmem>>, vector<1x16xf32>,
      %get3A_344 = arith.constant 6 : i32
      %get3A_345 = arith.index_cast %get3A_344 : i32 to index
      %get3A_346 = arith.constant 16 : index
      %get3A_347 = tpu.vector_load %arg11[%get3A_345, %get3A_346] {strides = array<i32>} : memref<128x32xf32, #tpu.memory_space<vmem>>, vector<1x16xf32>,
      %get3A_348 = vector.shape_cast %get3A_347 : vector<1x16xf32> to vector<16xf32>
      %mul3A_349 = vector.broadcast %squeeze3A_330 : f32 to vector<16xf32>
      %mul3A_350 = arith.mulf %get3A_348, %mul3A_349 : vector<16xf32>
      %swap3A_351 = arith.constant 6 : i32
      %swap3A_352 = arith.index_cast %swap3A_351 : i32 to index
      %swap3A_353 = arith.constant 16 : index
      %swap3A_354 = tpu.vector_load %arg11[%swap3A_352, %swap3A_353] {strides = array<i32>} : memref<128x32xf32, #tpu.memory_space<vmem>>, vector<1x16xf32>,
      %swap3A_355 = vector.shape_cast %swap3A_354 : vector<1x16xf32> to vector<16xf32>
      %swap3A_356 = vector.shape_cast %mul3A_350 : vector<16xf32> to vector<1x16xf32>
      tpu.vector_store %arg11[%swap3A_352, %swap3A_353], %swap3A_356 {strides = array<i32>} : memref<128x32xf32, #tpu.memory_space<vmem>>, vector<1x16xf32>,
      %slice3A_357 = vector.extract_strided_slice %get3A_162 {offsets = [7], sizes = [1], strides = [1]} : vector<16xf32> to vector<1xf32>
      %squeeze3A_358 = vector.extract %slice3A_357[0] : f32 from vector<1xf32>
      %get3A_359 = arith.constant 7 : i32
      %get3A_360 = arith.index_cast %get3A_359 : i32 to index
      %get3A_361 = arith.constant 0 : index
      %get3A_362 = tpu.vector_load %arg11[%get3A_360, %get3A_361] {strides = array<i32>} : memref<128x32xf32, #tpu.memory_space<vmem>>, vector<1x16xf32>,
      %get3A_363 = vector.shape_cast %get3A_362 : vector<1x16xf32> to vector<16xf32>
      %mul3A_364 = vector.broadcast %squeeze3A_358 : f32 to vector<16xf32>
      %mul3A_365 = arith.mulf %get3A_363, %mul3A_364 : vector<16xf32>
      %swap3A_366 = arith.constant 7 : i32
      %swap3A_367 = arith.index_cast %swap3A_366 : i32 to index
      %swap3A_368 = arith.constant 0 : index
      %swap3A_369 = tpu.vector_load %arg11[%swap3A_367, %swap3A_368] {strides = array<i32>} : memref<128x32xf32, #tpu.memory_space<vmem>>, vector<1x16xf32>,
      %swap3A_370 = vector.shape_cast %swap3A_369 : vector<1x16xf32> to vector<16xf32>
      %swap3A_371 = vector.shape_cast %mul3A_365 : vector<16xf32> to vector<1x16xf32>
      tpu.vector_store %arg11[%swap3A_367, %swap3A_368], %swap3A_371 {strides = array<i32>} : memref<128x32xf32, #tpu.memory_space<vmem>>, vector<1x16xf32>,
      %get3A_372 = arith.constant 7 : i32
      %get3A_373 = arith.index_cast %get3A_372 : i32 to index
      %get3A_374 = arith.constant 16 : index
      %get3A_375 = tpu.vector_load %arg11[%get3A_373, %get3A_374] {strides = array<i32>} : memref<128x32xf32, #tpu.memory_space<vmem>>, vector<1x16xf32>,
      %get3A_376 = vector.shape_cast %get3A_375 : vector<1x16xf32> to vector<16xf32>
      %mul3A_377 = vector.broadcast %squeeze3A_358 : f32 to vector<16xf32>
      %mul3A_378 = arith.mulf %get3A_376, %mul3A_377 : vector<16xf32>
      %swap3A_379 = arith.constant 7 : i32
      %swap3A_380 = arith.index_cast %swap3A_379 : i32 to index
      %swap3A_381 = arith.constant 16 : index
      %swap3A_382 = tpu.vector_load %arg11[%swap3A_380, %swap3A_381] {strides = array<i32>} : memref<128x32xf32, #tpu.memory_space<vmem>>, vector<1x16xf32>,
      %swap3A_383 = vector.shape_cast %swap3A_382 : vector<1x16xf32> to vector<16xf32>
      %swap3A_384 = vector.shape_cast %mul3A_378 : vector<16xf32> to vector<1x16xf32>
      tpu.vector_store %arg11[%swap3A_380, %swap3A_381], %swap3A_384 {strides = array<i32>} : memref<128x32xf32, #tpu.memory_space<vmem>>, vector<1x16xf32>,
      %slice3A_385 = vector.extract_strided_slice %get3A_162 {offsets = [8], sizes = [1], strides = [1]} : vector<16xf32> to vector<1xf32>
      %squeeze3A_386 = vector.extract %slice3A_385[0] : f32 from vector<1xf32>
      %get3A_387 = arith.constant 8 : i32
      %get3A_388 = arith.index_cast %get3A_387 : i32 to index
      %get3A_389 = arith.constant 0 : index
      %get3A_390 = tpu.vector_load %arg11[%get3A_388, %get3A_389] {strides = array<i32>} : memref<128x32xf32, #tpu.memory_space<vmem>>, vector<1x16xf32>,
      %get3A_391 = vector.shape_cast %get3A_390 : vector<1x16xf32> to vector<16xf32>
      %mul3A_392 = vector.broadcast %squeeze3A_386 : f32 to vector<16xf32>
      %mul3A_393 = arith.mulf %get3A_391, %mul3A_392 : vector<16xf32>
      %swap3A_394 = arith.constant 8 : i32
      %swap3A_395 = arith.index_cast %swap3A_394 : i32 to index
      %swap3A_396 = arith.constant 0 : index
      %swap3A_397 = tpu.vector_load %arg11[%swap3A_395, %swap3A_396] {strides = array<i32>} : memref<128x32xf32, #tpu.memory_space<vmem>>, vector<1x16xf32>,
      %swap3A_398 = vector.shape_cast %swap3A_397 : vector<1x16xf32> to vector<16xf32>
      %swap3A_399 = vector.shape_cast %mul3A_393 : vector<16xf32> to vector<1x16xf32>
      tpu.vector_store %arg11[%swap3A_395, %swap3A_396], %swap3A_399 {strides = array<i32>} : memref<128x32xf32, #tpu.memory_space<vmem>>, vector<1x16xf32>,
      %get3A_400 = arith.constant 8 : i32
      %get3A_401 = arith.index_cast %get3A_400 : i32 to index
      %get3A_402 = arith.constant 16 : index
      %get3A_403 = tpu.vector_load %arg11[%get3A_401, %get3A_402] {strides = array<i32>} : memref<128x32xf32, #tpu.memory_space<vmem>>, vector<1x16xf32>,
      %get3A_404 = vector.shape_cast %get3A_403 : vector<1x16xf32> to vector<16xf32>
      %mul3A_405 = vector.broadcast %squeeze3A_386 : f32 to vector<16xf32>
      %mul3A_406 = arith.mulf %get3A_404, %mul3A_405 : vector<16xf32>
      %swap3A_407 = arith.constant 8 : i32
      %swap3A_408 = arith.index_cast %swap3A_407 : i32 to index
      %swap3A_409 = arith.constant 16 : index
      %swap3A_410 = tpu.vector_load %arg11[%swap3A_408, %swap3A_409] {strides = array<i32>} : memref<128x32xf32, #tpu.memory_space<vmem>>, vector<1x16xf32>,
      %swap3A_411 = vector.shape_cast %swap3A_410 : vector<1x16xf32> to vector<16xf32>
      %swap3A_412 = vector.shape_cast %mul3A_406 : vector<16xf32> to vector<1x16xf32>
      tpu.vector_store %arg11[%swap3A_408, %swap3A_409], %swap3A_412 {strides = array<i32>} : memref<128x32xf32, #tpu.memory_space<vmem>>, vector<1x16xf32>,
      %slice3A_413 = vector.extract_strided_slice %get3A_162 {offsets = [9], sizes = [1], strides = [1]} : vector<16xf32> to vector<1xf32>
      %squeeze3A_414 = vector.extract %slice3A_413[0] : f32 from vector<1xf32>
      %get3A_415 = arith.constant 9 : i32
      %get3A_416 = arith.index_cast %get3A_415 : i32 to index
      %get3A_417 = arith.constant 0 : index
      %get3A_418 = tpu.vector_load %arg11[%get3A_416, %get3A_417] {strides = array<i32>} : memref<128x32xf32, #tpu.memory_space<vmem>>, vector<1x16xf32>,
      %get3A_419 = vector.shape_cast %get3A_418 : vector<1x16xf32> to vector<16xf32>
      %mul3A_420 = vector.broadcast %squeeze3A_414 : f32 to vector<16xf32>
      %mul3A_421 = arith.mulf %get3A_419, %mul3A_420 : vector<16xf32>
      %swap3A_422 = arith.constant 9 : i32
      %swap3A_423 = arith.index_cast %swap3A_422 : i32 to index
      %swap3A_424 = arith.constant 0 : index
      %swap3A_425 = tpu.vector_load %arg11[%swap3A_423, %swap3A_424] {strides = array<i32>} : memref<128x32xf32, #tpu.memory_space<vmem>>, vector<1x16xf32>,
      %swap3A_426 = vector.shape_cast %swap3A_425 : vector<1x16xf32> to vector<16xf32>
      %swap3A_427 = vector.shape_cast %mul3A_421 : vector<16xf32> to vector<1x16xf32>
      tpu.vector_store %arg11[%swap3A_423, %swap3A_424], %swap3A_427 {strides = array<i32>} : memref<128x32xf32, #tpu.memory_space<vmem>>, vector<1x16xf32>,
      %get3A_428 = arith.constant 9 : i32
      %get3A_429 = arith.index_cast %get3A_428 : i32 to index
      %get3A_430 = arith.constant 16 : index
      %get3A_431 = tpu.vector_load %arg11[%get3A_429, %get3A_430] {strides = array<i32>} : memref<128x32xf32, #tpu.memory_space<vmem>>, vector<1x16xf32>,
      %get3A_432 = vector.shape_cast %get3A_431 : vector<1x16xf32> to vector<16xf32>
      %mul3A_433 = vector.broadcast %squeeze3A_414 : f32 to vector<16xf32>
      %mul3A_434 = arith.mulf %get3A_432, %mul3A_433 : vector<16xf32>
      %swap3A_435 = arith.constant 9 : i32
      %swap3A_436 = arith.index_cast %swap3A_435 : i32 to index
      %swap3A_437 = arith.constant 16 : index
      %swap3A_438 = tpu.vector_load %arg11[%swap3A_436, %swap3A_437] {strides = array<i32>} : memref<128x32xf32, #tpu.memory_space<vmem>>, vector<1x16xf32>,
      %swap3A_439 = vector.shape_cast %swap3A_438 : vector<1x16xf32> to vector<16xf32>
      %swap3A_440 = vector.shape_cast %mul3A_434 : vector<16xf32> to vector<1x16xf32>
      tpu.vector_store %arg11[%swap3A_436, %swap3A_437], %swap3A_440 {strides = array<i32>} : memref<128x32xf32, #tpu.memory_space<vmem>>, vector<1x16xf32>,
      %slice3A_441 = vector.extract_strided_slice %get3A_162 {offsets = [10], sizes = [1], strides = [1]} : vector<16xf32> to vector<1xf32>
      %squeeze3A_442 = vector.extract %slice3A_441[0] : f32 from vector<1xf32>
      %get3A_443 = arith.constant 10 : i32
      %get3A_444 = arith.index_cast %get3A_443 : i32 to index
      %get3A_445 = arith.constant 0 : index
      %get3A_446 = tpu.vector_load %arg11[%get3A_444, %get3A_445] {strides = array<i32>} : memref<128x32xf32, #tpu.memory_space<vmem>>, vector<1x16xf32>,
      %get3A_447 = vector.shape_cast %get3A_446 : vector<1x16xf32> to vector<16xf32>
      %mul3A_448 = vector.broadcast %squeeze3A_442 : f32 to vector<16xf32>
      %mul3A_449 = arith.mulf %get3A_447, %mul3A_448 : vector<16xf32>
      %swap3A_450 = arith.constant 10 : i32
      %swap3A_451 = arith.index_cast %swap3A_450 : i32 to index
      %swap3A_452 = arith.constant 0 : index
      %swap3A_453 = tpu.vector_load %arg11[%swap3A_451, %swap3A_452] {strides = array<i32>} : memref<128x32xf32, #tpu.memory_space<vmem>>, vector<1x16xf32>,
      %swap3A_454 = vector.shape_cast %swap3A_453 : vector<1x16xf32> to vector<16xf32>
      %swap3A_455 = vector.shape_cast %mul3A_449 : vector<16xf32> to vector<1x16xf32>
      tpu.vector_store %arg11[%swap3A_451, %swap3A_452], %swap3A_455 {strides = array<i32>} : memref<128x32xf32, #tpu.memory_space<vmem>>, vector<1x16xf32>,
      %get3A_456 = arith.constant 10 : i32
      %get3A_457 = arith.index_cast %get3A_456 : i32 to index
      %get3A_458 = arith.constant 16 : index
      %get3A_459 = tpu.vector_load %arg11[%get3A_457, %get3A_458] {strides = array<i32>} : memref<128x32xf32, #tpu.memory_space<vmem>>, vector<1x16xf32>,
      %get3A_460 = vector.shape_cast %get3A_459 : vector<1x16xf32> to vector<16xf32>
      %mul3A_461 = vector.broadcast %squeeze3A_442 : f32 to vector<16xf32>
      %mul3A_462 = arith.mulf %get3A_460, %mul3A_461 : vector<16xf32>
      %swap3A_463 = arith.constant 10 : i32
      %swap3A_464 = arith.index_cast %swap3A_463 : i32 to index
      %swap3A_465 = arith.constant 16 : index
      %swap3A_466 = tpu.vector_load %arg11[%swap3A_464, %swap3A_465] {strides = array<i32>} : memref<128x32xf32, #tpu.memory_space<vmem>>, vector<1x16xf32>,
      %swap3A_467 = vector.shape_cast %swap3A_466 : vector<1x16xf32> to vector<16xf32>
      %swap3A_468 = vector.shape_cast %mul3A_462 : vector<16xf32> to vector<1x16xf32>
      tpu.vector_store %arg11[%swap3A_464, %swap3A_465], %swap3A_468 {strides = array<i32>} : memref<128x32xf32, #tpu.memory_space<vmem>>, vector<1x16xf32>,
      %slice3A_469 = vector.extract_strided_slice %get3A_162 {offsets = [11], sizes = [1], strides = [1]} : vector<16xf32> to vector<1xf32>
      %squeeze3A_470 = vector.extract %slice3A_469[0] : f32 from vector<1xf32>
      %get3A_471 = arith.constant 11 : i32
      %get3A_472 = arith.index_cast %get3A_471 : i32 to index
      %get3A_473 = arith.constant 0 : index
      %get3A_474 = tpu.vector_load %arg11[%get3A_472, %get3A_473] {strides = array<i32>} : memref<128x32xf32, #tpu.memory_space<vmem>>, vector<1x16xf32>,
      %get3A_475 = vector.shape_cast %get3A_474 : vector<1x16xf32> to vector<16xf32>
      %mul3A_476 = vector.broadcast %squeeze3A_470 : f32 to vector<16xf32>
      %mul3A_477 = arith.mulf %get3A_475, %mul3A_476 : vector<16xf32>
      %swap3A_478 = arith.constant 11 : i32
      %swap3A_479 = arith.index_cast %swap3A_478 : i32 to index
      %swap3A_480 = arith.constant 0 : index
      %swap3A_481 = tpu.vector_load %arg11[%swap3A_479, %swap3A_480] {strides = array<i32>} : memref<128x32xf32, #tpu.memory_space<vmem>>, vector<1x16xf32>,
      %swap3A_482 = vector.shape_cast %swap3A_481 : vector<1x16xf32> to vector<16xf32>
      %swap3A_483 = vector.shape_cast %mul3A_477 : vector<16xf32> to vector<1x16xf32>
      tpu.vector_store %arg11[%swap3A_479, %swap3A_480], %swap3A_483 {strides = array<i32>} : memref<128x32xf32, #tpu.memory_space<vmem>>, vector<1x16xf32>,
      %get3A_484 = arith.constant 11 : i32
      %get3A_485 = arith.index_cast %get3A_484 : i32 to index
      %get3A_486 = arith.constant 16 : index
      %get3A_487 = tpu.vector_load %arg11[%get3A_485, %get3A_486] {strides = array<i32>} : memref<128x32xf32, #tpu.memory_space<vmem>>, vector<1x16xf32>,
      %get3A_488 = vector.shape_cast %get3A_487 : vector<1x16xf32> to vector<16xf32>
      %mul3A_489 = vector.broadcast %squeeze3A_470 : f32 to vector<16xf32>
      %mul3A_490 = arith.mulf %get3A_488, %mul3A_489 : vector<16xf32>
      %swap3A_491 = arith.constant 11 : i32
      %swap3A_492 = arith.index_cast %swap3A_491 : i32 to index
      %swap3A_493 = arith.constant 16 : index
      %swap3A_494 = tpu.vector_load %arg11[%swap3A_492, %swap3A_493] {strides = array<i32>} : memref<128x32xf32, #tpu.memory_space<vmem>>, vector<1x16xf32>,
      %swap3A_495 = vector.shape_cast %swap3A_494 : vector<1x16xf32> to vector<16xf32>
      %swap3A_496 = vector.shape_cast %mul3A_490 : vector<16xf32> to vector<1x16xf32>
      tpu.vector_store %arg11[%swap3A_492, %swap3A_493], %swap3A_496 {strides = array<i32>} : memref<128x32xf32, #tpu.memory_space<vmem>>, vector<1x16xf32>,
      %slice3A_497 = vector.extract_strided_slice %get3A_162 {offsets = [12], sizes = [1], strides = [1]} : vector<16xf32> to vector<1xf32>
      %squeeze3A_498 = vector.extract %slice3A_497[0] : f32 from vector<1xf32>
      %get3A_499 = arith.constant 12 : i32
      %get3A_500 = arith.index_cast %get3A_499 : i32 to index
      %get3A_501 = arith.constant 0 : index
      %get3A_502 = tpu.vector_load %arg11[%get3A_500, %get3A_501] {strides = array<i32>} : memref<128x32xf32, #tpu.memory_space<vmem>>, vector<1x16xf32>,
      %get3A_503 = vector.shape_cast %get3A_502 : vector<1x16xf32> to vector<16xf32>
      %mul3A_504 = vector.broadcast %squeeze3A_498 : f32 to vector<16xf32>
      %mul3A_505 = arith.mulf %get3A_503, %mul3A_504 : vector<16xf32>
      %swap3A_506 = arith.constant 12 : i32
      %swap3A_507 = arith.index_cast %swap3A_506 : i32 to index
      %swap3A_508 = arith.constant 0 : index
      %swap3A_509 = tpu.vector_load %arg11[%swap3A_507, %swap3A_508] {strides = array<i32>} : memref<128x32xf32, #tpu.memory_space<vmem>>, vector<1x16xf32>,
      %swap3A_510 = vector.shape_cast %swap3A_509 : vector<1x16xf32> to vector<16xf32>
      %swap3A_511 = vector.shape_cast %mul3A_505 : vector<16xf32> to vector<1x16xf32>
      tpu.vector_store %arg11[%swap3A_507, %swap3A_508], %swap3A_511 {strides = array<i32>} : memref<128x32xf32, #tpu.memory_space<vmem>>, vector<1x16xf32>,
      %get3A_512 = arith.constant 12 : i32
      %get3A_513 = arith.index_cast %get3A_512 : i32 to index
      %get3A_514 = arith.constant 16 : index
      %get3A_515 = tpu.vector_load %arg11[%get3A_513, %get3A_514] {strides = array<i32>} : memref<128x32xf32, #tpu.memory_space<vmem>>, vector<1x16xf32>,
      %get3A_516 = vector.shape_cast %get3A_515 : vector<1x16xf32> to vector<16xf32>
      %mul3A_517 = vector.broadcast %squeeze3A_498 : f32 to vector<16xf32>
      %mul3A_518 = arith.mulf %get3A_516, %mul3A_517 : vector<16xf32>
      %swap3A_519 = arith.constant 12 : i32
      %swap3A_520 = arith.index_cast %swap3A_519 : i32 to index
      %swap3A_521 = arith.constant 16 : index
      %swap3A_522 = tpu.vector_load %arg11[%swap3A_520, %swap3A_521] {strides = array<i32>} : memref<128x32xf32, #tpu.memory_space<vmem>>, vector<1x16xf32>,
      %swap3A_523 = vector.shape_cast %swap3A_522 : vector<1x16xf32> to vector<16xf32>
      %swap3A_524 = vector.shape_cast %mul3A_518 : vector<16xf32> to vector<1x16xf32>
      tpu.vector_store %arg11[%swap3A_520, %swap3A_521], %swap3A_524 {strides = array<i32>} : memref<128x32xf32, #tpu.memory_space<vmem>>, vector<1x16xf32>,
      %slice3A_525 = vector.extract_strided_slice %get3A_162 {offsets = [13], sizes = [1], strides = [1]} : vector<16xf32> to vector<1xf32>
      %squeeze3A_526 = vector.extract %slice3A_525[0] : f32 from vector<1xf32>
      %get3A_527 = arith.constant 13 : i32
      %get3A_528 = arith.index_cast %get3A_527 : i32 to index
      %get3A_529 = arith.constant 0 : index
      %get3A_530 = tpu.vector_load %arg11[%get3A_528, %get3A_529] {strides = array<i32>} : memref<128x32xf32, #tpu.memory_space<vmem>>, vector<1x16xf32>,
      %get3A_531 = vector.shape_cast %get3A_530 : vector<1x16xf32> to vector<16xf32>
      %mul3A_532 = vector.broadcast %squeeze3A_526 : f32 to vector<16xf32>
      %mul3A_533 = arith.mulf %get3A_531, %mul3A_532 : vector<16xf32>
      %swap3A_534 = arith.constant 13 : i32
      %swap3A_535 = arith.index_cast %swap3A_534 : i32 to index
      %swap3A_536 = arith.constant 0 : index
      %swap3A_537 = tpu.vector_load %arg11[%swap3A_535, %swap3A_536] {strides = array<i32>} : memref<128x32xf32, #tpu.memory_space<vmem>>, vector<1x16xf32>,
      %swap3A_538 = vector.shape_cast %swap3A_537 : vector<1x16xf32> to vector<16xf32>
      %swap3A_539 = vector.shape_cast %mul3A_533 : vector<16xf32> to vector<1x16xf32>
      tpu.vector_store %arg11[%swap3A_535, %swap3A_536], %swap3A_539 {strides = array<i32>} : memref<128x32xf32, #tpu.memory_space<vmem>>, vector<1x16xf32>,
      %get3A_540 = arith.constant 13 : i32
      %get3A_541 = arith.index_cast %get3A_540 : i32 to index
      %get3A_542 = arith.constant 16 : index
      %get3A_543 = tpu.vector_load %arg11[%get3A_541, %get3A_542] {strides = array<i32>} : memref<128x32xf32, #tpu.memory_space<vmem>>, vector<1x16xf32>,
      %get3A_544 = vector.shape_cast %get3A_543 : vector<1x16xf32> to vector<16xf32>
      %mul3A_545 = vector.broadcast %squeeze3A_526 : f32 to vector<16xf32>
      %mul3A_546 = arith.mulf %get3A_544, %mul3A_545 : vector<16xf32>
      %swap3A_547 = arith.constant 13 : i32
      %swap3A_548 = arith.index_cast %swap3A_547 : i32 to index
      %swap3A_549 = arith.constant 16 : index
      %swap3A_550 = tpu.vector_load %arg11[%swap3A_548, %swap3A_549] {strides = array<i32>} : memref<128x32xf32, #tpu.memory_space<vmem>>, vector<1x16xf32>,
      %swap3A_551 = vector.shape_cast %swap3A_550 : vector<1x16xf32> to vector<16xf32>
      %swap3A_552 = vector.shape_cast %mul3A_546 : vector<16xf32> to vector<1x16xf32>
      tpu.vector_store %arg11[%swap3A_548, %swap3A_549], %swap3A_552 {strides = array<i32>} : memref<128x32xf32, #tpu.memory_space<vmem>>, vector<1x16xf32>,
      %slice3A_553 = vector.extract_strided_slice %get3A_162 {offsets = [14], sizes = [1], strides = [1]} : vector<16xf32> to vector<1xf32>
      %squeeze3A_554 = vector.extract %slice3A_553[0] : f32 from vector<1xf32>
      %get3A_555 = arith.constant 14 : i32
      %get3A_556 = arith.index_cast %get3A_555 : i32 to index
      %get3A_557 = arith.constant 0 : index
      %get3A_558 = tpu.vector_load %arg11[%get3A_556, %get3A_557] {strides = array<i32>} : memref<128x32xf32, #tpu.memory_space<vmem>>, vector<1x16xf32>,
      %get3A_559 = vector.shape_cast %get3A_558 : vector<1x16xf32> to vector<16xf32>
      %mul3A_560 = vector.broadcast %squeeze3A_554 : f32 to vector<16xf32>
      %mul3A_561 = arith.mulf %get3A_559, %mul3A_560 : vector<16xf32>
      %swap3A_562 = arith.constant 14 : i32
      %swap3A_563 = arith.index_cast %swap3A_562 : i32 to index
      %swap3A_564 = arith.constant 0 : index
      %swap3A_565 = tpu.vector_load %arg11[%swap3A_563, %swap3A_564] {strides = array<i32>} : memref<128x32xf32, #tpu.memory_space<vmem>>, vector<1x16xf32>,
      %swap3A_566 = vector.shape_cast %swap3A_565 : vector<1x16xf32> to vector<16xf32>
      %swap3A_567 = vector.shape_cast %mul3A_561 : vector<16xf32> to vector<1x16xf32>
      tpu.vector_store %arg11[%swap3A_563, %swap3A_564], %swap3A_567 {strides = array<i32>} : memref<128x32xf32, #tpu.memory_space<vmem>>, vector<1x16xf32>,
      %get3A_568 = arith.constant 14 : i32
      %get3A_569 = arith.index_cast %get3A_568 : i32 to index
      %get3A_570 = arith.constant 16 : index
      %get3A_571 = tpu.vector_load %arg11[%get3A_569, %get3A_570] {strides = array<i32>} : memref<128x32xf32, #tpu.memory_space<vmem>>, vector<1x16xf32>,
      %get3A_572 = vector.shape_cast %get3A_571 : vector<1x16xf32> to vector<16xf32>
      %mul3A_573 = vector.broadcast %squeeze3A_554 : f32 to vector<16xf32>
      %mul3A_574 = arith.mulf %get3A_572, %mul3A_573 : vector<16xf32>
      %swap3A_575 = arith.constant 14 : i32
      %swap3A_576 = arith.index_cast %swap3A_575 : i32 to index
      %swap3A_577 = arith.constant 16 : index
      %swap3A_578 = tpu.vector_load %arg11[%swap3A_576, %swap3A_577] {strides = array<i32>} : memref<128x32xf32, #tpu.memory_space<vmem>>, vector<1x16xf32>,
      %swap3A_579 = vector.shape_cast %swap3A_578 : vector<1x16xf32> to vector<16xf32>
      %swap3A_580 = vector.shape_cast %mul3A_574 : vector<16xf32> to vector<1x16xf32>
      tpu.vector_store %arg11[%swap3A_576, %swap3A_577], %swap3A_580 {strides = array<i32>} : memref<128x32xf32, #tpu.memory_space<vmem>>, vector<1x16xf32>,
      %slice3A_581 = vector.extract_strided_slice %get3A_162 {offsets = [15], sizes = [1], strides = [1]} : vector<16xf32> to vector<1xf32>
      %squeeze3A_582 = vector.extract %slice3A_581[0] : f32 from vector<1xf32>
      %get3A_583 = arith.constant 15 : i32
      %get3A_584 = arith.index_cast %get3A_583 : i32 to index
      %get3A_585 = arith.constant 0 : index
      %get3A_586 = tpu.vector_load %arg11[%get3A_584, %get3A_585] {strides = array<i32>} : memref<128x32xf32, #tpu.memory_space<vmem>>, vector<1x16xf32>,
      %get3A_587 = vector.shape_cast %get3A_586 : vector<1x16xf32> to vector<16xf32>
      %mul3A_588 = vector.broadcast %squeeze3A_582 : f32 to vector<16xf32>
      %mul3A_589 = arith.mulf %get3A_587, %mul3A_588 : vector<16xf32>
      %swap3A_590 = arith.constant 15 : i32
      %swap3A_591 = arith.index_cast %swap3A_590 : i32 to index
      %swap3A_592 = arith.constant 0 : index
      %swap3A_593 = tpu.vector_load %arg11[%swap3A_591, %swap3A_592] {strides = array<i32>} : memref<128x32xf32, #tpu.memory_space<vmem>>, vector<1x16xf32>,
      %swap3A_594 = vector.shape_cast %swap3A_593 : vector<1x16xf32> to vector<16xf32>
      %swap3A_595 = vector.shape_cast %mul3A_589 : vector<16xf32> to vector<1x16xf32>
      tpu.vector_store %arg11[%swap3A_591, %swap3A_592], %swap3A_595 {strides = array<i32>} : memref<128x32xf32, #tpu.memory_space<vmem>>, vector<1x16xf32>,
      %get3A_596 = arith.constant 15 : i32
      %get3A_597 = arith.index_cast %get3A_596 : i32 to index
      %get3A_598 = arith.constant 16 : index
      %get3A_599 = tpu.vector_load %arg11[%get3A_597, %get3A_598] {strides = array<i32>} : memref<128x32xf32, #tpu.memory_space<vmem>>, vector<1x16xf32>,
      %get3A_600 = vector.shape_cast %get3A_599 : vector<1x16xf32> to vector<16xf32>
      %mul3A_601 = vector.broadcast %squeeze3A_582 : f32 to vector<16xf32>
      %mul3A_602 = arith.mulf %get3A_600, %mul3A_601 : vector<16xf32>
      %swap3A_603 = arith.constant 15 : i32
      %swap3A_604 = arith.index_cast %swap3A_603 : i32 to index
      %swap3A_605 = arith.constant 16 : index
      %swap3A_606 = tpu.vector_load %arg11[%swap3A_604, %swap3A_605] {strides = array<i32>} : memref<128x32xf32, #tpu.memory_space<vmem>>, vector<1x16xf32>,
      %swap3A_607 = vector.shape_cast %swap3A_606 : vector<1x16xf32> to vector<16xf32>
      %swap3A_608 = vector.shape_cast %mul3A_602 : vector<16xf32> to vector<1x16xf32>
      tpu.vector_store %arg11[%swap3A_604, %swap3A_605], %swap3A_608 {strides = array<i32>} : memref<128x32xf32, #tpu.memory_space<vmem>>, vector<1x16xf32>,
      %get3A_609 = arith.constant 16 : index
      %get3A_610 = tpu.vector_load %arg10[%get3A_609] {strides = array<i32>} : memref<128xf32, #tpu.memory_space<vmem>>, vector<16xf32>,
      %get3A_611 = vector.shape_cast %get3A_610 : vector<16xf32> to vector<16xf32>
      %slice3A_612 = vector.extract_strided_slice %get3A_611 {offsets = [0], sizes = [1], strides = [1]} : vector<16xf32> to vector<1xf32>
      %squeeze3A_613 = vector.extract %slice3A_612[0] : f32 from vector<1xf32>
      %get3A_614 = arith.constant 16 : i32
      %get3A_615 = arith.index_cast %get3A_614 : i32 to index
      %get3A_616 = arith.constant 0 : index
      %get3A_617 = tpu.vector_load %arg11[%get3A_615, %get3A_616] {strides = array<i32>} : memref<128x32xf32, #tpu.memory_space<vmem>>, vector<1x16xf32>,
      %get3A_618 = vector.shape_cast %get3A_617 : vector<1x16xf32> to vector<16xf32>
      %mul3A_619 = vector.broadcast %squeeze3A_613 : f32 to vector<16xf32>
      %mul3A_620 = arith.mulf %get3A_618, %mul3A_619 : vector<16xf32>
      %swap3A_621 = arith.constant 16 : i32
      %swap3A_622 = arith.index_cast %swap3A_621 : i32 to index
      %swap3A_623 = arith.constant 0 : index
      %swap3A_624 = tpu.vector_load %arg11[%swap3A_622, %swap3A_623] {strides = array<i32>} : memref<128x32xf32, #tpu.memory_space<vmem>>, vector<1x16xf32>,
      %swap3A_625 = vector.shape_cast %swap3A_624 : vector<1x16xf32> to vector<16xf32>
      %swap3A_626 = vector.shape_cast %mul3A_620 : vector<16xf32> to vector<1x16xf32>
      tpu.vector_store %arg11[%swap3A_622, %swap3A_623], %swap3A_626 {strides = array<i32>} : memref<128x32xf32, #tpu.memory_space<vmem>>, vector<1x16xf32>,
      %get3A_627 = arith.constant 16 : i32
      %get3A_628 = arith.index_cast %get3A_627 : i32 to index
      %get3A_629 = arith.constant 16 : index
      %get3A_630 = tpu.vector_load %arg11[%get3A_628, %get3A_629] {strides = array<i32>} : memref<128x32xf32, #tpu.memory_space<vmem>>, vector<1x16xf32>,
      %get3A_631 = vector.shape_cast %get3A_630 : vector<1x16xf32> to vector<16xf32>
      %mul3A_632 = vector.broadcast %squeeze3A_613 : f32 to vector<16xf32>
      %mul3A_633 = arith.mulf %get3A_631, %mul3A_632 : vector<16xf32>
      %swap3A_634 = arith.constant 16 : i32
      %swap3A_635 = arith.index_cast %swap3A_634 : i32 to index
      %swap3A_636 = arith.constant 16 : index
      %swap3A_637 = tpu.vector_load %arg11[%swap3A_635, %swap3A_636] {strides = array<i32>} : memref<128x32xf32, #tpu.memory_space<vmem>>, vector<1x16xf32>,
      %swap3A_638 = vector.shape_cast %swap3A_637 : vector<1x16xf32> to vector<16xf32>
      %swap3A_639 = vector.shape_cast %mul3A_633 : vector<16xf32> to vector<1x16xf32>
      tpu.vector_store %arg11[%swap3A_635, %swap3A_636], %swap3A_639 {strides = array<i32>} : memref<128x32xf32, #tpu.memory_space<vmem>>, vector<1x16xf32>,
      %slice3A_640 = vector.extract_strided_slice %get3A_611 {offsets = [1], sizes = [1], strides = [1]} : vector<16xf32> to vector<1xf32>
      %squeeze3A_641 = vector.extract %slice3A_640[0] : f32 from vector<1xf32>
      %get3A_642 = arith.constant 17 : i32
      %get3A_643 = arith.index_cast %get3A_642 : i32 to index
      %get3A_644 = arith.constant 0 : index
      %get3A_645 = tpu.vector_load %arg11[%get3A_643, %get3A_644] {strides = array<i32>} : memref<128x32xf32, #tpu.memory_space<vmem>>, vector<1x16xf32>,
      %get3A_646 = vector.shape_cast %get3A_645 : vector<1x16xf32> to vector<16xf32>
      %mul3A_647 = vector.broadcast %squeeze3A_641 : f32 to vector<16xf32>
      %mul3A_648 = arith.mulf %get3A_646, %mul3A_647 : vector<16xf32>
      %swap3A_649 = arith.constant 17 : i32
      %swap3A_650 = arith.index_cast %swap3A_649 : i32 to index
      %swap3A_651 = arith.constant 0 : index
      %swap3A_652 = tpu.vector_load %arg11[%swap3A_650, %swap3A_651] {strides = array<i32>} : memref<128x32xf32, #tpu.memory_space<vmem>>, vector<1x16xf32>,
      %swap3A_653 = vector.shape_cast %swap3A_652 : vector<1x16xf32> to vector<16xf32>
      %swap3A_654 = vector.shape_cast %mul3A_648 : vector<16xf32> to vector<1x16xf32>
      tpu.vector_store %arg11[%swap3A_650, %swap3A_651], %swap3A_654 {strides = array<i32>} : memref<128x32xf32, #tpu.memory_space<vmem>>, vector<1x16xf32>,
      %get3A_655 = arith.constant 17 : i32
      %get3A_656 = arith.index_cast %get3A_655 : i32 to index
      %get3A_657 = arith.constant 16 : index
      %get3A_658 = tpu.vector_load %arg11[%get3A_656, %get3A_657] {strides = array<i32>} : memref<128x32xf32, #tpu.memory_space<vmem>>, vector<1x16xf32>,
      %get3A_659 = vector.shape_cast %get3A_658 : vector<1x16xf32> to vector<16xf32>
      %mul3A_660 = vector.broadcast %squeeze3A_641 : f32 to vector<16xf32>
      %mul3A_661 = arith.mulf %get3A_659, %mul3A_660 : vector<16xf32>
      %swap3A_662 = arith.constant 17 : i32
      %swap3A_663 = arith.index_cast %swap3A_662 : i32 to index
      %swap3A_664 = arith.constant 16 : index
      %swap3A_665 = tpu.vector_load %arg11[%swap3A_663, %swap3A_664] {strides = array<i32>} : memref<128x32xf32, #tpu.memory_space<vmem>>, vector<1x16xf32>,
      %swap3A_666 = vector.shape_cast %swap3A_665 : vector<1x16xf32> to vector<16xf32>
      %swap3A_667 = vector.shape_cast %mul3A_661 : vector<16xf32> to vector<1x16xf32>
      tpu.vector_store %arg11[%swap3A_663, %swap3A_664], %swap3A_667 {strides = array<i32>} : memref<128x32xf32, #tpu.memory_space<vmem>>, vector<1x16xf32>,
      %slice3A_668 = vector.extract_strided_slice %get3A_611 {offsets = [2], sizes = [1], strides = [1]} : vector<16xf32> to vector<1xf32>
      %squeeze3A_669 = vector.extract %slice3A_668[0] : f32 from vector<1xf32>
      %get3A_670 = arith.constant 18 : i32
      %get3A_671 = arith.index_cast %get3A_670 : i32 to index
      %get3A_672 = arith.constant 0 : index
      %get3A_673 = tpu.vector_load %arg11[%get3A_671, %get3A_672] {strides = array<i32>} : memref<128x32xf32, #tpu.memory_space<vmem>>, vector<1x16xf32>,
      %get3A_674 = vector.shape_cast %get3A_673 : vector<1x16xf32> to vector<16xf32>
      %mul3A_675 = vector.broadcast %squeeze3A_669 : f32 to vector<16xf32>
      %mul3A_676 = arith.mulf %get3A_674, %mul3A_675 : vector<16xf32>
      %swap3A_677 = arith.constant 18 : i32
      %swap3A_678 = arith.index_cast %swap3A_677 : i32 to index
      %swap3A_679 = arith.constant 0 : index
      %swap3A_680 = tpu.vector_load %arg11[%swap3A_678, %swap3A_679] {strides = array<i32>} : memref<128x32xf32, #tpu.memory_space<vmem>>, vector<1x16xf32>,
      %swap3A_681 = vector.shape_cast %swap3A_680 : vector<1x16xf32> to vector<16xf32>
      %swap3A_682 = vector.shape_cast %mul3A_676 : vector<16xf32> to vector<1x16xf32>
      tpu.vector_store %arg11[%swap3A_678, %swap3A_679], %swap3A_682 {strides = array<i32>} : memref<128x32xf32, #tpu.memory_space<vmem>>, vector<1x16xf32>,
      %get3A_683 = arith.constant 18 : i32
      %get3A_684 = arith.index_cast %get3A_683 : i32 to index
      %get3A_685 = arith.constant 16 : index
      %get3A_686 = tpu.vector_load %arg11[%get3A_684, %get3A_685] {strides = array<i32>} : memref<128x32xf32, #tpu.memory_space<vmem>>, vector<1x16xf32>,
      %get3A_687 = vector.shape_cast %get3A_686 : vector<1x16xf32> to vector<16xf32>
      %mul3A_688 = vector.broadcast %squeeze3A_669 : f32 to vector<16xf32>
      %mul3A_689 = arith.mulf %get3A_687, %mul3A_688 : vector<16xf32>
      %swap3A_690 = arith.constant 18 : i32
      %swap3A_691 = arith.index_cast %swap3A_690 : i32 to index
      %swap3A_692 = arith.constant 16 : index
      %swap3A_693 = tpu.vector_load %arg11[%swap3A_691, %swap3A_692] {strides = array<i32>} : memref<128x32xf32, #tpu.memory_space<vmem>>, vector<1x16xf32>,
      %swap3A_694 = vector.shape_cast %swap3A_693 : vector<1x16xf32> to vector<16xf32>
      %swap3A_695 = vector.shape_cast %mul3A_689 : vector<16xf32> to vector<1x16xf32>
      tpu.vector_store %arg11[%swap3A_691, %swap3A_692], %swap3A_695 {strides = array<i32>} : memref<128x32xf32, #tpu.memory_space<vmem>>, vector<1x16xf32>,
      %slice3A_696 = vector.extract_strided_slice %get3A_611 {offsets = [3], sizes = [1], strides = [1]} : vector<16xf32> to vector<1xf32>
      %squeeze3A_697 = vector.extract %slice3A_696[0] : f32 from vector<1xf32>
      %get3A_698 = arith.constant 19 : i32
      %get3A_699 = arith.index_cast %get3A_698 : i32 to index
      %get3A_700 = arith.constant 0 : index
      %get3A_701 = tpu.vector_load %arg11[%get3A_699, %get3A_700] {strides = array<i32>} : memref<128x32xf32, #tpu.memory_space<vmem>>, vector<1x16xf32>,
      %get3A_702 = vector.shape_cast %get3A_701 : vector<1x16xf32> to vector<16xf32>
      %mul3A_703 = vector.broadcast %squeeze3A_697 : f32 to vector<16xf32>
      %mul3A_704 = arith.mulf %get3A_702, %mul3A_703 : vector<16xf32>
      %swap3A_705 = arith.constant 19 : i32
      %swap3A_706 = arith.index_cast %swap3A_705 : i32 to index
      %swap3A_707 = arith.constant 0 : index
      %swap3A_708 = tpu.vector_load %arg11[%swap3A_706, %swap3A_707] {strides = array<i32>} : memref<128x32xf32, #tpu.memory_space<vmem>>, vector<1x16xf32>,
      %swap3A_709 = vector.shape_cast %swap3A_708 : vector<1x16xf32> to vector<16xf32>
      %swap3A_710 = vector.shape_cast %mul3A_704 : vector<16xf32> to vector<1x16xf32>
      tpu.vector_store %arg11[%swap3A_706, %swap3A_707], %swap3A_710 {strides = array<i32>} : memref<128x32xf32, #tpu.memory_space<vmem>>, vector<1x16xf32>,
      %get3A_711 = arith.constant 19 : i32
      %get3A_712 = arith.index_cast %get3A_711 : i32 to index
      %get3A_713 = arith.constant 16 : index
      %get3A_714 = tpu.vector_load %arg11[%get3A_712, %get3A_713] {strides = array<i32>} : memref<128x32xf32, #tpu.memory_space<vmem>>, vector<1x16xf32>,
      %get3A_715 = vector.shape_cast %get3A_714 : vector<1x16xf32> to vector<16xf32>
      %mul3A_716 = vector.broadcast %squeeze3A_697 : f32 to vector<16xf32>
      %mul3A_717 = arith.mulf %get3A_715, %mul3A_716 : vector<16xf32>
      %swap3A_718 = arith.constant 19 : i32
      %swap3A_719 = arith.index_cast %swap3A_718 : i32 to index
      %swap3A_720 = arith.constant 16 : index
      %swap3A_721 = tpu.vector_load %arg11[%swap3A_719, %swap3A_720] {strides = array<i32>} : memref<128x32xf32, #tpu.memory_space<vmem>>, vector<1x16xf32>,
      %swap3A_722 = vector.shape_cast %swap3A_721 : vector<1x16xf32> to vector<16xf32>
      %swap3A_723 = vector.shape_cast %mul3A_717 : vector<16xf32> to vector<1x16xf32>
      tpu.vector_store %arg11[%swap3A_719, %swap3A_720], %swap3A_723 {strides = array<i32>} : memref<128x32xf32, #tpu.memory_space<vmem>>, vector<1x16xf32>,
      %slice3A_724 = vector.extract_strided_slice %get3A_611 {offsets = [4], sizes = [1], strides = [1]} : vector<16xf32> to vector<1xf32>
      %squeeze3A_725 = vector.extract %slice3A_724[0] : f32 from vector<1xf32>
      %get3A_726 = arith.constant 20 : i32
      %get3A_727 = arith.index_cast %get3A_726 : i32 to index
      %get3A_728 = arith.constant 0 : index
      %get3A_729 = tpu.vector_load %arg11[%get3A_727, %get3A_728] {strides = array<i32>} : memref<128x32xf32, #tpu.memory_space<vmem>>, vector<1x16xf32>,
      %get3A_730 = vector.shape_cast %get3A_729 : vector<1x16xf32> to vector<16xf32>
      %mul3A_731 = vector.broadcast %squeeze3A_725 : f32 to vector<16xf32>
      %mul3A_732 = arith.mulf %get3A_730, %mul3A_731 : vector<16xf32>
      %swap3A_733 = arith.constant 20 : i32
      %swap3A_734 = arith.index_cast %swap3A_733 : i32 to index
      %swap3A_735 = arith.constant 0 : index
      %swap3A_736 = tpu.vector_load %arg11[%swap3A_734, %swap3A_735] {strides = array<i32>} : memref<128x32xf32, #tpu.memory_space<vmem>>, vector<1x16xf32>,
      %swap3A_737 = vector.shape_cast %swap3A_736 : vector<1x16xf32> to vector<16xf32>
      %swap3A_738 = vector.shape_cast %mul3A_732 : vector<16xf32> to vector<1x16xf32>
      tpu.vector_store %arg11[%swap3A_734, %swap3A_735], %swap3A_738 {strides = array<i32>} : memref<128x32xf32, #tpu.memory_space<vmem>>, vector<1x16xf32>,
      %get3A_739 = arith.constant 20 : i32
      %get3A_740 = arith.index_cast %get3A_739 : i32 to index
      %get3A_741 = arith.constant 16 : index
      %get3A_742 = tpu.vector_load %arg11[%get3A_740, %get3A_741] {strides = array<i32>} : memref<128x32xf32, #tpu.memory_space<vmem>>, vector<1x16xf32>,
      %get3A_743 = vector.shape_cast %get3A_742 : vector<1x16xf32> to vector<16xf32>
      %mul3A_744 = vector.broadcast %squeeze3A_725 : f32 to vector<16xf32>
      %mul3A_745 = arith.mulf %get3A_743, %mul3A_744 : vector<16xf32>
      %swap3A_746 = arith.constant 20 : i32
      %swap3A_747 = arith.index_cast %swap3A_746 : i32 to index
      %swap3A_748 = arith.constant 16 : index
      %swap3A_749 = tpu.vector_load %arg11[%swap3A_747, %swap3A_748] {strides = array<i32>} : memref<128x32xf32, #tpu.memory_space<vmem>>, vector<1x16xf32>,
      %swap3A_750 = vector.shape_cast %swap3A_749 : vector<1x16xf32> to vector<16xf32>
      %swap3A_751 = vector.shape_cast %mul3A_745 : vector<16xf32> to vector<1x16xf32>
      tpu.vector_store %arg11[%swap3A_747, %swap3A_748], %swap3A_751 {strides = array<i32>} : memref<128x32xf32, #tpu.memory_space<vmem>>, vector<1x16xf32>,
      %slice3A_752 = vector.extract_strided_slice %get3A_611 {offsets = [5], sizes = [1], strides = [1]} : vector<16xf32> to vector<1xf32>
      %squeeze3A_753 = vector.extract %slice3A_752[0] : f32 from vector<1xf32>
      %get3A_754 = arith.constant 21 : i32
      %get3A_755 = arith.index_cast %get3A_754 : i32 to index
      %get3A_756 = arith.constant 0 : index
      %get3A_757 = tpu.vector_load %arg11[%get3A_755, %get3A_756] {strides = array<i32>} : memref<128x32xf32, #tpu.memory_space<vmem>>, vector<1x16xf32>,
      %get3A_758 = vector.shape_cast %get3A_757 : vector<1x16xf32> to vector<16xf32>
      %mul3A_759 = vector.broadcast %squeeze3A_753 : f32 to vector<16xf32>
      %mul3A_760 = arith.mulf %get3A_758, %mul3A_759 : vector<16xf32>
      %swap3A_761 = arith.constant 21 : i32
      %swap3A_762 = arith.index_cast %swap3A_761 : i32 to index
      %swap3A_763 = arith.constant 0 : index
      %swap3A_764 = tpu.vector_load %arg11[%swap3A_762, %swap3A_763] {strides = array<i32>} : memref<128x32xf32, #tpu.memory_space<vmem>>, vector<1x16xf32>,
      %swap3A_765 = vector.shape_cast %swap3A_764 : vector<1x16xf32> to vector<16xf32>
      %swap3A_766 = vector.shape_cast %mul3A_760 : vector<16xf32> to vector<1x16xf32>
      tpu.vector_store %arg11[%swap3A_762, %swap3A_763], %swap3A_766 {strides = array<i32>} : memref<128x32xf32, #tpu.memory_space<vmem>>, vector<1x16xf32>,
      %get3A_767 = arith.constant 21 : i32
      %get3A_768 = arith.index_cast %get3A_767 : i32 to index
      %get3A_769 = arith.constant 16 : index
      %get3A_770 = tpu.vector_load %arg11[%get3A_768, %get3A_769] {strides = array<i32>} : memref<128x32xf32, #tpu.memory_space<vmem>>, vector<1x16xf32>,
      %get3A_771 = vector.shape_cast %get3A_770 : vector<1x16xf32> to vector<16xf32>
      %mul3A_772 = vector.broadcast %squeeze3A_753 : f32 to vector<16xf32>
      %mul3A_773 = arith.mulf %get3A_771, %mul3A_772 : vector<16xf32>
      %swap3A_774 = arith.constant 21 : i32
      %swap3A_775 = arith.index_cast %swap3A_774 : i32 to index
      %swap3A_776 = arith.constant 16 : index
      %swap3A_777 = tpu.vector_load %arg11[%swap3A_775, %swap3A_776] {strides = array<i32>} : memref<128x32xf32, #tpu.memory_space<vmem>>, vector<1x16xf32>,
      %swap3A_778 = vector.shape_cast %swap3A_777 : vector<1x16xf32> to vector<16xf32>
      %swap3A_779 = vector.shape_cast %mul3A_773 : vector<16xf32> to vector<1x16xf32>
      tpu.vector_store %arg11[%swap3A_775, %swap3A_776], %swap3A_779 {strides = array<i32>} : memref<128x32xf32, #tpu.memory_space<vmem>>, vector<1x16xf32>,
      %slice3A_780 = vector.extract_strided_slice %get3A_611 {offsets = [6], sizes = [1], strides = [1]} : vector<16xf32> to vector<1xf32>
      %squeeze3A_781 = vector.extract %slice3A_780[0] : f32 from vector<1xf32>
      %get3A_782 = arith.constant 22 : i32
      %get3A_783 = arith.index_cast %get3A_782 : i32 to index
      %get3A_784 = arith.constant 0 : index
      %get3A_785 = tpu.vector_load %arg11[%get3A_783, %get3A_784] {strides = array<i32>} : memref<128x32xf32, #tpu.memory_space<vmem>>, vector<1x16xf32>,
      %get3A_786 = vector.shape_cast %get3A_785 : vector<1x16xf32> to vector<16xf32>
      %mul3A_787 = vector.broadcast %squeeze3A_781 : f32 to vector<16xf32>
      %mul3A_788 = arith.mulf %get3A_786, %mul3A_787 : vector<16xf32>
      %swap3A_789 = arith.constant 22 : i32
      %swap3A_790 = arith.index_cast %swap3A_789 : i32 to index
      %swap3A_791 = arith.constant 0 : index
      %swap3A_792 = tpu.vector_load %arg11[%swap3A_790, %swap3A_791] {strides = array<i32>} : memref<128x32xf32, #tpu.memory_space<vmem>>, vector<1x16xf32>,
      %swap3A_793 = vector.shape_cast %swap3A_792 : vector<1x16xf32> to vector<16xf32>
      %swap3A_794 = vector.shape_cast %mul3A_788 : vector<16xf32> to vector<1x16xf32>
      tpu.vector_store %arg11[%swap3A_790, %swap3A_791], %swap3A_794 {strides = array<i32>} : memref<128x32xf32, #tpu.memory_space<vmem>>, vector<1x16xf32>,
      %get3A_795 = arith.constant 22 : i32
      %get3A_796 = arith.index_cast %get3A_795 : i32 to index
      %get3A_797 = arith.constant 16 : index
      %get3A_798 = tpu.vector_load %arg11[%get3A_796, %get3A_797] {strides = array<i32>} : memref<128x32xf32, #tpu.memory_space<vmem>>, vector<1x16xf32>,
      %get3A_799 = vector.shape_cast %get3A_798 : vector<1x16xf32> to vector<16xf32>
      %mul3A_800 = vector.broadcast %squeeze3A_781 : f32 to vector<16xf32>
      %mul3A_801 = arith.mulf %get3A_799, %mul3A_800 : vector<16xf32>
      %swap3A_802 = arith.constant 22 : i32
      %swap3A_803 = arith.index_cast %swap3A_802 : i32 to index
      %swap3A_804 = arith.constant 16 : index
      %swap3A_805 = tpu.vector_load %arg11[%swap3A_803, %swap3A_804] {strides = array<i32>} : memref<128x32xf32, #tpu.memory_space<vmem>>, vector<1x16xf32>,
      %swap3A_806 = vector.shape_cast %swap3A_805 : vector<1x16xf32> to vector<16xf32>
      %swap3A_807 = vector.shape_cast %mul3A_801 : vector<16xf32> to vector<1x16xf32>
      tpu.vector_store %arg11[%swap3A_803, %swap3A_804], %swap3A_807 {strides = array<i32>} : memref<128x32xf32, #tpu.memory_space<vmem>>, vector<1x16xf32>,
      %slice3A_808 = vector.extract_strided_slice %get3A_611 {offsets = [7], sizes = [1], strides = [1]} : vector<16xf32> to vector<1xf32>
      %squeeze3A_809 = vector.extract %slice3A_808[0] : f32 from vector<1xf32>
      %get3A_810 = arith.constant 23 : i32
      %get3A_811 = arith.index_cast %get3A_810 : i32 to index
      %get3A_812 = arith.constant 0 : index
      %get3A_813 = tpu.vector_load %arg11[%get3A_811, %get3A_812] {strides = array<i32>} : memref<128x32xf32, #tpu.memory_space<vmem>>, vector<1x16xf32>,
      %get3A_814 = vector.shape_cast %get3A_813 : vector<1x16xf32> to vector<16xf32>
      %mul3A_815 = vector.broadcast %squeeze3A_809 : f32 to vector<16xf32>
      %mul3A_816 = arith.mulf %get3A_814, %mul3A_815 : vector<16xf32>
      %swap3A_817 = arith.constant 23 : i32
      %swap3A_818 = arith.index_cast %swap3A_817 : i32 to index
      %swap3A_819 = arith.constant 0 : index
      %swap3A_820 = tpu.vector_load %arg11[%swap3A_818, %swap3A_819] {strides = array<i32>} : memref<128x32xf32, #tpu.memory_space<vmem>>, vector<1x16xf32>,
      %swap3A_821 = vector.shape_cast %swap3A_820 : vector<1x16xf32> to vector<16xf32>
      %swap3A_822 = vector.shape_cast %mul3A_816 : vector<16xf32> to vector<1x16xf32>
      tpu.vector_store %arg11[%swap3A_818, %swap3A_819], %swap3A_822 {strides = array<i32>} : memref<128x32xf32, #tpu.memory_space<vmem>>, vector<1x16xf32>,
      %get3A_823 = arith.constant 23 : i32
      %get3A_824 = arith.index_cast %get3A_823 : i32 to index
      %get3A_825 = arith.constant 16 : index
      %get3A_826 = tpu.vector_load %arg11[%get3A_824, %get3A_825] {strides = array<i32>} : memref<128x32xf32, #tpu.memory_space<vmem>>, vector<1x16xf32>,
      %get3A_827 = vector.shape_cast %get3A_826 : vector<1x16xf32> to vector<16xf32>
      %mul3A_828 = vector.broadcast %squeeze3A_809 : f32 to vector<16xf32>
      %mul3A_829 = arith.mulf %get3A_827, %mul3A_828 : vector<16xf32>
      %swap3A_830 = arith.constant 23 : i32
      %swap3A_831 = arith.index_cast %swap3A_830 : i32 to index
      %swap3A_832 = arith.constant 16 : index
      %swap3A_833 = tpu.vector_load %arg11[%swap3A_831, %swap3A_832] {strides = array<i32>} : memref<128x32xf32, #tpu.memory_space<vmem>>, vector<1x16xf32>,
      %swap3A_834 = vector.shape_cast %swap3A_833 : vector<1x16xf32> to vector<16xf32>
      %swap3A_835 = vector.shape_cast %mul3A_829 : vector<16xf32> to vector<1x16xf32>
      tpu.vector_store %arg11[%swap3A_831, %swap3A_832], %swap3A_835 {strides = array<i32>} : memref<128x32xf32, #tpu.memory_space<vmem>>, vector<1x16xf32>,
      %slice3A_836 = vector.extract_strided_slice %get3A_611 {offsets = [8], sizes = [1], strides = [1]} : vector<16xf32> to vector<1xf32>
      %squeeze3A_837 = vector.extract %slice3A_836[0] : f32 from vector<1xf32>
      %get3A_838 = arith.constant 24 : i32
      %get3A_839 = arith.index_cast %get3A_838 : i32 to index
      %get3A_840 = arith.constant 0 : index
      %get3A_841 = tpu.vector_load %arg11[%get3A_839, %get3A_840] {strides = array<i32>} : memref<128x32xf32, #tpu.memory_space<vmem>>, vector<1x16xf32>,
      %get3A_842 = vector.shape_cast %get3A_841 : vector<1x16xf32> to vector<16xf32>
      %mul3A_843 = vector.broadcast %squeeze3A_837 : f32 to vector<16xf32>
      %mul3A_844 = arith.mulf %get3A_842, %mul3A_843 : vector<16xf32>
      %swap3A_845 = arith.constant 24 : i32
      %swap3A_846 = arith.index_cast %swap3A_845 : i32 to index
      %swap3A_847 = arith.constant 0 : index
      %swap3A_848 = tpu.vector_load %arg11[%swap3A_846, %swap3A_847] {strides = array<i32>} : memref<128x32xf32, #tpu.memory_space<vmem>>, vector<1x16xf32>,
      %swap3A_849 = vector.shape_cast %swap3A_848 : vector<1x16xf32> to vector<16xf32>
      %swap3A_850 = vector.shape_cast %mul3A_844 : vector<16xf32> to vector<1x16xf32>
      tpu.vector_store %arg11[%swap3A_846, %swap3A_847], %swap3A_850 {strides = array<i32>} : memref<128x32xf32, #tpu.memory_space<vmem>>, vector<1x16xf32>,
      %get3A_851 = arith.constant 24 : i32
      %get3A_852 = arith.index_cast %get3A_851 : i32 to index
      %get3A_853 = arith.constant 16 : index
      %get3A_854 = tpu.vector_load %arg11[%get3A_852, %get3A_853] {strides = array<i32>} : memref<128x32xf32, #tpu.memory_space<vmem>>, vector<1x16xf32>,
      %get3A_855 = vector.shape_cast %get3A_854 : vector<1x16xf32> to vector<16xf32>
      %mul3A_856 = vector.broadcast %squeeze3A_837 : f32 to vector<16xf32>
      %mul3A_857 = arith.mulf %get3A_855, %mul3A_856 : vector<16xf32>
      %swap3A_858 = arith.constant 24 : i32
      %swap3A_859 = arith.index_cast %swap3A_858 : i32 to index
      %swap3A_860 = arith.constant 16 : index
      %swap3A_861 = tpu.vector_load %arg11[%swap3A_859, %swap3A_860] {strides = array<i32>} : memref<128x32xf32, #tpu.memory_space<vmem>>, vector<1x16xf32>,
      %swap3A_862 = vector.shape_cast %swap3A_861 : vector<1x16xf32> to vector<16xf32>
      %swap3A_863 = vector.shape_cast %mul3A_857 : vector<16xf32> to vector<1x16xf32>
      tpu.vector_store %arg11[%swap3A_859, %swap3A_860], %swap3A_863 {strides = array<i32>} : memref<128x32xf32, #tpu.memory_space<vmem>>, vector<1x16xf32>,
      %slice3A_864 = vector.extract_strided_slice %get3A_611 {offsets = [9], sizes = [1], strides = [1]} : vector<16xf32> to vector<1xf32>
      %squeeze3A_865 = vector.extract %slice3A_864[0] : f32 from vector<1xf32>
      %get3A_866 = arith.constant 25 : i32
      %get3A_867 = arith.index_cast %get3A_866 : i32 to index
      %get3A_868 = arith.constant 0 : index
      %get3A_869 = tpu.vector_load %arg11[%get3A_867, %get3A_868] {strides = array<i32>} : memref<128x32xf32, #tpu.memory_space<vmem>>, vector<1x16xf32>,
      %get3A_870 = vector.shape_cast %get3A_869 : vector<1x16xf32> to vector<16xf32>
      %mul3A_871 = vector.broadcast %squeeze3A_865 : f32 to vector<16xf32>
      %mul3A_872 = arith.mulf %get3A_870, %mul3A_871 : vector<16xf32>
      %swap3A_873 = arith.constant 25 : i32
      %swap3A_874 = arith.index_cast %swap3A_873 : i32 to index
      %swap3A_875 = arith.constant 0 : index
      %swap3A_876 = tpu.vector_load %arg11[%swap3A_874, %swap3A_875] {strides = array<i32>} : memref<128x32xf32, #tpu.memory_space<vmem>>, vector<1x16xf32>,
      %swap3A_877 = vector.shape_cast %swap3A_876 : vector<1x16xf32> to vector<16xf32>
      %swap3A_878 = vector.shape_cast %mul3A_872 : vector<16xf32> to vector<1x16xf32>
      tpu.vector_store %arg11[%swap3A_874, %swap3A_875], %swap3A_878 {strides = array<i32>} : memref<128x32xf32, #tpu.memory_space<vmem>>, vector<1x16xf32>,
      %get3A_879 = arith.constant 25 : i32
      %get3A_880 = arith.index_cast %get3A_879 : i32 to index
      %get3A_881 = arith.constant 16 : index
      %get3A_882 = tpu.vector_load %arg11[%get3A_880, %get3A_881] {strides = array<i32>} : memref<128x32xf32, #tpu.memory_space<vmem>>, vector<1x16xf32>,
      %get3A_883 = vector.shape_cast %get3A_882 : vector<1x16xf32> to vector<16xf32>
      %mul3A_884 = vector.broadcast %squeeze3A_865 : f32 to vector<16xf32>
      %mul3A_885 = arith.mulf %get3A_883, %mul3A_884 : vector<16xf32>
      %swap3A_886 = arith.constant 25 : i32
      %swap3A_887 = arith.index_cast %swap3A_886 : i32 to index
      %swap3A_888 = arith.constant 16 : index
      %swap3A_889 = tpu.vector_load %arg11[%swap3A_887, %swap3A_888] {strides = array<i32>} : memref<128x32xf32, #tpu.memory_space<vmem>>, vector<1x16xf32>,
      %swap3A_890 = vector.shape_cast %swap3A_889 : vector<1x16xf32> to vector<16xf32>
      %swap3A_891 = vector.shape_cast %mul3A_885 : vector<16xf32> to vector<1x16xf32>
      tpu.vector_store %arg11[%swap3A_887, %swap3A_888], %swap3A_891 {strides = array<i32>} : memref<128x32xf32, #tpu.memory_space<vmem>>, vector<1x16xf32>,
      %slice3A_892 = vector.extract_strided_slice %get3A_611 {offsets = [10], sizes = [1], strides = [1]} : vector<16xf32> to vector<1xf32>
      %squeeze3A_893 = vector.extract %slice3A_892[0] : f32 from vector<1xf32>
      %get3A_894 = arith.constant 26 : i32
      %get3A_895 = arith.index_cast %get3A_894 : i32 to index
      %get3A_896 = arith.constant 0 : index
      %get3A_897 = tpu.vector_load %arg11[%get3A_895, %get3A_896] {strides = array<i32>} : memref<128x32xf32, #tpu.memory_space<vmem>>, vector<1x16xf32>,
      %get3A_898 = vector.shape_cast %get3A_897 : vector<1x16xf32> to vector<16xf32>
      %mul3A_899 = vector.broadcast %squeeze3A_893 : f32 to vector<16xf32>
      %mul3A_900 = arith.mulf %get3A_898, %mul3A_899 : vector<16xf32>
      %swap3A_901 = arith.constant 26 : i32
      %swap3A_902 = arith.index_cast %swap3A_901 : i32 to index
      %swap3A_903 = arith.constant 0 : index
      %swap3A_904 = tpu.vector_load %arg11[%swap3A_902, %swap3A_903] {strides = array<i32>} : memref<128x32xf32, #tpu.memory_space<vmem>>, vector<1x16xf32>,
      %swap3A_905 = vector.shape_cast %swap3A_904 : vector<1x16xf32> to vector<16xf32>
      %swap3A_906 = vector.shape_cast %mul3A_900 : vector<16xf32> to vector<1x16xf32>
      tpu.vector_store %arg11[%swap3A_902, %swap3A_903], %swap3A_906 {strides = array<i32>} : memref<128x32xf32, #tpu.memory_space<vmem>>, vector<1x16xf32>,
      %get3A_907 = arith.constant 26 : i32
      %get3A_908 = arith.index_cast %get3A_907 : i32 to index
      %get3A_909 = arith.constant 16 : index
      %get3A_910 = tpu.vector_load %arg11[%get3A_908, %get3A_909] {strides = array<i32>} : memref<128x32xf32, #tpu.memory_space<vmem>>, vector<1x16xf32>,
      %get3A_911 = vector.shape_cast %get3A_910 : vector<1x16xf32> to vector<16xf32>
      %mul3A_912 = vector.broadcast %squeeze3A_893 : f32 to vector<16xf32>
      %mul3A_913 = arith.mulf %get3A_911, %mul3A_912 : vector<16xf32>
      %swap3A_914 = arith.constant 26 : i32
      %swap3A_915 = arith.index_cast %swap3A_914 : i32 to index
      %swap3A_916 = arith.constant 16 : index
      %swap3A_917 = tpu.vector_load %arg11[%swap3A_915, %swap3A_916] {strides = array<i32>} : memref<128x32xf32, #tpu.memory_space<vmem>>, vector<1x16xf32>,
      %swap3A_918 = vector.shape_cast %swap3A_917 : vector<1x16xf32> to vector<16xf32>
      %swap3A_919 = vector.shape_cast %mul3A_913 : vector<16xf32> to vector<1x16xf32>
      tpu.vector_store %arg11[%swap3A_915, %swap3A_916], %swap3A_919 {strides = array<i32>} : memref<128x32xf32, #tpu.memory_space<vmem>>, vector<1x16xf32>,
      %slice3A_920 = vector.extract_strided_slice %get3A_611 {offsets = [11], sizes = [1], strides = [1]} : vector<16xf32> to vector<1xf32>
      %squeeze3A_921 = vector.extract %slice3A_920[0] : f32 from vector<1xf32>
      %get3A_922 = arith.constant 27 : i32
      %get3A_923 = arith.index_cast %get3A_922 : i32 to index
      %get3A_924 = arith.constant 0 : index
      %get3A_925 = tpu.vector_load %arg11[%get3A_923, %get3A_924] {strides = array<i32>} : memref<128x32xf32, #tpu.memory_space<vmem>>, vector<1x16xf32>,
      %get3A_926 = vector.shape_cast %get3A_925 : vector<1x16xf32> to vector<16xf32>
      %mul3A_927 = vector.broadcast %squeeze3A_921 : f32 to vector<16xf32>
      %mul3A_928 = arith.mulf %get3A_926, %mul3A_927 : vector<16xf32>
      %swap3A_929 = arith.constant 27 : i32
      %swap3A_930 = arith.index_cast %swap3A_929 : i32 to index
      %swap3A_931 = arith.constant 0 : index
      %swap3A_932 = tpu.vector_load %arg11[%swap3A_930, %swap3A_931] {strides = array<i32>} : memref<128x32xf32, #tpu.memory_space<vmem>>, vector<1x16xf32>,
      %swap3A_933 = vector.shape_cast %swap3A_932 : vector<1x16xf32> to vector<16xf32>
      %swap3A_934 = vector.shape_cast %mul3A_928 : vector<16xf32> to vector<1x16xf32>
      tpu.vector_store %arg11[%swap3A_930, %swap3A_931], %swap3A_934 {strides = array<i32>} : memref<128x32xf32, #tpu.memory_space<vmem>>, vector<1x16xf32>,
      %get3A_935 = arith.constant 27 : i32
      %get3A_936 = arith.index_cast %get3A_935 : i32 to index
      %get3A_937 = arith.constant 16 : index
      %get3A_938 = tpu.vector_load %arg11[%get3A_936, %get3A_937] {strides = array<i32>} : memref<128x32xf32, #tpu.memory_space<vmem>>, vector<1x16xf32>,
      %get3A_939 = vector.shape_cast %get3A_938 : vector<1x16xf32> to vector<16xf32>
      %mul3A_940 = vector.broadcast %squeeze3A_921 : f32 to vector<16xf32>
      %mul3A_941 = arith.mulf %get3A_939, %mul3A_940 : vector<16xf32>
      %swap3A_942 = arith.constant 27 : i32
      %swap3A_943 = arith.index_cast %swap3A_942 : i32 to index
      %swap3A_944 = arith.constant 16 : index
      %swap3A_945 = tpu.vector_load %arg11[%swap3A_943, %swap3A_944] {strides = array<i32>} : memref<128x32xf32, #tpu.memory_space<vmem>>, vector<1x16xf32>,
      %swap3A_946 = vector.shape_cast %swap3A_945 : vector<1x16xf32> to vector<16xf32>
      %swap3A_947 = vector.shape_cast %mul3A_941 : vector<16xf32> to vector<1x16xf32>
      tpu.vector_store %arg11[%swap3A_943, %swap3A_944], %swap3A_947 {strides = array<i32>} : memref<128x32xf32, #tpu.memory_space<vmem>>, vector<1x16xf32>,
      %slice3A_948 = vector.extract_strided_slice %get3A_611 {offsets = [12], sizes = [1], strides = [1]} : vector<16xf32> to vector<1xf32>
      %squeeze3A_949 = vector.extract %slice3A_948[0] : f32 from vector<1xf32>
      %get3A_950 = arith.constant 28 : i32
      %get3A_951 = arith.index_cast %get3A_950 : i32 to index
      %get3A_952 = arith.constant 0 : index
      %get3A_953 = tpu.vector_load %arg11[%get3A_951, %get3A_952] {strides = array<i32>} : memref<128x32xf32, #tpu.memory_space<vmem>>, vector<1x16xf32>,
      %get3A_954 = vector.shape_cast %get3A_953 : vector<1x16xf32> to vector<16xf32>
      %mul3A_955 = vector.broadcast %squeeze3A_949 : f32 to vector<16xf32>
      %mul3A_956 = arith.mulf %get3A_954, %mul3A_955 : vector<16xf32>
      %swap3A_957 = arith.constant 28 : i32
      %swap3A_958 = arith.index_cast %swap3A_957 : i32 to index
      %swap3A_959 = arith.constant 0 : index
      %swap3A_960 = tpu.vector_load %arg11[%swap3A_958, %swap3A_959] {strides = array<i32>} : memref<128x32xf32, #tpu.memory_space<vmem>>, vector<1x16xf32>,
      %swap3A_961 = vector.shape_cast %swap3A_960 : vector<1x16xf32> to vector<16xf32>
      %swap3A_962 = vector.shape_cast %mul3A_956 : vector<16xf32> to vector<1x16xf32>
      tpu.vector_store %arg11[%swap3A_958, %swap3A_959], %swap3A_962 {strides = array<i32>} : memref<128x32xf32, #tpu.memory_space<vmem>>, vector<1x16xf32>,
      %get3A_963 = arith.constant 28 : i32
      %get3A_964 = arith.index_cast %get3A_963 : i32 to index
      %get3A_965 = arith.constant 16 : index
      %get3A_966 = tpu.vector_load %arg11[%get3A_964, %get3A_965] {strides = array<i32>} : memref<128x32xf32, #tpu.memory_space<vmem>>, vector<1x16xf32>,
      %get3A_967 = vector.shape_cast %get3A_966 : vector<1x16xf32> to vector<16xf32>
      %mul3A_968 = vector.broadcast %squeeze3A_949 : f32 to vector<16xf32>
      %mul3A_969 = arith.mulf %get3A_967, %mul3A_968 : vector<16xf32>
      %swap3A_970 = arith.constant 28 : i32
      %swap3A_971 = arith.index_cast %swap3A_970 : i32 to index
      %swap3A_972 = arith.constant 16 : index
      %swap3A_973 = tpu.vector_load %arg11[%swap3A_971, %swap3A_972] {strides = array<i32>} : memref<128x32xf32, #tpu.memory_space<vmem>>, vector<1x16xf32>,
      %swap3A_974 = vector.shape_cast %swap3A_973 : vector<1x16xf32> to vector<16xf32>
      %swap3A_975 = vector.shape_cast %mul3A_969 : vector<16xf32> to vector<1x16xf32>
      tpu.vector_store %arg11[%swap3A_971, %swap3A_972], %swap3A_975 {strides = array<i32>} : memref<128x32xf32, #tpu.memory_space<vmem>>, vector<1x16xf32>,
      %slice3A_976 = vector.extract_strided_slice %get3A_611 {offsets = [13], sizes = [1], strides = [1]} : vector<16xf32> to vector<1xf32>
      %squeeze3A_977 = vector.extract %slice3A_976[0] : f32 from vector<1xf32>
      %get3A_978 = arith.constant 29 : i32
      %get3A_979 = arith.index_cast %get3A_978 : i32 to index
      %get3A_980 = arith.constant 0 : index
      %get3A_981 = tpu.vector_load %arg11[%get3A_979, %get3A_980] {strides = array<i32>} : memref<128x32xf32, #tpu.memory_space<vmem>>, vector<1x16xf32>,
      %get3A_982 = vector.shape_cast %get3A_981 : vector<1x16xf32> to vector<16xf32>
      %mul3A_983 = vector.broadcast %squeeze3A_977 : f32 to vector<16xf32>
      %mul3A_984 = arith.mulf %get3A_982, %mul3A_983 : vector<16xf32>
      %swap3A_985 = arith.constant 29 : i32
      %swap3A_986 = arith.index_cast %swap3A_985 : i32 to index
      %swap3A_987 = arith.constant 0 : index
      %swap3A_988 = tpu.vector_load %arg11[%swap3A_986, %swap3A_987] {strides = array<i32>} : memref<128x32xf32, #tpu.memory_space<vmem>>, vector<1x16xf32>,
      %swap3A_989 = vector.shape_cast %swap3A_988 : vector<1x16xf32> to vector<16xf32>
      %swap3A_990 = vector.shape_cast %mul3A_984 : vector<16xf32> to vector<1x16xf32>
      tpu.vector_store %arg11[%swap3A_986, %swap3A_987], %swap3A_990 {strides = array<i32>} : memref<128x32xf32, #tpu.memory_space<vmem>>, vector<1x16xf32>,
      %get3A_991 = arith.constant 29 : i32
      %get3A_992 = arith.index_cast %get3A_991 : i32 to index
      %get3A_993 = arith.constant 16 : index
      %get3A_994 = tpu.vector_load %arg11[%get3A_992, %get3A_993] {strides = array<i32>} : memref<128x32xf32, #tpu.memory_space<vmem>>, vector<1x16xf32>,
      %get3A_995 = vector.shape_cast %get3A_994 : vector<1x16xf32> to vector<16xf32>
      %mul3A_996 = vector.broadcast %squeeze3A_977 : f32 to vector<16xf32>
      %mul3A_997 = arith.mulf %get3A_995, %mul3A_996 : vector<16xf32>
      %swap3A_998 = arith.constant 29 : i32
      %swap3A_999 = arith.index_cast %swap3A_998 : i32 to index
      %swap3A_1000 = arith.constant 16 : index
      %swap3A_1001 = tpu.vector_load %arg11[%swap3A_999, %swap3A_1000] {strides = array<i32>} : memref<128x32xf32, #tpu.memory_space<vmem>>, vector<1x16xf32>,
      %swap3A_1002 = vector.shape_cast %swap3A_1001 : vector<1x16xf32> to vector<16xf32>
      %swap3A_1003 = vector.shape_cast %mul3A_997 : vector<16xf32> to vector<1x16xf32>
      tpu.vector_store %arg11[%swap3A_999, %swap3A_1000], %swap3A_1003 {strides = array<i32>} : memref<128x32xf32, #tpu.memory_space<vmem>>, vector<1x16xf32>,
      %slice3A_1004 = vector.extract_strided_slice %get3A_611 {offsets = [14], sizes = [1], strides = [1]} : vector<16xf32> to vector<1xf32>
      %squeeze3A_1005 = vector.extract %slice3A_1004[0] : f32 from vector<1xf32>
      %get3A_1006 = arith.constant 30 : i32
      %get3A_1007 = arith.index_cast %get3A_1006 : i32 to index
      %get3A_1008 = arith.constant 0 : index
      %get3A_1009 = tpu.vector_load %arg11[%get3A_1007, %get3A_1008] {strides = array<i32>} : memref<128x32xf32, #tpu.memory_space<vmem>>, vector<1x16xf32>,
      %get3A_1010 = vector.shape_cast %get3A_1009 : vector<1x16xf32> to vector<16xf32>
      %mul3A_1011 = vector.broadcast %squeeze3A_1005 : f32 to vector<16xf32>
      %mul3A_1012 = arith.mulf %get3A_1010, %mul3A_1011 : vector<16xf32>
      %swap3A_1013 = arith.constant 30 : i32
      %swap3A_1014 = arith.index_cast %swap3A_1013 : i32 to index
      %swap3A_1015 = arith.constant 0 : index
      %swap3A_1016 = tpu.vector_load %arg11[%swap3A_1014, %swap3A_1015] {strides = array<i32>} : memref<128x32xf32, #tpu.memory_space<vmem>>, vector<1x16xf32>,
      %swap3A_1017 = vector.shape_cast %swap3A_1016 : vector<1x16xf32> to vector<16xf32>
      %swap3A_1018 = vector.shape_cast %mul3A_1012 : vector<16xf32> to vector<1x16xf32>
      tpu.vector_store %arg11[%swap3A_1014, %swap3A_1015], %swap3A_1018 {strides = array<i32>} : memref<128x32xf32, #tpu.memory_space<vmem>>, vector<1x16xf32>,
      %get3A_1019 = arith.constant 30 : i32
      %get3A_1020 = arith.index_cast %get3A_1019 : i32 to index
      %get3A_1021 = arith.constant 16 : index
      %get3A_1022 = tpu.vector_load %arg11[%get3A_1020, %get3A_1021] {strides = array<i32>} : memref<128x32xf32, #tpu.memory_space<vmem>>, vector<1x16xf32>,
      %get3A_1023 = vector.shape_cast %get3A_1022 : vector<1x16xf32> to vector<16xf32>
      %mul3A_1024 = vector.broadcast %squeeze3A_1005 : f32 to vector<16xf32>
      %mul3A_1025 = arith.mulf %get3A_1023, %mul3A_1024 : vector<16xf32>
      %swap3A_1026 = arith.constant 30 : i32
      %swap3A_1027 = arith.index_cast %swap3A_1026 : i32 to index
      %swap3A_1028 = arith.constant 16 : index
      %swap3A_1029 = tpu.vector_load %arg11[%swap3A_1027, %swap3A_1028] {strides = array<i32>} : memref<128x32xf32, #tpu.memory_space<vmem>>, vector<1x16xf32>,
      %swap3A_1030 = vector.shape_cast %swap3A_1029 : vector<1x16xf32> to vector<16xf32>
      %swap3A_1031 = vector.shape_cast %mul3A_1025 : vector<16xf32> to vector<1x16xf32>
      tpu.vector_store %arg11[%swap3A_1027, %swap3A_1028], %swap3A_1031 {strides = array<i32>} : memref<128x32xf32, #tpu.memory_space<vmem>>, vector<1x16xf32>,
      %slice3A_1032 = vector.extract_strided_slice %get3A_611 {offsets = [15], sizes = [1], strides = [1]} : vector<16xf32> to vector<1xf32>
      %squeeze3A_1033 = vector.extract %slice3A_1032[0] : f32 from vector<1xf32>
      %get3A_1034 = arith.constant 31 : i32
      %get3A_1035 = arith.index_cast %get3A_1034 : i32 to index
      %get3A_1036 = arith.constant 0 : index
      %get3A_1037 = tpu.vector_load %arg11[%get3A_1035, %get3A_1036] {strides = array<i32>} : memref<128x32xf32, #tpu.memory_space<vmem>>, vector<1x16xf32>,
      %get3A_1038 = vector.shape_cast %get3A_1037 : vector<1x16xf32> to vector<16xf32>
      %mul3A_1039 = vector.broadcast %squeeze3A_1033 : f32 to vector<16xf32>
      %mul3A_1040 = arith.mulf %get3A_1038, %mul3A_1039 : vector<16xf32>
      %swap3A_1041 = arith.constant 31 : i32
      %swap3A_1042 = arith.index_cast %swap3A_1041 : i32 to index
      %swap3A_1043 = arith.constant 0 : index
      %swap3A_1044 = tpu.vector_load %arg11[%swap3A_1042, %swap3A_1043] {strides = array<i32>} : memref<128x32xf32, #tpu.memory_space<vmem>>, vector<1x16xf32>,
      %swap3A_1045 = vector.shape_cast %swap3A_1044 : vector<1x16xf32> to vector<16xf32>
      %swap3A_1046 = vector.shape_cast %mul3A_1040 : vector<16xf32> to vector<1x16xf32>
      tpu.vector_store %arg11[%swap3A_1042, %swap3A_1043], %swap3A_1046 {strides = array<i32>} : memref<128x32xf32, #tpu.memory_space<vmem>>, vector<1x16xf32>,
      %get3A_1047 = arith.constant 31 : i32
      %get3A_1048 = arith.index_cast %get3A_1047 : i32 to index
      %get3A_1049 = arith.constant 16 : index
      %get3A_1050 = tpu.vector_load %arg11[%get3A_1048, %get3A_1049] {strides = array<i32>} : memref<128x32xf32, #tpu.memory_space<vmem>>, vector<1x16xf32>,
      %get3A_1051 = vector.shape_cast %get3A_1050 : vector<1x16xf32> to vector<16xf32>
      %mul3A_1052 = vector.broadcast %squeeze3A_1033 : f32 to vector<16xf32>
      %mul3A_1053 = arith.mulf %get3A_1051, %mul3A_1052 : vector<16xf32>
      %swap3A_1054 = arith.constant 31 : i32
      %swap3A_1055 = arith.index_cast %swap3A_1054 : i32 to index
      %swap3A_1056 = arith.constant 16 : index
      %swap3A_1057 = tpu.vector_load %arg11[%swap3A_1055, %swap3A_1056] {strides = array<i32>} : memref<128x32xf32, #tpu.memory_space<vmem>>, vector<1x16xf32>,
      %swap3A_1058 = vector.shape_cast %swap3A_1057 : vector<1x16xf32> to vector<16xf32>
      %swap3A_1059 = vector.shape_cast %mul3A_1053 : vector<16xf32> to vector<1x16xf32>
      tpu.vector_store %arg11[%swap3A_1055, %swap3A_1056], %swap3A_1059 {strides = array<i32>} : memref<128x32xf32, #tpu.memory_space<vmem>>, vector<1x16xf32>,
      %get3A_1060 = arith.constant 32 : index
      %get3A_1061 = tpu.vector_load %arg10[%get3A_1060] {strides = array<i32>} : memref<128xf32, #tpu.memory_space<vmem>>, vector<16xf32>,
      %get3A_1062 = vector.shape_cast %get3A_1061 : vector<16xf32> to vector<16xf32>
      %slice3A_1063 = vector.extract_strided_slice %get3A_1062 {offsets = [0], sizes = [1], strides = [1]} : vector<16xf32> to vector<1xf32>
      %squeeze3A_1064 = vector.extract %slice3A_1063[0] : f32 from vector<1xf32>
      %get3A_1065 = arith.constant 32 : i32
      %get3A_1066 = arith.index_cast %get3A_1065 : i32 to index
      %get3A_1067 = arith.constant 0 : index
      %get3A_1068 = tpu.vector_load %arg11[%get3A_1066, %get3A_1067] {strides = array<i32>} : memref<128x32xf32, #tpu.memory_space<vmem>>, vector<1x16xf32>,
      %get3A_1069 = vector.shape_cast %get3A_1068 : vector<1x16xf32> to vector<16xf32>
      %mul3A_1070 = vector.broadcast %squeeze3A_1064 : f32 to vector<16xf32>
      %mul3A_1071 = arith.mulf %get3A_1069, %mul3A_1070 : vector<16xf32>
      %swap3A_1072 = arith.constant 32 : i32
      %swap3A_1073 = arith.index_cast %swap3A_1072 : i32 to index
      %swap3A_1074 = arith.constant 0 : index
      %swap3A_1075 = tpu.vector_load %arg11[%swap3A_1073, %swap3A_1074] {strides = array<i32>} : memref<128x32xf32, #tpu.memory_space<vmem>>, vector<1x16xf32>,
      %swap3A_1076 = vector.shape_cast %swap3A_1075 : vector<1x16xf32> to vector<16xf32>
      %swap3A_1077 = vector.shape_cast %mul3A_1071 : vector<16xf32> to vector<1x16xf32>
      tpu.vector_store %arg11[%swap3A_1073, %swap3A_1074], %swap3A_1077 {strides = array<i32>} : memref<128x32xf32, #tpu.memory_space<vmem>>, vector<1x16xf32>,
      %get3A_1078 = arith.constant 32 : i32
      %get3A_1079 = arith.index_cast %get3A_1078 : i32 to index
      %get3A_1080 = arith.constant 16 : index
      %get3A_1081 = tpu.vector_load %arg11[%get3A_1079, %get3A_1080] {strides = array<i32>} : memref<128x32xf32, #tpu.memory_space<vmem>>, vector<1x16xf32>,
      %get3A_1082 = vector.shape_cast %get3A_1081 : vector<1x16xf32> to vector<16xf32>
      %mul3A_1083 = vector.broadcast %squeeze3A_1064 : f32 to vector<16xf32>
      %mul3A_1084 = arith.mulf %get3A_1082, %mul3A_1083 : vector<16xf32>
      %swap3A_1085 = arith.constant 32 : i32
      %swap3A_1086 = arith.index_cast %swap3A_1085 : i32 to index
      %swap3A_1087 = arith.constant 16 : index
      %swap3A_1088 = tpu.vector_load %arg11[%swap3A_1086, %swap3A_1087] {strides = array<i32>} : memref<128x32xf32, #tpu.memory_space<vmem>>, vector<1x16xf32>,
      %swap3A_1089 = vector.shape_cast %swap3A_1088 : vector<1x16xf32> to vector<16xf32>
      %swap3A_1090 = vector.shape_cast %mul3A_1084 : vector<16xf32> to vector<1x16xf32>
      tpu.vector_store %arg11[%swap3A_1086, %swap3A_1087], %swap3A_1090 {strides = array<i32>} : memref<128x32xf32, #tpu.memory_space<vmem>>, vector<1x16xf32>,
      %slice3A_1091 = vector.extract_strided_slice %get3A_1062 {offsets = [1], sizes = [1], strides = [1]} : vector<16xf32> to vector<1xf32>
      %squeeze3A_1092 = vector.extract %slice3A_1091[0] : f32 from vector<1xf32>
      %get3A_1093 = arith.constant 33 : i32
      %get3A_1094 = arith.index_cast %get3A_1093 : i32 to index
      %get3A_1095 = arith.constant 0 : index
      %get3A_1096 = tpu.vector_load %arg11[%get3A_1094, %get3A_1095] {strides = array<i32>} : memref<128x32xf32, #tpu.memory_space<vmem>>, vector<1x16xf32>,
      %get3A_1097 = vector.shape_cast %get3A_1096 : vector<1x16xf32> to vector<16xf32>
      %mul3A_1098 = vector.broadcast %squeeze3A_1092 : f32 to vector<16xf32>
      %mul3A_1099 = arith.mulf %get3A_1097, %mul3A_1098 : vector<16xf32>
      %swap3A_1100 = arith.constant 33 : i32
      %swap3A_1101 = arith.index_cast %swap3A_1100 : i32 to index
      %swap3A_1102 = arith.constant 0 : index
      %swap3A_1103 = tpu.vector_load %arg11[%swap3A_1101, %swap3A_1102] {strides = array<i32>} : memref<128x32xf32, #tpu.memory_space<vmem>>, vector<1x16xf32>,
      %swap3A_1104 = vector.shape_cast %swap3A_1103 : vector<1x16xf32> to vector<16xf32>
      %swap3A_1105 = vector.shape_cast %mul3A_1099 : vector<16xf32> to vector<1x16xf32>
      tpu.vector_store %arg11[%swap3A_1101, %swap3A_1102], %swap3A_1105 {strides = array<i32>} : memref<128x32xf32, #tpu.memory_space<vmem>>, vector<1x16xf32>,
      %get3A_1106 = arith.constant 33 : i32
      %get3A_1107 = arith.index_cast %get3A_1106 : i32 to index
      %get3A_1108 = arith.constant 16 : index
      %get3A_1109 = tpu.vector_load %arg11[%get3A_1107, %get3A_1108] {strides = array<i32>} : memref<128x32xf32, #tpu.memory_space<vmem>>, vector<1x16xf32>,
      %get3A_1110 = vector.shape_cast %get3A_1109 : vector<1x16xf32> to vector<16xf32>
      %mul3A_1111 = vector.broadcast %squeeze3A_1092 : f32 to vector<16xf32>
      %mul3A_1112 = arith.mulf %get3A_1110, %mul3A_1111 : vector<16xf32>
      %swap3A_1113 = arith.constant 33 : i32
      %swap3A_1114 = arith.index_cast %swap3A_1113 : i32 to index
      %swap3A_1115 = arith.constant 16 : index
      %swap3A_1116 = tpu.vector_load %arg11[%swap3A_1114, %swap3A_1115] {strides = array<i32>} : memref<128x32xf32, #tpu.memory_space<vmem>>, vector<1x16xf32>,
      %swap3A_1117 = vector.shape_cast %swap3A_1116 : vector<1x16xf32> to vector<16xf32>
      %swap3A_1118 = vector.shape_cast %mul3A_1112 : vector<16xf32> to vector<1x16xf32>
      tpu.vector_store %arg11[%swap3A_1114, %swap3A_1115], %swap3A_1118 {strides = array<i32>} : memref<128x32xf32, #tpu.memory_space<vmem>>, vector<1x16xf32>,
      %slice3A_1119 = vector.extract_strided_slice %get3A_1062 {offsets = [2], sizes = [1], strides = [1]} : vector<16xf32> to vector<1xf32>
      %squeeze3A_1120 = vector.extract %slice3A_1119[0] : f32 from vector<1xf32>
      %get3A_1121 = arith.constant 34 : i32
      %get3A_1122 = arith.index_cast %get3A_1121 : i32 to index
      %get3A_1123 = arith.constant 0 : index
      %get3A_1124 = tpu.vector_load %arg11[%get3A_1122, %get3A_1123] {strides = array<i32>} : memref<128x32xf32, #tpu.memory_space<vmem>>, vector<1x16xf32>,
      %get3A_1125 = vector.shape_cast %get3A_1124 : vector<1x16xf32> to vector<16xf32>
      %mul3A_1126 = vector.broadcast %squeeze3A_1120 : f32 to vector<16xf32>
      %mul3A_1127 = arith.mulf %get3A_1125, %mul3A_1126 : vector<16xf32>
      %swap3A_1128 = arith.constant 34 : i32
      %swap3A_1129 = arith.index_cast %swap3A_1128 : i32 to index
      %swap3A_1130 = arith.constant 0 : index
      %swap3A_1131 = tpu.vector_load %arg11[%swap3A_1129, %swap3A_1130] {strides = array<i32>} : memref<128x32xf32, #tpu.memory_space<vmem>>, vector<1x16xf32>,
      %swap3A_1132 = vector.shape_cast %swap3A_1131 : vector<1x16xf32> to vector<16xf32>
      %swap3A_1133 = vector.shape_cast %mul3A_1127 : vector<16xf32> to vector<1x16xf32>
      tpu.vector_store %arg11[%swap3A_1129, %swap3A_1130], %swap3A_1133 {strides = array<i32>} : memref<128x32xf32, #tpu.memory_space<vmem>>, vector<1x16xf32>,
      %get3A_1134 = arith.constant 34 : i32
      %get3A_1135 = arith.index_cast %get3A_1134 : i32 to index
      %get3A_1136 = arith.constant 16 : index
      %get3A_1137 = tpu.vector_load %arg11[%get3A_1135, %get3A_1136] {strides = array<i32>} : memref<128x32xf32, #tpu.memory_space<vmem>>, vector<1x16xf32>,
      %get3A_1138 = vector.shape_cast %get3A_1137 : vector<1x16xf32> to vector<16xf32>
      %mul3A_1139 = vector.broadcast %squeeze3A_1120 : f32 to vector<16xf32>
      %mul3A_1140 = arith.mulf %get3A_1138, %mul3A_1139 : vector<16xf32>
      %swap3A_1141 = arith.constant 34 : i32
      %swap3A_1142 = arith.index_cast %swap3A_1141 : i32 to index
      %swap3A_1143 = arith.constant 16 : index
      %swap3A_1144 = tpu.vector_load %arg11[%swap3A_1142, %swap3A_1143] {strides = array<i32>} : memref<128x32xf32, #tpu.memory_space<vmem>>, vector<1x16xf32>,
      %swap3A_1145 = vector.shape_cast %swap3A_1144 : vector<1x16xf32> to vector<16xf32>
      %swap3A_1146 = vector.shape_cast %mul3A_1140 : vector<16xf32> to vector<1x16xf32>
      tpu.vector_store %arg11[%swap3A_1142, %swap3A_1143], %swap3A_1146 {strides = array<i32>} : memref<128x32xf32, #tpu.memory_space<vmem>>, vector<1x16xf32>,
      %slice3A_1147 = vector.extract_strided_slice %get3A_1062 {offsets = [3], sizes = [1], strides = [1]} : vector<16xf32> to vector<1xf32>
      %squeeze3A_1148 = vector.extract %slice3A_1147[0] : f32 from vector<1xf32>
      %get3A_1149 = arith.constant 35 : i32
      %get3A_1150 = arith.index_cast %get3A_1149 : i32 to index
      %get3A_1151 = arith.constant 0 : index
      %get3A_1152 = tpu.vector_load %arg11[%get3A_1150, %get3A_1151] {strides = array<i32>} : memref<128x32xf32, #tpu.memory_space<vmem>>, vector<1x16xf32>,
      %get3A_1153 = vector.shape_cast %get3A_1152 : vector<1x16xf32> to vector<16xf32>
      %mul3A_1154 = vector.broadcast %squeeze3A_1148 : f32 to vector<16xf32>
      %mul3A_1155 = arith.mulf %get3A_1153, %mul3A_1154 : vector<16xf32>
      %swap3A_1156 = arith.constant 35 : i32
      %swap3A_1157 = arith.index_cast %swap3A_1156 : i32 to index
      %swap3A_1158 = arith.constant 0 : index
      %swap3A_1159 = tpu.vector_load %arg11[%swap3A_1157, %swap3A_1158] {strides = array<i32>} : memref<128x32xf32, #tpu.memory_space<vmem>>, vector<1x16xf32>,
      %swap3A_1160 = vector.shape_cast %swap3A_1159 : vector<1x16xf32> to vector<16xf32>
      %swap3A_1161 = vector.shape_cast %mul3A_1155 : vector<16xf32> to vector<1x16xf32>
      tpu.vector_store %arg11[%swap3A_1157, %swap3A_1158], %swap3A_1161 {strides = array<i32>} : memref<128x32xf32, #tpu.memory_space<vmem>>, vector<1x16xf32>,
      %get3A_1162 = arith.constant 35 : i32
      %get3A_1163 = arith.index_cast %get3A_1162 : i32 to index
      %get3A_1164 = arith.constant 16 : index
      %get3A_1165 = tpu.vector_load %arg11[%get3A_1163, %get3A_1164] {strides = array<i32>} : memref<128x32xf32, #tpu.memory_space<vmem>>, vector<1x16xf32>,
      %get3A_1166 = vector.shape_cast %get3A_1165 : vector<1x16xf32> to vector<16xf32>
      %mul3A_1167 = vector.broadcast %squeeze3A_1148 : f32 to vector<16xf32>
      %mul3A_1168 = arith.mulf %get3A_1166, %mul3A_1167 : vector<16xf32>
      %swap3A_1169 = arith.constant 35 : i32
      %swap3A_1170 = arith.index_cast %swap3A_1169 : i32 to index
      %swap3A_1171 = arith.constant 16 : index
      %swap3A_1172 = tpu.vector_load %arg11[%swap3A_1170, %swap3A_1171] {strides = array<i32>} : memref<128x32xf32, #tpu.memory_space<vmem>>, vector<1x16xf32>,
      %swap3A_1173 = vector.shape_cast %swap3A_1172 : vector<1x16xf32> to vector<16xf32>
      %swap3A_1174 = vector.shape_cast %mul3A_1168 : vector<16xf32> to vector<1x16xf32>
      tpu.vector_store %arg11[%swap3A_1170, %swap3A_1171], %swap3A_1174 {strides = array<i32>} : memref<128x32xf32, #tpu.memory_space<vmem>>, vector<1x16xf32>,
      %slice3A_1175 = vector.extract_strided_slice %get3A_1062 {offsets = [4], sizes = [1], strides = [1]} : vector<16xf32> to vector<1xf32>
      %squeeze3A_1176 = vector.extract %slice3A_1175[0] : f32 from vector<1xf32>
      %get3A_1177 = arith.constant 36 : i32
      %get3A_1178 = arith.index_cast %get3A_1177 : i32 to index
      %get3A_1179 = arith.constant 0 : index
      %get3A_1180 = tpu.vector_load %arg11[%get3A_1178, %get3A_1179] {strides = array<i32>} : memref<128x32xf32, #tpu.memory_space<vmem>>, vector<1x16xf32>,
      %get3A_1181 = vector.shape_cast %get3A_1180 : vector<1x16xf32> to vector<16xf32>
      %mul3A_1182 = vector.broadcast %squeeze3A_1176 : f32 to vector<16xf32>
      %mul3A_1183 = arith.mulf %get3A_1181, %mul3A_1182 : vector<16xf32>
      %swap3A_1184 = arith.constant 36 : i32
      %swap3A_1185 = arith.index_cast %swap3A_1184 : i32 to index
      %swap3A_1186 = arith.constant 0 : index
      %swap3A_1187 = tpu.vector_load %arg11[%swap3A_1185, %swap3A_1186] {strides = array<i32>} : memref<128x32xf32, #tpu.memory_space<vmem>>, vector<1x16xf32>,
      %swap3A_1188 = vector.shape_cast %swap3A_1187 : vector<1x16xf32> to vector<16xf32>
      %swap3A_1189 = vector.shape_cast %mul3A_1183 : vector<16xf32> to vector<1x16xf32>
      tpu.vector_store %arg11[%swap3A_1185, %swap3A_1186], %swap3A_1189 {strides = array<i32>} : memref<128x32xf32, #tpu.memory_space<vmem>>, vector<1x16xf32>,
      %get3A_1190 = arith.constant 36 : i32
      %get3A_1191 = arith.index_cast %get3A_1190 : i32 to index
      %get3A_1192 = arith.constant 16 : index
      %get3A_1193 = tpu.vector_load %arg11[%get3A_1191, %get3A_1192] {strides = array<i32>} : memref<128x32xf32, #tpu.memory_space<vmem>>, vector<1x16xf32>,
      %get3A_1194 = vector.shape_cast %get3A_1193 : vector<1x16xf32> to vector<16xf32>
      %mul3A_1195 = vector.broadcast %squeeze3A_1176 : f32 to vector<16xf32>
      %mul3A_1196 = arith.mulf %get3A_1194, %mul3A_1195 : vector<16xf32>
      %swap3A_1197 = arith.constant 36 : i32
      %swap3A_1198 = arith.index_cast %swap3A_1197 : i32 to index
      %swap3A_1199 = arith.constant 16 : index
      %swap3A_1200 = tpu.vector_load %arg11[%swap3A_1198, %swap3A_1199] {strides = array<i32>} : memref<128x32xf32, #tpu.memory_space<vmem>>, vector<1x16xf32>,
      %swap3A_1201 = vector.shape_cast %swap3A_1200 : vector<1x16xf32> to vector<16xf32>
      %swap3A_1202 = vector.shape_cast %mul3A_1196 : vector<16xf32> to vector<1x16xf32>
      tpu.vector_store %arg11[%swap3A_1198, %swap3A_1199], %swap3A_1202 {strides = array<i32>} : memref<128x32xf32, #tpu.memory_space<vmem>>, vector<1x16xf32>,
      %slice3A_1203 = vector.extract_strided_slice %get3A_1062 {offsets = [5], sizes = [1], strides = [1]} : vector<16xf32> to vector<1xf32>
      %squeeze3A_1204 = vector.extract %slice3A_1203[0] : f32 from vector<1xf32>
      %get3A_1205 = arith.constant 37 : i32
      %get3A_1206 = arith.index_cast %get3A_1205 : i32 to index
      %get3A_1207 = arith.constant 0 : index
      %get3A_1208 = tpu.vector_load %arg11[%get3A_1206, %get3A_1207] {strides = array<i32>} : memref<128x32xf32, #tpu.memory_space<vmem>>, vector<1x16xf32>,
      %get3A_1209 = vector.shape_cast %get3A_1208 : vector<1x16xf32> to vector<16xf32>
      %mul3A_1210 = vector.broadcast %squeeze3A_1204 : f32 to vector<16xf32>
      %mul3A_1211 = arith.mulf %get3A_1209, %mul3A_1210 : vector<16xf32>
      %swap3A_1212 = arith.constant 37 : i32
      %swap3A_1213 = arith.index_cast %swap3A_1212 : i32 to index
      %swap3A_1214 = arith.constant 0 : index
      %swap3A_1215 = tpu.vector_load %arg11[%swap3A_1213, %swap3A_1214] {strides = array<i32>} : memref<128x32xf32, #tpu.memory_space<vmem>>, vector<1x16xf32>,
      %swap3A_1216 = vector.shape_cast %swap3A_1215 : vector<1x16xf32> to vector<16xf32>
      %swap3A_1217 = vector.shape_cast %mul3A_1211 : vector<16xf32> to vector<1x16xf32>
      tpu.vector_store %arg11[%swap3A_1213, %swap3A_1214], %swap3A_1217 {strides = array<i32>} : memref<128x32xf32, #tpu.memory_space<vmem>>, vector<1x16xf32>,
      %get3A_1218 = arith.constant 37 : i32
      %get3A_1219 = arith.index_cast %get3A_1218 : i32 to index
      %get3A_1220 = arith.constant 16 : index
      %get3A_1221 = tpu.vector_load %arg11[%get3A_1219, %get3A_1220] {strides = array<i32>} : memref<128x32xf32, #tpu.memory_space<vmem>>, vector<1x16xf32>,
      %get3A_1222 = vector.shape_cast %get3A_1221 : vector<1x16xf32> to vector<16xf32>
      %mul3A_1223 = vector.broadcast %squeeze3A_1204 : f32 to vector<16xf32>
      %mul3A_1224 = arith.mulf %get3A_1222, %mul3A_1223 : vector<16xf32>
      %swap3A_1225 = arith.constant 37 : i32
      %swap3A_1226 = arith.index_cast %swap3A_1225 : i32 to index
      %swap3A_1227 = arith.constant 16 : index
      %swap3A_1228 = tpu.vector_load %arg11[%swap3A_1226, %swap3A_1227] {strides = array<i32>} : memref<128x32xf32, #tpu.memory_space<vmem>>, vector<1x16xf32>,
      %swap3A_1229 = vector.shape_cast %swap3A_1228 : vector<1x16xf32> to vector<16xf32>
      %swap3A_1230 = vector.shape_cast %mul3A_1224 : vector<16xf32> to vector<1x16xf32>
      tpu.vector_store %arg11[%swap3A_1226, %swap3A_1227], %swap3A_1230 {strides = array<i32>} : memref<128x32xf32, #tpu.memory_space<vmem>>, vector<1x16xf32>,
      %slice3A_1231 = vector.extract_strided_slice %get3A_1062 {offsets = [6], sizes = [1], strides = [1]} : vector<16xf32> to vector<1xf32>
      %squeeze3A_1232 = vector.extract %slice3A_1231[0] : f32 from vector<1xf32>
      %get3A_1233 = arith.constant 38 : i32
      %get3A_1234 = arith.index_cast %get3A_1233 : i32 to index
      %get3A_1235 = arith.constant 0 : index
      %get3A_1236 = tpu.vector_load %arg11[%get3A_1234, %get3A_1235] {strides = array<i32>} : memref<128x32xf32, #tpu.memory_space<vmem>>, vector<1x16xf32>,
      %get3A_1237 = vector.shape_cast %get3A_1236 : vector<1x16xf32> to vector<16xf32>
      %mul3A_1238 = vector.broadcast %squeeze3A_1232 : f32 to vector<16xf32>
      %mul3A_1239 = arith.mulf %get3A_1237, %mul3A_1238 : vector<16xf32>
      %swap3A_1240 = arith.constant 38 : i32
      %swap3A_1241 = arith.index_cast %swap3A_1240 : i32 to index
      %swap3A_1242 = arith.constant 0 : index
      %swap3A_1243 = tpu.vector_load %arg11[%swap3A_1241, %swap3A_1242] {strides = array<i32>} : memref<128x32xf32, #tpu.memory_space<vmem>>, vector<1x16xf32>,
      %swap3A_1244 = vector.shape_cast %swap3A_1243 : vector<1x16xf32> to vector<16xf32>
      %swap3A_1245 = vector.shape_cast %mul3A_1239 : vector<16xf32> to vector<1x16xf32>
      tpu.vector_store %arg11[%swap3A_1241, %swap3A_1242], %swap3A_1245 {strides = array<i32>} : memref<128x32xf32, #tpu.memory_space<vmem>>, vector<1x16xf32>,
      %get3A_1246 = arith.constant 38 : i32
      %get3A_1247 = arith.index_cast %get3A_1246 : i32 to index
      %get3A_1248 = arith.constant 16 : index
      %get3A_1249 = tpu.vector_load %arg11[%get3A_1247, %get3A_1248] {strides = array<i32>} : memref<128x32xf32, #tpu.memory_space<vmem>>, vector<1x16xf32>,
      %get3A_1250 = vector.shape_cast %get3A_1249 : vector<1x16xf32> to vector<16xf32>
      %mul3A_1251 = vector.broadcast %squeeze3A_1232 : f32 to vector<16xf32>
      %mul3A_1252 = arith.mulf %get3A_1250, %mul3A_1251 : vector<16xf32>
      %swap3A_1253 = arith.constant 38 : i32
      %swap3A_1254 = arith.index_cast %swap3A_1253 : i32 to index
      %swap3A_1255 = arith.constant 16 : index
      %swap3A_1256 = tpu.vector_load %arg11[%swap3A_1254, %swap3A_1255] {strides = array<i32>} : memref<128x32xf32, #tpu.memory_space<vmem>>, vector<1x16xf32>,
      %swap3A_1257 = vector.shape_cast %swap3A_1256 : vector<1x16xf32> to vector<16xf32>
      %swap3A_1258 = vector.shape_cast %mul3A_1252 : vector<16xf32> to vector<1x16xf32>
      tpu.vector_store %arg11[%swap3A_1254, %swap3A_1255], %swap3A_1258 {strides = array<i32>} : memref<128x32xf32, #tpu.memory_space<vmem>>, vector<1x16xf32>,
      %slice3A_1259 = vector.extract_strided_slice %get3A_1062 {offsets = [7], sizes = [1], strides = [1]} : vector<16xf32> to vector<1xf32>
      %squeeze3A_1260 = vector.extract %slice3A_1259[0] : f32 from vector<1xf32>
      %get3A_1261 = arith.constant 39 : i32
      %get3A_1262 = arith.index_cast %get3A_1261 : i32 to index
      %get3A_1263 = arith.constant 0 : index
      %get3A_1264 = tpu.vector_load %arg11[%get3A_1262, %get3A_1263] {strides = array<i32>} : memref<128x32xf32, #tpu.memory_space<vmem>>, vector<1x16xf32>,
      %get3A_1265 = vector.shape_cast %get3A_1264 : vector<1x16xf32> to vector<16xf32>
      %mul3A_1266 = vector.broadcast %squeeze3A_1260 : f32 to vector<16xf32>
      %mul3A_1267 = arith.mulf %get3A_1265, %mul3A_1266 : vector<16xf32>
      %swap3A_1268 = arith.constant 39 : i32
      %swap3A_1269 = arith.index_cast %swap3A_1268 : i32 to index
      %swap3A_1270 = arith.constant 0 : index
      %swap3A_1271 = tpu.vector_load %arg11[%swap3A_1269, %swap3A_1270] {strides = array<i32>} : memref<128x32xf32, #tpu.memory_space<vmem>>, vector<1x16xf32>,
      %swap3A_1272 = vector.shape_cast %swap3A_1271 : vector<1x16xf32> to vector<16xf32>
      %swap3A_1273 = vector.shape_cast %mul3A_1267 : vector<16xf32> to vector<1x16xf32>
      tpu.vector_store %arg11[%swap3A_1269, %swap3A_1270], %swap3A_1273 {strides = array<i32>} : memref<128x32xf32, #tpu.memory_space<vmem>>, vector<1x16xf32>,
      %get3A_1274 = arith.constant 39 : i32
      %get3A_1275 = arith.index_cast %get3A_1274 : i32 to index
      %get3A_1276 = arith.constant 16 : index
      %get3A_1277 = tpu.vector_load %arg11[%get3A_1275, %get3A_1276] {strides = array<i32>} : memref<128x32xf32, #tpu.memory_space<vmem>>, vector<1x16xf32>,
      %get3A_1278 = vector.shape_cast %get3A_1277 : vector<1x16xf32> to vector<16xf32>
      %mul3A_1279 = vector.broadcast %squeeze3A_1260 : f32 to vector<16xf32>
      %mul3A_1280 = arith.mulf %get3A_1278, %mul3A_1279 : vector<16xf32>
      %swap3A_1281 = arith.constant 39 : i32
      %swap3A_1282 = arith.index_cast %swap3A_1281 : i32 to index
      %swap3A_1283 = arith.constant 16 : index
      %swap3A_1284 = tpu.vector_load %arg11[%swap3A_1282, %swap3A_1283] {strides = array<i32>} : memref<128x32xf32, #tpu.memory_space<vmem>>, vector<1x16xf32>,
      %swap3A_1285 = vector.shape_cast %swap3A_1284 : vector<1x16xf32> to vector<16xf32>
      %swap3A_1286 = vector.shape_cast %mul3A_1280 : vector<16xf32> to vector<1x16xf32>
      tpu.vector_store %arg11[%swap3A_1282, %swap3A_1283], %swap3A_1286 {strides = array<i32>} : memref<128x32xf32, #tpu.memory_space<vmem>>, vector<1x16xf32>,
      %slice3A_1287 = vector.extract_strided_slice %get3A_1062 {offsets = [8], sizes = [1], strides = [1]} : vector<16xf32> to vector<1xf32>
      %squeeze3A_1288 = vector.extract %slice3A_1287[0] : f32 from vector<1xf32>
      %get3A_1289 = arith.constant 40 : i32
      %get3A_1290 = arith.index_cast %get3A_1289 : i32 to index
      %get3A_1291 = arith.constant 0 : index
      %get3A_1292 = tpu.vector_load %arg11[%get3A_1290, %get3A_1291] {strides = array<i32>} : memref<128x32xf32, #tpu.memory_space<vmem>>, vector<1x16xf32>,
      %get3A_1293 = vector.shape_cast %get3A_1292 : vector<1x16xf32> to vector<16xf32>
      %mul3A_1294 = vector.broadcast %squeeze3A_1288 : f32 to vector<16xf32>
      %mul3A_1295 = arith.mulf %get3A_1293, %mul3A_1294 : vector<16xf32>
      %swap3A_1296 = arith.constant 40 : i32
      %swap3A_1297 = arith.index_cast %swap3A_1296 : i32 to index
      %swap3A_1298 = arith.constant 0 : index
      %swap3A_1299 = tpu.vector_load %arg11[%swap3A_1297, %swap3A_1298] {strides = array<i32>} : memref<128x32xf32, #tpu.memory_space<vmem>>, vector<1x16xf32>,
      %swap3A_1300 = vector.shape_cast %swap3A_1299 : vector<1x16xf32> to vector<16xf32>
      %swap3A_1301 = vector.shape_cast %mul3A_1295 : vector<16xf32> to vector<1x16xf32>
      tpu.vector_store %arg11[%swap3A_1297, %swap3A_1298], %swap3A_1301 {strides = array<i32>} : memref<128x32xf32, #tpu.memory_space<vmem>>, vector<1x16xf32>,
      %get3A_1302 = arith.constant 40 : i32
      %get3A_1303 = arith.index_cast %get3A_1302 : i32 to index
      %get3A_1304 = arith.constant 16 : index
      %get3A_1305 = tpu.vector_load %arg11[%get3A_1303, %get3A_1304] {strides = array<i32>} : memref<128x32xf32, #tpu.memory_space<vmem>>, vector<1x16xf32>,
      %get3A_1306 = vector.shape_cast %get3A_1305 : vector<1x16xf32> to vector<16xf32>
      %mul3A_1307 = vector.broadcast %squeeze3A_1288 : f32 to vector<16xf32>
      %mul3A_1308 = arith.mulf %get3A_1306, %mul3A_1307 : vector<16xf32>
      %swap3A_1309 = arith.constant 40 : i32
      %swap3A_1310 = arith.index_cast %swap3A_1309 : i32 to index
      %swap3A_1311 = arith.constant 16 : index
      %swap3A_1312 = tpu.vector_load %arg11[%swap3A_1310, %swap3A_1311] {strides = array<i32>} : memref<128x32xf32, #tpu.memory_space<vmem>>, vector<1x16xf32>,
      %swap3A_1313 = vector.shape_cast %swap3A_1312 : vector<1x16xf32> to vector<16xf32>
      %swap3A_1314 = vector.shape_cast %mul3A_1308 : vector<16xf32> to vector<1x16xf32>
      tpu.vector_store %arg11[%swap3A_1310, %swap3A_1311], %swap3A_1314 {strides = array<i32>} : memref<128x32xf32, #tpu.memory_space<vmem>>, vector<1x16xf32>,
      %slice3A_1315 = vector.extract_strided_slice %get3A_1062 {offsets = [9], sizes = [1], strides = [1]} : vector<16xf32> to vector<1xf32>
      %squeeze3A_1316 = vector.extract %slice3A_1315[0] : f32 from vector<1xf32>
      %get3A_1317 = arith.constant 41 : i32
      %get3A_1318 = arith.index_cast %get3A_1317 : i32 to index
      %get3A_1319 = arith.constant 0 : index
      %get3A_1320 = tpu.vector_load %arg11[%get3A_1318, %get3A_1319] {strides = array<i32>} : memref<128x32xf32, #tpu.memory_space<vmem>>, vector<1x16xf32>,
      %get3A_1321 = vector.shape_cast %get3A_1320 : vector<1x16xf32> to vector<16xf32>
      %mul3A_1322 = vector.broadcast %squeeze3A_1316 : f32 to vector<16xf32>
      %mul3A_1323 = arith.mulf %get3A_1321, %mul3A_1322 : vector<16xf32>
      %swap3A_1324 = arith.constant 41 : i32
      %swap3A_1325 = arith.index_cast %swap3A_1324 : i32 to index
      %swap3A_1326 = arith.constant 0 : index
      %swap3A_1327 = tpu.vector_load %arg11[%swap3A_1325, %swap3A_1326] {strides = array<i32>} : memref<128x32xf32, #tpu.memory_space<vmem>>, vector<1x16xf32>,
      %swap3A_1328 = vector.shape_cast %swap3A_1327 : vector<1x16xf32> to vector<16xf32>
      %swap3A_1329 = vector.shape_cast %mul3A_1323 : vector<16xf32> to vector<1x16xf32>
      tpu.vector_store %arg11[%swap3A_1325, %swap3A_1326], %swap3A_1329 {strides = array<i32>} : memref<128x32xf32, #tpu.memory_space<vmem>>, vector<1x16xf32>,
      %get3A_1330 = arith.constant 41 : i32
      %get3A_1331 = arith.index_cast %get3A_1330 : i32 to index
      %get3A_1332 = arith.constant 16 : index
      %get3A_1333 = tpu.vector_load %arg11[%get3A_1331, %get3A_1332] {strides = array<i32>} : memref<128x32xf32, #tpu.memory_space<vmem>>, vector<1x16xf32>,
      %get3A_1334 = vector.shape_cast %get3A_1333 : vector<1x16xf32> to vector<16xf32>
      %mul3A_1335 = vector.broadcast %squeeze3A_1316 : f32 to vector<16xf32>
      %mul3A_1336 = arith.mulf %get3A_1334, %mul3A_1335 : vector<16xf32>
      %swap3A_1337 = arith.constant 41 : i32
      %swap3A_1338 = arith.index_cast %swap3A_1337 : i32 to index
      %swap3A_1339 = arith.constant 16 : index
      %swap3A_1340 = tpu.vector_load %arg11[%swap3A_1338, %swap3A_1339] {strides = array<i32>} : memref<128x32xf32, #tpu.memory_space<vmem>>, vector<1x16xf32>,
      %swap3A_1341 = vector.shape_cast %swap3A_1340 : vector<1x16xf32> to vector<16xf32>
      %swap3A_1342 = vector.shape_cast %mul3A_1336 : vector<16xf32> to vector<1x16xf32>
      tpu.vector_store %arg11[%swap3A_1338, %swap3A_1339], %swap3A_1342 {strides = array<i32>} : memref<128x32xf32, #tpu.memory_space<vmem>>, vector<1x16xf32>,
      %slice3A_1343 = vector.extract_strided_slice %get3A_1062 {offsets = [10], sizes = [1], strides = [1]} : vector<16xf32> to vector<1xf32>
      %squeeze3A_1344 = vector.extract %slice3A_1343[0] : f32 from vector<1xf32>
      %get3A_1345 = arith.constant 42 : i32
      %get3A_1346 = arith.index_cast %get3A_1345 : i32 to index
      %get3A_1347 = arith.constant 0 : index
      %get3A_1348 = tpu.vector_load %arg11[%get3A_1346, %get3A_1347] {strides = array<i32>} : memref<128x32xf32, #tpu.memory_space<vmem>>, vector<1x16xf32>,
      %get3A_1349 = vector.shape_cast %get3A_1348 : vector<1x16xf32> to vector<16xf32>
      %mul3A_1350 = vector.broadcast %squeeze3A_1344 : f32 to vector<16xf32>
      %mul3A_1351 = arith.mulf %get3A_1349, %mul3A_1350 : vector<16xf32>
      %swap3A_1352 = arith.constant 42 : i32
      %swap3A_1353 = arith.index_cast %swap3A_1352 : i32 to index
      %swap3A_1354 = arith.constant 0 : index
      %swap3A_1355 = tpu.vector_load %arg11[%swap3A_1353, %swap3A_1354] {strides = array<i32>} : memref<128x32xf32, #tpu.memory_space<vmem>>, vector<1x16xf32>,
      %swap3A_1356 = vector.shape_cast %swap3A_1355 : vector<1x16xf32> to vector<16xf32>
      %swap3A_1357 = vector.shape_cast %mul3A_1351 : vector<16xf32> to vector<1x16xf32>
      tpu.vector_store %arg11[%swap3A_1353, %swap3A_1354], %swap3A_1357 {strides = array<i32>} : memref<128x32xf32, #tpu.memory_space<vmem>>, vector<1x16xf32>,
      %get3A_1358 = arith.constant 42 : i32
      %get3A_1359 = arith.index_cast %get3A_1358 : i32 to index
      %get3A_1360 = arith.constant 16 : index
      %get3A_1361 = tpu.vector_load %arg11[%get3A_1359, %get3A_1360] {strides = array<i32>} : memref<128x32xf32, #tpu.memory_space<vmem>>, vector<1x16xf32>,
      %get3A_1362 = vector.shape_cast %get3A_1361 : vector<1x16xf32> to vector<16xf32>
      %mul3A_1363 = vector.broadcast %squeeze3A_1344 : f32 to vector<16xf32>
      %mul3A_1364 = arith.mulf %get3A_1362, %mul3A_1363 : vector<16xf32>
      %swap3A_1365 = arith.constant 42 : i32
      %swap3A_1366 = arith.index_cast %swap3A_1365 : i32 to index
      %swap3A_1367 = arith.constant 16 : index
      %swap3A_1368 = tpu.vector_load %arg11[%swap3A_1366, %swap3A_1367] {strides = array<i32>} : memref<128x32xf32, #tpu.memory_space<vmem>>, vector<1x16xf32>,
      %swap3A_1369 = vector.shape_cast %swap3A_1368 : vector<1x16xf32> to vector<16xf32>
      %swap3A_1370 = vector.shape_cast %mul3A_1364 : vector<16xf32> to vector<1x16xf32>
      tpu.vector_store %arg11[%swap3A_1366, %swap3A_1367], %swap3A_1370 {strides = array<i32>} : memref<128x32xf32, #tpu.memory_space<vmem>>, vector<1x16xf32>,
      %slice3A_1371 = vector.extract_strided_slice %get3A_1062 {offsets = [11], sizes = [1], strides = [1]} : vector<16xf32> to vector<1xf32>
      %squeeze3A_1372 = vector.extract %slice3A_1371[0] : f32 from vector<1xf32>
      %get3A_1373 = arith.constant 43 : i32
      %get3A_1374 = arith.index_cast %get3A_1373 : i32 to index
      %get3A_1375 = arith.constant 0 : index
      %get3A_1376 = tpu.vector_load %arg11[%get3A_1374, %get3A_1375] {strides = array<i32>} : memref<128x32xf32, #tpu.memory_space<vmem>>, vector<1x16xf32>,
      %get3A_1377 = vector.shape_cast %get3A_1376 : vector<1x16xf32> to vector<16xf32>
      %mul3A_1378 = vector.broadcast %squeeze3A_1372 : f32 to vector<16xf32>
      %mul3A_1379 = arith.mulf %get3A_1377, %mul3A_1378 : vector<16xf32>
      %swap3A_1380 = arith.constant 43 : i32
      %swap3A_1381 = arith.index_cast %swap3A_1380 : i32 to index
      %swap3A_1382 = arith.constant 0 : index
      %swap3A_1383 = tpu.vector_load %arg11[%swap3A_1381, %swap3A_1382] {strides = array<i32>} : memref<128x32xf32, #tpu.memory_space<vmem>>, vector<1x16xf32>,
      %swap3A_1384 = vector.shape_cast %swap3A_1383 : vector<1x16xf32> to vector<16xf32>
      %swap3A_1385 = vector.shape_cast %mul3A_1379 : vector<16xf32> to vector<1x16xf32>
      tpu.vector_store %arg11[%swap3A_1381, %swap3A_1382], %swap3A_1385 {strides = array<i32>} : memref<128x32xf32, #tpu.memory_space<vmem>>, vector<1x16xf32>,
      %get3A_1386 = arith.constant 43 : i32
      %get3A_1387 = arith.index_cast %get3A_1386 : i32 to index
      %get3A_1388 = arith.constant 16 : index
      %get3A_1389 = tpu.vector_load %arg11[%get3A_1387, %get3A_1388] {strides = array<i32>} : memref<128x32xf32, #tpu.memory_space<vmem>>, vector<1x16xf32>,
      %get3A_1390 = vector.shape_cast %get3A_1389 : vector<1x16xf32> to vector<16xf32>
      %mul3A_1391 = vector.broadcast %squeeze3A_1372 : f32 to vector<16xf32>
      %mul3A_1392 = arith.mulf %get3A_1390, %mul3A_1391 : vector<16xf32>
      %swap3A_1393 = arith.constant 43 : i32
      %swap3A_1394 = arith.index_cast %swap3A_1393 : i32 to index
      %swap3A_1395 = arith.constant 16 : index
      %swap3A_1396 = tpu.vector_load %arg11[%swap3A_1394, %swap3A_1395] {strides = array<i32>} : memref<128x32xf32, #tpu.memory_space<vmem>>, vector<1x16xf32>,
      %swap3A_1397 = vector.shape_cast %swap3A_1396 : vector<1x16xf32> to vector<16xf32>
      %swap3A_1398 = vector.shape_cast %mul3A_1392 : vector<16xf32> to vector<1x16xf32>
      tpu.vector_store %arg11[%swap3A_1394, %swap3A_1395], %swap3A_1398 {strides = array<i32>} : memref<128x32xf32, #tpu.memory_space<vmem>>, vector<1x16xf32>,
      %slice3A_1399 = vector.extract_strided_slice %get3A_1062 {offsets = [12], sizes = [1], strides = [1]} : vector<16xf32> to vector<1xf32>
      %squeeze3A_1400 = vector.extract %slice3A_1399[0] : f32 from vector<1xf32>
      %get3A_1401 = arith.constant 44 : i32
      %get3A_1402 = arith.index_cast %get3A_1401 : i32 to index
      %get3A_1403 = arith.constant 0 : index
      %get3A_1404 = tpu.vector_load %arg11[%get3A_1402, %get3A_1403] {strides = array<i32>} : memref<128x32xf32, #tpu.memory_space<vmem>>, vector<1x16xf32>,
      %get3A_1405 = vector.shape_cast %get3A_1404 : vector<1x16xf32> to vector<16xf32>
      %mul3A_1406 = vector.broadcast %squeeze3A_1400 : f32 to vector<16xf32>
      %mul3A_1407 = arith.mulf %get3A_1405, %mul3A_1406 : vector<16xf32>
      %swap3A_1408 = arith.constant 44 : i32
      %swap3A_1409 = arith.index_cast %swap3A_1408 : i32 to index
      %swap3A_1410 = arith.constant 0 : index
      %swap3A_1411 = tpu.vector_load %arg11[%swap3A_1409, %swap3A_1410] {strides = array<i32>} : memref<128x32xf32, #tpu.memory_space<vmem>>, vector<1x16xf32>,
      %swap3A_1412 = vector.shape_cast %swap3A_1411 : vector<1x16xf32> to vector<16xf32>
      %swap3A_1413 = vector.shape_cast %mul3A_1407 : vector<16xf32> to vector<1x16xf32>
      tpu.vector_store %arg11[%swap3A_1409, %swap3A_1410], %swap3A_1413 {strides = array<i32>} : memref<128x32xf32, #tpu.memory_space<vmem>>, vector<1x16xf32>,
      %get3A_1414 = arith.constant 44 : i32
      %get3A_1415 = arith.index_cast %get3A_1414 : i32 to index
      %get3A_1416 = arith.constant 16 : index
      %get3A_1417 = tpu.vector_load %arg11[%get3A_1415, %get3A_1416] {strides = array<i32>} : memref<128x32xf32, #tpu.memory_space<vmem>>, vector<1x16xf32>,
      %get3A_1418 = vector.shape_cast %get3A_1417 : vector<1x16xf32> to vector<16xf32>
      %mul3A_1419 = vector.broadcast %squeeze3A_1400 : f32 to vector<16xf32>
      %mul3A_1420 = arith.mulf %get3A_1418, %mul3A_1419 : vector<16xf32>
      %swap3A_1421 = arith.constant 44 : i32
      %swap3A_1422 = arith.index_cast %swap3A_1421 : i32 to index
      %swap3A_1423 = arith.constant 16 : index
      %swap3A_1424 = tpu.vector_load %arg11[%swap3A_1422, %swap3A_1423] {strides = array<i32>} : memref<128x32xf32, #tpu.memory_space<vmem>>, vector<1x16xf32>,
      %swap3A_1425 = vector.shape_cast %swap3A_1424 : vector<1x16xf32> to vector<16xf32>
      %swap3A_1426 = vector.shape_cast %mul3A_1420 : vector<16xf32> to vector<1x16xf32>
      tpu.vector_store %arg11[%swap3A_1422, %swap3A_1423], %swap3A_1426 {strides = array<i32>} : memref<128x32xf32, #tpu.memory_space<vmem>>, vector<1x16xf32>,
      %slice3A_1427 = vector.extract_strided_slice %get3A_1062 {offsets = [13], sizes = [1], strides = [1]} : vector<16xf32> to vector<1xf32>
      %squeeze3A_1428 = vector.extract %slice3A_1427[0] : f32 from vector<1xf32>
      %get3A_1429 = arith.constant 45 : i32
      %get3A_1430 = arith.index_cast %get3A_1429 : i32 to index
      %get3A_1431 = arith.constant 0 : index
      %get3A_1432 = tpu.vector_load %arg11[%get3A_1430, %get3A_1431] {strides = array<i32>} : memref<128x32xf32, #tpu.memory_space<vmem>>, vector<1x16xf32>,
      %get3A_1433 = vector.shape_cast %get3A_1432 : vector<1x16xf32> to vector<16xf32>
      %mul3A_1434 = vector.broadcast %squeeze3A_1428 : f32 to vector<16xf32>
      %mul3A_1435 = arith.mulf %get3A_1433, %mul3A_1434 : vector<16xf32>
      %swap3A_1436 = arith.constant 45 : i32
      %swap3A_1437 = arith.index_cast %swap3A_1436 : i32 to index
      %swap3A_1438 = arith.constant 0 : index
      %swap3A_1439 = tpu.vector_load %arg11[%swap3A_1437, %swap3A_1438] {strides = array<i32>} : memref<128x32xf32, #tpu.memory_space<vmem>>, vector<1x16xf32>,
      %swap3A_1440 = vector.shape_cast %swap3A_1439 : vector<1x16xf32> to vector<16xf32>
      %swap3A_1441 = vector.shape_cast %mul3A_1435 : vector<16xf32> to vector<1x16xf32>
      tpu.vector_store %arg11[%swap3A_1437, %swap3A_1438], %swap3A_1441 {strides = array<i32>} : memref<128x32xf32, #tpu.memory_space<vmem>>, vector<1x16xf32>,
      %get3A_1442 = arith.constant 45 : i32
      %get3A_1443 = arith.index_cast %get3A_1442 : i32 to index
      %get3A_1444 = arith.constant 16 : index
      %get3A_1445 = tpu.vector_load %arg11[%get3A_1443, %get3A_1444] {strides = array<i32>} : memref<128x32xf32, #tpu.memory_space<vmem>>, vector<1x16xf32>,
      %get3A_1446 = vector.shape_cast %get3A_1445 : vector<1x16xf32> to vector<16xf32>
      %mul3A_1447 = vector.broadcast %squeeze3A_1428 : f32 to vector<16xf32>
      %mul3A_1448 = arith.mulf %get3A_1446, %mul3A_1447 : vector<16xf32>
      %swap3A_1449 = arith.constant 45 : i32
      %swap3A_1450 = arith.index_cast %swap3A_1449 : i32 to index
      %swap3A_1451 = arith.constant 16 : index
      %swap3A_1452 = tpu.vector_load %arg11[%swap3A_1450, %swap3A_1451] {strides = array<i32>} : memref<128x32xf32, #tpu.memory_space<vmem>>, vector<1x16xf32>,
      %swap3A_1453 = vector.shape_cast %swap3A_1452 : vector<1x16xf32> to vector<16xf32>
      %swap3A_1454 = vector.shape_cast %mul3A_1448 : vector<16xf32> to vector<1x16xf32>
      tpu.vector_store %arg11[%swap3A_1450, %swap3A_1451], %swap3A_1454 {strides = array<i32>} : memref<128x32xf32, #tpu.memory_space<vmem>>, vector<1x16xf32>,
      %slice3A_1455 = vector.extract_strided_slice %get3A_1062 {offsets = [14], sizes = [1], strides = [1]} : vector<16xf32> to vector<1xf32>
      %squeeze3A_1456 = vector.extract %slice3A_1455[0] : f32 from vector<1xf32>
      %get3A_1457 = arith.constant 46 : i32
      %get3A_1458 = arith.index_cast %get3A_1457 : i32 to index
      %get3A_1459 = arith.constant 0 : index
      %get3A_1460 = tpu.vector_load %arg11[%get3A_1458, %get3A_1459] {strides = array<i32>} : memref<128x32xf32, #tpu.memory_space<vmem>>, vector<1x16xf32>,
      %get3A_1461 = vector.shape_cast %get3A_1460 : vector<1x16xf32> to vector<16xf32>
      %mul3A_1462 = vector.broadcast %squeeze3A_1456 : f32 to vector<16xf32>
      %mul3A_1463 = arith.mulf %get3A_1461, %mul3A_1462 : vector<16xf32>
      %swap3A_1464 = arith.constant 46 : i32
      %swap3A_1465 = arith.index_cast %swap3A_1464 : i32 to index
      %swap3A_1466 = arith.constant 0 : index
      %swap3A_1467 = tpu.vector_load %arg11[%swap3A_1465, %swap3A_1466] {strides = array<i32>} : memref<128x32xf32, #tpu.memory_space<vmem>>, vector<1x16xf32>,
      %swap3A_1468 = vector.shape_cast %swap3A_1467 : vector<1x16xf32> to vector<16xf32>
      %swap3A_1469 = vector.shape_cast %mul3A_1463 : vector<16xf32> to vector<1x16xf32>
      tpu.vector_store %arg11[%swap3A_1465, %swap3A_1466], %swap3A_1469 {strides = array<i32>} : memref<128x32xf32, #tpu.memory_space<vmem>>, vector<1x16xf32>,
      %get3A_1470 = arith.constant 46 : i32
      %get3A_1471 = arith.index_cast %get3A_1470 : i32 to index
      %get3A_1472 = arith.constant 16 : index
      %get3A_1473 = tpu.vector_load %arg11[%get3A_1471, %get3A_1472] {strides = array<i32>} : memref<128x32xf32, #tpu.memory_space<vmem>>, vector<1x16xf32>,
      %get3A_1474 = vector.shape_cast %get3A_1473 : vector<1x16xf32> to vector<16xf32>
      %mul3A_1475 = vector.broadcast %squeeze3A_1456 : f32 to vector<16xf32>
      %mul3A_1476 = arith.mulf %get3A_1474, %mul3A_1475 : vector<16xf32>
      %swap3A_1477 = arith.constant 46 : i32
      %swap3A_1478 = arith.index_cast %swap3A_1477 : i32 to index
      %swap3A_1479 = arith.constant 16 : index
      %swap3A_1480 = tpu.vector_load %arg11[%swap3A_1478, %swap3A_1479] {strides = array<i32>} : memref<128x32xf32, #tpu.memory_space<vmem>>, vector<1x16xf32>,
      %swap3A_1481 = vector.shape_cast %swap3A_1480 : vector<1x16xf32> to vector<16xf32>
      %swap3A_1482 = vector.shape_cast %mul3A_1476 : vector<16xf32> to vector<1x16xf32>
      tpu.vector_store %arg11[%swap3A_1478, %swap3A_1479], %swap3A_1482 {strides = array<i32>} : memref<128x32xf32, #tpu.memory_space<vmem>>, vector<1x16xf32>,
      %slice3A_1483 = vector.extract_strided_slice %get3A_1062 {offsets = [15], sizes = [1], strides = [1]} : vector<16xf32> to vector<1xf32>
      %squeeze3A_1484 = vector.extract %slice3A_1483[0] : f32 from vector<1xf32>
      %get3A_1485 = arith.constant 47 : i32
      %get3A_1486 = arith.index_cast %get3A_1485 : i32 to index
      %get3A_1487 = arith.constant 0 : index
      %get3A_1488 = tpu.vector_load %arg11[%get3A_1486, %get3A_1487] {strides = array<i32>} : memref<128x32xf32, #tpu.memory_space<vmem>>, vector<1x16xf32>,
      %get3A_1489 = vector.shape_cast %get3A_1488 : vector<1x16xf32> to vector<16xf32>
      %mul3A_1490 = vector.broadcast %squeeze3A_1484 : f32 to vector<16xf32>
      %mul3A_1491 = arith.mulf %get3A_1489, %mul3A_1490 : vector<16xf32>
      %swap3A_1492 = arith.constant 47 : i32
      %swap3A_1493 = arith.index_cast %swap3A_1492 : i32 to index
      %swap3A_1494 = arith.constant 0 : index
      %swap3A_1495 = tpu.vector_load %arg11[%swap3A_1493, %swap3A_1494] {strides = array<i32>} : memref<128x32xf32, #tpu.memory_space<vmem>>, vector<1x16xf32>,
      %swap3A_1496 = vector.shape_cast %swap3A_1495 : vector<1x16xf32> to vector<16xf32>
      %swap3A_1497 = vector.shape_cast %mul3A_1491 : vector<16xf32> to vector<1x16xf32>
      tpu.vector_store %arg11[%swap3A_1493, %swap3A_1494], %swap3A_1497 {strides = array<i32>} : memref<128x32xf32, #tpu.memory_space<vmem>>, vector<1x16xf32>,
      %get3A_1498 = arith.constant 47 : i32
      %get3A_1499 = arith.index_cast %get3A_1498 : i32 to index
      %get3A_1500 = arith.constant 16 : index
      %get3A_1501 = tpu.vector_load %arg11[%get3A_1499, %get3A_1500] {strides = array<i32>} : memref<128x32xf32, #tpu.memory_space<vmem>>, vector<1x16xf32>,
      %get3A_1502 = vector.shape_cast %get3A_1501 : vector<1x16xf32> to vector<16xf32>
      %mul3A_1503 = vector.broadcast %squeeze3A_1484 : f32 to vector<16xf32>
      %mul3A_1504 = arith.mulf %get3A_1502, %mul3A_1503 : vector<16xf32>
      %swap3A_1505 = arith.constant 47 : i32
      %swap3A_1506 = arith.index_cast %swap3A_1505 : i32 to index
      %swap3A_1507 = arith.constant 16 : index
      %swap3A_1508 = tpu.vector_load %arg11[%swap3A_1506, %swap3A_1507] {strides = array<i32>} : memref<128x32xf32, #tpu.memory_space<vmem>>, vector<1x16xf32>,
      %swap3A_1509 = vector.shape_cast %swap3A_1508 : vector<1x16xf32> to vector<16xf32>
      %swap3A_1510 = vector.shape_cast %mul3A_1504 : vector<16xf32> to vector<1x16xf32>
      tpu.vector_store %arg11[%swap3A_1506, %swap3A_1507], %swap3A_1510 {strides = array<i32>} : memref<128x32xf32, #tpu.memory_space<vmem>>, vector<1x16xf32>,
      %get3A_1511 = arith.constant 48 : index
      %get3A_1512 = tpu.vector_load %arg10[%get3A_1511] {strides = array<i32>} : memref<128xf32, #tpu.memory_space<vmem>>, vector<16xf32>,
      %get3A_1513 = vector.shape_cast %get3A_1512 : vector<16xf32> to vector<16xf32>
      %slice3A_1514 = vector.extract_strided_slice %get3A_1513 {offsets = [0], sizes = [1], strides = [1]} : vector<16xf32> to vector<1xf32>
      %squeeze3A_1515 = vector.extract %slice3A_1514[0] : f32 from vector<1xf32>
      %get3A_1516 = arith.constant 48 : i32
      %get3A_1517 = arith.index_cast %get3A_1516 : i32 to index
      %get3A_1518 = arith.constant 0 : index
      %get3A_1519 = tpu.vector_load %arg11[%get3A_1517, %get3A_1518] {strides = array<i32>} : memref<128x32xf32, #tpu.memory_space<vmem>>, vector<1x16xf32>,
      %get3A_1520 = vector.shape_cast %get3A_1519 : vector<1x16xf32> to vector<16xf32>
      %mul3A_1521 = vector.broadcast %squeeze3A_1515 : f32 to vector<16xf32>
      %mul3A_1522 = arith.mulf %get3A_1520, %mul3A_1521 : vector<16xf32>
      %swap3A_1523 = arith.constant 48 : i32
      %swap3A_1524 = arith.index_cast %swap3A_1523 : i32 to index
      %swap3A_1525 = arith.constant 0 : index
      %swap3A_1526 = tpu.vector_load %arg11[%swap3A_1524, %swap3A_1525] {strides = array<i32>} : memref<128x32xf32, #tpu.memory_space<vmem>>, vector<1x16xf32>,
      %swap3A_1527 = vector.shape_cast %swap3A_1526 : vector<1x16xf32> to vector<16xf32>
      %swap3A_1528 = vector.shape_cast %mul3A_1522 : vector<16xf32> to vector<1x16xf32>
      tpu.vector_store %arg11[%swap3A_1524, %swap3A_1525], %swap3A_1528 {strides = array<i32>} : memref<128x32xf32, #tpu.memory_space<vmem>>, vector<1x16xf32>,
      %get3A_1529 = arith.constant 48 : i32
      %get3A_1530 = arith.index_cast %get3A_1529 : i32 to index
      %get3A_1531 = arith.constant 16 : index
      %get3A_1532 = tpu.vector_load %arg11[%get3A_1530, %get3A_1531] {strides = array<i32>} : memref<128x32xf32, #tpu.memory_space<vmem>>, vector<1x16xf32>,
      %get3A_1533 = vector.shape_cast %get3A_1532 : vector<1x16xf32> to vector<16xf32>
      %mul3A_1534 = vector.broadcast %squeeze3A_1515 : f32 to vector<16xf32>
      %mul3A_1535 = arith.mulf %get3A_1533, %mul3A_1534 : vector<16xf32>
      %swap3A_1536 = arith.constant 48 : i32
      %swap3A_1537 = arith.index_cast %swap3A_1536 : i32 to index
      %swap3A_1538 = arith.constant 16 : index
      %swap3A_1539 = tpu.vector_load %arg11[%swap3A_1537, %swap3A_1538] {strides = array<i32>} : memref<128x32xf32, #tpu.memory_space<vmem>>, vector<1x16xf32>,
      %swap3A_1540 = vector.shape_cast %swap3A_1539 : vector<1x16xf32> to vector<16xf32>
      %swap3A_1541 = vector.shape_cast %mul3A_1535 : vector<16xf32> to vector<1x16xf32>
      tpu.vector_store %arg11[%swap3A_1537, %swap3A_1538], %swap3A_1541 {strides = array<i32>} : memref<128x32xf32, #tpu.memory_space<vmem>>, vector<1x16xf32>,
      %slice3A_1542 = vector.extract_strided_slice %get3A_1513 {offsets = [1], sizes = [1], strides = [1]} : vector<16xf32> to vector<1xf32>
      %squeeze3A_1543 = vector.extract %slice3A_1542[0] : f32 from vector<1xf32>
      %get3A_1544 = arith.constant 49 : i32
      %get3A_1545 = arith.index_cast %get3A_1544 : i32 to index
      %get3A_1546 = arith.constant 0 : index
      %get3A_1547 = tpu.vector_load %arg11[%get3A_1545, %get3A_1546] {strides = array<i32>} : memref<128x32xf32, #tpu.memory_space<vmem>>, vector<1x16xf32>,
      %get3A_1548 = vector.shape_cast %get3A_1547 : vector<1x16xf32> to vector<16xf32>
      %mul3A_1549 = vector.broadcast %squeeze3A_1543 : f32 to vector<16xf32>
      %mul3A_1550 = arith.mulf %get3A_1548, %mul3A_1549 : vector<16xf32>
      %swap3A_1551 = arith.constant 49 : i32
      %swap3A_1552 = arith.index_cast %swap3A_1551 : i32 to index
      %swap3A_1553 = arith.constant 0 : index
      %swap3A_1554 = tpu.vector_load %arg11[%swap3A_1552, %swap3A_1553] {strides = array<i32>} : memref<128x32xf32, #tpu.memory_space<vmem>>, vector<1x16xf32>,
      %swap3A_1555 = vector.shape_cast %swap3A_1554 : vector<1x16xf32> to vector<16xf32>
      %swap3A_1556 = vector.shape_cast %mul3A_1550 : vector<16xf32> to vector<1x16xf32>
      tpu.vector_store %arg11[%swap3A_1552, %swap3A_1553], %swap3A_1556 {strides = array<i32>} : memref<128x32xf32, #tpu.memory_space<vmem>>, vector<1x16xf32>,
      %get3A_1557 = arith.constant 49 : i32
      %get3A_1558 = arith.index_cast %get3A_1557 : i32 to index
      %get3A_1559 = arith.constant 16 : index
      %get3A_1560 = tpu.vector_load %arg11[%get3A_1558, %get3A_1559] {strides = array<i32>} : memref<128x32xf32, #tpu.memory_space<vmem>>, vector<1x16xf32>,
      %get3A_1561 = vector.shape_cast %get3A_1560 : vector<1x16xf32> to vector<16xf32>
      %mul3A_1562 = vector.broadcast %squeeze3A_1543 : f32 to vector<16xf32>
      %mul3A_1563 = arith.mulf %get3A_1561, %mul3A_1562 : vector<16xf32>
      %swap3A_1564 = arith.constant 49 : i32
      %swap3A_1565 = arith.index_cast %swap3A_1564 : i32 to index
      %swap3A_1566 = arith.constant 16 : index
      %swap3A_1567 = tpu.vector_load %arg11[%swap3A_1565, %swap3A_1566] {strides = array<i32>} : memref<128x32xf32, #tpu.memory_space<vmem>>, vector<1x16xf32>,
      %swap3A_1568 = vector.shape_cast %swap3A_1567 : vector<1x16xf32> to vector<16xf32>
      %swap3A_1569 = vector.shape_cast %mul3A_1563 : vector<16xf32> to vector<1x16xf32>
      tpu.vector_store %arg11[%swap3A_1565, %swap3A_1566], %swap3A_1569 {strides = array<i32>} : memref<128x32xf32, #tpu.memory_space<vmem>>, vector<1x16xf32>,
      %slice3A_1570 = vector.extract_strided_slice %get3A_1513 {offsets = [2], sizes = [1], strides = [1]} : vector<16xf32> to vector<1xf32>
      %squeeze3A_1571 = vector.extract %slice3A_1570[0] : f32 from vector<1xf32>
      %get3A_1572 = arith.constant 50 : i32
      %get3A_1573 = arith.index_cast %get3A_1572 : i32 to index
      %get3A_1574 = arith.constant 0 : index
      %get3A_1575 = tpu.vector_load %arg11[%get3A_1573, %get3A_1574] {strides = array<i32>} : memref<128x32xf32, #tpu.memory_space<vmem>>, vector<1x16xf32>,
      %get3A_1576 = vector.shape_cast %get3A_1575 : vector<1x16xf32> to vector<16xf32>
      %mul3A_1577 = vector.broadcast %squeeze3A_1571 : f32 to vector<16xf32>
      %mul3A_1578 = arith.mulf %get3A_1576, %mul3A_1577 : vector<16xf32>
      %swap3A_1579 = arith.constant 50 : i32
      %swap3A_1580 = arith.index_cast %swap3A_1579 : i32 to index
      %swap3A_1581 = arith.constant 0 : index
      %swap3A_1582 = tpu.vector_load %arg11[%swap3A_1580, %swap3A_1581] {strides = array<i32>} : memref<128x32xf32, #tpu.memory_space<vmem>>, vector<1x16xf32>,
      %swap3A_1583 = vector.shape_cast %swap3A_1582 : vector<1x16xf32> to vector<16xf32>
      %swap3A_1584 = vector.shape_cast %mul3A_1578 : vector<16xf32> to vector<1x16xf32>
      tpu.vector_store %arg11[%swap3A_1580, %swap3A_1581], %swap3A_1584 {strides = array<i32>} : memref<128x32xf32, #tpu.memory_space<vmem>>, vector<1x16xf32>,
      %get3A_1585 = arith.constant 50 : i32
      %get3A_1586 = arith.index_cast %get3A_1585 : i32 to index
      %get3A_1587 = arith.constant 16 : index
      %get3A_1588 = tpu.vector_load %arg11[%get3A_1586, %get3A_1587] {strides = array<i32>} : memref<128x32xf32, #tpu.memory_space<vmem>>, vector<1x16xf32>,
      %get3A_1589 = vector.shape_cast %get3A_1588 : vector<1x16xf32> to vector<16xf32>
      %mul3A_1590 = vector.broadcast %squeeze3A_1571 : f32 to vector<16xf32>
      %mul3A_1591 = arith.mulf %get3A_1589, %mul3A_1590 : vector<16xf32>
      %swap3A_1592 = arith.constant 50 : i32
      %swap3A_1593 = arith.index_cast %swap3A_1592 : i32 to index
      %swap3A_1594 = arith.constant 16 : index
      %swap3A_1595 = tpu.vector_load %arg11[%swap3A_1593, %swap3A_1594] {strides = array<i32>} : memref<128x32xf32, #tpu.memory_space<vmem>>, vector<1x16xf32>,
      %swap3A_1596 = vector.shape_cast %swap3A_1595 : vector<1x16xf32> to vector<16xf32>
      %swap3A_1597 = vector.shape_cast %mul3A_1591 : vector<16xf32> to vector<1x16xf32>
      tpu.vector_store %arg11[%swap3A_1593, %swap3A_1594], %swap3A_1597 {strides = array<i32>} : memref<128x32xf32, #tpu.memory_space<vmem>>, vector<1x16xf32>,
      %slice3A_1598 = vector.extract_strided_slice %get3A_1513 {offsets = [3], sizes = [1], strides = [1]} : vector<16xf32> to vector<1xf32>
      %squeeze3A_1599 = vector.extract %slice3A_1598[0] : f32 from vector<1xf32>
      %get3A_1600 = arith.constant 51 : i32
      %get3A_1601 = arith.index_cast %get3A_1600 : i32 to index
      %get3A_1602 = arith.constant 0 : index
      %get3A_1603 = tpu.vector_load %arg11[%get3A_1601, %get3A_1602] {strides = array<i32>} : memref<128x32xf32, #tpu.memory_space<vmem>>, vector<1x16xf32>,
      %get3A_1604 = vector.shape_cast %get3A_1603 : vector<1x16xf32> to vector<16xf32>
      %mul3A_1605 = vector.broadcast %squeeze3A_1599 : f32 to vector<16xf32>
      %mul3A_1606 = arith.mulf %get3A_1604, %mul3A_1605 : vector<16xf32>
      %swap3A_1607 = arith.constant 51 : i32
      %swap3A_1608 = arith.index_cast %swap3A_1607 : i32 to index
      %swap3A_1609 = arith.constant 0 : index
      %swap3A_1610 = tpu.vector_load %arg11[%swap3A_1608, %swap3A_1609] {strides = array<i32>} : memref<128x32xf32, #tpu.memory_space<vmem>>, vector<1x16xf32>,
      %swap3A_1611 = vector.shape_cast %swap3A_1610 : vector<1x16xf32> to vector<16xf32>
      %swap3A_1612 = vector.shape_cast %mul3A_1606 : vector<16xf32> to vector<1x16xf32>
      tpu.vector_store %arg11[%swap3A_1608, %swap3A_1609], %swap3A_1612 {strides = array<i32>} : memref<128x32xf32, #tpu.memory_space<vmem>>, vector<1x16xf32>,
      %get3A_1613 = arith.constant 51 : i32
      %get3A_1614 = arith.index_cast %get3A_1613 : i32 to index
      %get3A_1615 = arith.constant 16 : index
      %get3A_1616 = tpu.vector_load %arg11[%get3A_1614, %get3A_1615] {strides = array<i32>} : memref<128x32xf32, #tpu.memory_space<vmem>>, vector<1x16xf32>,
      %get3A_1617 = vector.shape_cast %get3A_1616 : vector<1x16xf32> to vector<16xf32>
      %mul3A_1618 = vector.broadcast %squeeze3A_1599 : f32 to vector<16xf32>
      %mul3A_1619 = arith.mulf %get3A_1617, %mul3A_1618 : vector<16xf32>
      %swap3A_1620 = arith.constant 51 : i32
      %swap3A_1621 = arith.index_cast %swap3A_1620 : i32 to index
      %swap3A_1622 = arith.constant 16 : index
      %swap3A_1623 = tpu.vector_load %arg11[%swap3A_1621, %swap3A_1622] {strides = array<i32>} : memref<128x32xf32, #tpu.memory_space<vmem>>, vector<1x16xf32>,
      %swap3A_1624 = vector.shape_cast %swap3A_1623 : vector<1x16xf32> to vector<16xf32>
      %swap3A_1625 = vector.shape_cast %mul3A_1619 : vector<16xf32> to vector<1x16xf32>
      tpu.vector_store %arg11[%swap3A_1621, %swap3A_1622], %swap3A_1625 {strides = array<i32>} : memref<128x32xf32, #tpu.memory_space<vmem>>, vector<1x16xf32>,
      %slice3A_1626 = vector.extract_strided_slice %get3A_1513 {offsets = [4], sizes = [1], strides = [1]} : vector<16xf32> to vector<1xf32>
      %squeeze3A_1627 = vector.extract %slice3A_1626[0] : f32 from vector<1xf32>
      %get3A_1628 = arith.constant 52 : i32
      %get3A_1629 = arith.index_cast %get3A_1628 : i32 to index
      %get3A_1630 = arith.constant 0 : index
      %get3A_1631 = tpu.vector_load %arg11[%get3A_1629, %get3A_1630] {strides = array<i32>} : memref<128x32xf32, #tpu.memory_space<vmem>>, vector<1x16xf32>,
      %get3A_1632 = vector.shape_cast %get3A_1631 : vector<1x16xf32> to vector<16xf32>
      %mul3A_1633 = vector.broadcast %squeeze3A_1627 : f32 to vector<16xf32>
      %mul3A_1634 = arith.mulf %get3A_1632, %mul3A_1633 : vector<16xf32>
      %swap3A_1635 = arith.constant 52 : i32
      %swap3A_1636 = arith.index_cast %swap3A_1635 : i32 to index
      %swap3A_1637 = arith.constant 0 : index
      %swap3A_1638 = tpu.vector_load %arg11[%swap3A_1636, %swap3A_1637] {strides = array<i32>} : memref<128x32xf32, #tpu.memory_space<vmem>>, vector<1x16xf32>,
      %swap3A_1639 = vector.shape_cast %swap3A_1638 : vector<1x16xf32> to vector<16xf32>
      %swap3A_1640 = vector.shape_cast %mul3A_1634 : vector<16xf32> to vector<1x16xf32>
      tpu.vector_store %arg11[%swap3A_1636, %swap3A_1637], %swap3A_1640 {strides = array<i32>} : memref<128x32xf32, #tpu.memory_space<vmem>>, vector<1x16xf32>,
      %get3A_1641 = arith.constant 52 : i32
      %get3A_1642 = arith.index_cast %get3A_1641 : i32 to index
      %get3A_1643 = arith.constant 16 : index
      %get3A_1644 = tpu.vector_load %arg11[%get3A_1642, %get3A_1643] {strides = array<i32>} : memref<128x32xf32, #tpu.memory_space<vmem>>, vector<1x16xf32>,
      %get3A_1645 = vector.shape_cast %get3A_1644 : vector<1x16xf32> to vector<16xf32>
      %mul3A_1646 = vector.broadcast %squeeze3A_1627 : f32 to vector<16xf32>
      %mul3A_1647 = arith.mulf %get3A_1645, %mul3A_1646 : vector<16xf32>
      %swap3A_1648 = arith.constant 52 : i32
      %swap3A_1649 = arith.index_cast %swap3A_1648 : i32 to index
      %swap3A_1650 = arith.constant 16 : index
      %swap3A_1651 = tpu.vector_load %arg11[%swap3A_1649, %swap3A_1650] {strides = array<i32>} : memref<128x32xf32, #tpu.memory_space<vmem>>, vector<1x16xf32>,
      %swap3A_1652 = vector.shape_cast %swap3A_1651 : vector<1x16xf32> to vector<16xf32>
      %swap3A_1653 = vector.shape_cast %mul3A_1647 : vector<16xf32> to vector<1x16xf32>
      tpu.vector_store %arg11[%swap3A_1649, %swap3A_1650], %swap3A_1653 {strides = array<i32>} : memref<128x32xf32, #tpu.memory_space<vmem>>, vector<1x16xf32>,
      %slice3A_1654 = vector.extract_strided_slice %get3A_1513 {offsets = [5], sizes = [1], strides = [1]} : vector<16xf32> to vector<1xf32>
      %squeeze3A_1655 = vector.extract %slice3A_1654[0] : f32 from vector<1xf32>
      %get3A_1656 = arith.constant 53 : i32
      %get3A_1657 = arith.index_cast %get3A_1656 : i32 to index
      %get3A_1658 = arith.constant 0 : index
      %get3A_1659 = tpu.vector_load %arg11[%get3A_1657, %get3A_1658] {strides = array<i32>} : memref<128x32xf32, #tpu.memory_space<vmem>>, vector<1x16xf32>,
      %get3A_1660 = vector.shape_cast %get3A_1659 : vector<1x16xf32> to vector<16xf32>
      %mul3A_1661 = vector.broadcast %squeeze3A_1655 : f32 to vector<16xf32>
      %mul3A_1662 = arith.mulf %get3A_1660, %mul3A_1661 : vector<16xf32>
      %swap3A_1663 = arith.constant 53 : i32
      %swap3A_1664 = arith.index_cast %swap3A_1663 : i32 to index
      %swap3A_1665 = arith.constant 0 : index
      %swap3A_1666 = tpu.vector_load %arg11[%swap3A_1664, %swap3A_1665] {strides = array<i32>} : memref<128x32xf32, #tpu.memory_space<vmem>>, vector<1x16xf32>,
      %swap3A_1667 = vector.shape_cast %swap3A_1666 : vector<1x16xf32> to vector<16xf32>
      %swap3A_1668 = vector.shape_cast %mul3A_1662 : vector<16xf32> to vector<1x16xf32>
      tpu.vector_store %arg11[%swap3A_1664, %swap3A_1665], %swap3A_1668 {strides = array<i32>} : memref<128x32xf32, #tpu.memory_space<vmem>>, vector<1x16xf32>,
      %get3A_1669 = arith.constant 53 : i32
      %get3A_1670 = arith.index_cast %get3A_1669 : i32 to index
      %get3A_1671 = arith.constant 16 : index
      %get3A_1672 = tpu.vector_load %arg11[%get3A_1670, %get3A_1671] {strides = array<i32>} : memref<128x32xf32, #tpu.memory_space<vmem>>, vector<1x16xf32>,
      %get3A_1673 = vector.shape_cast %get3A_1672 : vector<1x16xf32> to vector<16xf32>
      %mul3A_1674 = vector.broadcast %squeeze3A_1655 : f32 to vector<16xf32>
      %mul3A_1675 = arith.mulf %get3A_1673, %mul3A_1674 : vector<16xf32>
      %swap3A_1676 = arith.constant 53 : i32
      %swap3A_1677 = arith.index_cast %swap3A_1676 : i32 to index
      %swap3A_1678 = arith.constant 16 : index
      %swap3A_1679 = tpu.vector_load %arg11[%swap3A_1677, %swap3A_1678] {strides = array<i32>} : memref<128x32xf32, #tpu.memory_space<vmem>>, vector<1x16xf32>,
      %swap3A_1680 = vector.shape_cast %swap3A_1679 : vector<1x16xf32> to vector<16xf32>
      %swap3A_1681 = vector.shape_cast %mul3A_1675 : vector<16xf32> to vector<1x16xf32>
      tpu.vector_store %arg11[%swap3A_1677, %swap3A_1678], %swap3A_1681 {strides = array<i32>} : memref<128x32xf32, #tpu.memory_space<vmem>>, vector<1x16xf32>,
      %slice3A_1682 = vector.extract_strided_slice %get3A_1513 {offsets = [6], sizes = [1], strides = [1]} : vector<16xf32> to vector<1xf32>
      %squeeze3A_1683 = vector.extract %slice3A_1682[0] : f32 from vector<1xf32>
      %get3A_1684 = arith.constant 54 : i32
      %get3A_1685 = arith.index_cast %get3A_1684 : i32 to index
      %get3A_1686 = arith.constant 0 : index
      %get3A_1687 = tpu.vector_load %arg11[%get3A_1685, %get3A_1686] {strides = array<i32>} : memref<128x32xf32, #tpu.memory_space<vmem>>, vector<1x16xf32>,
      %get3A_1688 = vector.shape_cast %get3A_1687 : vector<1x16xf32> to vector<16xf32>
      %mul3A_1689 = vector.broadcast %squeeze3A_1683 : f32 to vector<16xf32>
      %mul3A_1690 = arith.mulf %get3A_1688, %mul3A_1689 : vector<16xf32>
      %swap3A_1691 = arith.constant 54 : i32
      %swap3A_1692 = arith.index_cast %swap3A_1691 : i32 to index
      %swap3A_1693 = arith.constant 0 : index
      %swap3A_1694 = tpu.vector_load %arg11[%swap3A_1692, %swap3A_1693] {strides = array<i32>} : memref<128x32xf32, #tpu.memory_space<vmem>>, vector<1x16xf32>,
      %swap3A_1695 = vector.shape_cast %swap3A_1694 : vector<1x16xf32> to vector<16xf32>
      %swap3A_1696 = vector.shape_cast %mul3A_1690 : vector<16xf32> to vector<1x16xf32>
      tpu.vector_store %arg11[%swap3A_1692, %swap3A_1693], %swap3A_1696 {strides = array<i32>} : memref<128x32xf32, #tpu.memory_space<vmem>>, vector<1x16xf32>,
      %get3A_1697 = arith.constant 54 : i32
      %get3A_1698 = arith.index_cast %get3A_1697 : i32 to index
      %get3A_1699 = arith.constant 16 : index
      %get3A_1700 = tpu.vector_load %arg11[%get3A_1698, %get3A_1699] {strides = array<i32>} : memref<128x32xf32, #tpu.memory_space<vmem>>, vector<1x16xf32>,
      %get3A_1701 = vector.shape_cast %get3A_1700 : vector<1x16xf32> to vector<16xf32>
      %mul3A_1702 = vector.broadcast %squeeze3A_1683 : f32 to vector<16xf32>
      %mul3A_1703 = arith.mulf %get3A_1701, %mul3A_1702 : vector<16xf32>
      %swap3A_1704 = arith.constant 54 : i32
      %swap3A_1705 = arith.index_cast %swap3A_1704 : i32 to index
      %swap3A_1706 = arith.constant 16 : index
      %swap3A_1707 = tpu.vector_load %arg11[%swap3A_1705, %swap3A_1706] {strides = array<i32>} : memref<128x32xf32, #tpu.memory_space<vmem>>, vector<1x16xf32>,
      %swap3A_1708 = vector.shape_cast %swap3A_1707 : vector<1x16xf32> to vector<16xf32>
      %swap3A_1709 = vector.shape_cast %mul3A_1703 : vector<16xf32> to vector<1x16xf32>
      tpu.vector_store %arg11[%swap3A_1705, %swap3A_1706], %swap3A_1709 {strides = array<i32>} : memref<128x32xf32, #tpu.memory_space<vmem>>, vector<1x16xf32>,
      %slice3A_1710 = vector.extract_strided_slice %get3A_1513 {offsets = [7], sizes = [1], strides = [1]} : vector<16xf32> to vector<1xf32>
      %squeeze3A_1711 = vector.extract %slice3A_1710[0] : f32 from vector<1xf32>
      %get3A_1712 = arith.constant 55 : i32
      %get3A_1713 = arith.index_cast %get3A_1712 : i32 to index
      %get3A_1714 = arith.constant 0 : index
      %get3A_1715 = tpu.vector_load %arg11[%get3A_1713, %get3A_1714] {strides = array<i32>} : memref<128x32xf32, #tpu.memory_space<vmem>>, vector<1x16xf32>,
      %get3A_1716 = vector.shape_cast %get3A_1715 : vector<1x16xf32> to vector<16xf32>
      %mul3A_1717 = vector.broadcast %squeeze3A_1711 : f32 to vector<16xf32>
      %mul3A_1718 = arith.mulf %get3A_1716, %mul3A_1717 : vector<16xf32>
      %swap3A_1719 = arith.constant 55 : i32
      %swap3A_1720 = arith.index_cast %swap3A_1719 : i32 to index
      %swap3A_1721 = arith.constant 0 : index
      %swap3A_1722 = tpu.vector_load %arg11[%swap3A_1720, %swap3A_1721] {strides = array<i32>} : memref<128x32xf32, #tpu.memory_space<vmem>>, vector<1x16xf32>,
      %swap3A_1723 = vector.shape_cast %swap3A_1722 : vector<1x16xf32> to vector<16xf32>
      %swap3A_1724 = vector.shape_cast %mul3A_1718 : vector<16xf32> to vector<1x16xf32>
      tpu.vector_store %arg11[%swap3A_1720, %swap3A_1721], %swap3A_1724 {strides = array<i32>} : memref<128x32xf32, #tpu.memory_space<vmem>>, vector<1x16xf32>,
      %get3A_1725 = arith.constant 55 : i32
      %get3A_1726 = arith.index_cast %get3A_1725 : i32 to index
      %get3A_1727 = arith.constant 16 : index
      %get3A_1728 = tpu.vector_load %arg11[%get3A_1726, %get3A_1727] {strides = array<i32>} : memref<128x32xf32, #tpu.memory_space<vmem>>, vector<1x16xf32>,
      %get3A_1729 = vector.shape_cast %get3A_1728 : vector<1x16xf32> to vector<16xf32>
      %mul3A_1730 = vector.broadcast %squeeze3A_1711 : f32 to vector<16xf32>
      %mul3A_1731 = arith.mulf %get3A_1729, %mul3A_1730 : vector<16xf32>
      %swap3A_1732 = arith.constant 55 : i32
      %swap3A_1733 = arith.index_cast %swap3A_1732 : i32 to index
      %swap3A_1734 = arith.constant 16 : index
      %swap3A_1735 = tpu.vector_load %arg11[%swap3A_1733, %swap3A_1734] {strides = array<i32>} : memref<128x32xf32, #tpu.memory_space<vmem>>, vector<1x16xf32>,
      %swap3A_1736 = vector.shape_cast %swap3A_1735 : vector<1x16xf32> to vector<16xf32>
      %swap3A_1737 = vector.shape_cast %mul3A_1731 : vector<16xf32> to vector<1x16xf32>
      tpu.vector_store %arg11[%swap3A_1733, %swap3A_1734], %swap3A_1737 {strides = array<i32>} : memref<128x32xf32, #tpu.memory_space<vmem>>, vector<1x16xf32>,
      %slice3A_1738 = vector.extract_strided_slice %get3A_1513 {offsets = [8], sizes = [1], strides = [1]} : vector<16xf32> to vector<1xf32>
      %squeeze3A_1739 = vector.extract %slice3A_1738[0] : f32 from vector<1xf32>
      %get3A_1740 = arith.constant 56 : i32
      %get3A_1741 = arith.index_cast %get3A_1740 : i32 to index
      %get3A_1742 = arith.constant 0 : index
      %get3A_1743 = tpu.vector_load %arg11[%get3A_1741, %get3A_1742] {strides = array<i32>} : memref<128x32xf32, #tpu.memory_space<vmem>>, vector<1x16xf32>,
      %get3A_1744 = vector.shape_cast %get3A_1743 : vector<1x16xf32> to vector<16xf32>
      %mul3A_1745 = vector.broadcast %squeeze3A_1739 : f32 to vector<16xf32>
      %mul3A_1746 = arith.mulf %get3A_1744, %mul3A_1745 : vector<16xf32>
      %swap3A_1747 = arith.constant 56 : i32
      %swap3A_1748 = arith.index_cast %swap3A_1747 : i32 to index
      %swap3A_1749 = arith.constant 0 : index
      %swap3A_1750 = tpu.vector_load %arg11[%swap3A_1748, %swap3A_1749] {strides = array<i32>} : memref<128x32xf32, #tpu.memory_space<vmem>>, vector<1x16xf32>,
      %swap3A_1751 = vector.shape_cast %swap3A_1750 : vector<1x16xf32> to vector<16xf32>
      %swap3A_1752 = vector.shape_cast %mul3A_1746 : vector<16xf32> to vector<1x16xf32>
      tpu.vector_store %arg11[%swap3A_1748, %swap3A_1749], %swap3A_1752 {strides = array<i32>} : memref<128x32xf32, #tpu.memory_space<vmem>>, vector<1x16xf32>,
      %get3A_1753 = arith.constant 56 : i32
      %get3A_1754 = arith.index_cast %get3A_1753 : i32 to index
      %get3A_1755 = arith.constant 16 : index
      %get3A_1756 = tpu.vector_load %arg11[%get3A_1754, %get3A_1755] {strides = array<i32>} : memref<128x32xf32, #tpu.memory_space<vmem>>, vector<1x16xf32>,
      %get3A_1757 = vector.shape_cast %get3A_1756 : vector<1x16xf32> to vector<16xf32>
      %mul3A_1758 = vector.broadcast %squeeze3A_1739 : f32 to vector<16xf32>
      %mul3A_1759 = arith.mulf %get3A_1757, %mul3A_1758 : vector<16xf32>
      %swap3A_1760 = arith.constant 56 : i32
      %swap3A_1761 = arith.index_cast %swap3A_1760 : i32 to index
      %swap3A_1762 = arith.constant 16 : index
      %swap3A_1763 = tpu.vector_load %arg11[%swap3A_1761, %swap3A_1762] {strides = array<i32>} : memref<128x32xf32, #tpu.memory_space<vmem>>, vector<1x16xf32>,
      %swap3A_1764 = vector.shape_cast %swap3A_1763 : vector<1x16xf32> to vector<16xf32>
      %swap3A_1765 = vector.shape_cast %mul3A_1759 : vector<16xf32> to vector<1x16xf32>
      tpu.vector_store %arg11[%swap3A_1761, %swap3A_1762], %swap3A_1765 {strides = array<i32>} : memref<128x32xf32, #tpu.memory_space<vmem>>, vector<1x16xf32>,
      %slice3A_1766 = vector.extract_strided_slice %get3A_1513 {offsets = [9], sizes = [1], strides = [1]} : vector<16xf32> to vector<1xf32>
      %squeeze3A_1767 = vector.extract %slice3A_1766[0] : f32 from vector<1xf32>
      %get3A_1768 = arith.constant 57 : i32
      %get3A_1769 = arith.index_cast %get3A_1768 : i32 to index
      %get3A_1770 = arith.constant 0 : index
      %get3A_1771 = tpu.vector_load %arg11[%get3A_1769, %get3A_1770] {strides = array<i32>} : memref<128x32xf32, #tpu.memory_space<vmem>>, vector<1x16xf32>,
      %get3A_1772 = vector.shape_cast %get3A_1771 : vector<1x16xf32> to vector<16xf32>
      %mul3A_1773 = vector.broadcast %squeeze3A_1767 : f32 to vector<16xf32>
      %mul3A_1774 = arith.mulf %get3A_1772, %mul3A_1773 : vector<16xf32>
      %swap3A_1775 = arith.constant 57 : i32
      %swap3A_1776 = arith.index_cast %swap3A_1775 : i32 to index
      %swap3A_1777 = arith.constant 0 : index
      %swap3A_1778 = tpu.vector_load %arg11[%swap3A_1776, %swap3A_1777] {strides = array<i32>} : memref<128x32xf32, #tpu.memory_space<vmem>>, vector<1x16xf32>,
      %swap3A_1779 = vector.shape_cast %swap3A_1778 : vector<1x16xf32> to vector<16xf32>
      %swap3A_1780 = vector.shape_cast %mul3A_1774 : vector<16xf32> to vector<1x16xf32>
      tpu.vector_store %arg11[%swap3A_1776, %swap3A_1777], %swap3A_1780 {strides = array<i32>} : memref<128x32xf32, #tpu.memory_space<vmem>>, vector<1x16xf32>,
      %get3A_1781 = arith.constant 57 : i32
      %get3A_1782 = arith.index_cast %get3A_1781 : i32 to index
      %get3A_1783 = arith.constant 16 : index
      %get3A_1784 = tpu.vector_load %arg11[%get3A_1782, %get3A_1783] {strides = array<i32>} : memref<128x32xf32, #tpu.memory_space<vmem>>, vector<1x16xf32>,
      %get3A_1785 = vector.shape_cast %get3A_1784 : vector<1x16xf32> to vector<16xf32>
      %mul3A_1786 = vector.broadcast %squeeze3A_1767 : f32 to vector<16xf32>
      %mul3A_1787 = arith.mulf %get3A_1785, %mul3A_1786 : vector<16xf32>
      %swap3A_1788 = arith.constant 57 : i32
      %swap3A_1789 = arith.index_cast %swap3A_1788 : i32 to index
      %swap3A_1790 = arith.constant 16 : index
      %swap3A_1791 = tpu.vector_load %arg11[%swap3A_1789, %swap3A_1790] {strides = array<i32>} : memref<128x32xf32, #tpu.memory_space<vmem>>, vector<1x16xf32>,
      %swap3A_1792 = vector.shape_cast %swap3A_1791 : vector<1x16xf32> to vector<16xf32>
      %swap3A_1793 = vector.shape_cast %mul3A_1787 : vector<16xf32> to vector<1x16xf32>
      tpu.vector_store %arg11[%swap3A_1789, %swap3A_1790], %swap3A_1793 {strides = array<i32>} : memref<128x32xf32, #tpu.memory_space<vmem>>, vector<1x16xf32>,
      %slice3A_1794 = vector.extract_strided_slice %get3A_1513 {offsets = [10], sizes = [1], strides = [1]} : vector<16xf32> to vector<1xf32>
      %squeeze3A_1795 = vector.extract %slice3A_1794[0] : f32 from vector<1xf32>
      %get3A_1796 = arith.constant 58 : i32
      %get3A_1797 = arith.index_cast %get3A_1796 : i32 to index
      %get3A_1798 = arith.constant 0 : index
      %get3A_1799 = tpu.vector_load %arg11[%get3A_1797, %get3A_1798] {strides = array<i32>} : memref<128x32xf32, #tpu.memory_space<vmem>>, vector<1x16xf32>,
      %get3A_1800 = vector.shape_cast %get3A_1799 : vector<1x16xf32> to vector<16xf32>
      %mul3A_1801 = vector.broadcast %squeeze3A_1795 : f32 to vector<16xf32>
      %mul3A_1802 = arith.mulf %get3A_1800, %mul3A_1801 : vector<16xf32>
      %swap3A_1803 = arith.constant 58 : i32
      %swap3A_1804 = arith.index_cast %swap3A_1803 : i32 to index
      %swap3A_1805 = arith.constant 0 : index
      %swap3A_1806 = tpu.vector_load %arg11[%swap3A_1804, %swap3A_1805] {strides = array<i32>} : memref<128x32xf32, #tpu.memory_space<vmem>>, vector<1x16xf32>,
      %swap3A_1807 = vector.shape_cast %swap3A_1806 : vector<1x16xf32> to vector<16xf32>
      %swap3A_1808 = vector.shape_cast %mul3A_1802 : vector<16xf32> to vector<1x16xf32>
      tpu.vector_store %arg11[%swap3A_1804, %swap3A_1805], %swap3A_1808 {strides = array<i32>} : memref<128x32xf32, #tpu.memory_space<vmem>>, vector<1x16xf32>,
      %get3A_1809 = arith.constant 58 : i32
      %get3A_1810 = arith.index_cast %get3A_1809 : i32 to index
      %get3A_1811 = arith.constant 16 : index
      %get3A_1812 = tpu.vector_load %arg11[%get3A_1810, %get3A_1811] {strides = array<i32>} : memref<128x32xf32, #tpu.memory_space<vmem>>, vector<1x16xf32>,
      %get3A_1813 = vector.shape_cast %get3A_1812 : vector<1x16xf32> to vector<16xf32>
      %mul3A_1814 = vector.broadcast %squeeze3A_1795 : f32 to vector<16xf32>
      %mul3A_1815 = arith.mulf %get3A_1813, %mul3A_1814 : vector<16xf32>
      %swap3A_1816 = arith.constant 58 : i32
      %swap3A_1817 = arith.index_cast %swap3A_1816 : i32 to index
      %swap3A_1818 = arith.constant 16 : index
      %swap3A_1819 = tpu.vector_load %arg11[%swap3A_1817, %swap3A_1818] {strides = array<i32>} : memref<128x32xf32, #tpu.memory_space<vmem>>, vector<1x16xf32>,
      %swap3A_1820 = vector.shape_cast %swap3A_1819 : vector<1x16xf32> to vector<16xf32>
      %swap3A_1821 = vector.shape_cast %mul3A_1815 : vector<16xf32> to vector<1x16xf32>
      tpu.vector_store %arg11[%swap3A_1817, %swap3A_1818], %swap3A_1821 {strides = array<i32>} : memref<128x32xf32, #tpu.memory_space<vmem>>, vector<1x16xf32>,
      %slice3A_1822 = vector.extract_strided_slice %get3A_1513 {offsets = [11], sizes = [1], strides = [1]} : vector<16xf32> to vector<1xf32>
      %squeeze3A_1823 = vector.extract %slice3A_1822[0] : f32 from vector<1xf32>
      %get3A_1824 = arith.constant 59 : i32
      %get3A_1825 = arith.index_cast %get3A_1824 : i32 to index
      %get3A_1826 = arith.constant 0 : index
      %get3A_1827 = tpu.vector_load %arg11[%get3A_1825, %get3A_1826] {strides = array<i32>} : memref<128x32xf32, #tpu.memory_space<vmem>>, vector<1x16xf32>,
      %get3A_1828 = vector.shape_cast %get3A_1827 : vector<1x16xf32> to vector<16xf32>
      %mul3A_1829 = vector.broadcast %squeeze3A_1823 : f32 to vector<16xf32>
      %mul3A_1830 = arith.mulf %get3A_1828, %mul3A_1829 : vector<16xf32>
      %swap3A_1831 = arith.constant 59 : i32
      %swap3A_1832 = arith.index_cast %swap3A_1831 : i32 to index
      %swap3A_1833 = arith.constant 0 : index
      %swap3A_1834 = tpu.vector_load %arg11[%swap3A_1832, %swap3A_1833] {strides = array<i32>} : memref<128x32xf32, #tpu.memory_space<vmem>>, vector<1x16xf32>,
      %swap3A_1835 = vector.shape_cast %swap3A_1834 : vector<1x16xf32> to vector<16xf32>
      %swap3A_1836 = vector.shape_cast %mul3A_1830 : vector<16xf32> to vector<1x16xf32>
      tpu.vector_store %arg11[%swap3A_1832, %swap3A_1833], %swap3A_1836 {strides = array<i32>} : memref<128x32xf32, #tpu.memory_space<vmem>>, vector<1x16xf32>,
      %get3A_1837 = arith.constant 59 : i32
      %get3A_1838 = arith.index_cast %get3A_1837 : i32 to index
      %get3A_1839 = arith.constant 16 : index
      %get3A_1840 = tpu.vector_load %arg11[%get3A_1838, %get3A_1839] {strides = array<i32>} : memref<128x32xf32, #tpu.memory_space<vmem>>, vector<1x16xf32>,
      %get3A_1841 = vector.shape_cast %get3A_1840 : vector<1x16xf32> to vector<16xf32>
      %mul3A_1842 = vector.broadcast %squeeze3A_1823 : f32 to vector<16xf32>
      %mul3A_1843 = arith.mulf %get3A_1841, %mul3A_1842 : vector<16xf32>
      %swap3A_1844 = arith.constant 59 : i32
      %swap3A_1845 = arith.index_cast %swap3A_1844 : i32 to index
      %swap3A_1846 = arith.constant 16 : index
      %swap3A_1847 = tpu.vector_load %arg11[%swap3A_1845, %swap3A_1846] {strides = array<i32>} : memref<128x32xf32, #tpu.memory_space<vmem>>, vector<1x16xf32>,
      %swap3A_1848 = vector.shape_cast %swap3A_1847 : vector<1x16xf32> to vector<16xf32>
      %swap3A_1849 = vector.shape_cast %mul3A_1843 : vector<16xf32> to vector<1x16xf32>
      tpu.vector_store %arg11[%swap3A_1845, %swap3A_1846], %swap3A_1849 {strides = array<i32>} : memref<128x32xf32, #tpu.memory_space<vmem>>, vector<1x16xf32>,
      %slice3A_1850 = vector.extract_strided_slice %get3A_1513 {offsets = [12], sizes = [1], strides = [1]} : vector<16xf32> to vector<1xf32>
      %squeeze3A_1851 = vector.extract %slice3A_1850[0] : f32 from vector<1xf32>
      %get3A_1852 = arith.constant 60 : i32
      %get3A_1853 = arith.index_cast %get3A_1852 : i32 to index
      %get3A_1854 = arith.constant 0 : index
      %get3A_1855 = tpu.vector_load %arg11[%get3A_1853, %get3A_1854] {strides = array<i32>} : memref<128x32xf32, #tpu.memory_space<vmem>>, vector<1x16xf32>,
      %get3A_1856 = vector.shape_cast %get3A_1855 : vector<1x16xf32> to vector<16xf32>
      %mul3A_1857 = vector.broadcast %squeeze3A_1851 : f32 to vector<16xf32>
      %mul3A_1858 = arith.mulf %get3A_1856, %mul3A_1857 : vector<16xf32>
      %swap3A_1859 = arith.constant 60 : i32
      %swap3A_1860 = arith.index_cast %swap3A_1859 : i32 to index
      %swap3A_1861 = arith.constant 0 : index
      %swap3A_1862 = tpu.vector_load %arg11[%swap3A_1860, %swap3A_1861] {strides = array<i32>} : memref<128x32xf32, #tpu.memory_space<vmem>>, vector<1x16xf32>,
      %swap3A_1863 = vector.shape_cast %swap3A_1862 : vector<1x16xf32> to vector<16xf32>
      %swap3A_1864 = vector.shape_cast %mul3A_1858 : vector<16xf32> to vector<1x16xf32>
      tpu.vector_store %arg11[%swap3A_1860, %swap3A_1861], %swap3A_1864 {strides = array<i32>} : memref<128x32xf32, #tpu.memory_space<vmem>>, vector<1x16xf32>,
      %get3A_1865 = arith.constant 60 : i32
      %get3A_1866 = arith.index_cast %get3A_1865 : i32 to index
      %get3A_1867 = arith.constant 16 : index
      %get3A_1868 = tpu.vector_load %arg11[%get3A_1866, %get3A_1867] {strides = array<i32>} : memref<128x32xf32, #tpu.memory_space<vmem>>, vector<1x16xf32>,
      %get3A_1869 = vector.shape_cast %get3A_1868 : vector<1x16xf32> to vector<16xf32>
      %mul3A_1870 = vector.broadcast %squeeze3A_1851 : f32 to vector<16xf32>
      %mul3A_1871 = arith.mulf %get3A_1869, %mul3A_1870 : vector<16xf32>
      %swap3A_1872 = arith.constant 60 : i32
      %swap3A_1873 = arith.index_cast %swap3A_1872 : i32 to index
      %swap3A_1874 = arith.constant 16 : index
      %swap3A_1875 = tpu.vector_load %arg11[%swap3A_1873, %swap3A_1874] {strides = array<i32>} : memref<128x32xf32, #tpu.memory_space<vmem>>, vector<1x16xf32>,
      %swap3A_1876 = vector.shape_cast %swap3A_1875 : vector<1x16xf32> to vector<16xf32>
      %swap3A_1877 = vector.shape_cast %mul3A_1871 : vector<16xf32> to vector<1x16xf32>
      tpu.vector_store %arg11[%swap3A_1873, %swap3A_1874], %swap3A_1877 {strides = array<i32>} : memref<128x32xf32, #tpu.memory_space<vmem>>, vector<1x16xf32>,
      %slice3A_1878 = vector.extract_strided_slice %get3A_1513 {offsets = [13], sizes = [1], strides = [1]} : vector<16xf32> to vector<1xf32>
      %squeeze3A_1879 = vector.extract %slice3A_1878[0] : f32 from vector<1xf32>
      %get3A_1880 = arith.constant 61 : i32
      %get3A_1881 = arith.index_cast %get3A_1880 : i32 to index
      %get3A_1882 = arith.constant 0 : index
      %get3A_1883 = tpu.vector_load %arg11[%get3A_1881, %get3A_1882] {strides = array<i32>} : memref<128x32xf32, #tpu.memory_space<vmem>>, vector<1x16xf32>,
      %get3A_1884 = vector.shape_cast %get3A_1883 : vector<1x16xf32> to vector<16xf32>
      %mul3A_1885 = vector.broadcast %squeeze3A_1879 : f32 to vector<16xf32>
      %mul3A_1886 = arith.mulf %get3A_1884, %mul3A_1885 : vector<16xf32>
      %swap3A_1887 = arith.constant 61 : i32
      %swap3A_1888 = arith.index_cast %swap3A_1887 : i32 to index
      %swap3A_1889 = arith.constant 0 : index
      %swap3A_1890 = tpu.vector_load %arg11[%swap3A_1888, %swap3A_1889] {strides = array<i32>} : memref<128x32xf32, #tpu.memory_space<vmem>>, vector<1x16xf32>,
      %swap3A_1891 = vector.shape_cast %swap3A_1890 : vector<1x16xf32> to vector<16xf32>
      %swap3A_1892 = vector.shape_cast %mul3A_1886 : vector<16xf32> to vector<1x16xf32>
      tpu.vector_store %arg11[%swap3A_1888, %swap3A_1889], %swap3A_1892 {strides = array<i32>} : memref<128x32xf32, #tpu.memory_space<vmem>>, vector<1x16xf32>,
      %get3A_1893 = arith.constant 61 : i32
      %get3A_1894 = arith.index_cast %get3A_1893 : i32 to index
      %get3A_1895 = arith.constant 16 : index
      %get3A_1896 = tpu.vector_load %arg11[%get3A_1894, %get3A_1895] {strides = array<i32>} : memref<128x32xf32, #tpu.memory_space<vmem>>, vector<1x16xf32>,
      %get3A_1897 = vector.shape_cast %get3A_1896 : vector<1x16xf32> to vector<16xf32>
      %mul3A_1898 = vector.broadcast %squeeze3A_1879 : f32 to vector<16xf32>
      %mul3A_1899 = arith.mulf %get3A_1897, %mul3A_1898 : vector<16xf32>
      %swap3A_1900 = arith.constant 61 : i32
      %swap3A_1901 = arith.index_cast %swap3A_1900 : i32 to index
      %swap3A_1902 = arith.constant 16 : index
      %swap3A_1903 = tpu.vector_load %arg11[%swap3A_1901, %swap3A_1902] {strides = array<i32>} : memref<128x32xf32, #tpu.memory_space<vmem>>, vector<1x16xf32>,
      %swap3A_1904 = vector.shape_cast %swap3A_1903 : vector<1x16xf32> to vector<16xf32>
      %swap3A_1905 = vector.shape_cast %mul3A_1899 : vector<16xf32> to vector<1x16xf32>
      tpu.vector_store %arg11[%swap3A_1901, %swap3A_1902], %swap3A_1905 {strides = array<i32>} : memref<128x32xf32, #tpu.memory_space<vmem>>, vector<1x16xf32>,
      %slice3A_1906 = vector.extract_strided_slice %get3A_1513 {offsets = [14], sizes = [1], strides = [1]} : vector<16xf32> to vector<1xf32>
      %squeeze3A_1907 = vector.extract %slice3A_1906[0] : f32 from vector<1xf32>
      %get3A_1908 = arith.constant 62 : i32
      %get3A_1909 = arith.index_cast %get3A_1908 : i32 to index
      %get3A_1910 = arith.constant 0 : index
      %get3A_1911 = tpu.vector_load %arg11[%get3A_1909, %get3A_1910] {strides = array<i32>} : memref<128x32xf32, #tpu.memory_space<vmem>>, vector<1x16xf32>,
      %get3A_1912 = vector.shape_cast %get3A_1911 : vector<1x16xf32> to vector<16xf32>
      %mul3A_1913 = vector.broadcast %squeeze3A_1907 : f32 to vector<16xf32>
      %mul3A_1914 = arith.mulf %get3A_1912, %mul3A_1913 : vector<16xf32>
      %swap3A_1915 = arith.constant 62 : i32
      %swap3A_1916 = arith.index_cast %swap3A_1915 : i32 to index
      %swap3A_1917 = arith.constant 0 : index
      %swap3A_1918 = tpu.vector_load %arg11[%swap3A_1916, %swap3A_1917] {strides = array<i32>} : memref<128x32xf32, #tpu.memory_space<vmem>>, vector<1x16xf32>,
      %swap3A_1919 = vector.shape_cast %swap3A_1918 : vector<1x16xf32> to vector<16xf32>
      %swap3A_1920 = vector.shape_cast %mul3A_1914 : vector<16xf32> to vector<1x16xf32>
      tpu.vector_store %arg11[%swap3A_1916, %swap3A_1917], %swap3A_1920 {strides = array<i32>} : memref<128x32xf32, #tpu.memory_space<vmem>>, vector<1x16xf32>,
      %get3A_1921 = arith.constant 62 : i32
      %get3A_1922 = arith.index_cast %get3A_1921 : i32 to index
      %get3A_1923 = arith.constant 16 : index
      %get3A_1924 = tpu.vector_load %arg11[%get3A_1922, %get3A_1923] {strides = array<i32>} : memref<128x32xf32, #tpu.memory_space<vmem>>, vector<1x16xf32>,
      %get3A_1925 = vector.shape_cast %get3A_1924 : vector<1x16xf32> to vector<16xf32>
      %mul3A_1926 = vector.broadcast %squeeze3A_1907 : f32 to vector<16xf32>
      %mul3A_1927 = arith.mulf %get3A_1925, %mul3A_1926 : vector<16xf32>
      %swap3A_1928 = arith.constant 62 : i32
      %swap3A_1929 = arith.index_cast %swap3A_1928 : i32 to index
      %swap3A_1930 = arith.constant 16 : index
      %swap3A_1931 = tpu.vector_load %arg11[%swap3A_1929, %swap3A_1930] {strides = array<i32>} : memref<128x32xf32, #tpu.memory_space<vmem>>, vector<1x16xf32>,
      %swap3A_1932 = vector.shape_cast %swap3A_1931 : vector<1x16xf32> to vector<16xf32>
      %swap3A_1933 = vector.shape_cast %mul3A_1927 : vector<16xf32> to vector<1x16xf32>
      tpu.vector_store %arg11[%swap3A_1929, %swap3A_1930], %swap3A_1933 {strides = array<i32>} : memref<128x32xf32, #tpu.memory_space<vmem>>, vector<1x16xf32>,
      %slice3A_1934 = vector.extract_strided_slice %get3A_1513 {offsets = [15], sizes = [1], strides = [1]} : vector<16xf32> to vector<1xf32>
      %squeeze3A_1935 = vector.extract %slice3A_1934[0] : f32 from vector<1xf32>
      %get3A_1936 = arith.constant 63 : i32
      %get3A_1937 = arith.index_cast %get3A_1936 : i32 to index
      %get3A_1938 = arith.constant 0 : index
      %get3A_1939 = tpu.vector_load %arg11[%get3A_1937, %get3A_1938] {strides = array<i32>} : memref<128x32xf32, #tpu.memory_space<vmem>>, vector<1x16xf32>,
      %get3A_1940 = vector.shape_cast %get3A_1939 : vector<1x16xf32> to vector<16xf32>
      %mul3A_1941 = vector.broadcast %squeeze3A_1935 : f32 to vector<16xf32>
      %mul3A_1942 = arith.mulf %get3A_1940, %mul3A_1941 : vector<16xf32>
      %swap3A_1943 = arith.constant 63 : i32
      %swap3A_1944 = arith.index_cast %swap3A_1943 : i32 to index
      %swap3A_1945 = arith.constant 0 : index
      %swap3A_1946 = tpu.vector_load %arg11[%swap3A_1944, %swap3A_1945] {strides = array<i32>} : memref<128x32xf32, #tpu.memory_space<vmem>>, vector<1x16xf32>,
      %swap3A_1947 = vector.shape_cast %swap3A_1946 : vector<1x16xf32> to vector<16xf32>
      %swap3A_1948 = vector.shape_cast %mul3A_1942 : vector<16xf32> to vector<1x16xf32>
      tpu.vector_store %arg11[%swap3A_1944, %swap3A_1945], %swap3A_1948 {strides = array<i32>} : memref<128x32xf32, #tpu.memory_space<vmem>>, vector<1x16xf32>,
      %get3A_1949 = arith.constant 63 : i32
      %get3A_1950 = arith.index_cast %get3A_1949 : i32 to index
      %get3A_1951 = arith.constant 16 : index
      %get3A_1952 = tpu.vector_load %arg11[%get3A_1950, %get3A_1951] {strides = array<i32>} : memref<128x32xf32, #tpu.memory_space<vmem>>, vector<1x16xf32>,
      %get3A_1953 = vector.shape_cast %get3A_1952 : vector<1x16xf32> to vector<16xf32>
      %mul3A_1954 = vector.broadcast %squeeze3A_1935 : f32 to vector<16xf32>
      %mul3A_1955 = arith.mulf %get3A_1953, %mul3A_1954 : vector<16xf32>
      %swap3A_1956 = arith.constant 63 : i32
      %swap3A_1957 = arith.index_cast %swap3A_1956 : i32 to index
      %swap3A_1958 = arith.constant 16 : index
      %swap3A_1959 = tpu.vector_load %arg11[%swap3A_1957, %swap3A_1958] {strides = array<i32>} : memref<128x32xf32, #tpu.memory_space<vmem>>, vector<1x16xf32>,
      %swap3A_1960 = vector.shape_cast %swap3A_1959 : vector<1x16xf32> to vector<16xf32>
      %swap3A_1961 = vector.shape_cast %mul3A_1955 : vector<16xf32> to vector<1x16xf32>
      tpu.vector_store %arg11[%swap3A_1957, %swap3A_1958], %swap3A_1961 {strides = array<i32>} : memref<128x32xf32, #tpu.memory_space<vmem>>, vector<1x16xf32>,
      %get3A_1962 = arith.constant 64 : index
      %get3A_1963 = tpu.vector_load %arg10[%get3A_1962] {strides = array<i32>} : memref<128xf32, #tpu.memory_space<vmem>>, vector<16xf32>,
      %get3A_1964 = vector.shape_cast %get3A_1963 : vector<16xf32> to vector<16xf32>
      %slice3A_1965 = vector.extract_strided_slice %get3A_1964 {offsets = [0], sizes = [1], strides = [1]} : vector<16xf32> to vector<1xf32>
      %squeeze3A_1966 = vector.extract %slice3A_1965[0] : f32 from vector<1xf32>
      %get3A_1967 = arith.constant 64 : i32
      %get3A_1968 = arith.index_cast %get3A_1967 : i32 to index
      %get3A_1969 = arith.constant 0 : index
      %get3A_1970 = tpu.vector_load %arg11[%get3A_1968, %get3A_1969] {strides = array<i32>} : memref<128x32xf32, #tpu.memory_space<vmem>>, vector<1x16xf32>,
      %get3A_1971 = vector.shape_cast %get3A_1970 : vector<1x16xf32> to vector<16xf32>
      %mul3A_1972 = vector.broadcast %squeeze3A_1966 : f32 to vector<16xf32>
      %mul3A_1973 = arith.mulf %get3A_1971, %mul3A_1972 : vector<16xf32>
      %swap3A_1974 = arith.constant 64 : i32
      %swap3A_1975 = arith.index_cast %swap3A_1974 : i32 to index
      %swap3A_1976 = arith.constant 0 : index
      %swap3A_1977 = tpu.vector_load %arg11[%swap3A_1975, %swap3A_1976] {strides = array<i32>} : memref<128x32xf32, #tpu.memory_space<vmem>>, vector<1x16xf32>,
      %swap3A_1978 = vector.shape_cast %swap3A_1977 : vector<1x16xf32> to vector<16xf32>
      %swap3A_1979 = vector.shape_cast %mul3A_1973 : vector<16xf32> to vector<1x16xf32>
      tpu.vector_store %arg11[%swap3A_1975, %swap3A_1976], %swap3A_1979 {strides = array<i32>} : memref<128x32xf32, #tpu.memory_space<vmem>>, vector<1x16xf32>,
      %get3A_1980 = arith.constant 64 : i32
      %get3A_1981 = arith.index_cast %get3A_1980 : i32 to index
      %get3A_1982 = arith.constant 16 : index
      %get3A_1983 = tpu.vector_load %arg11[%get3A_1981, %get3A_1982] {strides = array<i32>} : memref<128x32xf32, #tpu.memory_space<vmem>>, vector<1x16xf32>,
      %get3A_1984 = vector.shape_cast %get3A_1983 : vector<1x16xf32> to vector<16xf32>
      %mul3A_1985 = vector.broadcast %squeeze3A_1966 : f32 to vector<16xf32>
      %mul3A_1986 = arith.mulf %get3A_1984, %mul3A_1985 : vector<16xf32>
      %swap3A_1987 = arith.constant 64 : i32
      %swap3A_1988 = arith.index_cast %swap3A_1987 : i32 to index
      %swap3A_1989 = arith.constant 16 : index
      %swap3A_1990 = tpu.vector_load %arg11[%swap3A_1988, %swap3A_1989] {strides = array<i32>} : memref<128x32xf32, #tpu.memory_space<vmem>>, vector<1x16xf32>,
      %swap3A_1991 = vector.shape_cast %swap3A_1990 : vector<1x16xf32> to vector<16xf32>
      %swap3A_1992 = vector.shape_cast %mul3A_1986 : vector<16xf32> to vector<1x16xf32>
      tpu.vector_store %arg11[%swap3A_1988, %swap3A_1989], %swap3A_1992 {strides = array<i32>} : memref<128x32xf32, #tpu.memory_space<vmem>>, vector<1x16xf32>,
      %slice3A_1993 = vector.extract_strided_slice %get3A_1964 {offsets = [1], sizes = [1], strides = [1]} : vector<16xf32> to vector<1xf32>
      %squeeze3A_1994 = vector.extract %slice3A_1993[0] : f32 from vector<1xf32>
      %get3A_1995 = arith.constant 65 : i32
      %get3A_1996 = arith.index_cast %get3A_1995 : i32 to index
      %get3A_1997 = arith.constant 0 : index
      %get3A_1998 = tpu.vector_load %arg11[%get3A_1996, %get3A_1997] {strides = array<i32>} : memref<128x32xf32, #tpu.memory_space<vmem>>, vector<1x16xf32>,
      %get3A_1999 = vector.shape_cast %get3A_1998 : vector<1x16xf32> to vector<16xf32>
      %mul3A_2000 = vector.broadcast %squeeze3A_1994 : f32 to vector<16xf32>
      %mul3A_2001 = arith.mulf %get3A_1999, %mul3A_2000 : vector<16xf32>
      %swap3A_2002 = arith.constant 65 : i32
      %swap3A_2003 = arith.index_cast %swap3A_2002 : i32 to index
      %swap3A_2004 = arith.constant 0 : index
      %swap3A_2005 = tpu.vector_load %arg11[%swap3A_2003, %swap3A_2004] {strides = array<i32>} : memref<128x32xf32, #tpu.memory_space<vmem>>, vector<1x16xf32>,
      %swap3A_2006 = vector.shape_cast %swap3A_2005 : vector<1x16xf32> to vector<16xf32>
      %swap3A_2007 = vector.shape_cast %mul3A_2001 : vector<16xf32> to vector<1x16xf32>
      tpu.vector_store %arg11[%swap3A_2003, %swap3A_2004], %swap3A_2007 {strides = array<i32>} : memref<128x32xf32, #tpu.memory_space<vmem>>, vector<1x16xf32>,
      %get3A_2008 = arith.constant 65 : i32
      %get3A_2009 = arith.index_cast %get3A_2008 : i32 to index
      %get3A_2010 = arith.constant 16 : index
      %get3A_2011 = tpu.vector_load %arg11[%get3A_2009, %get3A_2010] {strides = array<i32>} : memref<128x32xf32, #tpu.memory_space<vmem>>, vector<1x16xf32>,
      %get3A_2012 = vector.shape_cast %get3A_2011 : vector<1x16xf32> to vector<16xf32>
      %mul3A_2013 = vector.broadcast %squeeze3A_1994 : f32 to vector<16xf32>
      %mul3A_2014 = arith.mulf %get3A_2012, %mul3A_2013 : vector<16xf32>
      %swap3A_2015 = arith.constant 65 : i32
      %swap3A_2016 = arith.index_cast %swap3A_2015 : i32 to index
      %swap3A_2017 = arith.constant 16 : index
      %swap3A_2018 = tpu.vector_load %arg11[%swap3A_2016, %swap3A_2017] {strides = array<i32>} : memref<128x32xf32, #tpu.memory_space<vmem>>, vector<1x16xf32>,
      %swap3A_2019 = vector.shape_cast %swap3A_2018 : vector<1x16xf32> to vector<16xf32>
      %swap3A_2020 = vector.shape_cast %mul3A_2014 : vector<16xf32> to vector<1x16xf32>
      tpu.vector_store %arg11[%swap3A_2016, %swap3A_2017], %swap3A_2020 {strides = array<i32>} : memref<128x32xf32, #tpu.memory_space<vmem>>, vector<1x16xf32>,
      %slice3A_2021 = vector.extract_strided_slice %get3A_1964 {offsets = [2], sizes = [1], strides = [1]} : vector<16xf32> to vector<1xf32>
      %squeeze3A_2022 = vector.extract %slice3A_2021[0] : f32 from vector<1xf32>
      %get3A_2023 = arith.constant 66 : i32
      %get3A_2024 = arith.index_cast %get3A_2023 : i32 to index
      %get3A_2025 = arith.constant 0 : index
      %get3A_2026 = tpu.vector_load %arg11[%get3A_2024, %get3A_2025] {strides = array<i32>} : memref<128x32xf32, #tpu.memory_space<vmem>>, vector<1x16xf32>,
      %get3A_2027 = vector.shape_cast %get3A_2026 : vector<1x16xf32> to vector<16xf32>
      %mul3A_2028 = vector.broadcast %squeeze3A_2022 : f32 to vector<16xf32>
      %mul3A_2029 = arith.mulf %get3A_2027, %mul3A_2028 : vector<16xf32>
      %swap3A_2030 = arith.constant 66 : i32
      %swap3A_2031 = arith.index_cast %swap3A_2030 : i32 to index
      %swap3A_2032 = arith.constant 0 : index
      %swap3A_2033 = tpu.vector_load %arg11[%swap3A_2031, %swap3A_2032] {strides = array<i32>} : memref<128x32xf32, #tpu.memory_space<vmem>>, vector<1x16xf32>,
      %swap3A_2034 = vector.shape_cast %swap3A_2033 : vector<1x16xf32> to vector<16xf32>
      %swap3A_2035 = vector.shape_cast %mul3A_2029 : vector<16xf32> to vector<1x16xf32>
      tpu.vector_store %arg11[%swap3A_2031, %swap3A_2032], %swap3A_2035 {strides = array<i32>} : memref<128x32xf32, #tpu.memory_space<vmem>>, vector<1x16xf32>,
      %get3A_2036 = arith.constant 66 : i32
      %get3A_2037 = arith.index_cast %get3A_2036 : i32 to index
      %get3A_2038 = arith.constant 16 : index
      %get3A_2039 = tpu.vector_load %arg11[%get3A_2037, %get3A_2038] {strides = array<i32>} : memref<128x32xf32, #tpu.memory_space<vmem>>, vector<1x16xf32>,
      %get3A_2040 = vector.shape_cast %get3A_2039 : vector<1x16xf32> to vector<16xf32>
      %mul3A_2041 = vector.broadcast %squeeze3A_2022 : f32 to vector<16xf32>
      %mul3A_2042 = arith.mulf %get3A_2040, %mul3A_2041 : vector<16xf32>
      %swap3A_2043 = arith.constant 66 : i32
      %swap3A_2044 = arith.index_cast %swap3A_2043 : i32 to index
      %swap3A_2045 = arith.constant 16 : index
      %swap3A_2046 = tpu.vector_load %arg11[%swap3A_2044, %swap3A_2045] {strides = array<i32>} : memref<128x32xf32, #tpu.memory_space<vmem>>, vector<1x16xf32>,
      %swap3A_2047 = vector.shape_cast %swap3A_2046 : vector<1x16xf32> to vector<16xf32>
      %swap3A_2048 = vector.shape_cast %mul3A_2042 : vector<16xf32> to vector<1x16xf32>
      tpu.vector_store %arg11[%swap3A_2044, %swap3A_2045], %swap3A_2048 {strides = array<i32>} : memref<128x32xf32, #tpu.memory_space<vmem>>, vector<1x16xf32>,
      %slice3A_2049 = vector.extract_strided_slice %get3A_1964 {offsets = [3], sizes = [1], strides = [1]} : vector<16xf32> to vector<1xf32>
      %squeeze3A_2050 = vector.extract %slice3A_2049[0] : f32 from vector<1xf32>
      %get3A_2051 = arith.constant 67 : i32
      %get3A_2052 = arith.index_cast %get3A_2051 : i32 to index
      %get3A_2053 = arith.constant 0 : index
      %get3A_2054 = tpu.vector_load %arg11[%get3A_2052, %get3A_2053] {strides = array<i32>} : memref<128x32xf32, #tpu.memory_space<vmem>>, vector<1x16xf32>,
      %get3A_2055 = vector.shape_cast %get3A_2054 : vector<1x16xf32> to vector<16xf32>
      %mul3A_2056 = vector.broadcast %squeeze3A_2050 : f32 to vector<16xf32>
      %mul3A_2057 = arith.mulf %get3A_2055, %mul3A_2056 : vector<16xf32>
      %swap3A_2058 = arith.constant 67 : i32
      %swap3A_2059 = arith.index_cast %swap3A_2058 : i32 to index
      %swap3A_2060 = arith.constant 0 : index
      %swap3A_2061 = tpu.vector_load %arg11[%swap3A_2059, %swap3A_2060] {strides = array<i32>} : memref<128x32xf32, #tpu.memory_space<vmem>>, vector<1x16xf32>,
      %swap3A_2062 = vector.shape_cast %swap3A_2061 : vector<1x16xf32> to vector<16xf32>
      %swap3A_2063 = vector.shape_cast %mul3A_2057 : vector<16xf32> to vector<1x16xf32>
      tpu.vector_store %arg11[%swap3A_2059, %swap3A_2060], %swap3A_2063 {strides = array<i32>} : memref<128x32xf32, #tpu.memory_space<vmem>>, vector<1x16xf32>,
      %get3A_2064 = arith.constant 67 : i32
      %get3A_2065 = arith.index_cast %get3A_2064 : i32 to index
      %get3A_2066 = arith.constant 16 : index
      %get3A_2067 = tpu.vector_load %arg11[%get3A_2065, %get3A_2066] {strides = array<i32>} : memref<128x32xf32, #tpu.memory_space<vmem>>, vector<1x16xf32>,
      %get3A_2068 = vector.shape_cast %get3A_2067 : vector<1x16xf32> to vector<16xf32>
      %mul3A_2069 = vector.broadcast %squeeze3A_2050 : f32 to vector<16xf32>
      %mul3A_2070 = arith.mulf %get3A_2068, %mul3A_2069 : vector<16xf32>
      %swap3A_2071 = arith.constant 67 : i32
      %swap3A_2072 = arith.index_cast %swap3A_2071 : i32 to index
      %swap3A_2073 = arith.constant 16 : index
      %swap3A_2074 = tpu.vector_load %arg11[%swap3A_2072, %swap3A_2073] {strides = array<i32>} : memref<128x32xf32, #tpu.memory_space<vmem>>, vector<1x16xf32>,
      %swap3A_2075 = vector.shape_cast %swap3A_2074 : vector<1x16xf32> to vector<16xf32>
      %swap3A_2076 = vector.shape_cast %mul3A_2070 : vector<16xf32> to vector<1x16xf32>
      tpu.vector_store %arg11[%swap3A_2072, %swap3A_2073], %swap3A_2076 {strides = array<i32>} : memref<128x32xf32, #tpu.memory_space<vmem>>, vector<1x16xf32>,
      %slice3A_2077 = vector.extract_strided_slice %get3A_1964 {offsets = [4], sizes = [1], strides = [1]} : vector<16xf32> to vector<1xf32>
      %squeeze3A_2078 = vector.extract %slice3A_2077[0] : f32 from vector<1xf32>
      %get3A_2079 = arith.constant 68 : i32
      %get3A_2080 = arith.index_cast %get3A_2079 : i32 to index
      %get3A_2081 = arith.constant 0 : index
      %get3A_2082 = tpu.vector_load %arg11[%get3A_2080, %get3A_2081] {strides = array<i32>} : memref<128x32xf32, #tpu.memory_space<vmem>>, vector<1x16xf32>,
      %get3A_2083 = vector.shape_cast %get3A_2082 : vector<1x16xf32> to vector<16xf32>
      %mul3A_2084 = vector.broadcast %squeeze3A_2078 : f32 to vector<16xf32>
      %mul3A_2085 = arith.mulf %get3A_2083, %mul3A_2084 : vector<16xf32>
      %swap3A_2086 = arith.constant 68 : i32
      %swap3A_2087 = arith.index_cast %swap3A_2086 : i32 to index
      %swap3A_2088 = arith.constant 0 : index
      %swap3A_2089 = tpu.vector_load %arg11[%swap3A_2087, %swap3A_2088] {strides = array<i32>} : memref<128x32xf32, #tpu.memory_space<vmem>>, vector<1x16xf32>,
      %swap3A_2090 = vector.shape_cast %swap3A_2089 : vector<1x16xf32> to vector<16xf32>
      %swap3A_2091 = vector.shape_cast %mul3A_2085 : vector<16xf32> to vector<1x16xf32>
      tpu.vector_store %arg11[%swap3A_2087, %swap3A_2088], %swap3A_2091 {strides = array<i32>} : memref<128x32xf32, #tpu.memory_space<vmem>>, vector<1x16xf32>,
      %get3A_2092 = arith.constant 68 : i32
      %get3A_2093 = arith.index_cast %get3A_2092 : i32 to index
      %get3A_2094 = arith.constant 16 : index
      %get3A_2095 = tpu.vector_load %arg11[%get3A_2093, %get3A_2094] {strides = array<i32>} : memref<128x32xf32, #tpu.memory_space<vmem>>, vector<1x16xf32>,
      %get3A_2096 = vector.shape_cast %get3A_2095 : vector<1x16xf32> to vector<16xf32>
      %mul3A_2097 = vector.broadcast %squeeze3A_2078 : f32 to vector<16xf32>
      %mul3A_2098 = arith.mulf %get3A_2096, %mul3A_2097 : vector<16xf32>
      %swap3A_2099 = arith.constant 68 : i32
      %swap3A_2100 = arith.index_cast %swap3A_2099 : i32 to index
      %swap3A_2101 = arith.constant 16 : index
      %swap3A_2102 = tpu.vector_load %arg11[%swap3A_2100, %swap3A_2101] {strides = array<i32>} : memref<128x32xf32, #tpu.memory_space<vmem>>, vector<1x16xf32>,
      %swap3A_2103 = vector.shape_cast %swap3A_2102 : vector<1x16xf32> to vector<16xf32>
      %swap3A_2104 = vector.shape_cast %mul3A_2098 : vector<16xf32> to vector<1x16xf32>
      tpu.vector_store %arg11[%swap3A_2100, %swap3A_2101], %swap3A_2104 {strides = array<i32>} : memref<128x32xf32, #tpu.memory_space<vmem>>, vector<1x16xf32>,
      %slice3A_2105 = vector.extract_strided_slice %get3A_1964 {offsets = [5], sizes = [1], strides = [1]} : vector<16xf32> to vector<1xf32>
      %squeeze3A_2106 = vector.extract %slice3A_2105[0] : f32 from vector<1xf32>
      %get3A_2107 = arith.constant 69 : i32
      %get3A_2108 = arith.index_cast %get3A_2107 : i32 to index
      %get3A_2109 = arith.constant 0 : index
      %get3A_2110 = tpu.vector_load %arg11[%get3A_2108, %get3A_2109] {strides = array<i32>} : memref<128x32xf32, #tpu.memory_space<vmem>>, vector<1x16xf32>,
      %get3A_2111 = vector.shape_cast %get3A_2110 : vector<1x16xf32> to vector<16xf32>
      %mul3A_2112 = vector.broadcast %squeeze3A_2106 : f32 to vector<16xf32>
      %mul3A_2113 = arith.mulf %get3A_2111, %mul3A_2112 : vector<16xf32>
      %swap3A_2114 = arith.constant 69 : i32
      %swap3A_2115 = arith.index_cast %swap3A_2114 : i32 to index
      %swap3A_2116 = arith.constant 0 : index
      %swap3A_2117 = tpu.vector_load %arg11[%swap3A_2115, %swap3A_2116] {strides = array<i32>} : memref<128x32xf32, #tpu.memory_space<vmem>>, vector<1x16xf32>,
      %swap3A_2118 = vector.shape_cast %swap3A_2117 : vector<1x16xf32> to vector<16xf32>
      %swap3A_2119 = vector.shape_cast %mul3A_2113 : vector<16xf32> to vector<1x16xf32>
      tpu.vector_store %arg11[%swap3A_2115, %swap3A_2116], %swap3A_2119 {strides = array<i32>} : memref<128x32xf32, #tpu.memory_space<vmem>>, vector<1x16xf32>,
      %get3A_2120 = arith.constant 69 : i32
      %get3A_2121 = arith.index_cast %get3A_2120 : i32 to index
      %get3A_2122 = arith.constant 16 : index
      %get3A_2123 = tpu.vector_load %arg11[%get3A_2121, %get3A_2122] {strides = array<i32>} : memref<128x32xf32, #tpu.memory_space<vmem>>, vector<1x16xf32>,
      %get3A_2124 = vector.shape_cast %get3A_2123 : vector<1x16xf32> to vector<16xf32>
      %mul3A_2125 = vector.broadcast %squeeze3A_2106 : f32 to vector<16xf32>
      %mul3A_2126 = arith.mulf %get3A_2124, %mul3A_2125 : vector<16xf32>
      %swap3A_2127 = arith.constant 69 : i32
      %swap3A_2128 = arith.index_cast %swap3A_2127 : i32 to index
      %swap3A_2129 = arith.constant 16 : index
      %swap3A_2130 = tpu.vector_load %arg11[%swap3A_2128, %swap3A_2129] {strides = array<i32>} : memref<128x32xf32, #tpu.memory_space<vmem>>, vector<1x16xf32>,
      %swap3A_2131 = vector.shape_cast %swap3A_2130 : vector<1x16xf32> to vector<16xf32>
      %swap3A_2132 = vector.shape_cast %mul3A_2126 : vector<16xf32> to vector<1x16xf32>
      tpu.vector_store %arg11[%swap3A_2128, %swap3A_2129], %swap3A_2132 {strides = array<i32>} : memref<128x32xf32, #tpu.memory_space<vmem>>, vector<1x16xf32>,
      %slice3A_2133 = vector.extract_strided_slice %get3A_1964 {offsets = [6], sizes = [1], strides = [1]} : vector<16xf32> to vector<1xf32>
      %squeeze3A_2134 = vector.extract %slice3A_2133[0] : f32 from vector<1xf32>
      %get3A_2135 = arith.constant 70 : i32
      %get3A_2136 = arith.index_cast %get3A_2135 : i32 to index
      %get3A_2137 = arith.constant 0 : index
      %get3A_2138 = tpu.vector_load %arg11[%get3A_2136, %get3A_2137] {strides = array<i32>} : memref<128x32xf32, #tpu.memory_space<vmem>>, vector<1x16xf32>,
      %get3A_2139 = vector.shape_cast %get3A_2138 : vector<1x16xf32> to vector<16xf32>
      %mul3A_2140 = vector.broadcast %squeeze3A_2134 : f32 to vector<16xf32>
      %mul3A_2141 = arith.mulf %get3A_2139, %mul3A_2140 : vector<16xf32>
      %swap3A_2142 = arith.constant 70 : i32
      %swap3A_2143 = arith.index_cast %swap3A_2142 : i32 to index
      %swap3A_2144 = arith.constant 0 : index
      %swap3A_2145 = tpu.vector_load %arg11[%swap3A_2143, %swap3A_2144] {strides = array<i32>} : memref<128x32xf32, #tpu.memory_space<vmem>>, vector<1x16xf32>,
      %swap3A_2146 = vector.shape_cast %swap3A_2145 : vector<1x16xf32> to vector<16xf32>
      %swap3A_2147 = vector.shape_cast %mul3A_2141 : vector<16xf32> to vector<1x16xf32>
      tpu.vector_store %arg11[%swap3A_2143, %swap3A_2144], %swap3A_2147 {strides = array<i32>} : memref<128x32xf32, #tpu.memory_space<vmem>>, vector<1x16xf32>,
      %get3A_2148 = arith.constant 70 : i32
      %get3A_2149 = arith.index_cast %get3A_2148 : i32 to index
      %get3A_2150 = arith.constant 16 : index
      %get3A_2151 = tpu.vector_load %arg11[%get3A_2149, %get3A_2150] {strides = array<i32>} : memref<128x32xf32, #tpu.memory_space<vmem>>, vector<1x16xf32>,
      %get3A_2152 = vector.shape_cast %get3A_2151 : vector<1x16xf32> to vector<16xf32>
      %mul3A_2153 = vector.broadcast %squeeze3A_2134 : f32 to vector<16xf32>
      %mul3A_2154 = arith.mulf %get3A_2152, %mul3A_2153 : vector<16xf32>
      %swap3A_2155 = arith.constant 70 : i32
      %swap3A_2156 = arith.index_cast %swap3A_2155 : i32 to index
      %swap3A_2157 = arith.constant 16 : index
      %swap3A_2158 = tpu.vector_load %arg11[%swap3A_2156, %swap3A_2157] {strides = array<i32>} : memref<128x32xf32, #tpu.memory_space<vmem>>, vector<1x16xf32>,
      %swap3A_2159 = vector.shape_cast %swap3A_2158 : vector<1x16xf32> to vector<16xf32>
      %swap3A_2160 = vector.shape_cast %mul3A_2154 : vector<16xf32> to vector<1x16xf32>
      tpu.vector_store %arg11[%swap3A_2156, %swap3A_2157], %swap3A_2160 {strides = array<i32>} : memref<128x32xf32, #tpu.memory_space<vmem>>, vector<1x16xf32>,
      %slice3A_2161 = vector.extract_strided_slice %get3A_1964 {offsets = [7], sizes = [1], strides = [1]} : vector<16xf32> to vector<1xf32>
      %squeeze3A_2162 = vector.extract %slice3A_2161[0] : f32 from vector<1xf32>
      %get3A_2163 = arith.constant 71 : i32
      %get3A_2164 = arith.index_cast %get3A_2163 : i32 to index
      %get3A_2165 = arith.constant 0 : index
      %get3A_2166 = tpu.vector_load %arg11[%get3A_2164, %get3A_2165] {strides = array<i32>} : memref<128x32xf32, #tpu.memory_space<vmem>>, vector<1x16xf32>,
      %get3A_2167 = vector.shape_cast %get3A_2166 : vector<1x16xf32> to vector<16xf32>
      %mul3A_2168 = vector.broadcast %squeeze3A_2162 : f32 to vector<16xf32>
      %mul3A_2169 = arith.mulf %get3A_2167, %mul3A_2168 : vector<16xf32>
      %swap3A_2170 = arith.constant 71 : i32
      %swap3A_2171 = arith.index_cast %swap3A_2170 : i32 to index
      %swap3A_2172 = arith.constant 0 : index
      %swap3A_2173 = tpu.vector_load %arg11[%swap3A_2171, %swap3A_2172] {strides = array<i32>} : memref<128x32xf32, #tpu.memory_space<vmem>>, vector<1x16xf32>,
      %swap3A_2174 = vector.shape_cast %swap3A_2173 : vector<1x16xf32> to vector<16xf32>
      %swap3A_2175 = vector.shape_cast %mul3A_2169 : vector<16xf32> to vector<1x16xf32>
      tpu.vector_store %arg11[%swap3A_2171, %swap3A_2172], %swap3A_2175 {strides = array<i32>} : memref<128x32xf32, #tpu.memory_space<vmem>>, vector<1x16xf32>,
      %get3A_2176 = arith.constant 71 : i32
      %get3A_2177 = arith.index_cast %get3A_2176 : i32 to index
      %get3A_2178 = arith.constant 16 : index
      %get3A_2179 = tpu.vector_load %arg11[%get3A_2177, %get3A_2178] {strides = array<i32>} : memref<128x32xf32, #tpu.memory_space<vmem>>, vector<1x16xf32>,
      %get3A_2180 = vector.shape_cast %get3A_2179 : vector<1x16xf32> to vector<16xf32>
      %mul3A_2181 = vector.broadcast %squeeze3A_2162 : f32 to vector<16xf32>
      %mul3A_2182 = arith.mulf %get3A_2180, %mul3A_2181 : vector<16xf32>
      %swap3A_2183 = arith.constant 71 : i32
      %swap3A_2184 = arith.index_cast %swap3A_2183 : i32 to index
      %swap3A_2185 = arith.constant 16 : index
      %swap3A_2186 = tpu.vector_load %arg11[%swap3A_2184, %swap3A_2185] {strides = array<i32>} : memref<128x32xf32, #tpu.memory_space<vmem>>, vector<1x16xf32>,
      %swap3A_2187 = vector.shape_cast %swap3A_2186 : vector<1x16xf32> to vector<16xf32>
      %swap3A_2188 = vector.shape_cast %mul3A_2182 : vector<16xf32> to vector<1x16xf32>
      tpu.vector_store %arg11[%swap3A_2184, %swap3A_2185], %swap3A_2188 {strides = array<i32>} : memref<128x32xf32, #tpu.memory_space<vmem>>, vector<1x16xf32>,
      %slice3A_2189 = vector.extract_strided_slice %get3A_1964 {offsets = [8], sizes = [1], strides = [1]} : vector<16xf32> to vector<1xf32>
      %squeeze3A_2190 = vector.extract %slice3A_2189[0] : f32 from vector<1xf32>
      %get3A_2191 = arith.constant 72 : i32
      %get3A_2192 = arith.index_cast %get3A_2191 : i32 to index
      %get3A_2193 = arith.constant 0 : index
      %get3A_2194 = tpu.vector_load %arg11[%get3A_2192, %get3A_2193] {strides = array<i32>} : memref<128x32xf32, #tpu.memory_space<vmem>>, vector<1x16xf32>,
      %get3A_2195 = vector.shape_cast %get3A_2194 : vector<1x16xf32> to vector<16xf32>
      %mul3A_2196 = vector.broadcast %squeeze3A_2190 : f32 to vector<16xf32>
      %mul3A_2197 = arith.mulf %get3A_2195, %mul3A_2196 : vector<16xf32>
      %swap3A_2198 = arith.constant 72 : i32
      %swap3A_2199 = arith.index_cast %swap3A_2198 : i32 to index
      %swap3A_2200 = arith.constant 0 : index
      %swap3A_2201 = tpu.vector_load %arg11[%swap3A_2199, %swap3A_2200] {strides = array<i32>} : memref<128x32xf32, #tpu.memory_space<vmem>>, vector<1x16xf32>,
      %swap3A_2202 = vector.shape_cast %swap3A_2201 : vector<1x16xf32> to vector<16xf32>
      %swap3A_2203 = vector.shape_cast %mul3A_2197 : vector<16xf32> to vector<1x16xf32>
      tpu.vector_store %arg11[%swap3A_2199, %swap3A_2200], %swap3A_2203 {strides = array<i32>} : memref<128x32xf32, #tpu.memory_space<vmem>>, vector<1x16xf32>,
      %get3A_2204 = arith.constant 72 : i32
      %get3A_2205 = arith.index_cast %get3A_2204 : i32 to index
      %get3A_2206 = arith.constant 16 : index
      %get3A_2207 = tpu.vector_load %arg11[%get3A_2205, %get3A_2206] {strides = array<i32>} : memref<128x32xf32, #tpu.memory_space<vmem>>, vector<1x16xf32>,
      %get3A_2208 = vector.shape_cast %get3A_2207 : vector<1x16xf32> to vector<16xf32>
      %mul3A_2209 = vector.broadcast %squeeze3A_2190 : f32 to vector<16xf32>
      %mul3A_2210 = arith.mulf %get3A_2208, %mul3A_2209 : vector<16xf32>
      %swap3A_2211 = arith.constant 72 : i32
      %swap3A_2212 = arith.index_cast %swap3A_2211 : i32 to index
      %swap3A_2213 = arith.constant 16 : index
      %swap3A_2214 = tpu.vector_load %arg11[%swap3A_2212, %swap3A_2213] {strides = array<i32>} : memref<128x32xf32, #tpu.memory_space<vmem>>, vector<1x16xf32>,
      %swap3A_2215 = vector.shape_cast %swap3A_2214 : vector<1x16xf32> to vector<16xf32>
      %swap3A_2216 = vector.shape_cast %mul3A_2210 : vector<16xf32> to vector<1x16xf32>
      tpu.vector_store %arg11[%swap3A_2212, %swap3A_2213], %swap3A_2216 {strides = array<i32>} : memref<128x32xf32, #tpu.memory_space<vmem>>, vector<1x16xf32>,
      %slice3A_2217 = vector.extract_strided_slice %get3A_1964 {offsets = [9], sizes = [1], strides = [1]} : vector<16xf32> to vector<1xf32>
      %squeeze3A_2218 = vector.extract %slice3A_2217[0] : f32 from vector<1xf32>
      %get3A_2219 = arith.constant 73 : i32
      %get3A_2220 = arith.index_cast %get3A_2219 : i32 to index
      %get3A_2221 = arith.constant 0 : index
      %get3A_2222 = tpu.vector_load %arg11[%get3A_2220, %get3A_2221] {strides = array<i32>} : memref<128x32xf32, #tpu.memory_space<vmem>>, vector<1x16xf32>,
      %get3A_2223 = vector.shape_cast %get3A_2222 : vector<1x16xf32> to vector<16xf32>
      %mul3A_2224 = vector.broadcast %squeeze3A_2218 : f32 to vector<16xf32>
      %mul3A_2225 = arith.mulf %get3A_2223, %mul3A_2224 : vector<16xf32>
      %swap3A_2226 = arith.constant 73 : i32
      %swap3A_2227 = arith.index_cast %swap3A_2226 : i32 to index
      %swap3A_2228 = arith.constant 0 : index
      %swap3A_2229 = tpu.vector_load %arg11[%swap3A_2227, %swap3A_2228] {strides = array<i32>} : memref<128x32xf32, #tpu.memory_space<vmem>>, vector<1x16xf32>,
      %swap3A_2230 = vector.shape_cast %swap3A_2229 : vector<1x16xf32> to vector<16xf32>
      %swap3A_2231 = vector.shape_cast %mul3A_2225 : vector<16xf32> to vector<1x16xf32>
      tpu.vector_store %arg11[%swap3A_2227, %swap3A_2228], %swap3A_2231 {strides = array<i32>} : memref<128x32xf32, #tpu.memory_space<vmem>>, vector<1x16xf32>,
      %get3A_2232 = arith.constant 73 : i32
      %get3A_2233 = arith.index_cast %get3A_2232 : i32 to index
      %get3A_2234 = arith.constant 16 : index
      %get3A_2235 = tpu.vector_load %arg11[%get3A_2233, %get3A_2234] {strides = array<i32>} : memref<128x32xf32, #tpu.memory_space<vmem>>, vector<1x16xf32>,
      %get3A_2236 = vector.shape_cast %get3A_2235 : vector<1x16xf32> to vector<16xf32>
      %mul3A_2237 = vector.broadcast %squeeze3A_2218 : f32 to vector<16xf32>
      %mul3A_2238 = arith.mulf %get3A_2236, %mul3A_2237 : vector<16xf32>
      %swap3A_2239 = arith.constant 73 : i32
      %swap3A_2240 = arith.index_cast %swap3A_2239 : i32 to index
      %swap3A_2241 = arith.constant 16 : index
      %swap3A_2242 = tpu.vector_load %arg11[%swap3A_2240, %swap3A_2241] {strides = array<i32>} : memref<128x32xf32, #tpu.memory_space<vmem>>, vector<1x16xf32>,
      %swap3A_2243 = vector.shape_cast %swap3A_2242 : vector<1x16xf32> to vector<16xf32>
      %swap3A_2244 = vector.shape_cast %mul3A_2238 : vector<16xf32> to vector<1x16xf32>
      tpu.vector_store %arg11[%swap3A_2240, %swap3A_2241], %swap3A_2244 {strides = array<i32>} : memref<128x32xf32, #tpu.memory_space<vmem>>, vector<1x16xf32>,
      %slice3A_2245 = vector.extract_strided_slice %get3A_1964 {offsets = [10], sizes = [1], strides = [1]} : vector<16xf32> to vector<1xf32>
      %squeeze3A_2246 = vector.extract %slice3A_2245[0] : f32 from vector<1xf32>
      %get3A_2247 = arith.constant 74 : i32
      %get3A_2248 = arith.index_cast %get3A_2247 : i32 to index
      %get3A_2249 = arith.constant 0 : index
      %get3A_2250 = tpu.vector_load %arg11[%get3A_2248, %get3A_2249] {strides = array<i32>} : memref<128x32xf32, #tpu.memory_space<vmem>>, vector<1x16xf32>,
      %get3A_2251 = vector.shape_cast %get3A_2250 : vector<1x16xf32> to vector<16xf32>
      %mul3A_2252 = vector.broadcast %squeeze3A_2246 : f32 to vector<16xf32>
      %mul3A_2253 = arith.mulf %get3A_2251, %mul3A_2252 : vector<16xf32>
      %swap3A_2254 = arith.constant 74 : i32
      %swap3A_2255 = arith.index_cast %swap3A_2254 : i32 to index
      %swap3A_2256 = arith.constant 0 : index
      %swap3A_2257 = tpu.vector_load %arg11[%swap3A_2255, %swap3A_2256] {strides = array<i32>} : memref<128x32xf32, #tpu.memory_space<vmem>>, vector<1x16xf32>,
      %swap3A_2258 = vector.shape_cast %swap3A_2257 : vector<1x16xf32> to vector<16xf32>
      %swap3A_2259 = vector.shape_cast %mul3A_2253 : vector<16xf32> to vector<1x16xf32>
      tpu.vector_store %arg11[%swap3A_2255, %swap3A_2256], %swap3A_2259 {strides = array<i32>} : memref<128x32xf32, #tpu.memory_space<vmem>>, vector<1x16xf32>,
      %get3A_2260 = arith.constant 74 : i32
      %get3A_2261 = arith.index_cast %get3A_2260 : i32 to index
      %get3A_2262 = arith.constant 16 : index
      %get3A_2263 = tpu.vector_load %arg11[%get3A_2261, %get3A_2262] {strides = array<i32>} : memref<128x32xf32, #tpu.memory_space<vmem>>, vector<1x16xf32>,
      %get3A_2264 = vector.shape_cast %get3A_2263 : vector<1x16xf32> to vector<16xf32>
      %mul3A_2265 = vector.broadcast %squeeze3A_2246 : f32 to vector<16xf32>
      %mul3A_2266 = arith.mulf %get3A_2264, %mul3A_2265 : vector<16xf32>
      %swap3A_2267 = arith.constant 74 : i32
      %swap3A_2268 = arith.index_cast %swap3A_2267 : i32 to index
      %swap3A_2269 = arith.constant 16 : index
      %swap3A_2270 = tpu.vector_load %arg11[%swap3A_2268, %swap3A_2269] {strides = array<i32>} : memref<128x32xf32, #tpu.memory_space<vmem>>, vector<1x16xf32>,
      %swap3A_2271 = vector.shape_cast %swap3A_2270 : vector<1x16xf32> to vector<16xf32>
      %swap3A_2272 = vector.shape_cast %mul3A_2266 : vector<16xf32> to vector<1x16xf32>
      tpu.vector_store %arg11[%swap3A_2268, %swap3A_2269], %swap3A_2272 {strides = array<i32>} : memref<128x32xf32, #tpu.memory_space<vmem>>, vector<1x16xf32>,
      %slice3A_2273 = vector.extract_strided_slice %get3A_1964 {offsets = [11], sizes = [1], strides = [1]} : vector<16xf32> to vector<1xf32>
      %squeeze3A_2274 = vector.extract %slice3A_2273[0] : f32 from vector<1xf32>
      %get3A_2275 = arith.constant 75 : i32
      %get3A_2276 = arith.index_cast %get3A_2275 : i32 to index
      %get3A_2277 = arith.constant 0 : index
      %get3A_2278 = tpu.vector_load %arg11[%get3A_2276, %get3A_2277] {strides = array<i32>} : memref<128x32xf32, #tpu.memory_space<vmem>>, vector<1x16xf32>,
      %get3A_2279 = vector.shape_cast %get3A_2278 : vector<1x16xf32> to vector<16xf32>
      %mul3A_2280 = vector.broadcast %squeeze3A_2274 : f32 to vector<16xf32>
      %mul3A_2281 = arith.mulf %get3A_2279, %mul3A_2280 : vector<16xf32>
      %swap3A_2282 = arith.constant 75 : i32
      %swap3A_2283 = arith.index_cast %swap3A_2282 : i32 to index
      %swap3A_2284 = arith.constant 0 : index
      %swap3A_2285 = tpu.vector_load %arg11[%swap3A_2283, %swap3A_2284] {strides = array<i32>} : memref<128x32xf32, #tpu.memory_space<vmem>>, vector<1x16xf32>,
      %swap3A_2286 = vector.shape_cast %swap3A_2285 : vector<1x16xf32> to vector<16xf32>
      %swap3A_2287 = vector.shape_cast %mul3A_2281 : vector<16xf32> to vector<1x16xf32>
      tpu.vector_store %arg11[%swap3A_2283, %swap3A_2284], %swap3A_2287 {strides = array<i32>} : memref<128x32xf32, #tpu.memory_space<vmem>>, vector<1x16xf32>,
      %get3A_2288 = arith.constant 75 : i32
      %get3A_2289 = arith.index_cast %get3A_2288 : i32 to index
      %get3A_2290 = arith.constant 16 : index
      %get3A_2291 = tpu.vector_load %arg11[%get3A_2289, %get3A_2290] {strides = array<i32>} : memref<128x32xf32, #tpu.memory_space<vmem>>, vector<1x16xf32>,
      %get3A_2292 = vector.shape_cast %get3A_2291 : vector<1x16xf32> to vector<16xf32>
      %mul3A_2293 = vector.broadcast %squeeze3A_2274 : f32 to vector<16xf32>
      %mul3A_2294 = arith.mulf %get3A_2292, %mul3A_2293 : vector<16xf32>
      %swap3A_2295 = arith.constant 75 : i32
      %swap3A_2296 = arith.index_cast %swap3A_2295 : i32 to index
      %swap3A_2297 = arith.constant 16 : index
      %swap3A_2298 = tpu.vector_load %arg11[%swap3A_2296, %swap3A_2297] {strides = array<i32>} : memref<128x32xf32, #tpu.memory_space<vmem>>, vector<1x16xf32>,
      %swap3A_2299 = vector.shape_cast %swap3A_2298 : vector<1x16xf32> to vector<16xf32>
      %swap3A_2300 = vector.shape_cast %mul3A_2294 : vector<16xf32> to vector<1x16xf32>
      tpu.vector_store %arg11[%swap3A_2296, %swap3A_2297], %swap3A_2300 {strides = array<i32>} : memref<128x32xf32, #tpu.memory_space<vmem>>, vector<1x16xf32>,
      %slice3A_2301 = vector.extract_strided_slice %get3A_1964 {offsets = [12], sizes = [1], strides = [1]} : vector<16xf32> to vector<1xf32>
      %squeeze3A_2302 = vector.extract %slice3A_2301[0] : f32 from vector<1xf32>
      %get3A_2303 = arith.constant 76 : i32
      %get3A_2304 = arith.index_cast %get3A_2303 : i32 to index
      %get3A_2305 = arith.constant 0 : index
      %get3A_2306 = tpu.vector_load %arg11[%get3A_2304, %get3A_2305] {strides = array<i32>} : memref<128x32xf32, #tpu.memory_space<vmem>>, vector<1x16xf32>,
      %get3A_2307 = vector.shape_cast %get3A_2306 : vector<1x16xf32> to vector<16xf32>
      %mul3A_2308 = vector.broadcast %squeeze3A_2302 : f32 to vector<16xf32>
      %mul3A_2309 = arith.mulf %get3A_2307, %mul3A_2308 : vector<16xf32>
      %swap3A_2310 = arith.constant 76 : i32
      %swap3A_2311 = arith.index_cast %swap3A_2310 : i32 to index
      %swap3A_2312 = arith.constant 0 : index
      %swap3A_2313 = tpu.vector_load %arg11[%swap3A_2311, %swap3A_2312] {strides = array<i32>} : memref<128x32xf32, #tpu.memory_space<vmem>>, vector<1x16xf32>,
      %swap3A_2314 = vector.shape_cast %swap3A_2313 : vector<1x16xf32> to vector<16xf32>
      %swap3A_2315 = vector.shape_cast %mul3A_2309 : vector<16xf32> to vector<1x16xf32>
      tpu.vector_store %arg11[%swap3A_2311, %swap3A_2312], %swap3A_2315 {strides = array<i32>} : memref<128x32xf32, #tpu.memory_space<vmem>>, vector<1x16xf32>,
      %get3A_2316 = arith.constant 76 : i32
      %get3A_2317 = arith.index_cast %get3A_2316 : i32 to index
      %get3A_2318 = arith.constant 16 : index
      %get3A_2319 = tpu.vector_load %arg11[%get3A_2317, %get3A_2318] {strides = array<i32>} : memref<128x32xf32, #tpu.memory_space<vmem>>, vector<1x16xf32>,
      %get3A_2320 = vector.shape_cast %get3A_2319 : vector<1x16xf32> to vector<16xf32>
      %mul3A_2321 = vector.broadcast %squeeze3A_2302 : f32 to vector<16xf32>
      %mul3A_2322 = arith.mulf %get3A_2320, %mul3A_2321 : vector<16xf32>
      %swap3A_2323 = arith.constant 76 : i32
      %swap3A_2324 = arith.index_cast %swap3A_2323 : i32 to index
      %swap3A_2325 = arith.constant 16 : index
      %swap3A_2326 = tpu.vector_load %arg11[%swap3A_2324, %swap3A_2325] {strides = array<i32>} : memref<128x32xf32, #tpu.memory_space<vmem>>, vector<1x16xf32>,
      %swap3A_2327 = vector.shape_cast %swap3A_2326 : vector<1x16xf32> to vector<16xf32>
      %swap3A_2328 = vector.shape_cast %mul3A_2322 : vector<16xf32> to vector<1x16xf32>
      tpu.vector_store %arg11[%swap3A_2324, %swap3A_2325], %swap3A_2328 {strides = array<i32>} : memref<128x32xf32, #tpu.memory_space<vmem>>, vector<1x16xf32>,
      %slice3A_2329 = vector.extract_strided_slice %get3A_1964 {offsets = [13], sizes = [1], strides = [1]} : vector<16xf32> to vector<1xf32>
      %squeeze3A_2330 = vector.extract %slice3A_2329[0] : f32 from vector<1xf32>
      %get3A_2331 = arith.constant 77 : i32
      %get3A_2332 = arith.index_cast %get3A_2331 : i32 to index
      %get3A_2333 = arith.constant 0 : index
      %get3A_2334 = tpu.vector_load %arg11[%get3A_2332, %get3A_2333] {strides = array<i32>} : memref<128x32xf32, #tpu.memory_space<vmem>>, vector<1x16xf32>,
      %get3A_2335 = vector.shape_cast %get3A_2334 : vector<1x16xf32> to vector<16xf32>
      %mul3A_2336 = vector.broadcast %squeeze3A_2330 : f32 to vector<16xf32>
      %mul3A_2337 = arith.mulf %get3A_2335, %mul3A_2336 : vector<16xf32>
      %swap3A_2338 = arith.constant 77 : i32
      %swap3A_2339 = arith.index_cast %swap3A_2338 : i32 to index
      %swap3A_2340 = arith.constant 0 : index
      %swap3A_2341 = tpu.vector_load %arg11[%swap3A_2339, %swap3A_2340] {strides = array<i32>} : memref<128x32xf32, #tpu.memory_space<vmem>>, vector<1x16xf32>,
      %swap3A_2342 = vector.shape_cast %swap3A_2341 : vector<1x16xf32> to vector<16xf32>
      %swap3A_2343 = vector.shape_cast %mul3A_2337 : vector<16xf32> to vector<1x16xf32>
      tpu.vector_store %arg11[%swap3A_2339, %swap3A_2340], %swap3A_2343 {strides = array<i32>} : memref<128x32xf32, #tpu.memory_space<vmem>>, vector<1x16xf32>,
      %get3A_2344 = arith.constant 77 : i32
      %get3A_2345 = arith.index_cast %get3A_2344 : i32 to index
      %get3A_2346 = arith.constant 16 : index
      %get3A_2347 = tpu.vector_load %arg11[%get3A_2345, %get3A_2346] {strides = array<i32>} : memref<128x32xf32, #tpu.memory_space<vmem>>, vector<1x16xf32>,
      %get3A_2348 = vector.shape_cast %get3A_2347 : vector<1x16xf32> to vector<16xf32>
      %mul3A_2349 = vector.broadcast %squeeze3A_2330 : f32 to vector<16xf32>
      %mul3A_2350 = arith.mulf %get3A_2348, %mul3A_2349 : vector<16xf32>
      %swap3A_2351 = arith.constant 77 : i32
      %swap3A_2352 = arith.index_cast %swap3A_2351 : i32 to index
      %swap3A_2353 = arith.constant 16 : index
      %swap3A_2354 = tpu.vector_load %arg11[%swap3A_2352, %swap3A_2353] {strides = array<i32>} : memref<128x32xf32, #tpu.memory_space<vmem>>, vector<1x16xf32>,
      %swap3A_2355 = vector.shape_cast %swap3A_2354 : vector<1x16xf32> to vector<16xf32>
      %swap3A_2356 = vector.shape_cast %mul3A_2350 : vector<16xf32> to vector<1x16xf32>
      tpu.vector_store %arg11[%swap3A_2352, %swap3A_2353], %swap3A_2356 {strides = array<i32>} : memref<128x32xf32, #tpu.memory_space<vmem>>, vector<1x16xf32>,
      %slice3A_2357 = vector.extract_strided_slice %get3A_1964 {offsets = [14], sizes = [1], strides = [1]} : vector<16xf32> to vector<1xf32>
      %squeeze3A_2358 = vector.extract %slice3A_2357[0] : f32 from vector<1xf32>
      %get3A_2359 = arith.constant 78 : i32
      %get3A_2360 = arith.index_cast %get3A_2359 : i32 to index
      %get3A_2361 = arith.constant 0 : index
      %get3A_2362 = tpu.vector_load %arg11[%get3A_2360, %get3A_2361] {strides = array<i32>} : memref<128x32xf32, #tpu.memory_space<vmem>>, vector<1x16xf32>,
      %get3A_2363 = vector.shape_cast %get3A_2362 : vector<1x16xf32> to vector<16xf32>
      %mul3A_2364 = vector.broadcast %squeeze3A_2358 : f32 to vector<16xf32>
      %mul3A_2365 = arith.mulf %get3A_2363, %mul3A_2364 : vector<16xf32>
      %swap3A_2366 = arith.constant 78 : i32
      %swap3A_2367 = arith.index_cast %swap3A_2366 : i32 to index
      %swap3A_2368 = arith.constant 0 : index
      %swap3A_2369 = tpu.vector_load %arg11[%swap3A_2367, %swap3A_2368] {strides = array<i32>} : memref<128x32xf32, #tpu.memory_space<vmem>>, vector<1x16xf32>,
      %swap3A_2370 = vector.shape_cast %swap3A_2369 : vector<1x16xf32> to vector<16xf32>
      %swap3A_2371 = vector.shape_cast %mul3A_2365 : vector<16xf32> to vector<1x16xf32>
      tpu.vector_store %arg11[%swap3A_2367, %swap3A_2368], %swap3A_2371 {strides = array<i32>} : memref<128x32xf32, #tpu.memory_space<vmem>>, vector<1x16xf32>,
      %get3A_2372 = arith.constant 78 : i32
      %get3A_2373 = arith.index_cast %get3A_2372 : i32 to index
      %get3A_2374 = arith.constant 16 : index
      %get3A_2375 = tpu.vector_load %arg11[%get3A_2373, %get3A_2374] {strides = array<i32>} : memref<128x32xf32, #tpu.memory_space<vmem>>, vector<1x16xf32>,
      %get3A_2376 = vector.shape_cast %get3A_2375 : vector<1x16xf32> to vector<16xf32>
      %mul3A_2377 = vector.broadcast %squeeze3A_2358 : f32 to vector<16xf32>
      %mul3A_2378 = arith.mulf %get3A_2376, %mul3A_2377 : vector<16xf32>
      %swap3A_2379 = arith.constant 78 : i32
      %swap3A_2380 = arith.index_cast %swap3A_2379 : i32 to index
      %swap3A_2381 = arith.constant 16 : index
      %swap3A_2382 = tpu.vector_load %arg11[%swap3A_2380, %swap3A_2381] {strides = array<i32>} : memref<128x32xf32, #tpu.memory_space<vmem>>, vector<1x16xf32>,
      %swap3A_2383 = vector.shape_cast %swap3A_2382 : vector<1x16xf32> to vector<16xf32>
      %swap3A_2384 = vector.shape_cast %mul3A_2378 : vector<16xf32> to vector<1x16xf32>
      tpu.vector_store %arg11[%swap3A_2380, %swap3A_2381], %swap3A_2384 {strides = array<i32>} : memref<128x32xf32, #tpu.memory_space<vmem>>, vector<1x16xf32>,
      %slice3A_2385 = vector.extract_strided_slice %get3A_1964 {offsets = [15], sizes = [1], strides = [1]} : vector<16xf32> to vector<1xf32>
      %squeeze3A_2386 = vector.extract %slice3A_2385[0] : f32 from vector<1xf32>
      %get3A_2387 = arith.constant 79 : i32
      %get3A_2388 = arith.index_cast %get3A_2387 : i32 to index
      %get3A_2389 = arith.constant 0 : index
      %get3A_2390 = tpu.vector_load %arg11[%get3A_2388, %get3A_2389] {strides = array<i32>} : memref<128x32xf32, #tpu.memory_space<vmem>>, vector<1x16xf32>,
      %get3A_2391 = vector.shape_cast %get3A_2390 : vector<1x16xf32> to vector<16xf32>
      %mul3A_2392 = vector.broadcast %squeeze3A_2386 : f32 to vector<16xf32>
      %mul3A_2393 = arith.mulf %get3A_2391, %mul3A_2392 : vector<16xf32>
      %swap3A_2394 = arith.constant 79 : i32
      %swap3A_2395 = arith.index_cast %swap3A_2394 : i32 to index
      %swap3A_2396 = arith.constant 0 : index
      %swap3A_2397 = tpu.vector_load %arg11[%swap3A_2395, %swap3A_2396] {strides = array<i32>} : memref<128x32xf32, #tpu.memory_space<vmem>>, vector<1x16xf32>,
      %swap3A_2398 = vector.shape_cast %swap3A_2397 : vector<1x16xf32> to vector<16xf32>
      %swap3A_2399 = vector.shape_cast %mul3A_2393 : vector<16xf32> to vector<1x16xf32>
      tpu.vector_store %arg11[%swap3A_2395, %swap3A_2396], %swap3A_2399 {strides = array<i32>} : memref<128x32xf32, #tpu.memory_space<vmem>>, vector<1x16xf32>,
      %get3A_2400 = arith.constant 79 : i32
      %get3A_2401 = arith.index_cast %get3A_2400 : i32 to index
      %get3A_2402 = arith.constant 16 : index
      %get3A_2403 = tpu.vector_load %arg11[%get3A_2401, %get3A_2402] {strides = array<i32>} : memref<128x32xf32, #tpu.memory_space<vmem>>, vector<1x16xf32>,
      %get3A_2404 = vector.shape_cast %get3A_2403 : vector<1x16xf32> to vector<16xf32>
      %mul3A_2405 = vector.broadcast %squeeze3A_2386 : f32 to vector<16xf32>
      %mul3A_2406 = arith.mulf %get3A_2404, %mul3A_2405 : vector<16xf32>
      %swap3A_2407 = arith.constant 79 : i32
      %swap3A_2408 = arith.index_cast %swap3A_2407 : i32 to index
      %swap3A_2409 = arith.constant 16 : index
      %swap3A_2410 = tpu.vector_load %arg11[%swap3A_2408, %swap3A_2409] {strides = array<i32>} : memref<128x32xf32, #tpu.memory_space<vmem>>, vector<1x16xf32>,
      %swap3A_2411 = vector.shape_cast %swap3A_2410 : vector<1x16xf32> to vector<16xf32>
      %swap3A_2412 = vector.shape_cast %mul3A_2406 : vector<16xf32> to vector<1x16xf32>
      tpu.vector_store %arg11[%swap3A_2408, %swap3A_2409], %swap3A_2412 {strides = array<i32>} : memref<128x32xf32, #tpu.memory_space<vmem>>, vector<1x16xf32>,
      %get3A_2413 = arith.constant 80 : index
      %get3A_2414 = tpu.vector_load %arg10[%get3A_2413] {strides = array<i32>} : memref<128xf32, #tpu.memory_space<vmem>>, vector<16xf32>,
      %get3A_2415 = vector.shape_cast %get3A_2414 : vector<16xf32> to vector<16xf32>
      %slice3A_2416 = vector.extract_strided_slice %get3A_2415 {offsets = [0], sizes = [1], strides = [1]} : vector<16xf32> to vector<1xf32>
      %squeeze3A_2417 = vector.extract %slice3A_2416[0] : f32 from vector<1xf32>
      %get3A_2418 = arith.constant 80 : i32
      %get3A_2419 = arith.index_cast %get3A_2418 : i32 to index
      %get3A_2420 = arith.constant 0 : index
      %get3A_2421 = tpu.vector_load %arg11[%get3A_2419, %get3A_2420] {strides = array<i32>} : memref<128x32xf32, #tpu.memory_space<vmem>>, vector<1x16xf32>,
      %get3A_2422 = vector.shape_cast %get3A_2421 : vector<1x16xf32> to vector<16xf32>
      %mul3A_2423 = vector.broadcast %squeeze3A_2417 : f32 to vector<16xf32>
      %mul3A_2424 = arith.mulf %get3A_2422, %mul3A_2423 : vector<16xf32>
      %swap3A_2425 = arith.constant 80 : i32
      %swap3A_2426 = arith.index_cast %swap3A_2425 : i32 to index
      %swap3A_2427 = arith.constant 0 : index
      %swap3A_2428 = tpu.vector_load %arg11[%swap3A_2426, %swap3A_2427] {strides = array<i32>} : memref<128x32xf32, #tpu.memory_space<vmem>>, vector<1x16xf32>,
      %swap3A_2429 = vector.shape_cast %swap3A_2428 : vector<1x16xf32> to vector<16xf32>
      %swap3A_2430 = vector.shape_cast %mul3A_2424 : vector<16xf32> to vector<1x16xf32>
      tpu.vector_store %arg11[%swap3A_2426, %swap3A_2427], %swap3A_2430 {strides = array<i32>} : memref<128x32xf32, #tpu.memory_space<vmem>>, vector<1x16xf32>,
      %get3A_2431 = arith.constant 80 : i32
      %get3A_2432 = arith.index_cast %get3A_2431 : i32 to index
      %get3A_2433 = arith.constant 16 : index
      %get3A_2434 = tpu.vector_load %arg11[%get3A_2432, %get3A_2433] {strides = array<i32>} : memref<128x32xf32, #tpu.memory_space<vmem>>, vector<1x16xf32>,
      %get3A_2435 = vector.shape_cast %get3A_2434 : vector<1x16xf32> to vector<16xf32>
      %mul3A_2436 = vector.broadcast %squeeze3A_2417 : f32 to vector<16xf32>
      %mul3A_2437 = arith.mulf %get3A_2435, %mul3A_2436 : vector<16xf32>
      %swap3A_2438 = arith.constant 80 : i32
      %swap3A_2439 = arith.index_cast %swap3A_2438 : i32 to index
      %swap3A_2440 = arith.constant 16 : index
      %swap3A_2441 = tpu.vector_load %arg11[%swap3A_2439, %swap3A_2440] {strides = array<i32>} : memref<128x32xf32, #tpu.memory_space<vmem>>, vector<1x16xf32>,
      %swap3A_2442 = vector.shape_cast %swap3A_2441 : vector<1x16xf32> to vector<16xf32>
      %swap3A_2443 = vector.shape_cast %mul3A_2437 : vector<16xf32> to vector<1x16xf32>
      tpu.vector_store %arg11[%swap3A_2439, %swap3A_2440], %swap3A_2443 {strides = array<i32>} : memref<128x32xf32, #tpu.memory_space<vmem>>, vector<1x16xf32>,
      %slice3A_2444 = vector.extract_strided_slice %get3A_2415 {offsets = [1], sizes = [1], strides = [1]} : vector<16xf32> to vector<1xf32>
      %squeeze3A_2445 = vector.extract %slice3A_2444[0] : f32 from vector<1xf32>
      %get3A_2446 = arith.constant 81 : i32
      %get3A_2447 = arith.index_cast %get3A_2446 : i32 to index
      %get3A_2448 = arith.constant 0 : index
      %get3A_2449 = tpu.vector_load %arg11[%get3A_2447, %get3A_2448] {strides = array<i32>} : memref<128x32xf32, #tpu.memory_space<vmem>>, vector<1x16xf32>,
      %get3A_2450 = vector.shape_cast %get3A_2449 : vector<1x16xf32> to vector<16xf32>
      %mul3A_2451 = vector.broadcast %squeeze3A_2445 : f32 to vector<16xf32>
      %mul3A_2452 = arith.mulf %get3A_2450, %mul3A_2451 : vector<16xf32>
      %swap3A_2453 = arith.constant 81 : i32
      %swap3A_2454 = arith.index_cast %swap3A_2453 : i32 to index
      %swap3A_2455 = arith.constant 0 : index
      %swap3A_2456 = tpu.vector_load %arg11[%swap3A_2454, %swap3A_2455] {strides = array<i32>} : memref<128x32xf32, #tpu.memory_space<vmem>>, vector<1x16xf32>,
      %swap3A_2457 = vector.shape_cast %swap3A_2456 : vector<1x16xf32> to vector<16xf32>
      %swap3A_2458 = vector.shape_cast %mul3A_2452 : vector<16xf32> to vector<1x16xf32>
      tpu.vector_store %arg11[%swap3A_2454, %swap3A_2455], %swap3A_2458 {strides = array<i32>} : memref<128x32xf32, #tpu.memory_space<vmem>>, vector<1x16xf32>,
      %get3A_2459 = arith.constant 81 : i32
      %get3A_2460 = arith.index_cast %get3A_2459 : i32 to index
      %get3A_2461 = arith.constant 16 : index
      %get3A_2462 = tpu.vector_load %arg11[%get3A_2460, %get3A_2461] {strides = array<i32>} : memref<128x32xf32, #tpu.memory_space<vmem>>, vector<1x16xf32>,
      %get3A_2463 = vector.shape_cast %get3A_2462 : vector<1x16xf32> to vector<16xf32>
      %mul3A_2464 = vector.broadcast %squeeze3A_2445 : f32 to vector<16xf32>
      %mul3A_2465 = arith.mulf %get3A_2463, %mul3A_2464 : vector<16xf32>
      %swap3A_2466 = arith.constant 81 : i32
      %swap3A_2467 = arith.index_cast %swap3A_2466 : i32 to index
      %swap3A_2468 = arith.constant 16 : index
      %swap3A_2469 = tpu.vector_load %arg11[%swap3A_2467, %swap3A_2468] {strides = array<i32>} : memref<128x32xf32, #tpu.memory_space<vmem>>, vector<1x16xf32>,
      %swap3A_2470 = vector.shape_cast %swap3A_2469 : vector<1x16xf32> to vector<16xf32>
      %swap3A_2471 = vector.shape_cast %mul3A_2465 : vector<16xf32> to vector<1x16xf32>
      tpu.vector_store %arg11[%swap3A_2467, %swap3A_2468], %swap3A_2471 {strides = array<i32>} : memref<128x32xf32, #tpu.memory_space<vmem>>, vector<1x16xf32>,
      %slice3A_2472 = vector.extract_strided_slice %get3A_2415 {offsets = [2], sizes = [1], strides = [1]} : vector<16xf32> to vector<1xf32>
      %squeeze3A_2473 = vector.extract %slice3A_2472[0] : f32 from vector<1xf32>
      %get3A_2474 = arith.constant 82 : i32
      %get3A_2475 = arith.index_cast %get3A_2474 : i32 to index
      %get3A_2476 = arith.constant 0 : index
      %get3A_2477 = tpu.vector_load %arg11[%get3A_2475, %get3A_2476] {strides = array<i32>} : memref<128x32xf32, #tpu.memory_space<vmem>>, vector<1x16xf32>,
      %get3A_2478 = vector.shape_cast %get3A_2477 : vector<1x16xf32> to vector<16xf32>
      %mul3A_2479 = vector.broadcast %squeeze3A_2473 : f32 to vector<16xf32>
      %mul3A_2480 = arith.mulf %get3A_2478, %mul3A_2479 : vector<16xf32>
      %swap3A_2481 = arith.constant 82 : i32
      %swap3A_2482 = arith.index_cast %swap3A_2481 : i32 to index
      %swap3A_2483 = arith.constant 0 : index
      %swap3A_2484 = tpu.vector_load %arg11[%swap3A_2482, %swap3A_2483] {strides = array<i32>} : memref<128x32xf32, #tpu.memory_space<vmem>>, vector<1x16xf32>,
      %swap3A_2485 = vector.shape_cast %swap3A_2484 : vector<1x16xf32> to vector<16xf32>
      %swap3A_2486 = vector.shape_cast %mul3A_2480 : vector<16xf32> to vector<1x16xf32>
      tpu.vector_store %arg11[%swap3A_2482, %swap3A_2483], %swap3A_2486 {strides = array<i32>} : memref<128x32xf32, #tpu.memory_space<vmem>>, vector<1x16xf32>,
      %get3A_2487 = arith.constant 82 : i32
      %get3A_2488 = arith.index_cast %get3A_2487 : i32 to index
      %get3A_2489 = arith.constant 16 : index
      %get3A_2490 = tpu.vector_load %arg11[%get3A_2488, %get3A_2489] {strides = array<i32>} : memref<128x32xf32, #tpu.memory_space<vmem>>, vector<1x16xf32>,
      %get3A_2491 = vector.shape_cast %get3A_2490 : vector<1x16xf32> to vector<16xf32>
      %mul3A_2492 = vector.broadcast %squeeze3A_2473 : f32 to vector<16xf32>
      %mul3A_2493 = arith.mulf %get3A_2491, %mul3A_2492 : vector<16xf32>
      %swap3A_2494 = arith.constant 82 : i32
      %swap3A_2495 = arith.index_cast %swap3A_2494 : i32 to index
      %swap3A_2496 = arith.constant 16 : index
      %swap3A_2497 = tpu.vector_load %arg11[%swap3A_2495, %swap3A_2496] {strides = array<i32>} : memref<128x32xf32, #tpu.memory_space<vmem>>, vector<1x16xf32>,
      %swap3A_2498 = vector.shape_cast %swap3A_2497 : vector<1x16xf32> to vector<16xf32>
      %swap3A_2499 = vector.shape_cast %mul3A_2493 : vector<16xf32> to vector<1x16xf32>
      tpu.vector_store %arg11[%swap3A_2495, %swap3A_2496], %swap3A_2499 {strides = array<i32>} : memref<128x32xf32, #tpu.memory_space<vmem>>, vector<1x16xf32>,
      %slice3A_2500 = vector.extract_strided_slice %get3A_2415 {offsets = [3], sizes = [1], strides = [1]} : vector<16xf32> to vector<1xf32>
      %squeeze3A_2501 = vector.extract %slice3A_2500[0] : f32 from vector<1xf32>
      %get3A_2502 = arith.constant 83 : i32
      %get3A_2503 = arith.index_cast %get3A_2502 : i32 to index
      %get3A_2504 = arith.constant 0 : index
      %get3A_2505 = tpu.vector_load %arg11[%get3A_2503, %get3A_2504] {strides = array<i32>} : memref<128x32xf32, #tpu.memory_space<vmem>>, vector<1x16xf32>,
      %get3A_2506 = vector.shape_cast %get3A_2505 : vector<1x16xf32> to vector<16xf32>
      %mul3A_2507 = vector.broadcast %squeeze3A_2501 : f32 to vector<16xf32>
      %mul3A_2508 = arith.mulf %get3A_2506, %mul3A_2507 : vector<16xf32>
      %swap3A_2509 = arith.constant 83 : i32
      %swap3A_2510 = arith.index_cast %swap3A_2509 : i32 to index
      %swap3A_2511 = arith.constant 0 : index
      %swap3A_2512 = tpu.vector_load %arg11[%swap3A_2510, %swap3A_2511] {strides = array<i32>} : memref<128x32xf32, #tpu.memory_space<vmem>>, vector<1x16xf32>,
      %swap3A_2513 = vector.shape_cast %swap3A_2512 : vector<1x16xf32> to vector<16xf32>
      %swap3A_2514 = vector.shape_cast %mul3A_2508 : vector<16xf32> to vector<1x16xf32>
      tpu.vector_store %arg11[%swap3A_2510, %swap3A_2511], %swap3A_2514 {strides = array<i32>} : memref<128x32xf32, #tpu.memory_space<vmem>>, vector<1x16xf32>,
      %get3A_2515 = arith.constant 83 : i32
      %get3A_2516 = arith.index_cast %get3A_2515 : i32 to index
      %get3A_2517 = arith.constant 16 : index
      %get3A_2518 = tpu.vector_load %arg11[%get3A_2516, %get3A_2517] {strides = array<i32>} : memref<128x32xf32, #tpu.memory_space<vmem>>, vector<1x16xf32>,
      %get3A_2519 = vector.shape_cast %get3A_2518 : vector<1x16xf32> to vector<16xf32>
      %mul3A_2520 = vector.broadcast %squeeze3A_2501 : f32 to vector<16xf32>
      %mul3A_2521 = arith.mulf %get3A_2519, %mul3A_2520 : vector<16xf32>
      %swap3A_2522 = arith.constant 83 : i32
      %swap3A_2523 = arith.index_cast %swap3A_2522 : i32 to index
      %swap3A_2524 = arith.constant 16 : index
      %swap3A_2525 = tpu.vector_load %arg11[%swap3A_2523, %swap3A_2524] {strides = array<i32>} : memref<128x32xf32, #tpu.memory_space<vmem>>, vector<1x16xf32>,
      %swap3A_2526 = vector.shape_cast %swap3A_2525 : vector<1x16xf32> to vector<16xf32>
      %swap3A_2527 = vector.shape_cast %mul3A_2521 : vector<16xf32> to vector<1x16xf32>
      tpu.vector_store %arg11[%swap3A_2523, %swap3A_2524], %swap3A_2527 {strides = array<i32>} : memref<128x32xf32, #tpu.memory_space<vmem>>, vector<1x16xf32>,
      %slice3A_2528 = vector.extract_strided_slice %get3A_2415 {offsets = [4], sizes = [1], strides = [1]} : vector<16xf32> to vector<1xf32>
      %squeeze3A_2529 = vector.extract %slice3A_2528[0] : f32 from vector<1xf32>
      %get3A_2530 = arith.constant 84 : i32
      %get3A_2531 = arith.index_cast %get3A_2530 : i32 to index
      %get3A_2532 = arith.constant 0 : index
      %get3A_2533 = tpu.vector_load %arg11[%get3A_2531, %get3A_2532] {strides = array<i32>} : memref<128x32xf32, #tpu.memory_space<vmem>>, vector<1x16xf32>,
      %get3A_2534 = vector.shape_cast %get3A_2533 : vector<1x16xf32> to vector<16xf32>
      %mul3A_2535 = vector.broadcast %squeeze3A_2529 : f32 to vector<16xf32>
      %mul3A_2536 = arith.mulf %get3A_2534, %mul3A_2535 : vector<16xf32>
      %swap3A_2537 = arith.constant 84 : i32
      %swap3A_2538 = arith.index_cast %swap3A_2537 : i32 to index
      %swap3A_2539 = arith.constant 0 : index
      %swap3A_2540 = tpu.vector_load %arg11[%swap3A_2538, %swap3A_2539] {strides = array<i32>} : memref<128x32xf32, #tpu.memory_space<vmem>>, vector<1x16xf32>,
      %swap3A_2541 = vector.shape_cast %swap3A_2540 : vector<1x16xf32> to vector<16xf32>
      %swap3A_2542 = vector.shape_cast %mul3A_2536 : vector<16xf32> to vector<1x16xf32>
      tpu.vector_store %arg11[%swap3A_2538, %swap3A_2539], %swap3A_2542 {strides = array<i32>} : memref<128x32xf32, #tpu.memory_space<vmem>>, vector<1x16xf32>,
      %get3A_2543 = arith.constant 84 : i32
      %get3A_2544 = arith.index_cast %get3A_2543 : i32 to index
      %get3A_2545 = arith.constant 16 : index
      %get3A_2546 = tpu.vector_load %arg11[%get3A_2544, %get3A_2545] {strides = array<i32>} : memref<128x32xf32, #tpu.memory_space<vmem>>, vector<1x16xf32>,
      %get3A_2547 = vector.shape_cast %get3A_2546 : vector<1x16xf32> to vector<16xf32>
      %mul3A_2548 = vector.broadcast %squeeze3A_2529 : f32 to vector<16xf32>
      %mul3A_2549 = arith.mulf %get3A_2547, %mul3A_2548 : vector<16xf32>
      %swap3A_2550 = arith.constant 84 : i32
      %swap3A_2551 = arith.index_cast %swap3A_2550 : i32 to index
      %swap3A_2552 = arith.constant 16 : index
      %swap3A_2553 = tpu.vector_load %arg11[%swap3A_2551, %swap3A_2552] {strides = array<i32>} : memref<128x32xf32, #tpu.memory_space<vmem>>, vector<1x16xf32>,
      %swap3A_2554 = vector.shape_cast %swap3A_2553 : vector<1x16xf32> to vector<16xf32>
      %swap3A_2555 = vector.shape_cast %mul3A_2549 : vector<16xf32> to vector<1x16xf32>
      tpu.vector_store %arg11[%swap3A_2551, %swap3A_2552], %swap3A_2555 {strides = array<i32>} : memref<128x32xf32, #tpu.memory_space<vmem>>, vector<1x16xf32>,
      %slice3A_2556 = vector.extract_strided_slice %get3A_2415 {offsets = [5], sizes = [1], strides = [1]} : vector<16xf32> to vector<1xf32>
      %squeeze3A_2557 = vector.extract %slice3A_2556[0] : f32 from vector<1xf32>
      %get3A_2558 = arith.constant 85 : i32
      %get3A_2559 = arith.index_cast %get3A_2558 : i32 to index
      %get3A_2560 = arith.constant 0 : index
      %get3A_2561 = tpu.vector_load %arg11[%get3A_2559, %get3A_2560] {strides = array<i32>} : memref<128x32xf32, #tpu.memory_space<vmem>>, vector<1x16xf32>,
      %get3A_2562 = vector.shape_cast %get3A_2561 : vector<1x16xf32> to vector<16xf32>
      %mul3A_2563 = vector.broadcast %squeeze3A_2557 : f32 to vector<16xf32>
      %mul3A_2564 = arith.mulf %get3A_2562, %mul3A_2563 : vector<16xf32>
      %swap3A_2565 = arith.constant 85 : i32
      %swap3A_2566 = arith.index_cast %swap3A_2565 : i32 to index
      %swap3A_2567 = arith.constant 0 : index
      %swap3A_2568 = tpu.vector_load %arg11[%swap3A_2566, %swap3A_2567] {strides = array<i32>} : memref<128x32xf32, #tpu.memory_space<vmem>>, vector<1x16xf32>,
      %swap3A_2569 = vector.shape_cast %swap3A_2568 : vector<1x16xf32> to vector<16xf32>
      %swap3A_2570 = vector.shape_cast %mul3A_2564 : vector<16xf32> to vector<1x16xf32>
      tpu.vector_store %arg11[%swap3A_2566, %swap3A_2567], %swap3A_2570 {strides = array<i32>} : memref<128x32xf32, #tpu.memory_space<vmem>>, vector<1x16xf32>,
      %get3A_2571 = arith.constant 85 : i32
      %get3A_2572 = arith.index_cast %get3A_2571 : i32 to index
      %get3A_2573 = arith.constant 16 : index
      %get3A_2574 = tpu.vector_load %arg11[%get3A_2572, %get3A_2573] {strides = array<i32>} : memref<128x32xf32, #tpu.memory_space<vmem>>, vector<1x16xf32>,
      %get3A_2575 = vector.shape_cast %get3A_2574 : vector<1x16xf32> to vector<16xf32>
      %mul3A_2576 = vector.broadcast %squeeze3A_2557 : f32 to vector<16xf32>
      %mul3A_2577 = arith.mulf %get3A_2575, %mul3A_2576 : vector<16xf32>
      %swap3A_2578 = arith.constant 85 : i32
      %swap3A_2579 = arith.index_cast %swap3A_2578 : i32 to index
      %swap3A_2580 = arith.constant 16 : index
      %swap3A_2581 = tpu.vector_load %arg11[%swap3A_2579, %swap3A_2580] {strides = array<i32>} : memref<128x32xf32, #tpu.memory_space<vmem>>, vector<1x16xf32>,
      %swap3A_2582 = vector.shape_cast %swap3A_2581 : vector<1x16xf32> to vector<16xf32>
      %swap3A_2583 = vector.shape_cast %mul3A_2577 : vector<16xf32> to vector<1x16xf32>
      tpu.vector_store %arg11[%swap3A_2579, %swap3A_2580], %swap3A_2583 {strides = array<i32>} : memref<128x32xf32, #tpu.memory_space<vmem>>, vector<1x16xf32>,
      %slice3A_2584 = vector.extract_strided_slice %get3A_2415 {offsets = [6], sizes = [1], strides = [1]} : vector<16xf32> to vector<1xf32>
      %squeeze3A_2585 = vector.extract %slice3A_2584[0] : f32 from vector<1xf32>
      %get3A_2586 = arith.constant 86 : i32
      %get3A_2587 = arith.index_cast %get3A_2586 : i32 to index
      %get3A_2588 = arith.constant 0 : index
      %get3A_2589 = tpu.vector_load %arg11[%get3A_2587, %get3A_2588] {strides = array<i32>} : memref<128x32xf32, #tpu.memory_space<vmem>>, vector<1x16xf32>,
      %get3A_2590 = vector.shape_cast %get3A_2589 : vector<1x16xf32> to vector<16xf32>
      %mul3A_2591 = vector.broadcast %squeeze3A_2585 : f32 to vector<16xf32>
      %mul3A_2592 = arith.mulf %get3A_2590, %mul3A_2591 : vector<16xf32>
      %swap3A_2593 = arith.constant 86 : i32
      %swap3A_2594 = arith.index_cast %swap3A_2593 : i32 to index
      %swap3A_2595 = arith.constant 0 : index
      %swap3A_2596 = tpu.vector_load %arg11[%swap3A_2594, %swap3A_2595] {strides = array<i32>} : memref<128x32xf32, #tpu.memory_space<vmem>>, vector<1x16xf32>,
      %swap3A_2597 = vector.shape_cast %swap3A_2596 : vector<1x16xf32> to vector<16xf32>
      %swap3A_2598 = vector.shape_cast %mul3A_2592 : vector<16xf32> to vector<1x16xf32>
      tpu.vector_store %arg11[%swap3A_2594, %swap3A_2595], %swap3A_2598 {strides = array<i32>} : memref<128x32xf32, #tpu.memory_space<vmem>>, vector<1x16xf32>,
      %get3A_2599 = arith.constant 86 : i32
      %get3A_2600 = arith.index_cast %get3A_2599 : i32 to index
      %get3A_2601 = arith.constant 16 : index
      %get3A_2602 = tpu.vector_load %arg11[%get3A_2600, %get3A_2601] {strides = array<i32>} : memref<128x32xf32, #tpu.memory_space<vmem>>, vector<1x16xf32>,
      %get3A_2603 = vector.shape_cast %get3A_2602 : vector<1x16xf32> to vector<16xf32>
      %mul3A_2604 = vector.broadcast %squeeze3A_2585 : f32 to vector<16xf32>
      %mul3A_2605 = arith.mulf %get3A_2603, %mul3A_2604 : vector<16xf32>
      %swap3A_2606 = arith.constant 86 : i32
      %swap3A_2607 = arith.index_cast %swap3A_2606 : i32 to index
      %swap3A_2608 = arith.constant 16 : index
      %swap3A_2609 = tpu.vector_load %arg11[%swap3A_2607, %swap3A_2608] {strides = array<i32>} : memref<128x32xf32, #tpu.memory_space<vmem>>, vector<1x16xf32>,
      %swap3A_2610 = vector.shape_cast %swap3A_2609 : vector<1x16xf32> to vector<16xf32>
      %swap3A_2611 = vector.shape_cast %mul3A_2605 : vector<16xf32> to vector<1x16xf32>
      tpu.vector_store %arg11[%swap3A_2607, %swap3A_2608], %swap3A_2611 {strides = array<i32>} : memref<128x32xf32, #tpu.memory_space<vmem>>, vector<1x16xf32>,
      %slice3A_2612 = vector.extract_strided_slice %get3A_2415 {offsets = [7], sizes = [1], strides = [1]} : vector<16xf32> to vector<1xf32>
      %squeeze3A_2613 = vector.extract %slice3A_2612[0] : f32 from vector<1xf32>
      %get3A_2614 = arith.constant 87 : i32
      %get3A_2615 = arith.index_cast %get3A_2614 : i32 to index
      %get3A_2616 = arith.constant 0 : index
      %get3A_2617 = tpu.vector_load %arg11[%get3A_2615, %get3A_2616] {strides = array<i32>} : memref<128x32xf32, #tpu.memory_space<vmem>>, vector<1x16xf32>,
      %get3A_2618 = vector.shape_cast %get3A_2617 : vector<1x16xf32> to vector<16xf32>
      %mul3A_2619 = vector.broadcast %squeeze3A_2613 : f32 to vector<16xf32>
      %mul3A_2620 = arith.mulf %get3A_2618, %mul3A_2619 : vector<16xf32>
      %swap3A_2621 = arith.constant 87 : i32
      %swap3A_2622 = arith.index_cast %swap3A_2621 : i32 to index
      %swap3A_2623 = arith.constant 0 : index
      %swap3A_2624 = tpu.vector_load %arg11[%swap3A_2622, %swap3A_2623] {strides = array<i32>} : memref<128x32xf32, #tpu.memory_space<vmem>>, vector<1x16xf32>,
      %swap3A_2625 = vector.shape_cast %swap3A_2624 : vector<1x16xf32> to vector<16xf32>
      %swap3A_2626 = vector.shape_cast %mul3A_2620 : vector<16xf32> to vector<1x16xf32>
      tpu.vector_store %arg11[%swap3A_2622, %swap3A_2623], %swap3A_2626 {strides = array<i32>} : memref<128x32xf32, #tpu.memory_space<vmem>>, vector<1x16xf32>,
      %get3A_2627 = arith.constant 87 : i32
      %get3A_2628 = arith.index_cast %get3A_2627 : i32 to index
      %get3A_2629 = arith.constant 16 : index
      %get3A_2630 = tpu.vector_load %arg11[%get3A_2628, %get3A_2629] {strides = array<i32>} : memref<128x32xf32, #tpu.memory_space<vmem>>, vector<1x16xf32>,
      %get3A_2631 = vector.shape_cast %get3A_2630 : vector<1x16xf32> to vector<16xf32>
      %mul3A_2632 = vector.broadcast %squeeze3A_2613 : f32 to vector<16xf32>
      %mul3A_2633 = arith.mulf %get3A_2631, %mul3A_2632 : vector<16xf32>
      %swap3A_2634 = arith.constant 87 : i32
      %swap3A_2635 = arith.index_cast %swap3A_2634 : i32 to index
      %swap3A_2636 = arith.constant 16 : index
      %swap3A_2637 = tpu.vector_load %arg11[%swap3A_2635, %swap3A_2636] {strides = array<i32>} : memref<128x32xf32, #tpu.memory_space<vmem>>, vector<1x16xf32>,
      %swap3A_2638 = vector.shape_cast %swap3A_2637 : vector<1x16xf32> to vector<16xf32>
      %swap3A_2639 = vector.shape_cast %mul3A_2633 : vector<16xf32> to vector<1x16xf32>
      tpu.vector_store %arg11[%swap3A_2635, %swap3A_2636], %swap3A_2639 {strides = array<i32>} : memref<128x32xf32, #tpu.memory_space<vmem>>, vector<1x16xf32>,
      %slice3A_2640 = vector.extract_strided_slice %get3A_2415 {offsets = [8], sizes = [1], strides = [1]} : vector<16xf32> to vector<1xf32>
      %squeeze3A_2641 = vector.extract %slice3A_2640[0] : f32 from vector<1xf32>
      %get3A_2642 = arith.constant 88 : i32
      %get3A_2643 = arith.index_cast %get3A_2642 : i32 to index
      %get3A_2644 = arith.constant 0 : index
      %get3A_2645 = tpu.vector_load %arg11[%get3A_2643, %get3A_2644] {strides = array<i32>} : memref<128x32xf32, #tpu.memory_space<vmem>>, vector<1x16xf32>,
      %get3A_2646 = vector.shape_cast %get3A_2645 : vector<1x16xf32> to vector<16xf32>
      %mul3A_2647 = vector.broadcast %squeeze3A_2641 : f32 to vector<16xf32>
      %mul3A_2648 = arith.mulf %get3A_2646, %mul3A_2647 : vector<16xf32>
      %swap3A_2649 = arith.constant 88 : i32
      %swap3A_2650 = arith.index_cast %swap3A_2649 : i32 to index
      %swap3A_2651 = arith.constant 0 : index
      %swap3A_2652 = tpu.vector_load %arg11[%swap3A_2650, %swap3A_2651] {strides = array<i32>} : memref<128x32xf32, #tpu.memory_space<vmem>>, vector<1x16xf32>,
      %swap3A_2653 = vector.shape_cast %swap3A_2652 : vector<1x16xf32> to vector<16xf32>
      %swap3A_2654 = vector.shape_cast %mul3A_2648 : vector<16xf32> to vector<1x16xf32>
      tpu.vector_store %arg11[%swap3A_2650, %swap3A_2651], %swap3A_2654 {strides = array<i32>} : memref<128x32xf32, #tpu.memory_space<vmem>>, vector<1x16xf32>,
      %get3A_2655 = arith.constant 88 : i32
      %get3A_2656 = arith.index_cast %get3A_2655 : i32 to index
      %get3A_2657 = arith.constant 16 : index
      %get3A_2658 = tpu.vector_load %arg11[%get3A_2656, %get3A_2657] {strides = array<i32>} : memref<128x32xf32, #tpu.memory_space<vmem>>, vector<1x16xf32>,
      %get3A_2659 = vector.shape_cast %get3A_2658 : vector<1x16xf32> to vector<16xf32>
      %mul3A_2660 = vector.broadcast %squeeze3A_2641 : f32 to vector<16xf32>
      %mul3A_2661 = arith.mulf %get3A_2659, %mul3A_2660 : vector<16xf32>
      %swap3A_2662 = arith.constant 88 : i32
      %swap3A_2663 = arith.index_cast %swap3A_2662 : i32 to index
      %swap3A_2664 = arith.constant 16 : index
      %swap3A_2665 = tpu.vector_load %arg11[%swap3A_2663, %swap3A_2664] {strides = array<i32>} : memref<128x32xf32, #tpu.memory_space<vmem>>, vector<1x16xf32>,
      %swap3A_2666 = vector.shape_cast %swap3A_2665 : vector<1x16xf32> to vector<16xf32>
      %swap3A_2667 = vector.shape_cast %mul3A_2661 : vector<16xf32> to vector<1x16xf32>
      tpu.vector_store %arg11[%swap3A_2663, %swap3A_2664], %swap3A_2667 {strides = array<i32>} : memref<128x32xf32, #tpu.memory_space<vmem>>, vector<1x16xf32>,
      %slice3A_2668 = vector.extract_strided_slice %get3A_2415 {offsets = [9], sizes = [1], strides = [1]} : vector<16xf32> to vector<1xf32>
      %squeeze3A_2669 = vector.extract %slice3A_2668[0] : f32 from vector<1xf32>
      %get3A_2670 = arith.constant 89 : i32
      %get3A_2671 = arith.index_cast %get3A_2670 : i32 to index
      %get3A_2672 = arith.constant 0 : index
      %get3A_2673 = tpu.vector_load %arg11[%get3A_2671, %get3A_2672] {strides = array<i32>} : memref<128x32xf32, #tpu.memory_space<vmem>>, vector<1x16xf32>,
      %get3A_2674 = vector.shape_cast %get3A_2673 : vector<1x16xf32> to vector<16xf32>
      %mul3A_2675 = vector.broadcast %squeeze3A_2669 : f32 to vector<16xf32>
      %mul3A_2676 = arith.mulf %get3A_2674, %mul3A_2675 : vector<16xf32>
      %swap3A_2677 = arith.constant 89 : i32
      %swap3A_2678 = arith.index_cast %swap3A_2677 : i32 to index
      %swap3A_2679 = arith.constant 0 : index
      %swap3A_2680 = tpu.vector_load %arg11[%swap3A_2678, %swap3A_2679] {strides = array<i32>} : memref<128x32xf32, #tpu.memory_space<vmem>>, vector<1x16xf32>,
      %swap3A_2681 = vector.shape_cast %swap3A_2680 : vector<1x16xf32> to vector<16xf32>
      %swap3A_2682 = vector.shape_cast %mul3A_2676 : vector<16xf32> to vector<1x16xf32>
      tpu.vector_store %arg11[%swap3A_2678, %swap3A_2679], %swap3A_2682 {strides = array<i32>} : memref<128x32xf32, #tpu.memory_space<vmem>>, vector<1x16xf32>,
      %get3A_2683 = arith.constant 89 : i32
      %get3A_2684 = arith.index_cast %get3A_2683 : i32 to index
      %get3A_2685 = arith.constant 16 : index
      %get3A_2686 = tpu.vector_load %arg11[%get3A_2684, %get3A_2685] {strides = array<i32>} : memref<128x32xf32, #tpu.memory_space<vmem>>, vector<1x16xf32>,
      %get3A_2687 = vector.shape_cast %get3A_2686 : vector<1x16xf32> to vector<16xf32>
      %mul3A_2688 = vector.broadcast %squeeze3A_2669 : f32 to vector<16xf32>
      %mul3A_2689 = arith.mulf %get3A_2687, %mul3A_2688 : vector<16xf32>
      %swap3A_2690 = arith.constant 89 : i32
      %swap3A_2691 = arith.index_cast %swap3A_2690 : i32 to index
      %swap3A_2692 = arith.constant 16 : index
      %swap3A_2693 = tpu.vector_load %arg11[%swap3A_2691, %swap3A_2692] {strides = array<i32>} : memref<128x32xf32, #tpu.memory_space<vmem>>, vector<1x16xf32>,
      %swap3A_2694 = vector.shape_cast %swap3A_2693 : vector<1x16xf32> to vector<16xf32>
      %swap3A_2695 = vector.shape_cast %mul3A_2689 : vector<16xf32> to vector<1x16xf32>
      tpu.vector_store %arg11[%swap3A_2691, %swap3A_2692], %swap3A_2695 {strides = array<i32>} : memref<128x32xf32, #tpu.memory_space<vmem>>, vector<1x16xf32>,
      %slice3A_2696 = vector.extract_strided_slice %get3A_2415 {offsets = [10], sizes = [1], strides = [1]} : vector<16xf32> to vector<1xf32>
      %squeeze3A_2697 = vector.extract %slice3A_2696[0] : f32 from vector<1xf32>
      %get3A_2698 = arith.constant 90 : i32
      %get3A_2699 = arith.index_cast %get3A_2698 : i32 to index
      %get3A_2700 = arith.constant 0 : index
      %get3A_2701 = tpu.vector_load %arg11[%get3A_2699, %get3A_2700] {strides = array<i32>} : memref<128x32xf32, #tpu.memory_space<vmem>>, vector<1x16xf32>,
      %get3A_2702 = vector.shape_cast %get3A_2701 : vector<1x16xf32> to vector<16xf32>
      %mul3A_2703 = vector.broadcast %squeeze3A_2697 : f32 to vector<16xf32>
      %mul3A_2704 = arith.mulf %get3A_2702, %mul3A_2703 : vector<16xf32>
      %swap3A_2705 = arith.constant 90 : i32
      %swap3A_2706 = arith.index_cast %swap3A_2705 : i32 to index
      %swap3A_2707 = arith.constant 0 : index
      %swap3A_2708 = tpu.vector_load %arg11[%swap3A_2706, %swap3A_2707] {strides = array<i32>} : memref<128x32xf32, #tpu.memory_space<vmem>>, vector<1x16xf32>,
      %swap3A_2709 = vector.shape_cast %swap3A_2708 : vector<1x16xf32> to vector<16xf32>
      %swap3A_2710 = vector.shape_cast %mul3A_2704 : vector<16xf32> to vector<1x16xf32>
      tpu.vector_store %arg11[%swap3A_2706, %swap3A_2707], %swap3A_2710 {strides = array<i32>} : memref<128x32xf32, #tpu.memory_space<vmem>>, vector<1x16xf32>,
      %get3A_2711 = arith.constant 90 : i32
      %get3A_2712 = arith.index_cast %get3A_2711 : i32 to index
      %get3A_2713 = arith.constant 16 : index
      %get3A_2714 = tpu.vector_load %arg11[%get3A_2712, %get3A_2713] {strides = array<i32>} : memref<128x32xf32, #tpu.memory_space<vmem>>, vector<1x16xf32>,
      %get3A_2715 = vector.shape_cast %get3A_2714 : vector<1x16xf32> to vector<16xf32>
      %mul3A_2716 = vector.broadcast %squeeze3A_2697 : f32 to vector<16xf32>
      %mul3A_2717 = arith.mulf %get3A_2715, %mul3A_2716 : vector<16xf32>
      %swap3A_2718 = arith.constant 90 : i32
      %swap3A_2719 = arith.index_cast %swap3A_2718 : i32 to index
      %swap3A_2720 = arith.constant 16 : index
      %swap3A_2721 = tpu.vector_load %arg11[%swap3A_2719, %swap3A_2720] {strides = array<i32>} : memref<128x32xf32, #tpu.memory_space<vmem>>, vector<1x16xf32>,
      %swap3A_2722 = vector.shape_cast %swap3A_2721 : vector<1x16xf32> to vector<16xf32>
      %swap3A_2723 = vector.shape_cast %mul3A_2717 : vector<16xf32> to vector<1x16xf32>
      tpu.vector_store %arg11[%swap3A_2719, %swap3A_2720], %swap3A_2723 {strides = array<i32>} : memref<128x32xf32, #tpu.memory_space<vmem>>, vector<1x16xf32>,
      %slice3A_2724 = vector.extract_strided_slice %get3A_2415 {offsets = [11], sizes = [1], strides = [1]} : vector<16xf32> to vector<1xf32>
      %squeeze3A_2725 = vector.extract %slice3A_2724[0] : f32 from vector<1xf32>
      %get3A_2726 = arith.constant 91 : i32
      %get3A_2727 = arith.index_cast %get3A_2726 : i32 to index
      %get3A_2728 = arith.constant 0 : index
      %get3A_2729 = tpu.vector_load %arg11[%get3A_2727, %get3A_2728] {strides = array<i32>} : memref<128x32xf32, #tpu.memory_space<vmem>>, vector<1x16xf32>,
      %get3A_2730 = vector.shape_cast %get3A_2729 : vector<1x16xf32> to vector<16xf32>
      %mul3A_2731 = vector.broadcast %squeeze3A_2725 : f32 to vector<16xf32>
      %mul3A_2732 = arith.mulf %get3A_2730, %mul3A_2731 : vector<16xf32>
      %swap3A_2733 = arith.constant 91 : i32
      %swap3A_2734 = arith.index_cast %swap3A_2733 : i32 to index
      %swap3A_2735 = arith.constant 0 : index
      %swap3A_2736 = tpu.vector_load %arg11[%swap3A_2734, %swap3A_2735] {strides = array<i32>} : memref<128x32xf32, #tpu.memory_space<vmem>>, vector<1x16xf32>,
      %swap3A_2737 = vector.shape_cast %swap3A_2736 : vector<1x16xf32> to vector<16xf32>
      %swap3A_2738 = vector.shape_cast %mul3A_2732 : vector<16xf32> to vector<1x16xf32>
      tpu.vector_store %arg11[%swap3A_2734, %swap3A_2735], %swap3A_2738 {strides = array<i32>} : memref<128x32xf32, #tpu.memory_space<vmem>>, vector<1x16xf32>,
      %get3A_2739 = arith.constant 91 : i32
      %get3A_2740 = arith.index_cast %get3A_2739 : i32 to index
      %get3A_2741 = arith.constant 16 : index
      %get3A_2742 = tpu.vector_load %arg11[%get3A_2740, %get3A_2741] {strides = array<i32>} : memref<128x32xf32, #tpu.memory_space<vmem>>, vector<1x16xf32>,
      %get3A_2743 = vector.shape_cast %get3A_2742 : vector<1x16xf32> to vector<16xf32>
      %mul3A_2744 = vector.broadcast %squeeze3A_2725 : f32 to vector<16xf32>
      %mul3A_2745 = arith.mulf %get3A_2743, %mul3A_2744 : vector<16xf32>
      %swap3A_2746 = arith.constant 91 : i32
      %swap3A_2747 = arith.index_cast %swap3A_2746 : i32 to index
      %swap3A_2748 = arith.constant 16 : index
      %swap3A_2749 = tpu.vector_load %arg11[%swap3A_2747, %swap3A_2748] {strides = array<i32>} : memref<128x32xf32, #tpu.memory_space<vmem>>, vector<1x16xf32>,
      %swap3A_2750 = vector.shape_cast %swap3A_2749 : vector<1x16xf32> to vector<16xf32>
      %swap3A_2751 = vector.shape_cast %mul3A_2745 : vector<16xf32> to vector<1x16xf32>
      tpu.vector_store %arg11[%swap3A_2747, %swap3A_2748], %swap3A_2751 {strides = array<i32>} : memref<128x32xf32, #tpu.memory_space<vmem>>, vector<1x16xf32>,
      %slice3A_2752 = vector.extract_strided_slice %get3A_2415 {offsets = [12], sizes = [1], strides = [1]} : vector<16xf32> to vector<1xf32>
      %squeeze3A_2753 = vector.extract %slice3A_2752[0] : f32 from vector<1xf32>
      %get3A_2754 = arith.constant 92 : i32
      %get3A_2755 = arith.index_cast %get3A_2754 : i32 to index
      %get3A_2756 = arith.constant 0 : index
      %get3A_2757 = tpu.vector_load %arg11[%get3A_2755, %get3A_2756] {strides = array<i32>} : memref<128x32xf32, #tpu.memory_space<vmem>>, vector<1x16xf32>,
      %get3A_2758 = vector.shape_cast %get3A_2757 : vector<1x16xf32> to vector<16xf32>
      %mul3A_2759 = vector.broadcast %squeeze3A_2753 : f32 to vector<16xf32>
      %mul3A_2760 = arith.mulf %get3A_2758, %mul3A_2759 : vector<16xf32>
      %swap3A_2761 = arith.constant 92 : i32
      %swap3A_2762 = arith.index_cast %swap3A_2761 : i32 to index
      %swap3A_2763 = arith.constant 0 : index
      %swap3A_2764 = tpu.vector_load %arg11[%swap3A_2762, %swap3A_2763] {strides = array<i32>} : memref<128x32xf32, #tpu.memory_space<vmem>>, vector<1x16xf32>,
      %swap3A_2765 = vector.shape_cast %swap3A_2764 : vector<1x16xf32> to vector<16xf32>
      %swap3A_2766 = vector.shape_cast %mul3A_2760 : vector<16xf32> to vector<1x16xf32>
      tpu.vector_store %arg11[%swap3A_2762, %swap3A_2763], %swap3A_2766 {strides = array<i32>} : memref<128x32xf32, #tpu.memory_space<vmem>>, vector<1x16xf32>,
      %get3A_2767 = arith.constant 92 : i32
      %get3A_2768 = arith.index_cast %get3A_2767 : i32 to index
      %get3A_2769 = arith.constant 16 : index
      %get3A_2770 = tpu.vector_load %arg11[%get3A_2768, %get3A_2769] {strides = array<i32>} : memref<128x32xf32, #tpu.memory_space<vmem>>, vector<1x16xf32>,
      %get3A_2771 = vector.shape_cast %get3A_2770 : vector<1x16xf32> to vector<16xf32>
      %mul3A_2772 = vector.broadcast %squeeze3A_2753 : f32 to vector<16xf32>
      %mul3A_2773 = arith.mulf %get3A_2771, %mul3A_2772 : vector<16xf32>
      %swap3A_2774 = arith.constant 92 : i32
      %swap3A_2775 = arith.index_cast %swap3A_2774 : i32 to index
      %swap3A_2776 = arith.constant 16 : index
      %swap3A_2777 = tpu.vector_load %arg11[%swap3A_2775, %swap3A_2776] {strides = array<i32>} : memref<128x32xf32, #tpu.memory_space<vmem>>, vector<1x16xf32>,
      %swap3A_2778 = vector.shape_cast %swap3A_2777 : vector<1x16xf32> to vector<16xf32>
      %swap3A_2779 = vector.shape_cast %mul3A_2773 : vector<16xf32> to vector<1x16xf32>
      tpu.vector_store %arg11[%swap3A_2775, %swap3A_2776], %swap3A_2779 {strides = array<i32>} : memref<128x32xf32, #tpu.memory_space<vmem>>, vector<1x16xf32>,
      %slice3A_2780 = vector.extract_strided_slice %get3A_2415 {offsets = [13], sizes = [1], strides = [1]} : vector<16xf32> to vector<1xf32>
      %squeeze3A_2781 = vector.extract %slice3A_2780[0] : f32 from vector<1xf32>
      %get3A_2782 = arith.constant 93 : i32
      %get3A_2783 = arith.index_cast %get3A_2782 : i32 to index
      %get3A_2784 = arith.constant 0 : index
      %get3A_2785 = tpu.vector_load %arg11[%get3A_2783, %get3A_2784] {strides = array<i32>} : memref<128x32xf32, #tpu.memory_space<vmem>>, vector<1x16xf32>,
      %get3A_2786 = vector.shape_cast %get3A_2785 : vector<1x16xf32> to vector<16xf32>
      %mul3A_2787 = vector.broadcast %squeeze3A_2781 : f32 to vector<16xf32>
      %mul3A_2788 = arith.mulf %get3A_2786, %mul3A_2787 : vector<16xf32>
      %swap3A_2789 = arith.constant 93 : i32
      %swap3A_2790 = arith.index_cast %swap3A_2789 : i32 to index
      %swap3A_2791 = arith.constant 0 : index
      %swap3A_2792 = tpu.vector_load %arg11[%swap3A_2790, %swap3A_2791] {strides = array<i32>} : memref<128x32xf32, #tpu.memory_space<vmem>>, vector<1x16xf32>,
      %swap3A_2793 = vector.shape_cast %swap3A_2792 : vector<1x16xf32> to vector<16xf32>
      %swap3A_2794 = vector.shape_cast %mul3A_2788 : vector<16xf32> to vector<1x16xf32>
      tpu.vector_store %arg11[%swap3A_2790, %swap3A_2791], %swap3A_2794 {strides = array<i32>} : memref<128x32xf32, #tpu.memory_space<vmem>>, vector<1x16xf32>,
      %get3A_2795 = arith.constant 93 : i32
      %get3A_2796 = arith.index_cast %get3A_2795 : i32 to index
      %get3A_2797 = arith.constant 16 : index
      %get3A_2798 = tpu.vector_load %arg11[%get3A_2796, %get3A_2797] {strides = array<i32>} : memref<128x32xf32, #tpu.memory_space<vmem>>, vector<1x16xf32>,
      %get3A_2799 = vector.shape_cast %get3A_2798 : vector<1x16xf32> to vector<16xf32>
      %mul3A_2800 = vector.broadcast %squeeze3A_2781 : f32 to vector<16xf32>
      %mul3A_2801 = arith.mulf %get3A_2799, %mul3A_2800 : vector<16xf32>
      %swap3A_2802 = arith.constant 93 : i32
      %swap3A_2803 = arith.index_cast %swap3A_2802 : i32 to index
      %swap3A_2804 = arith.constant 16 : index
      %swap3A_2805 = tpu.vector_load %arg11[%swap3A_2803, %swap3A_2804] {strides = array<i32>} : memref<128x32xf32, #tpu.memory_space<vmem>>, vector<1x16xf32>,
      %swap3A_2806 = vector.shape_cast %swap3A_2805 : vector<1x16xf32> to vector<16xf32>
      %swap3A_2807 = vector.shape_cast %mul3A_2801 : vector<16xf32> to vector<1x16xf32>
      tpu.vector_store %arg11[%swap3A_2803, %swap3A_2804], %swap3A_2807 {strides = array<i32>} : memref<128x32xf32, #tpu.memory_space<vmem>>, vector<1x16xf32>,
      %slice3A_2808 = vector.extract_strided_slice %get3A_2415 {offsets = [14], sizes = [1], strides = [1]} : vector<16xf32> to vector<1xf32>
      %squeeze3A_2809 = vector.extract %slice3A_2808[0] : f32 from vector<1xf32>
      %get3A_2810 = arith.constant 94 : i32
      %get3A_2811 = arith.index_cast %get3A_2810 : i32 to index
      %get3A_2812 = arith.constant 0 : index
      %get3A_2813 = tpu.vector_load %arg11[%get3A_2811, %get3A_2812] {strides = array<i32>} : memref<128x32xf32, #tpu.memory_space<vmem>>, vector<1x16xf32>,
      %get3A_2814 = vector.shape_cast %get3A_2813 : vector<1x16xf32> to vector<16xf32>
      %mul3A_2815 = vector.broadcast %squeeze3A_2809 : f32 to vector<16xf32>
      %mul3A_2816 = arith.mulf %get3A_2814, %mul3A_2815 : vector<16xf32>
      %swap3A_2817 = arith.constant 94 : i32
      %swap3A_2818 = arith.index_cast %swap3A_2817 : i32 to index
      %swap3A_2819 = arith.constant 0 : index
      %swap3A_2820 = tpu.vector_load %arg11[%swap3A_2818, %swap3A_2819] {strides = array<i32>} : memref<128x32xf32, #tpu.memory_space<vmem>>, vector<1x16xf32>,
      %swap3A_2821 = vector.shape_cast %swap3A_2820 : vector<1x16xf32> to vector<16xf32>
      %swap3A_2822 = vector.shape_cast %mul3A_2816 : vector<16xf32> to vector<1x16xf32>
      tpu.vector_store %arg11[%swap3A_2818, %swap3A_2819], %swap3A_2822 {strides = array<i32>} : memref<128x32xf32, #tpu.memory_space<vmem>>, vector<1x16xf32>,
      %get3A_2823 = arith.constant 94 : i32
      %get3A_2824 = arith.index_cast %get3A_2823 : i32 to index
      %get3A_2825 = arith.constant 16 : index
      %get3A_2826 = tpu.vector_load %arg11[%get3A_2824, %get3A_2825] {strides = array<i32>} : memref<128x32xf32, #tpu.memory_space<vmem>>, vector<1x16xf32>,
      %get3A_2827 = vector.shape_cast %get3A_2826 : vector<1x16xf32> to vector<16xf32>
      %mul3A_2828 = vector.broadcast %squeeze3A_2809 : f32 to vector<16xf32>
      %mul3A_2829 = arith.mulf %get3A_2827, %mul3A_2828 : vector<16xf32>
      %swap3A_2830 = arith.constant 94 : i32
      %swap3A_2831 = arith.index_cast %swap3A_2830 : i32 to index
      %swap3A_2832 = arith.constant 16 : index
      %swap3A_2833 = tpu.vector_load %arg11[%swap3A_2831, %swap3A_2832] {strides = array<i32>} : memref<128x32xf32, #tpu.memory_space<vmem>>, vector<1x16xf32>,
      %swap3A_2834 = vector.shape_cast %swap3A_2833 : vector<1x16xf32> to vector<16xf32>
      %swap3A_2835 = vector.shape_cast %mul3A_2829 : vector<16xf32> to vector<1x16xf32>
      tpu.vector_store %arg11[%swap3A_2831, %swap3A_2832], %swap3A_2835 {strides = array<i32>} : memref<128x32xf32, #tpu.memory_space<vmem>>, vector<1x16xf32>,
      %slice3A_2836 = vector.extract_strided_slice %get3A_2415 {offsets = [15], sizes = [1], strides = [1]} : vector<16xf32> to vector<1xf32>
      %squeeze3A_2837 = vector.extract %slice3A_2836[0] : f32 from vector<1xf32>
      %get3A_2838 = arith.constant 95 : i32
      %get3A_2839 = arith.index_cast %get3A_2838 : i32 to index
      %get3A_2840 = arith.constant 0 : index
      %get3A_2841 = tpu.vector_load %arg11[%get3A_2839, %get3A_2840] {strides = array<i32>} : memref<128x32xf32, #tpu.memory_space<vmem>>, vector<1x16xf32>,
      %get3A_2842 = vector.shape_cast %get3A_2841 : vector<1x16xf32> to vector<16xf32>
      %mul3A_2843 = vector.broadcast %squeeze3A_2837 : f32 to vector<16xf32>
      %mul3A_2844 = arith.mulf %get3A_2842, %mul3A_2843 : vector<16xf32>
      %swap3A_2845 = arith.constant 95 : i32
      %swap3A_2846 = arith.index_cast %swap3A_2845 : i32 to index
      %swap3A_2847 = arith.constant 0 : index
      %swap3A_2848 = tpu.vector_load %arg11[%swap3A_2846, %swap3A_2847] {strides = array<i32>} : memref<128x32xf32, #tpu.memory_space<vmem>>, vector<1x16xf32>,
      %swap3A_2849 = vector.shape_cast %swap3A_2848 : vector<1x16xf32> to vector<16xf32>
      %swap3A_2850 = vector.shape_cast %mul3A_2844 : vector<16xf32> to vector<1x16xf32>
      tpu.vector_store %arg11[%swap3A_2846, %swap3A_2847], %swap3A_2850 {strides = array<i32>} : memref<128x32xf32, #tpu.memory_space<vmem>>, vector<1x16xf32>,
      %get3A_2851 = arith.constant 95 : i32
      %get3A_2852 = arith.index_cast %get3A_2851 : i32 to index
      %get3A_2853 = arith.constant 16 : index
      %get3A_2854 = tpu.vector_load %arg11[%get3A_2852, %get3A_2853] {strides = array<i32>} : memref<128x32xf32, #tpu.memory_space<vmem>>, vector<1x16xf32>,
      %get3A_2855 = vector.shape_cast %get3A_2854 : vector<1x16xf32> to vector<16xf32>
      %mul3A_2856 = vector.broadcast %squeeze3A_2837 : f32 to vector<16xf32>
      %mul3A_2857 = arith.mulf %get3A_2855, %mul3A_2856 : vector<16xf32>
      %swap3A_2858 = arith.constant 95 : i32
      %swap3A_2859 = arith.index_cast %swap3A_2858 : i32 to index
      %swap3A_2860 = arith.constant 16 : index
      %swap3A_2861 = tpu.vector_load %arg11[%swap3A_2859, %swap3A_2860] {strides = array<i32>} : memref<128x32xf32, #tpu.memory_space<vmem>>, vector<1x16xf32>,
      %swap3A_2862 = vector.shape_cast %swap3A_2861 : vector<1x16xf32> to vector<16xf32>
      %swap3A_2863 = vector.shape_cast %mul3A_2857 : vector<16xf32> to vector<1x16xf32>
      tpu.vector_store %arg11[%swap3A_2859, %swap3A_2860], %swap3A_2863 {strides = array<i32>} : memref<128x32xf32, #tpu.memory_space<vmem>>, vector<1x16xf32>,
      %get3A_2864 = arith.constant 96 : index
      %get3A_2865 = tpu.vector_load %arg10[%get3A_2864] {strides = array<i32>} : memref<128xf32, #tpu.memory_space<vmem>>, vector<16xf32>,
      %get3A_2866 = vector.shape_cast %get3A_2865 : vector<16xf32> to vector<16xf32>
      %slice3A_2867 = vector.extract_strided_slice %get3A_2866 {offsets = [0], sizes = [1], strides = [1]} : vector<16xf32> to vector<1xf32>
      %squeeze3A_2868 = vector.extract %slice3A_2867[0] : f32 from vector<1xf32>
      %get3A_2869 = arith.constant 96 : i32
      %get3A_2870 = arith.index_cast %get3A_2869 : i32 to index
      %get3A_2871 = arith.constant 0 : index
      %get3A_2872 = tpu.vector_load %arg11[%get3A_2870, %get3A_2871] {strides = array<i32>} : memref<128x32xf32, #tpu.memory_space<vmem>>, vector<1x16xf32>,
      %get3A_2873 = vector.shape_cast %get3A_2872 : vector<1x16xf32> to vector<16xf32>
      %mul3A_2874 = vector.broadcast %squeeze3A_2868 : f32 to vector<16xf32>
      %mul3A_2875 = arith.mulf %get3A_2873, %mul3A_2874 : vector<16xf32>
      %swap3A_2876 = arith.constant 96 : i32
      %swap3A_2877 = arith.index_cast %swap3A_2876 : i32 to index
      %swap3A_2878 = arith.constant 0 : index
      %swap3A_2879 = tpu.vector_load %arg11[%swap3A_2877, %swap3A_2878] {strides = array<i32>} : memref<128x32xf32, #tpu.memory_space<vmem>>, vector<1x16xf32>,
      %swap3A_2880 = vector.shape_cast %swap3A_2879 : vector<1x16xf32> to vector<16xf32>
      %swap3A_2881 = vector.shape_cast %mul3A_2875 : vector<16xf32> to vector<1x16xf32>
      tpu.vector_store %arg11[%swap3A_2877, %swap3A_2878], %swap3A_2881 {strides = array<i32>} : memref<128x32xf32, #tpu.memory_space<vmem>>, vector<1x16xf32>,
      %get3A_2882 = arith.constant 96 : i32
      %get3A_2883 = arith.index_cast %get3A_2882 : i32 to index
      %get3A_2884 = arith.constant 16 : index
      %get3A_2885 = tpu.vector_load %arg11[%get3A_2883, %get3A_2884] {strides = array<i32>} : memref<128x32xf32, #tpu.memory_space<vmem>>, vector<1x16xf32>,
      %get3A_2886 = vector.shape_cast %get3A_2885 : vector<1x16xf32> to vector<16xf32>
      %mul3A_2887 = vector.broadcast %squeeze3A_2868 : f32 to vector<16xf32>
      %mul3A_2888 = arith.mulf %get3A_2886, %mul3A_2887 : vector<16xf32>
      %swap3A_2889 = arith.constant 96 : i32
      %swap3A_2890 = arith.index_cast %swap3A_2889 : i32 to index
      %swap3A_2891 = arith.constant 16 : index
      %swap3A_2892 = tpu.vector_load %arg11[%swap3A_2890, %swap3A_2891] {strides = array<i32>} : memref<128x32xf32, #tpu.memory_space<vmem>>, vector<1x16xf32>,
      %swap3A_2893 = vector.shape_cast %swap3A_2892 : vector<1x16xf32> to vector<16xf32>
      %swap3A_2894 = vector.shape_cast %mul3A_2888 : vector<16xf32> to vector<1x16xf32>
      tpu.vector_store %arg11[%swap3A_2890, %swap3A_2891], %swap3A_2894 {strides = array<i32>} : memref<128x32xf32, #tpu.memory_space<vmem>>, vector<1x16xf32>,
      %slice3A_2895 = vector.extract_strided_slice %get3A_2866 {offsets = [1], sizes = [1], strides = [1]} : vector<16xf32> to vector<1xf32>
      %squeeze3A_2896 = vector.extract %slice3A_2895[0] : f32 from vector<1xf32>
      %get3A_2897 = arith.constant 97 : i32
      %get3A_2898 = arith.index_cast %get3A_2897 : i32 to index
      %get3A_2899 = arith.constant 0 : index
      %get3A_2900 = tpu.vector_load %arg11[%get3A_2898, %get3A_2899] {strides = array<i32>} : memref<128x32xf32, #tpu.memory_space<vmem>>, vector<1x16xf32>,
      %get3A_2901 = vector.shape_cast %get3A_2900 : vector<1x16xf32> to vector<16xf32>
      %mul3A_2902 = vector.broadcast %squeeze3A_2896 : f32 to vector<16xf32>
      %mul3A_2903 = arith.mulf %get3A_2901, %mul3A_2902 : vector<16xf32>
      %swap3A_2904 = arith.constant 97 : i32
      %swap3A_2905 = arith.index_cast %swap3A_2904 : i32 to index
      %swap3A_2906 = arith.constant 0 : index
      %swap3A_2907 = tpu.vector_load %arg11[%swap3A_2905, %swap3A_2906] {strides = array<i32>} : memref<128x32xf32, #tpu.memory_space<vmem>>, vector<1x16xf32>,
      %swap3A_2908 = vector.shape_cast %swap3A_2907 : vector<1x16xf32> to vector<16xf32>
      %swap3A_2909 = vector.shape_cast %mul3A_2903 : vector<16xf32> to vector<1x16xf32>
      tpu.vector_store %arg11[%swap3A_2905, %swap3A_2906], %swap3A_2909 {strides = array<i32>} : memref<128x32xf32, #tpu.memory_space<vmem>>, vector<1x16xf32>,
      %get3A_2910 = arith.constant 97 : i32
      %get3A_2911 = arith.index_cast %get3A_2910 : i32 to index
      %get3A_2912 = arith.constant 16 : index
      %get3A_2913 = tpu.vector_load %arg11[%get3A_2911, %get3A_2912] {strides = array<i32>} : memref<128x32xf32, #tpu.memory_space<vmem>>, vector<1x16xf32>,
      %get3A_2914 = vector.shape_cast %get3A_2913 : vector<1x16xf32> to vector<16xf32>
      %mul3A_2915 = vector.broadcast %squeeze3A_2896 : f32 to vector<16xf32>
      %mul3A_2916 = arith.mulf %get3A_2914, %mul3A_2915 : vector<16xf32>
      %swap3A_2917 = arith.constant 97 : i32
      %swap3A_2918 = arith.index_cast %swap3A_2917 : i32 to index
      %swap3A_2919 = arith.constant 16 : index
      %swap3A_2920 = tpu.vector_load %arg11[%swap3A_2918, %swap3A_2919] {strides = array<i32>} : memref<128x32xf32, #tpu.memory_space<vmem>>, vector<1x16xf32>,
      %swap3A_2921 = vector.shape_cast %swap3A_2920 : vector<1x16xf32> to vector<16xf32>
      %swap3A_2922 = vector.shape_cast %mul3A_2916 : vector<16xf32> to vector<1x16xf32>
      tpu.vector_store %arg11[%swap3A_2918, %swap3A_2919], %swap3A_2922 {strides = array<i32>} : memref<128x32xf32, #tpu.memory_space<vmem>>, vector<1x16xf32>,
      %slice3A_2923 = vector.extract_strided_slice %get3A_2866 {offsets = [2], sizes = [1], strides = [1]} : vector<16xf32> to vector<1xf32>
      %squeeze3A_2924 = vector.extract %slice3A_2923[0] : f32 from vector<1xf32>
      %get3A_2925 = arith.constant 98 : i32
      %get3A_2926 = arith.index_cast %get3A_2925 : i32 to index
      %get3A_2927 = arith.constant 0 : index
      %get3A_2928 = tpu.vector_load %arg11[%get3A_2926, %get3A_2927] {strides = array<i32>} : memref<128x32xf32, #tpu.memory_space<vmem>>, vector<1x16xf32>,
      %get3A_2929 = vector.shape_cast %get3A_2928 : vector<1x16xf32> to vector<16xf32>
      %mul3A_2930 = vector.broadcast %squeeze3A_2924 : f32 to vector<16xf32>
      %mul3A_2931 = arith.mulf %get3A_2929, %mul3A_2930 : vector<16xf32>
      %swap3A_2932 = arith.constant 98 : i32
      %swap3A_2933 = arith.index_cast %swap3A_2932 : i32 to index
      %swap3A_2934 = arith.constant 0 : index
      %swap3A_2935 = tpu.vector_load %arg11[%swap3A_2933, %swap3A_2934] {strides = array<i32>} : memref<128x32xf32, #tpu.memory_space<vmem>>, vector<1x16xf32>,
      %swap3A_2936 = vector.shape_cast %swap3A_2935 : vector<1x16xf32> to vector<16xf32>
      %swap3A_2937 = vector.shape_cast %mul3A_2931 : vector<16xf32> to vector<1x16xf32>
      tpu.vector_store %arg11[%swap3A_2933, %swap3A_2934], %swap3A_2937 {strides = array<i32>} : memref<128x32xf32, #tpu.memory_space<vmem>>, vector<1x16xf32>,
      %get3A_2938 = arith.constant 98 : i32
      %get3A_2939 = arith.index_cast %get3A_2938 : i32 to index
      %get3A_2940 = arith.constant 16 : index
      %get3A_2941 = tpu.vector_load %arg11[%get3A_2939, %get3A_2940] {strides = array<i32>} : memref<128x32xf32, #tpu.memory_space<vmem>>, vector<1x16xf32>,
      %get3A_2942 = vector.shape_cast %get3A_2941 : vector<1x16xf32> to vector<16xf32>
      %mul3A_2943 = vector.broadcast %squeeze3A_2924 : f32 to vector<16xf32>
      %mul3A_2944 = arith.mulf %get3A_2942, %mul3A_2943 : vector<16xf32>
      %swap3A_2945 = arith.constant 98 : i32
      %swap3A_2946 = arith.index_cast %swap3A_2945 : i32 to index
      %swap3A_2947 = arith.constant 16 : index
      %swap3A_2948 = tpu.vector_load %arg11[%swap3A_2946, %swap3A_2947] {strides = array<i32>} : memref<128x32xf32, #tpu.memory_space<vmem>>, vector<1x16xf32>,
      %swap3A_2949 = vector.shape_cast %swap3A_2948 : vector<1x16xf32> to vector<16xf32>
      %swap3A_2950 = vector.shape_cast %mul3A_2944 : vector<16xf32> to vector<1x16xf32>
      tpu.vector_store %arg11[%swap3A_2946, %swap3A_2947], %swap3A_2950 {strides = array<i32>} : memref<128x32xf32, #tpu.memory_space<vmem>>, vector<1x16xf32>,
      %slice3A_2951 = vector.extract_strided_slice %get3A_2866 {offsets = [3], sizes = [1], strides = [1]} : vector<16xf32> to vector<1xf32>
      %squeeze3A_2952 = vector.extract %slice3A_2951[0] : f32 from vector<1xf32>
      %get3A_2953 = arith.constant 99 : i32
      %get3A_2954 = arith.index_cast %get3A_2953 : i32 to index
      %get3A_2955 = arith.constant 0 : index
      %get3A_2956 = tpu.vector_load %arg11[%get3A_2954, %get3A_2955] {strides = array<i32>} : memref<128x32xf32, #tpu.memory_space<vmem>>, vector<1x16xf32>,
      %get3A_2957 = vector.shape_cast %get3A_2956 : vector<1x16xf32> to vector<16xf32>
      %mul3A_2958 = vector.broadcast %squeeze3A_2952 : f32 to vector<16xf32>
      %mul3A_2959 = arith.mulf %get3A_2957, %mul3A_2958 : vector<16xf32>
      %swap3A_2960 = arith.constant 99 : i32
      %swap3A_2961 = arith.index_cast %swap3A_2960 : i32 to index
      %swap3A_2962 = arith.constant 0 : index
      %swap3A_2963 = tpu.vector_load %arg11[%swap3A_2961, %swap3A_2962] {strides = array<i32>} : memref<128x32xf32, #tpu.memory_space<vmem>>, vector<1x16xf32>,
      %swap3A_2964 = vector.shape_cast %swap3A_2963 : vector<1x16xf32> to vector<16xf32>
      %swap3A_2965 = vector.shape_cast %mul3A_2959 : vector<16xf32> to vector<1x16xf32>
      tpu.vector_store %arg11[%swap3A_2961, %swap3A_2962], %swap3A_2965 {strides = array<i32>} : memref<128x32xf32, #tpu.memory_space<vmem>>, vector<1x16xf32>,
      %get3A_2966 = arith.constant 99 : i32
      %get3A_2967 = arith.index_cast %get3A_2966 : i32 to index
      %get3A_2968 = arith.constant 16 : index
      %get3A_2969 = tpu.vector_load %arg11[%get3A_2967, %get3A_2968] {strides = array<i32>} : memref<128x32xf32, #tpu.memory_space<vmem>>, vector<1x16xf32>,
      %get3A_2970 = vector.shape_cast %get3A_2969 : vector<1x16xf32> to vector<16xf32>
      %mul3A_2971 = vector.broadcast %squeeze3A_2952 : f32 to vector<16xf32>
      %mul3A_2972 = arith.mulf %get3A_2970, %mul3A_2971 : vector<16xf32>
      %swap3A_2973 = arith.constant 99 : i32
      %swap3A_2974 = arith.index_cast %swap3A_2973 : i32 to index
      %swap3A_2975 = arith.constant 16 : index
      %swap3A_2976 = tpu.vector_load %arg11[%swap3A_2974, %swap3A_2975] {strides = array<i32>} : memref<128x32xf32, #tpu.memory_space<vmem>>, vector<1x16xf32>,
      %swap3A_2977 = vector.shape_cast %swap3A_2976 : vector<1x16xf32> to vector<16xf32>
      %swap3A_2978 = vector.shape_cast %mul3A_2972 : vector<16xf32> to vector<1x16xf32>
      tpu.vector_store %arg11[%swap3A_2974, %swap3A_2975], %swap3A_2978 {strides = array<i32>} : memref<128x32xf32, #tpu.memory_space<vmem>>, vector<1x16xf32>,
      %slice3A_2979 = vector.extract_strided_slice %get3A_2866 {offsets = [4], sizes = [1], strides = [1]} : vector<16xf32> to vector<1xf32>
      %squeeze3A_2980 = vector.extract %slice3A_2979[0] : f32 from vector<1xf32>
      %get3A_2981 = arith.constant 100 : i32
      %get3A_2982 = arith.index_cast %get3A_2981 : i32 to index
      %get3A_2983 = arith.constant 0 : index
      %get3A_2984 = tpu.vector_load %arg11[%get3A_2982, %get3A_2983] {strides = array<i32>} : memref<128x32xf32, #tpu.memory_space<vmem>>, vector<1x16xf32>,
      %get3A_2985 = vector.shape_cast %get3A_2984 : vector<1x16xf32> to vector<16xf32>
      %mul3A_2986 = vector.broadcast %squeeze3A_2980 : f32 to vector<16xf32>
      %mul3A_2987 = arith.mulf %get3A_2985, %mul3A_2986 : vector<16xf32>
      %swap3A_2988 = arith.constant 100 : i32
      %swap3A_2989 = arith.index_cast %swap3A_2988 : i32 to index
      %swap3A_2990 = arith.constant 0 : index
      %swap3A_2991 = tpu.vector_load %arg11[%swap3A_2989, %swap3A_2990] {strides = array<i32>} : memref<128x32xf32, #tpu.memory_space<vmem>>, vector<1x16xf32>,
      %swap3A_2992 = vector.shape_cast %swap3A_2991 : vector<1x16xf32> to vector<16xf32>
      %swap3A_2993 = vector.shape_cast %mul3A_2987 : vector<16xf32> to vector<1x16xf32>
      tpu.vector_store %arg11[%swap3A_2989, %swap3A_2990], %swap3A_2993 {strides = array<i32>} : memref<128x32xf32, #tpu.memory_space<vmem>>, vector<1x16xf32>,
      %get3A_2994 = arith.constant 100 : i32
      %get3A_2995 = arith.index_cast %get3A_2994 : i32 to index
      %get3A_2996 = arith.constant 16 : index
      %get3A_2997 = tpu.vector_load %arg11[%get3A_2995, %get3A_2996] {strides = array<i32>} : memref<128x32xf32, #tpu.memory_space<vmem>>, vector<1x16xf32>,
      %get3A_2998 = vector.shape_cast %get3A_2997 : vector<1x16xf32> to vector<16xf32>
      %mul3A_2999 = vector.broadcast %squeeze3A_2980 : f32 to vector<16xf32>
      %mul3A_3000 = arith.mulf %get3A_2998, %mul3A_2999 : vector<16xf32>
      %swap3A_3001 = arith.constant 100 : i32
      %swap3A_3002 = arith.index_cast %swap3A_3001 : i32 to index
      %swap3A_3003 = arith.constant 16 : index
      %swap3A_3004 = tpu.vector_load %arg11[%swap3A_3002, %swap3A_3003] {strides = array<i32>} : memref<128x32xf32, #tpu.memory_space<vmem>>, vector<1x16xf32>,
      %swap3A_3005 = vector.shape_cast %swap3A_3004 : vector<1x16xf32> to vector<16xf32>
      %swap3A_3006 = vector.shape_cast %mul3A_3000 : vector<16xf32> to vector<1x16xf32>
      tpu.vector_store %arg11[%swap3A_3002, %swap3A_3003], %swap3A_3006 {strides = array<i32>} : memref<128x32xf32, #tpu.memory_space<vmem>>, vector<1x16xf32>,
      %slice3A_3007 = vector.extract_strided_slice %get3A_2866 {offsets = [5], sizes = [1], strides = [1]} : vector<16xf32> to vector<1xf32>
      %squeeze3A_3008 = vector.extract %slice3A_3007[0] : f32 from vector<1xf32>
      %get3A_3009 = arith.constant 101 : i32
      %get3A_3010 = arith.index_cast %get3A_3009 : i32 to index
      %get3A_3011 = arith.constant 0 : index
      %get3A_3012 = tpu.vector_load %arg11[%get3A_3010, %get3A_3011] {strides = array<i32>} : memref<128x32xf32, #tpu.memory_space<vmem>>, vector<1x16xf32>,
      %get3A_3013 = vector.shape_cast %get3A_3012 : vector<1x16xf32> to vector<16xf32>
      %mul3A_3014 = vector.broadcast %squeeze3A_3008 : f32 to vector<16xf32>
      %mul3A_3015 = arith.mulf %get3A_3013, %mul3A_3014 : vector<16xf32>
      %swap3A_3016 = arith.constant 101 : i32
      %swap3A_3017 = arith.index_cast %swap3A_3016 : i32 to index
      %swap3A_3018 = arith.constant 0 : index
      %swap3A_3019 = tpu.vector_load %arg11[%swap3A_3017, %swap3A_3018] {strides = array<i32>} : memref<128x32xf32, #tpu.memory_space<vmem>>, vector<1x16xf32>,
      %swap3A_3020 = vector.shape_cast %swap3A_3019 : vector<1x16xf32> to vector<16xf32>
      %swap3A_3021 = vector.shape_cast %mul3A_3015 : vector<16xf32> to vector<1x16xf32>
      tpu.vector_store %arg11[%swap3A_3017, %swap3A_3018], %swap3A_3021 {strides = array<i32>} : memref<128x32xf32, #tpu.memory_space<vmem>>, vector<1x16xf32>,
      %get3A_3022 = arith.constant 101 : i32
      %get3A_3023 = arith.index_cast %get3A_3022 : i32 to index
      %get3A_3024 = arith.constant 16 : index
      %get3A_3025 = tpu.vector_load %arg11[%get3A_3023, %get3A_3024] {strides = array<i32>} : memref<128x32xf32, #tpu.memory_space<vmem>>, vector<1x16xf32>,
      %get3A_3026 = vector.shape_cast %get3A_3025 : vector<1x16xf32> to vector<16xf32>
      %mul3A_3027 = vector.broadcast %squeeze3A_3008 : f32 to vector<16xf32>
      %mul3A_3028 = arith.mulf %get3A_3026, %mul3A_3027 : vector<16xf32>
      %swap3A_3029 = arith.constant 101 : i32
      %swap3A_3030 = arith.index_cast %swap3A_3029 : i32 to index
      %swap3A_3031 = arith.constant 16 : index
      %swap3A_3032 = tpu.vector_load %arg11[%swap3A_3030, %swap3A_3031] {strides = array<i32>} : memref<128x32xf32, #tpu.memory_space<vmem>>, vector<1x16xf32>,
      %swap3A_3033 = vector.shape_cast %swap3A_3032 : vector<1x16xf32> to vector<16xf32>
      %swap3A_3034 = vector.shape_cast %mul3A_3028 : vector<16xf32> to vector<1x16xf32>
      tpu.vector_store %arg11[%swap3A_3030, %swap3A_3031], %swap3A_3034 {strides = array<i32>} : memref<128x32xf32, #tpu.memory_space<vmem>>, vector<1x16xf32>,
      %slice3A_3035 = vector.extract_strided_slice %get3A_2866 {offsets = [6], sizes = [1], strides = [1]} : vector<16xf32> to vector<1xf32>
      %squeeze3A_3036 = vector.extract %slice3A_3035[0] : f32 from vector<1xf32>
      %get3A_3037 = arith.constant 102 : i32
      %get3A_3038 = arith.index_cast %get3A_3037 : i32 to index
      %get3A_3039 = arith.constant 0 : index
      %get3A_3040 = tpu.vector_load %arg11[%get3A_3038, %get3A_3039] {strides = array<i32>} : memref<128x32xf32, #tpu.memory_space<vmem>>, vector<1x16xf32>,
      %get3A_3041 = vector.shape_cast %get3A_3040 : vector<1x16xf32> to vector<16xf32>
      %mul3A_3042 = vector.broadcast %squeeze3A_3036 : f32 to vector<16xf32>
      %mul3A_3043 = arith.mulf %get3A_3041, %mul3A_3042 : vector<16xf32>
      %swap3A_3044 = arith.constant 102 : i32
      %swap3A_3045 = arith.index_cast %swap3A_3044 : i32 to index
      %swap3A_3046 = arith.constant 0 : index
      %swap3A_3047 = tpu.vector_load %arg11[%swap3A_3045, %swap3A_3046] {strides = array<i32>} : memref<128x32xf32, #tpu.memory_space<vmem>>, vector<1x16xf32>,
      %swap3A_3048 = vector.shape_cast %swap3A_3047 : vector<1x16xf32> to vector<16xf32>
      %swap3A_3049 = vector.shape_cast %mul3A_3043 : vector<16xf32> to vector<1x16xf32>
      tpu.vector_store %arg11[%swap3A_3045, %swap3A_3046], %swap3A_3049 {strides = array<i32>} : memref<128x32xf32, #tpu.memory_space<vmem>>, vector<1x16xf32>,
      %get3A_3050 = arith.constant 102 : i32
      %get3A_3051 = arith.index_cast %get3A_3050 : i32 to index
      %get3A_3052 = arith.constant 16 : index
      %get3A_3053 = tpu.vector_load %arg11[%get3A_3051, %get3A_3052] {strides = array<i32>} : memref<128x32xf32, #tpu.memory_space<vmem>>, vector<1x16xf32>,
      %get3A_3054 = vector.shape_cast %get3A_3053 : vector<1x16xf32> to vector<16xf32>
      %mul3A_3055 = vector.broadcast %squeeze3A_3036 : f32 to vector<16xf32>
      %mul3A_3056 = arith.mulf %get3A_3054, %mul3A_3055 : vector<16xf32>
      %swap3A_3057 = arith.constant 102 : i32
      %swap3A_3058 = arith.index_cast %swap3A_3057 : i32 to index
      %swap3A_3059 = arith.constant 16 : index
      %swap3A_3060 = tpu.vector_load %arg11[%swap3A_3058, %swap3A_3059] {strides = array<i32>} : memref<128x32xf32, #tpu.memory_space<vmem>>, vector<1x16xf32>,
      %swap3A_3061 = vector.shape_cast %swap3A_3060 : vector<1x16xf32> to vector<16xf32>
      %swap3A_3062 = vector.shape_cast %mul3A_3056 : vector<16xf32> to vector<1x16xf32>
      tpu.vector_store %arg11[%swap3A_3058, %swap3A_3059], %swap3A_3062 {strides = array<i32>} : memref<128x32xf32, #tpu.memory_space<vmem>>, vector<1x16xf32>,
      %slice3A_3063 = vector.extract_strided_slice %get3A_2866 {offsets = [7], sizes = [1], strides = [1]} : vector<16xf32> to vector<1xf32>
      %squeeze3A_3064 = vector.extract %slice3A_3063[0] : f32 from vector<1xf32>
      %get3A_3065 = arith.constant 103 : i32
      %get3A_3066 = arith.index_cast %get3A_3065 : i32 to index
      %get3A_3067 = arith.constant 0 : index
      %get3A_3068 = tpu.vector_load %arg11[%get3A_3066, %get3A_3067] {strides = array<i32>} : memref<128x32xf32, #tpu.memory_space<vmem>>, vector<1x16xf32>,
      %get3A_3069 = vector.shape_cast %get3A_3068 : vector<1x16xf32> to vector<16xf32>
      %mul3A_3070 = vector.broadcast %squeeze3A_3064 : f32 to vector<16xf32>
      %mul3A_3071 = arith.mulf %get3A_3069, %mul3A_3070 : vector<16xf32>
      %swap3A_3072 = arith.constant 103 : i32
      %swap3A_3073 = arith.index_cast %swap3A_3072 : i32 to index
      %swap3A_3074 = arith.constant 0 : index
      %swap3A_3075 = tpu.vector_load %arg11[%swap3A_3073, %swap3A_3074] {strides = array<i32>} : memref<128x32xf32, #tpu.memory_space<vmem>>, vector<1x16xf32>,
      %swap3A_3076 = vector.shape_cast %swap3A_3075 : vector<1x16xf32> to vector<16xf32>
      %swap3A_3077 = vector.shape_cast %mul3A_3071 : vector<16xf32> to vector<1x16xf32>
      tpu.vector_store %arg11[%swap3A_3073, %swap3A_3074], %swap3A_3077 {strides = array<i32>} : memref<128x32xf32, #tpu.memory_space<vmem>>, vector<1x16xf32>,
      %get3A_3078 = arith.constant 103 : i32
      %get3A_3079 = arith.index_cast %get3A_3078 : i32 to index
      %get3A_3080 = arith.constant 16 : index
      %get3A_3081 = tpu.vector_load %arg11[%get3A_3079, %get3A_3080] {strides = array<i32>} : memref<128x32xf32, #tpu.memory_space<vmem>>, vector<1x16xf32>,
      %get3A_3082 = vector.shape_cast %get3A_3081 : vector<1x16xf32> to vector<16xf32>
      %mul3A_3083 = vector.broadcast %squeeze3A_3064 : f32 to vector<16xf32>
      %mul3A_3084 = arith.mulf %get3A_3082, %mul3A_3083 : vector<16xf32>
      %swap3A_3085 = arith.constant 103 : i32
      %swap3A_3086 = arith.index_cast %swap3A_3085 : i32 to index
      %swap3A_3087 = arith.constant 16 : index
      %swap3A_3088 = tpu.vector_load %arg11[%swap3A_3086, %swap3A_3087] {strides = array<i32>} : memref<128x32xf32, #tpu.memory_space<vmem>>, vector<1x16xf32>,
      %swap3A_3089 = vector.shape_cast %swap3A_3088 : vector<1x16xf32> to vector<16xf32>
      %swap3A_3090 = vector.shape_cast %mul3A_3084 : vector<16xf32> to vector<1x16xf32>
      tpu.vector_store %arg11[%swap3A_3086, %swap3A_3087], %swap3A_3090 {strides = array<i32>} : memref<128x32xf32, #tpu.memory_space<vmem>>, vector<1x16xf32>,
      %slice3A_3091 = vector.extract_strided_slice %get3A_2866 {offsets = [8], sizes = [1], strides = [1]} : vector<16xf32> to vector<1xf32>
      %squeeze3A_3092 = vector.extract %slice3A_3091[0] : f32 from vector<1xf32>
      %get3A_3093 = arith.constant 104 : i32
      %get3A_3094 = arith.index_cast %get3A_3093 : i32 to index
      %get3A_3095 = arith.constant 0 : index
      %get3A_3096 = tpu.vector_load %arg11[%get3A_3094, %get3A_3095] {strides = array<i32>} : memref<128x32xf32, #tpu.memory_space<vmem>>, vector<1x16xf32>,
      %get3A_3097 = vector.shape_cast %get3A_3096 : vector<1x16xf32> to vector<16xf32>
      %mul3A_3098 = vector.broadcast %squeeze3A_3092 : f32 to vector<16xf32>
      %mul3A_3099 = arith.mulf %get3A_3097, %mul3A_3098 : vector<16xf32>
      %swap3A_3100 = arith.constant 104 : i32
      %swap3A_3101 = arith.index_cast %swap3A_3100 : i32 to index
      %swap3A_3102 = arith.constant 0 : index
      %swap3A_3103 = tpu.vector_load %arg11[%swap3A_3101, %swap3A_3102] {strides = array<i32>} : memref<128x32xf32, #tpu.memory_space<vmem>>, vector<1x16xf32>,
      %swap3A_3104 = vector.shape_cast %swap3A_3103 : vector<1x16xf32> to vector<16xf32>
      %swap3A_3105 = vector.shape_cast %mul3A_3099 : vector<16xf32> to vector<1x16xf32>
      tpu.vector_store %arg11[%swap3A_3101, %swap3A_3102], %swap3A_3105 {strides = array<i32>} : memref<128x32xf32, #tpu.memory_space<vmem>>, vector<1x16xf32>,
      %get3A_3106 = arith.constant 104 : i32
      %get3A_3107 = arith.index_cast %get3A_3106 : i32 to index
      %get3A_3108 = arith.constant 16 : index
      %get3A_3109 = tpu.vector_load %arg11[%get3A_3107, %get3A_3108] {strides = array<i32>} : memref<128x32xf32, #tpu.memory_space<vmem>>, vector<1x16xf32>,
      %get3A_3110 = vector.shape_cast %get3A_3109 : vector<1x16xf32> to vector<16xf32>
      %mul3A_3111 = vector.broadcast %squeeze3A_3092 : f32 to vector<16xf32>
      %mul3A_3112 = arith.mulf %get3A_3110, %mul3A_3111 : vector<16xf32>
      %swap3A_3113 = arith.constant 104 : i32
      %swap3A_3114 = arith.index_cast %swap3A_3113 : i32 to index
      %swap3A_3115 = arith.constant 16 : index
      %swap3A_3116 = tpu.vector_load %arg11[%swap3A_3114, %swap3A_3115] {strides = array<i32>} : memref<128x32xf32, #tpu.memory_space<vmem>>, vector<1x16xf32>,
      %swap3A_3117 = vector.shape_cast %swap3A_3116 : vector<1x16xf32> to vector<16xf32>
      %swap3A_3118 = vector.shape_cast %mul3A_3112 : vector<16xf32> to vector<1x16xf32>
      tpu.vector_store %arg11[%swap3A_3114, %swap3A_3115], %swap3A_3118 {strides = array<i32>} : memref<128x32xf32, #tpu.memory_space<vmem>>, vector<1x16xf32>,
      %slice3A_3119 = vector.extract_strided_slice %get3A_2866 {offsets = [9], sizes = [1], strides = [1]} : vector<16xf32> to vector<1xf32>
      %squeeze3A_3120 = vector.extract %slice3A_3119[0] : f32 from vector<1xf32>
      %get3A_3121 = arith.constant 105 : i32
      %get3A_3122 = arith.index_cast %get3A_3121 : i32 to index
      %get3A_3123 = arith.constant 0 : index
      %get3A_3124 = tpu.vector_load %arg11[%get3A_3122, %get3A_3123] {strides = array<i32>} : memref<128x32xf32, #tpu.memory_space<vmem>>, vector<1x16xf32>,
      %get3A_3125 = vector.shape_cast %get3A_3124 : vector<1x16xf32> to vector<16xf32>
      %mul3A_3126 = vector.broadcast %squeeze3A_3120 : f32 to vector<16xf32>
      %mul3A_3127 = arith.mulf %get3A_3125, %mul3A_3126 : vector<16xf32>
      %swap3A_3128 = arith.constant 105 : i32
      %swap3A_3129 = arith.index_cast %swap3A_3128 : i32 to index
      %swap3A_3130 = arith.constant 0 : index
      %swap3A_3131 = tpu.vector_load %arg11[%swap3A_3129, %swap3A_3130] {strides = array<i32>} : memref<128x32xf32, #tpu.memory_space<vmem>>, vector<1x16xf32>,
      %swap3A_3132 = vector.shape_cast %swap3A_3131 : vector<1x16xf32> to vector<16xf32>
      %swap3A_3133 = vector.shape_cast %mul3A_3127 : vector<16xf32> to vector<1x16xf32>
      tpu.vector_store %arg11[%swap3A_3129, %swap3A_3130], %swap3A_3133 {strides = array<i32>} : memref<128x32xf32, #tpu.memory_space<vmem>>, vector<1x16xf32>,
      %get3A_3134 = arith.constant 105 : i32
      %get3A_3135 = arith.index_cast %get3A_3134 : i32 to index
      %get3A_3136 = arith.constant 16 : index
      %get3A_3137 = tpu.vector_load %arg11[%get3A_3135, %get3A_3136] {strides = array<i32>} : memref<128x32xf32, #tpu.memory_space<vmem>>, vector<1x16xf32>,
      %get3A_3138 = vector.shape_cast %get3A_3137 : vector<1x16xf32> to vector<16xf32>
      %mul3A_3139 = vector.broadcast %squeeze3A_3120 : f32 to vector<16xf32>
      %mul3A_3140 = arith.mulf %get3A_3138, %mul3A_3139 : vector<16xf32>
      %swap3A_3141 = arith.constant 105 : i32
      %swap3A_3142 = arith.index_cast %swap3A_3141 : i32 to index
      %swap3A_3143 = arith.constant 16 : index
      %swap3A_3144 = tpu.vector_load %arg11[%swap3A_3142, %swap3A_3143] {strides = array<i32>} : memref<128x32xf32, #tpu.memory_space<vmem>>, vector<1x16xf32>,
      %swap3A_3145 = vector.shape_cast %swap3A_3144 : vector<1x16xf32> to vector<16xf32>
      %swap3A_3146 = vector.shape_cast %mul3A_3140 : vector<16xf32> to vector<1x16xf32>
      tpu.vector_store %arg11[%swap3A_3142, %swap3A_3143], %swap3A_3146 {strides = array<i32>} : memref<128x32xf32, #tpu.memory_space<vmem>>, vector<1x16xf32>,
      %slice3A_3147 = vector.extract_strided_slice %get3A_2866 {offsets = [10], sizes = [1], strides = [1]} : vector<16xf32> to vector<1xf32>
      %squeeze3A_3148 = vector.extract %slice3A_3147[0] : f32 from vector<1xf32>
      %get3A_3149 = arith.constant 106 : i32
      %get3A_3150 = arith.index_cast %get3A_3149 : i32 to index
      %get3A_3151 = arith.constant 0 : index
      %get3A_3152 = tpu.vector_load %arg11[%get3A_3150, %get3A_3151] {strides = array<i32>} : memref<128x32xf32, #tpu.memory_space<vmem>>, vector<1x16xf32>,
      %get3A_3153 = vector.shape_cast %get3A_3152 : vector<1x16xf32> to vector<16xf32>
      %mul3A_3154 = vector.broadcast %squeeze3A_3148 : f32 to vector<16xf32>
      %mul3A_3155 = arith.mulf %get3A_3153, %mul3A_3154 : vector<16xf32>
      %swap3A_3156 = arith.constant 106 : i32
      %swap3A_3157 = arith.index_cast %swap3A_3156 : i32 to index
      %swap3A_3158 = arith.constant 0 : index
      %swap3A_3159 = tpu.vector_load %arg11[%swap3A_3157, %swap3A_3158] {strides = array<i32>} : memref<128x32xf32, #tpu.memory_space<vmem>>, vector<1x16xf32>,
      %swap3A_3160 = vector.shape_cast %swap3A_3159 : vector<1x16xf32> to vector<16xf32>
      %swap3A_3161 = vector.shape_cast %mul3A_3155 : vector<16xf32> to vector<1x16xf32>
      tpu.vector_store %arg11[%swap3A_3157, %swap3A_3158], %swap3A_3161 {strides = array<i32>} : memref<128x32xf32, #tpu.memory_space<vmem>>, vector<1x16xf32>,
      %get3A_3162 = arith.constant 106 : i32
      %get3A_3163 = arith.index_cast %get3A_3162 : i32 to index
      %get3A_3164 = arith.constant 16 : index
      %get3A_3165 = tpu.vector_load %arg11[%get3A_3163, %get3A_3164] {strides = array<i32>} : memref<128x32xf32, #tpu.memory_space<vmem>>, vector<1x16xf32>,
      %get3A_3166 = vector.shape_cast %get3A_3165 : vector<1x16xf32> to vector<16xf32>
      %mul3A_3167 = vector.broadcast %squeeze3A_3148 : f32 to vector<16xf32>
      %mul3A_3168 = arith.mulf %get3A_3166, %mul3A_3167 : vector<16xf32>
      %swap3A_3169 = arith.constant 106 : i32
      %swap3A_3170 = arith.index_cast %swap3A_3169 : i32 to index
      %swap3A_3171 = arith.constant 16 : index
      %swap3A_3172 = tpu.vector_load %arg11[%swap3A_3170, %swap3A_3171] {strides = array<i32>} : memref<128x32xf32, #tpu.memory_space<vmem>>, vector<1x16xf32>,
      %swap3A_3173 = vector.shape_cast %swap3A_3172 : vector<1x16xf32> to vector<16xf32>
      %swap3A_3174 = vector.shape_cast %mul3A_3168 : vector<16xf32> to vector<1x16xf32>
      tpu.vector_store %arg11[%swap3A_3170, %swap3A_3171], %swap3A_3174 {strides = array<i32>} : memref<128x32xf32, #tpu.memory_space<vmem>>, vector<1x16xf32>,
      %slice3A_3175 = vector.extract_strided_slice %get3A_2866 {offsets = [11], sizes = [1], strides = [1]} : vector<16xf32> to vector<1xf32>
      %squeeze3A_3176 = vector.extract %slice3A_3175[0] : f32 from vector<1xf32>
      %get3A_3177 = arith.constant 107 : i32
      %get3A_3178 = arith.index_cast %get3A_3177 : i32 to index
      %get3A_3179 = arith.constant 0 : index
      %get3A_3180 = tpu.vector_load %arg11[%get3A_3178, %get3A_3179] {strides = array<i32>} : memref<128x32xf32, #tpu.memory_space<vmem>>, vector<1x16xf32>,
      %get3A_3181 = vector.shape_cast %get3A_3180 : vector<1x16xf32> to vector<16xf32>
      %mul3A_3182 = vector.broadcast %squeeze3A_3176 : f32 to vector<16xf32>
      %mul3A_3183 = arith.mulf %get3A_3181, %mul3A_3182 : vector<16xf32>
      %swap3A_3184 = arith.constant 107 : i32
      %swap3A_3185 = arith.index_cast %swap3A_3184 : i32 to index
      %swap3A_3186 = arith.constant 0 : index
      %swap3A_3187 = tpu.vector_load %arg11[%swap3A_3185, %swap3A_3186] {strides = array<i32>} : memref<128x32xf32, #tpu.memory_space<vmem>>, vector<1x16xf32>,
      %swap3A_3188 = vector.shape_cast %swap3A_3187 : vector<1x16xf32> to vector<16xf32>
      %swap3A_3189 = vector.shape_cast %mul3A_3183 : vector<16xf32> to vector<1x16xf32>
      tpu.vector_store %arg11[%swap3A_3185, %swap3A_3186], %swap3A_3189 {strides = array<i32>} : memref<128x32xf32, #tpu.memory_space<vmem>>, vector<1x16xf32>,
      %get3A_3190 = arith.constant 107 : i32
      %get3A_3191 = arith.index_cast %get3A_3190 : i32 to index
      %get3A_3192 = arith.constant 16 : index
      %get3A_3193 = tpu.vector_load %arg11[%get3A_3191, %get3A_3192] {strides = array<i32>} : memref<128x32xf32, #tpu.memory_space<vmem>>, vector<1x16xf32>,
      %get3A_3194 = vector.shape_cast %get3A_3193 : vector<1x16xf32> to vector<16xf32>
      %mul3A_3195 = vector.broadcast %squeeze3A_3176 : f32 to vector<16xf32>
      %mul3A_3196 = arith.mulf %get3A_3194, %mul3A_3195 : vector<16xf32>
      %swap3A_3197 = arith.constant 107 : i32
      %swap3A_3198 = arith.index_cast %swap3A_3197 : i32 to index
      %swap3A_3199 = arith.constant 16 : index
      %swap3A_3200 = tpu.vector_load %arg11[%swap3A_3198, %swap3A_3199] {strides = array<i32>} : memref<128x32xf32, #tpu.memory_space<vmem>>, vector<1x16xf32>,
      %swap3A_3201 = vector.shape_cast %swap3A_3200 : vector<1x16xf32> to vector<16xf32>
      %swap3A_3202 = vector.shape_cast %mul3A_3196 : vector<16xf32> to vector<1x16xf32>
      tpu.vector_store %arg11[%swap3A_3198, %swap3A_3199], %swap3A_3202 {strides = array<i32>} : memref<128x32xf32, #tpu.memory_space<vmem>>, vector<1x16xf32>,
      %slice3A_3203 = vector.extract_strided_slice %get3A_2866 {offsets = [12], sizes = [1], strides = [1]} : vector<16xf32> to vector<1xf32>
      %squeeze3A_3204 = vector.extract %slice3A_3203[0] : f32 from vector<1xf32>
      %get3A_3205 = arith.constant 108 : i32
      %get3A_3206 = arith.index_cast %get3A_3205 : i32 to index
      %get3A_3207 = arith.constant 0 : index
      %get3A_3208 = tpu.vector_load %arg11[%get3A_3206, %get3A_3207] {strides = array<i32>} : memref<128x32xf32, #tpu.memory_space<vmem>>, vector<1x16xf32>,
      %get3A_3209 = vector.shape_cast %get3A_3208 : vector<1x16xf32> to vector<16xf32>
      %mul3A_3210 = vector.broadcast %squeeze3A_3204 : f32 to vector<16xf32>
      %mul3A_3211 = arith.mulf %get3A_3209, %mul3A_3210 : vector<16xf32>
      %swap3A_3212 = arith.constant 108 : i32
      %swap3A_3213 = arith.index_cast %swap3A_3212 : i32 to index
      %swap3A_3214 = arith.constant 0 : index
      %swap3A_3215 = tpu.vector_load %arg11[%swap3A_3213, %swap3A_3214] {strides = array<i32>} : memref<128x32xf32, #tpu.memory_space<vmem>>, vector<1x16xf32>,
      %swap3A_3216 = vector.shape_cast %swap3A_3215 : vector<1x16xf32> to vector<16xf32>
      %swap3A_3217 = vector.shape_cast %mul3A_3211 : vector<16xf32> to vector<1x16xf32>
      tpu.vector_store %arg11[%swap3A_3213, %swap3A_3214], %swap3A_3217 {strides = array<i32>} : memref<128x32xf32, #tpu.memory_space<vmem>>, vector<1x16xf32>,
      %get3A_3218 = arith.constant 108 : i32
      %get3A_3219 = arith.index_cast %get3A_3218 : i32 to index
      %get3A_3220 = arith.constant 16 : index
      %get3A_3221 = tpu.vector_load %arg11[%get3A_3219, %get3A_3220] {strides = array<i32>} : memref<128x32xf32, #tpu.memory_space<vmem>>, vector<1x16xf32>,
      %get3A_3222 = vector.shape_cast %get3A_3221 : vector<1x16xf32> to vector<16xf32>
      %mul3A_3223 = vector.broadcast %squeeze3A_3204 : f32 to vector<16xf32>
      %mul3A_3224 = arith.mulf %get3A_3222, %mul3A_3223 : vector<16xf32>
      %swap3A_3225 = arith.constant 108 : i32
      %swap3A_3226 = arith.index_cast %swap3A_3225 : i32 to index
      %swap3A_3227 = arith.constant 16 : index
      %swap3A_3228 = tpu.vector_load %arg11[%swap3A_3226, %swap3A_3227] {strides = array<i32>} : memref<128x32xf32, #tpu.memory_space<vmem>>, vector<1x16xf32>,
      %swap3A_3229 = vector.shape_cast %swap3A_3228 : vector<1x16xf32> to vector<16xf32>
      %swap3A_3230 = vector.shape_cast %mul3A_3224 : vector<16xf32> to vector<1x16xf32>
      tpu.vector_store %arg11[%swap3A_3226, %swap3A_3227], %swap3A_3230 {strides = array<i32>} : memref<128x32xf32, #tpu.memory_space<vmem>>, vector<1x16xf32>,
      %slice3A_3231 = vector.extract_strided_slice %get3A_2866 {offsets = [13], sizes = [1], strides = [1]} : vector<16xf32> to vector<1xf32>
      %squeeze3A_3232 = vector.extract %slice3A_3231[0] : f32 from vector<1xf32>
      %get3A_3233 = arith.constant 109 : i32
      %get3A_3234 = arith.index_cast %get3A_3233 : i32 to index
      %get3A_3235 = arith.constant 0 : index
      %get3A_3236 = tpu.vector_load %arg11[%get3A_3234, %get3A_3235] {strides = array<i32>} : memref<128x32xf32, #tpu.memory_space<vmem>>, vector<1x16xf32>,
      %get3A_3237 = vector.shape_cast %get3A_3236 : vector<1x16xf32> to vector<16xf32>
      %mul3A_3238 = vector.broadcast %squeeze3A_3232 : f32 to vector<16xf32>
      %mul3A_3239 = arith.mulf %get3A_3237, %mul3A_3238 : vector<16xf32>
      %swap3A_3240 = arith.constant 109 : i32
      %swap3A_3241 = arith.index_cast %swap3A_3240 : i32 to index
      %swap3A_3242 = arith.constant 0 : index
      %swap3A_3243 = tpu.vector_load %arg11[%swap3A_3241, %swap3A_3242] {strides = array<i32>} : memref<128x32xf32, #tpu.memory_space<vmem>>, vector<1x16xf32>,
      %swap3A_3244 = vector.shape_cast %swap3A_3243 : vector<1x16xf32> to vector<16xf32>
      %swap3A_3245 = vector.shape_cast %mul3A_3239 : vector<16xf32> to vector<1x16xf32>
      tpu.vector_store %arg11[%swap3A_3241, %swap3A_3242], %swap3A_3245 {strides = array<i32>} : memref<128x32xf32, #tpu.memory_space<vmem>>, vector<1x16xf32>,
      %get3A_3246 = arith.constant 109 : i32
      %get3A_3247 = arith.index_cast %get3A_3246 : i32 to index
      %get3A_3248 = arith.constant 16 : index
      %get3A_3249 = tpu.vector_load %arg11[%get3A_3247, %get3A_3248] {strides = array<i32>} : memref<128x32xf32, #tpu.memory_space<vmem>>, vector<1x16xf32>,
      %get3A_3250 = vector.shape_cast %get3A_3249 : vector<1x16xf32> to vector<16xf32>
      %mul3A_3251 = vector.broadcast %squeeze3A_3232 : f32 to vector<16xf32>
      %mul3A_3252 = arith.mulf %get3A_3250, %mul3A_3251 : vector<16xf32>
      %swap3A_3253 = arith.constant 109 : i32
      %swap3A_3254 = arith.index_cast %swap3A_3253 : i32 to index
      %swap3A_3255 = arith.constant 16 : index
      %swap3A_3256 = tpu.vector_load %arg11[%swap3A_3254, %swap3A_3255] {strides = array<i32>} : memref<128x32xf32, #tpu.memory_space<vmem>>, vector<1x16xf32>,
      %swap3A_3257 = vector.shape_cast %swap3A_3256 : vector<1x16xf32> to vector<16xf32>
      %swap3A_3258 = vector.shape_cast %mul3A_3252 : vector<16xf32> to vector<1x16xf32>
      tpu.vector_store %arg11[%swap3A_3254, %swap3A_3255], %swap3A_3258 {strides = array<i32>} : memref<128x32xf32, #tpu.memory_space<vmem>>, vector<1x16xf32>,
      %slice3A_3259 = vector.extract_strided_slice %get3A_2866 {offsets = [14], sizes = [1], strides = [1]} : vector<16xf32> to vector<1xf32>
      %squeeze3A_3260 = vector.extract %slice3A_3259[0] : f32 from vector<1xf32>
      %get3A_3261 = arith.constant 110 : i32
      %get3A_3262 = arith.index_cast %get3A_3261 : i32 to index
      %get3A_3263 = arith.constant 0 : index
      %get3A_3264 = tpu.vector_load %arg11[%get3A_3262, %get3A_3263] {strides = array<i32>} : memref<128x32xf32, #tpu.memory_space<vmem>>, vector<1x16xf32>,
      %get3A_3265 = vector.shape_cast %get3A_3264 : vector<1x16xf32> to vector<16xf32>
      %mul3A_3266 = vector.broadcast %squeeze3A_3260 : f32 to vector<16xf32>
      %mul3A_3267 = arith.mulf %get3A_3265, %mul3A_3266 : vector<16xf32>
      %swap3A_3268 = arith.constant 110 : i32
      %swap3A_3269 = arith.index_cast %swap3A_3268 : i32 to index
      %swap3A_3270 = arith.constant 0 : index
      %swap3A_3271 = tpu.vector_load %arg11[%swap3A_3269, %swap3A_3270] {strides = array<i32>} : memref<128x32xf32, #tpu.memory_space<vmem>>, vector<1x16xf32>,
      %swap3A_3272 = vector.shape_cast %swap3A_3271 : vector<1x16xf32> to vector<16xf32>
      %swap3A_3273 = vector.shape_cast %mul3A_3267 : vector<16xf32> to vector<1x16xf32>
      tpu.vector_store %arg11[%swap3A_3269, %swap3A_3270], %swap3A_3273 {strides = array<i32>} : memref<128x32xf32, #tpu.memory_space<vmem>>, vector<1x16xf32>,
      %get3A_3274 = arith.constant 110 : i32
      %get3A_3275 = arith.index_cast %get3A_3274 : i32 to index
      %get3A_3276 = arith.constant 16 : index
      %get3A_3277 = tpu.vector_load %arg11[%get3A_3275, %get3A_3276] {strides = array<i32>} : memref<128x32xf32, #tpu.memory_space<vmem>>, vector<1x16xf32>,
      %get3A_3278 = vector.shape_cast %get3A_3277 : vector<1x16xf32> to vector<16xf32>
      %mul3A_3279 = vector.broadcast %squeeze3A_3260 : f32 to vector<16xf32>
      %mul3A_3280 = arith.mulf %get3A_3278, %mul3A_3279 : vector<16xf32>
      %swap3A_3281 = arith.constant 110 : i32
      %swap3A_3282 = arith.index_cast %swap3A_3281 : i32 to index
      %swap3A_3283 = arith.constant 16 : index
      %swap3A_3284 = tpu.vector_load %arg11[%swap3A_3282, %swap3A_3283] {strides = array<i32>} : memref<128x32xf32, #tpu.memory_space<vmem>>, vector<1x16xf32>,
      %swap3A_3285 = vector.shape_cast %swap3A_3284 : vector<1x16xf32> to vector<16xf32>
      %swap3A_3286 = vector.shape_cast %mul3A_3280 : vector<16xf32> to vector<1x16xf32>
      tpu.vector_store %arg11[%swap3A_3282, %swap3A_3283], %swap3A_3286 {strides = array<i32>} : memref<128x32xf32, #tpu.memory_space<vmem>>, vector<1x16xf32>,
      %slice3A_3287 = vector.extract_strided_slice %get3A_2866 {offsets = [15], sizes = [1], strides = [1]} : vector<16xf32> to vector<1xf32>
      %squeeze3A_3288 = vector.extract %slice3A_3287[0] : f32 from vector<1xf32>
      %get3A_3289 = arith.constant 111 : i32
      %get3A_3290 = arith.index_cast %get3A_3289 : i32 to index
      %get3A_3291 = arith.constant 0 : index
      %get3A_3292 = tpu.vector_load %arg11[%get3A_3290, %get3A_3291] {strides = array<i32>} : memref<128x32xf32, #tpu.memory_space<vmem>>, vector<1x16xf32>,
      %get3A_3293 = vector.shape_cast %get3A_3292 : vector<1x16xf32> to vector<16xf32>
      %mul3A_3294 = vector.broadcast %squeeze3A_3288 : f32 to vector<16xf32>
      %mul3A_3295 = arith.mulf %get3A_3293, %mul3A_3294 : vector<16xf32>
      %swap3A_3296 = arith.constant 111 : i32
      %swap3A_3297 = arith.index_cast %swap3A_3296 : i32 to index
      %swap3A_3298 = arith.constant 0 : index
      %swap3A_3299 = tpu.vector_load %arg11[%swap3A_3297, %swap3A_3298] {strides = array<i32>} : memref<128x32xf32, #tpu.memory_space<vmem>>, vector<1x16xf32>,
      %swap3A_3300 = vector.shape_cast %swap3A_3299 : vector<1x16xf32> to vector<16xf32>
      %swap3A_3301 = vector.shape_cast %mul3A_3295 : vector<16xf32> to vector<1x16xf32>
      tpu.vector_store %arg11[%swap3A_3297, %swap3A_3298], %swap3A_3301 {strides = array<i32>} : memref<128x32xf32, #tpu.memory_space<vmem>>, vector<1x16xf32>,
      %get3A_3302 = arith.constant 111 : i32
      %get3A_3303 = arith.index_cast %get3A_3302 : i32 to index
      %get3A_3304 = arith.constant 16 : index
      %get3A_3305 = tpu.vector_load %arg11[%get3A_3303, %get3A_3304] {strides = array<i32>} : memref<128x32xf32, #tpu.memory_space<vmem>>, vector<1x16xf32>,
      %get3A_3306 = vector.shape_cast %get3A_3305 : vector<1x16xf32> to vector<16xf32>
      %mul3A_3307 = vector.broadcast %squeeze3A_3288 : f32 to vector<16xf32>
      %mul3A_3308 = arith.mulf %get3A_3306, %mul3A_3307 : vector<16xf32>
      %swap3A_3309 = arith.constant 111 : i32
      %swap3A_3310 = arith.index_cast %swap3A_3309 : i32 to index
      %swap3A_3311 = arith.constant 16 : index
      %swap3A_3312 = tpu.vector_load %arg11[%swap3A_3310, %swap3A_3311] {strides = array<i32>} : memref<128x32xf32, #tpu.memory_space<vmem>>, vector<1x16xf32>,
      %swap3A_3313 = vector.shape_cast %swap3A_3312 : vector<1x16xf32> to vector<16xf32>
      %swap3A_3314 = vector.shape_cast %mul3A_3308 : vector<16xf32> to vector<1x16xf32>
      tpu.vector_store %arg11[%swap3A_3310, %swap3A_3311], %swap3A_3314 {strides = array<i32>} : memref<128x32xf32, #tpu.memory_space<vmem>>, vector<1x16xf32>,
      %get3A_3315 = arith.constant 112 : index
      %get3A_3316 = tpu.vector_load %arg10[%get3A_3315] {strides = array<i32>} : memref<128xf32, #tpu.memory_space<vmem>>, vector<16xf32>,
      %get3A_3317 = vector.shape_cast %get3A_3316 : vector<16xf32> to vector<16xf32>
      %slice3A_3318 = vector.extract_strided_slice %get3A_3317 {offsets = [0], sizes = [1], strides = [1]} : vector<16xf32> to vector<1xf32>
      %squeeze3A_3319 = vector.extract %slice3A_3318[0] : f32 from vector<1xf32>
      %get3A_3320 = arith.constant 112 : i32
      %get3A_3321 = arith.index_cast %get3A_3320 : i32 to index
      %get3A_3322 = arith.constant 0 : index
      %get3A_3323 = tpu.vector_load %arg11[%get3A_3321, %get3A_3322] {strides = array<i32>} : memref<128x32xf32, #tpu.memory_space<vmem>>, vector<1x16xf32>,
      %get3A_3324 = vector.shape_cast %get3A_3323 : vector<1x16xf32> to vector<16xf32>
      %mul3A_3325 = vector.broadcast %squeeze3A_3319 : f32 to vector<16xf32>
      %mul3A_3326 = arith.mulf %get3A_3324, %mul3A_3325 : vector<16xf32>
      %swap3A_3327 = arith.constant 112 : i32
      %swap3A_3328 = arith.index_cast %swap3A_3327 : i32 to index
      %swap3A_3329 = arith.constant 0 : index
      %swap3A_3330 = tpu.vector_load %arg11[%swap3A_3328, %swap3A_3329] {strides = array<i32>} : memref<128x32xf32, #tpu.memory_space<vmem>>, vector<1x16xf32>,
      %swap3A_3331 = vector.shape_cast %swap3A_3330 : vector<1x16xf32> to vector<16xf32>
      %swap3A_3332 = vector.shape_cast %mul3A_3326 : vector<16xf32> to vector<1x16xf32>
      tpu.vector_store %arg11[%swap3A_3328, %swap3A_3329], %swap3A_3332 {strides = array<i32>} : memref<128x32xf32, #tpu.memory_space<vmem>>, vector<1x16xf32>,
      %get3A_3333 = arith.constant 112 : i32
      %get3A_3334 = arith.index_cast %get3A_3333 : i32 to index
      %get3A_3335 = arith.constant 16 : index
      %get3A_3336 = tpu.vector_load %arg11[%get3A_3334, %get3A_3335] {strides = array<i32>} : memref<128x32xf32, #tpu.memory_space<vmem>>, vector<1x16xf32>,
      %get3A_3337 = vector.shape_cast %get3A_3336 : vector<1x16xf32> to vector<16xf32>
      %mul3A_3338 = vector.broadcast %squeeze3A_3319 : f32 to vector<16xf32>
      %mul3A_3339 = arith.mulf %get3A_3337, %mul3A_3338 : vector<16xf32>
      %swap3A_3340 = arith.constant 112 : i32
      %swap3A_3341 = arith.index_cast %swap3A_3340 : i32 to index
      %swap3A_3342 = arith.constant 16 : index
      %swap3A_3343 = tpu.vector_load %arg11[%swap3A_3341, %swap3A_3342] {strides = array<i32>} : memref<128x32xf32, #tpu.memory_space<vmem>>, vector<1x16xf32>,
      %swap3A_3344 = vector.shape_cast %swap3A_3343 : vector<1x16xf32> to vector<16xf32>
      %swap3A_3345 = vector.shape_cast %mul3A_3339 : vector<16xf32> to vector<1x16xf32>
      tpu.vector_store %arg11[%swap3A_3341, %swap3A_3342], %swap3A_3345 {strides = array<i32>} : memref<128x32xf32, #tpu.memory_space<vmem>>, vector<1x16xf32>,
      %slice3A_3346 = vector.extract_strided_slice %get3A_3317 {offsets = [1], sizes = [1], strides = [1]} : vector<16xf32> to vector<1xf32>
      %squeeze3A_3347 = vector.extract %slice3A_3346[0] : f32 from vector<1xf32>
      %get3A_3348 = arith.constant 113 : i32
      %get3A_3349 = arith.index_cast %get3A_3348 : i32 to index
      %get3A_3350 = arith.constant 0 : index
      %get3A_3351 = tpu.vector_load %arg11[%get3A_3349, %get3A_3350] {strides = array<i32>} : memref<128x32xf32, #tpu.memory_space<vmem>>, vector<1x16xf32>,
      %get3A_3352 = vector.shape_cast %get3A_3351 : vector<1x16xf32> to vector<16xf32>
      %mul3A_3353 = vector.broadcast %squeeze3A_3347 : f32 to vector<16xf32>
      %mul3A_3354 = arith.mulf %get3A_3352, %mul3A_3353 : vector<16xf32>
      %swap3A_3355 = arith.constant 113 : i32
      %swap3A_3356 = arith.index_cast %swap3A_3355 : i32 to index
      %swap3A_3357 = arith.constant 0 : index
      %swap3A_3358 = tpu.vector_load %arg11[%swap3A_3356, %swap3A_3357] {strides = array<i32>} : memref<128x32xf32, #tpu.memory_space<vmem>>, vector<1x16xf32>,
      %swap3A_3359 = vector.shape_cast %swap3A_3358 : vector<1x16xf32> to vector<16xf32>
      %swap3A_3360 = vector.shape_cast %mul3A_3354 : vector<16xf32> to vector<1x16xf32>
      tpu.vector_store %arg11[%swap3A_3356, %swap3A_3357], %swap3A_3360 {strides = array<i32>} : memref<128x32xf32, #tpu.memory_space<vmem>>, vector<1x16xf32>,
      %get3A_3361 = arith.constant 113 : i32
      %get3A_3362 = arith.index_cast %get3A_3361 : i32 to index
      %get3A_3363 = arith.constant 16 : index
      %get3A_3364 = tpu.vector_load %arg11[%get3A_3362, %get3A_3363] {strides = array<i32>} : memref<128x32xf32, #tpu.memory_space<vmem>>, vector<1x16xf32>,
      %get3A_3365 = vector.shape_cast %get3A_3364 : vector<1x16xf32> to vector<16xf32>
      %mul3A_3366 = vector.broadcast %squeeze3A_3347 : f32 to vector<16xf32>
      %mul3A_3367 = arith.mulf %get3A_3365, %mul3A_3366 : vector<16xf32>
      %swap3A_3368 = arith.constant 113 : i32
      %swap3A_3369 = arith.index_cast %swap3A_3368 : i32 to index
      %swap3A_3370 = arith.constant 16 : index
      %swap3A_3371 = tpu.vector_load %arg11[%swap3A_3369, %swap3A_3370] {strides = array<i32>} : memref<128x32xf32, #tpu.memory_space<vmem>>, vector<1x16xf32>,
      %swap3A_3372 = vector.shape_cast %swap3A_3371 : vector<1x16xf32> to vector<16xf32>
      %swap3A_3373 = vector.shape_cast %mul3A_3367 : vector<16xf32> to vector<1x16xf32>
      tpu.vector_store %arg11[%swap3A_3369, %swap3A_3370], %swap3A_3373 {strides = array<i32>} : memref<128x32xf32, #tpu.memory_space<vmem>>, vector<1x16xf32>,
      %slice3A_3374 = vector.extract_strided_slice %get3A_3317 {offsets = [2], sizes = [1], strides = [1]} : vector<16xf32> to vector<1xf32>
      %squeeze3A_3375 = vector.extract %slice3A_3374[0] : f32 from vector<1xf32>
      %get3A_3376 = arith.constant 114 : i32
      %get3A_3377 = arith.index_cast %get3A_3376 : i32 to index
      %get3A_3378 = arith.constant 0 : index
      %get3A_3379 = tpu.vector_load %arg11[%get3A_3377, %get3A_3378] {strides = array<i32>} : memref<128x32xf32, #tpu.memory_space<vmem>>, vector<1x16xf32>,
      %get3A_3380 = vector.shape_cast %get3A_3379 : vector<1x16xf32> to vector<16xf32>
      %mul3A_3381 = vector.broadcast %squeeze3A_3375 : f32 to vector<16xf32>
      %mul3A_3382 = arith.mulf %get3A_3380, %mul3A_3381 : vector<16xf32>
      %swap3A_3383 = arith.constant 114 : i32
      %swap3A_3384 = arith.index_cast %swap3A_3383 : i32 to index
      %swap3A_3385 = arith.constant 0 : index
      %swap3A_3386 = tpu.vector_load %arg11[%swap3A_3384, %swap3A_3385] {strides = array<i32>} : memref<128x32xf32, #tpu.memory_space<vmem>>, vector<1x16xf32>,
      %swap3A_3387 = vector.shape_cast %swap3A_3386 : vector<1x16xf32> to vector<16xf32>
      %swap3A_3388 = vector.shape_cast %mul3A_3382 : vector<16xf32> to vector<1x16xf32>
      tpu.vector_store %arg11[%swap3A_3384, %swap3A_3385], %swap3A_3388 {strides = array<i32>} : memref<128x32xf32, #tpu.memory_space<vmem>>, vector<1x16xf32>,
      %get3A_3389 = arith.constant 114 : i32
      %get3A_3390 = arith.index_cast %get3A_3389 : i32 to index
      %get3A_3391 = arith.constant 16 : index
      %get3A_3392 = tpu.vector_load %arg11[%get3A_3390, %get3A_3391] {strides = array<i32>} : memref<128x32xf32, #tpu.memory_space<vmem>>, vector<1x16xf32>,
      %get3A_3393 = vector.shape_cast %get3A_3392 : vector<1x16xf32> to vector<16xf32>
      %mul3A_3394 = vector.broadcast %squeeze3A_3375 : f32 to vector<16xf32>
      %mul3A_3395 = arith.mulf %get3A_3393, %mul3A_3394 : vector<16xf32>
      %swap3A_3396 = arith.constant 114 : i32
      %swap3A_3397 = arith.index_cast %swap3A_3396 : i32 to index
      %swap3A_3398 = arith.constant 16 : index
      %swap3A_3399 = tpu.vector_load %arg11[%swap3A_3397, %swap3A_3398] {strides = array<i32>} : memref<128x32xf32, #tpu.memory_space<vmem>>, vector<1x16xf32>,
      %swap3A_3400 = vector.shape_cast %swap3A_3399 : vector<1x16xf32> to vector<16xf32>
      %swap3A_3401 = vector.shape_cast %mul3A_3395 : vector<16xf32> to vector<1x16xf32>
      tpu.vector_store %arg11[%swap3A_3397, %swap3A_3398], %swap3A_3401 {strides = array<i32>} : memref<128x32xf32, #tpu.memory_space<vmem>>, vector<1x16xf32>,
      %slice3A_3402 = vector.extract_strided_slice %get3A_3317 {offsets = [3], sizes = [1], strides = [1]} : vector<16xf32> to vector<1xf32>
      %squeeze3A_3403 = vector.extract %slice3A_3402[0] : f32 from vector<1xf32>
      %get3A_3404 = arith.constant 115 : i32
      %get3A_3405 = arith.index_cast %get3A_3404 : i32 to index
      %get3A_3406 = arith.constant 0 : index
      %get3A_3407 = tpu.vector_load %arg11[%get3A_3405, %get3A_3406] {strides = array<i32>} : memref<128x32xf32, #tpu.memory_space<vmem>>, vector<1x16xf32>,
      %get3A_3408 = vector.shape_cast %get3A_3407 : vector<1x16xf32> to vector<16xf32>
      %mul3A_3409 = vector.broadcast %squeeze3A_3403 : f32 to vector<16xf32>
      %mul3A_3410 = arith.mulf %get3A_3408, %mul3A_3409 : vector<16xf32>
      %swap3A_3411 = arith.constant 115 : i32
      %swap3A_3412 = arith.index_cast %swap3A_3411 : i32 to index
      %swap3A_3413 = arith.constant 0 : index
      %swap3A_3414 = tpu.vector_load %arg11[%swap3A_3412, %swap3A_3413] {strides = array<i32>} : memref<128x32xf32, #tpu.memory_space<vmem>>, vector<1x16xf32>,
      %swap3A_3415 = vector.shape_cast %swap3A_3414 : vector<1x16xf32> to vector<16xf32>
      %swap3A_3416 = vector.shape_cast %mul3A_3410 : vector<16xf32> to vector<1x16xf32>
      tpu.vector_store %arg11[%swap3A_3412, %swap3A_3413], %swap3A_3416 {strides = array<i32>} : memref<128x32xf32, #tpu.memory_space<vmem>>, vector<1x16xf32>,
      %get3A_3417 = arith.constant 115 : i32
      %get3A_3418 = arith.index_cast %get3A_3417 : i32 to index
      %get3A_3419 = arith.constant 16 : index
      %get3A_3420 = tpu.vector_load %arg11[%get3A_3418, %get3A_3419] {strides = array<i32>} : memref<128x32xf32, #tpu.memory_space<vmem>>, vector<1x16xf32>,
      %get3A_3421 = vector.shape_cast %get3A_3420 : vector<1x16xf32> to vector<16xf32>
      %mul3A_3422 = vector.broadcast %squeeze3A_3403 : f32 to vector<16xf32>
      %mul3A_3423 = arith.mulf %get3A_3421, %mul3A_3422 : vector<16xf32>
      %swap3A_3424 = arith.constant 115 : i32
      %swap3A_3425 = arith.index_cast %swap3A_3424 : i32 to index
      %swap3A_3426 = arith.constant 16 : index
      %swap3A_3427 = tpu.vector_load %arg11[%swap3A_3425, %swap3A_3426] {strides = array<i32>} : memref<128x32xf32, #tpu.memory_space<vmem>>, vector<1x16xf32>,
      %swap3A_3428 = vector.shape_cast %swap3A_3427 : vector<1x16xf32> to vector<16xf32>
      %swap3A_3429 = vector.shape_cast %mul3A_3423 : vector<16xf32> to vector<1x16xf32>
      tpu.vector_store %arg11[%swap3A_3425, %swap3A_3426], %swap3A_3429 {strides = array<i32>} : memref<128x32xf32, #tpu.memory_space<vmem>>, vector<1x16xf32>,
      %slice3A_3430 = vector.extract_strided_slice %get3A_3317 {offsets = [4], sizes = [1], strides = [1]} : vector<16xf32> to vector<1xf32>
      %squeeze3A_3431 = vector.extract %slice3A_3430[0] : f32 from vector<1xf32>
      %get3A_3432 = arith.constant 116 : i32
      %get3A_3433 = arith.index_cast %get3A_3432 : i32 to index
      %get3A_3434 = arith.constant 0 : index
      %get3A_3435 = tpu.vector_load %arg11[%get3A_3433, %get3A_3434] {strides = array<i32>} : memref<128x32xf32, #tpu.memory_space<vmem>>, vector<1x16xf32>,
      %get3A_3436 = vector.shape_cast %get3A_3435 : vector<1x16xf32> to vector<16xf32>
      %mul3A_3437 = vector.broadcast %squeeze3A_3431 : f32 to vector<16xf32>
      %mul3A_3438 = arith.mulf %get3A_3436, %mul3A_3437 : vector<16xf32>
      %swap3A_3439 = arith.constant 116 : i32
      %swap3A_3440 = arith.index_cast %swap3A_3439 : i32 to index
      %swap3A_3441 = arith.constant 0 : index
      %swap3A_3442 = tpu.vector_load %arg11[%swap3A_3440, %swap3A_3441] {strides = array<i32>} : memref<128x32xf32, #tpu.memory_space<vmem>>, vector<1x16xf32>,
      %swap3A_3443 = vector.shape_cast %swap3A_3442 : vector<1x16xf32> to vector<16xf32>
      %swap3A_3444 = vector.shape_cast %mul3A_3438 : vector<16xf32> to vector<1x16xf32>
      tpu.vector_store %arg11[%swap3A_3440, %swap3A_3441], %swap3A_3444 {strides = array<i32>} : memref<128x32xf32, #tpu.memory_space<vmem>>, vector<1x16xf32>,
      %get3A_3445 = arith.constant 116 : i32
      %get3A_3446 = arith.index_cast %get3A_3445 : i32 to index
      %get3A_3447 = arith.constant 16 : index
      %get3A_3448 = tpu.vector_load %arg11[%get3A_3446, %get3A_3447] {strides = array<i32>} : memref<128x32xf32, #tpu.memory_space<vmem>>, vector<1x16xf32>,
      %get3A_3449 = vector.shape_cast %get3A_3448 : vector<1x16xf32> to vector<16xf32>
      %mul3A_3450 = vector.broadcast %squeeze3A_3431 : f32 to vector<16xf32>
      %mul3A_3451 = arith.mulf %get3A_3449, %mul3A_3450 : vector<16xf32>
      %swap3A_3452 = arith.constant 116 : i32
      %swap3A_3453 = arith.index_cast %swap3A_3452 : i32 to index
      %swap3A_3454 = arith.constant 16 : index
      %swap3A_3455 = tpu.vector_load %arg11[%swap3A_3453, %swap3A_3454] {strides = array<i32>} : memref<128x32xf32, #tpu.memory_space<vmem>>, vector<1x16xf32>,
      %swap3A_3456 = vector.shape_cast %swap3A_3455 : vector<1x16xf32> to vector<16xf32>
      %swap3A_3457 = vector.shape_cast %mul3A_3451 : vector<16xf32> to vector<1x16xf32>
      tpu.vector_store %arg11[%swap3A_3453, %swap3A_3454], %swap3A_3457 {strides = array<i32>} : memref<128x32xf32, #tpu.memory_space<vmem>>, vector<1x16xf32>,
      %slice3A_3458 = vector.extract_strided_slice %get3A_3317 {offsets = [5], sizes = [1], strides = [1]} : vector<16xf32> to vector<1xf32>
      %squeeze3A_3459 = vector.extract %slice3A_3458[0] : f32 from vector<1xf32>
      %get3A_3460 = arith.constant 117 : i32
      %get3A_3461 = arith.index_cast %get3A_3460 : i32 to index
      %get3A_3462 = arith.constant 0 : index
      %get3A_3463 = tpu.vector_load %arg11[%get3A_3461, %get3A_3462] {strides = array<i32>} : memref<128x32xf32, #tpu.memory_space<vmem>>, vector<1x16xf32>,
      %get3A_3464 = vector.shape_cast %get3A_3463 : vector<1x16xf32> to vector<16xf32>
      %mul3A_3465 = vector.broadcast %squeeze3A_3459 : f32 to vector<16xf32>
      %mul3A_3466 = arith.mulf %get3A_3464, %mul3A_3465 : vector<16xf32>
      %swap3A_3467 = arith.constant 117 : i32
      %swap3A_3468 = arith.index_cast %swap3A_3467 : i32 to index
      %swap3A_3469 = arith.constant 0 : index
      %swap3A_3470 = tpu.vector_load %arg11[%swap3A_3468, %swap3A_3469] {strides = array<i32>} : memref<128x32xf32, #tpu.memory_space<vmem>>, vector<1x16xf32>,
      %swap3A_3471 = vector.shape_cast %swap3A_3470 : vector<1x16xf32> to vector<16xf32>
      %swap3A_3472 = vector.shape_cast %mul3A_3466 : vector<16xf32> to vector<1x16xf32>
      tpu.vector_store %arg11[%swap3A_3468, %swap3A_3469], %swap3A_3472 {strides = array<i32>} : memref<128x32xf32, #tpu.memory_space<vmem>>, vector<1x16xf32>,
      %get3A_3473 = arith.constant 117 : i32
      %get3A_3474 = arith.index_cast %get3A_3473 : i32 to index
      %get3A_3475 = arith.constant 16 : index
      %get3A_3476 = tpu.vector_load %arg11[%get3A_3474, %get3A_3475] {strides = array<i32>} : memref<128x32xf32, #tpu.memory_space<vmem>>, vector<1x16xf32>,
      %get3A_3477 = vector.shape_cast %get3A_3476 : vector<1x16xf32> to vector<16xf32>
      %mul3A_3478 = vector.broadcast %squeeze3A_3459 : f32 to vector<16xf32>
      %mul3A_3479 = arith.mulf %get3A_3477, %mul3A_3478 : vector<16xf32>
      %swap3A_3480 = arith.constant 117 : i32
      %swap3A_3481 = arith.index_cast %swap3A_3480 : i32 to index
      %swap3A_3482 = arith.constant 16 : index
      %swap3A_3483 = tpu.vector_load %arg11[%swap3A_3481, %swap3A_3482] {strides = array<i32>} : memref<128x32xf32, #tpu.memory_space<vmem>>, vector<1x16xf32>,
      %swap3A_3484 = vector.shape_cast %swap3A_3483 : vector<1x16xf32> to vector<16xf32>
      %swap3A_3485 = vector.shape_cast %mul3A_3479 : vector<16xf32> to vector<1x16xf32>
      tpu.vector_store %arg11[%swap3A_3481, %swap3A_3482], %swap3A_3485 {strides = array<i32>} : memref<128x32xf32, #tpu.memory_space<vmem>>, vector<1x16xf32>,
      %slice3A_3486 = vector.extract_strided_slice %get3A_3317 {offsets = [6], sizes = [1], strides = [1]} : vector<16xf32> to vector<1xf32>
      %squeeze3A_3487 = vector.extract %slice3A_3486[0] : f32 from vector<1xf32>
      %get3A_3488 = arith.constant 118 : i32
      %get3A_3489 = arith.index_cast %get3A_3488 : i32 to index
      %get3A_3490 = arith.constant 0 : index
      %get3A_3491 = tpu.vector_load %arg11[%get3A_3489, %get3A_3490] {strides = array<i32>} : memref<128x32xf32, #tpu.memory_space<vmem>>, vector<1x16xf32>,
      %get3A_3492 = vector.shape_cast %get3A_3491 : vector<1x16xf32> to vector<16xf32>
      %mul3A_3493 = vector.broadcast %squeeze3A_3487 : f32 to vector<16xf32>
      %mul3A_3494 = arith.mulf %get3A_3492, %mul3A_3493 : vector<16xf32>
      %swap3A_3495 = arith.constant 118 : i32
      %swap3A_3496 = arith.index_cast %swap3A_3495 : i32 to index
      %swap3A_3497 = arith.constant 0 : index
      %swap3A_3498 = tpu.vector_load %arg11[%swap3A_3496, %swap3A_3497] {strides = array<i32>} : memref<128x32xf32, #tpu.memory_space<vmem>>, vector<1x16xf32>,
      %swap3A_3499 = vector.shape_cast %swap3A_3498 : vector<1x16xf32> to vector<16xf32>
      %swap3A_3500 = vector.shape_cast %mul3A_3494 : vector<16xf32> to vector<1x16xf32>
      tpu.vector_store %arg11[%swap3A_3496, %swap3A_3497], %swap3A_3500 {strides = array<i32>} : memref<128x32xf32, #tpu.memory_space<vmem>>, vector<1x16xf32>,
      %get3A_3501 = arith.constant 118 : i32
      %get3A_3502 = arith.index_cast %get3A_3501 : i32 to index
      %get3A_3503 = arith.constant 16 : index
      %get3A_3504 = tpu.vector_load %arg11[%get3A_3502, %get3A_3503] {strides = array<i32>} : memref<128x32xf32, #tpu.memory_space<vmem>>, vector<1x16xf32>,
      %get3A_3505 = vector.shape_cast %get3A_3504 : vector<1x16xf32> to vector<16xf32>
      %mul3A_3506 = vector.broadcast %squeeze3A_3487 : f32 to vector<16xf32>
      %mul3A_3507 = arith.mulf %get3A_3505, %mul3A_3506 : vector<16xf32>
      %swap3A_3508 = arith.constant 118 : i32
      %swap3A_3509 = arith.index_cast %swap3A_3508 : i32 to index
      %swap3A_3510 = arith.constant 16 : index
      %swap3A_3511 = tpu.vector_load %arg11[%swap3A_3509, %swap3A_3510] {strides = array<i32>} : memref<128x32xf32, #tpu.memory_space<vmem>>, vector<1x16xf32>,
      %swap3A_3512 = vector.shape_cast %swap3A_3511 : vector<1x16xf32> to vector<16xf32>
      %swap3A_3513 = vector.shape_cast %mul3A_3507 : vector<16xf32> to vector<1x16xf32>
      tpu.vector_store %arg11[%swap3A_3509, %swap3A_3510], %swap3A_3513 {strides = array<i32>} : memref<128x32xf32, #tpu.memory_space<vmem>>, vector<1x16xf32>,
      %slice3A_3514 = vector.extract_strided_slice %get3A_3317 {offsets = [7], sizes = [1], strides = [1]} : vector<16xf32> to vector<1xf32>
      %squeeze3A_3515 = vector.extract %slice3A_3514[0] : f32 from vector<1xf32>
      %get3A_3516 = arith.constant 119 : i32
      %get3A_3517 = arith.index_cast %get3A_3516 : i32 to index
      %get3A_3518 = arith.constant 0 : index
      %get3A_3519 = tpu.vector_load %arg11[%get3A_3517, %get3A_3518] {strides = array<i32>} : memref<128x32xf32, #tpu.memory_space<vmem>>, vector<1x16xf32>,
      %get3A_3520 = vector.shape_cast %get3A_3519 : vector<1x16xf32> to vector<16xf32>
      %mul3A_3521 = vector.broadcast %squeeze3A_3515 : f32 to vector<16xf32>
      %mul3A_3522 = arith.mulf %get3A_3520, %mul3A_3521 : vector<16xf32>
      %swap3A_3523 = arith.constant 119 : i32
      %swap3A_3524 = arith.index_cast %swap3A_3523 : i32 to index
      %swap3A_3525 = arith.constant 0 : index
      %swap3A_3526 = tpu.vector_load %arg11[%swap3A_3524, %swap3A_3525] {strides = array<i32>} : memref<128x32xf32, #tpu.memory_space<vmem>>, vector<1x16xf32>,
      %swap3A_3527 = vector.shape_cast %swap3A_3526 : vector<1x16xf32> to vector<16xf32>
      %swap3A_3528 = vector.shape_cast %mul3A_3522 : vector<16xf32> to vector<1x16xf32>
      tpu.vector_store %arg11[%swap3A_3524, %swap3A_3525], %swap3A_3528 {strides = array<i32>} : memref<128x32xf32, #tpu.memory_space<vmem>>, vector<1x16xf32>,
      %get3A_3529 = arith.constant 119 : i32
      %get3A_3530 = arith.index_cast %get3A_3529 : i32 to index
      %get3A_3531 = arith.constant 16 : index
      %get3A_3532 = tpu.vector_load %arg11[%get3A_3530, %get3A_3531] {strides = array<i32>} : memref<128x32xf32, #tpu.memory_space<vmem>>, vector<1x16xf32>,
      %get3A_3533 = vector.shape_cast %get3A_3532 : vector<1x16xf32> to vector<16xf32>
      %mul3A_3534 = vector.broadcast %squeeze3A_3515 : f32 to vector<16xf32>
      %mul3A_3535 = arith.mulf %get3A_3533, %mul3A_3534 : vector<16xf32>
      %swap3A_3536 = arith.constant 119 : i32
      %swap3A_3537 = arith.index_cast %swap3A_3536 : i32 to index
      %swap3A_3538 = arith.constant 16 : index
      %swap3A_3539 = tpu.vector_load %arg11[%swap3A_3537, %swap3A_3538] {strides = array<i32>} : memref<128x32xf32, #tpu.memory_space<vmem>>, vector<1x16xf32>,
      %swap3A_3540 = vector.shape_cast %swap3A_3539 : vector<1x16xf32> to vector<16xf32>
      %swap3A_3541 = vector.shape_cast %mul3A_3535 : vector<16xf32> to vector<1x16xf32>
      tpu.vector_store %arg11[%swap3A_3537, %swap3A_3538], %swap3A_3541 {strides = array<i32>} : memref<128x32xf32, #tpu.memory_space<vmem>>, vector<1x16xf32>,
      %slice3A_3542 = vector.extract_strided_slice %get3A_3317 {offsets = [8], sizes = [1], strides = [1]} : vector<16xf32> to vector<1xf32>
      %squeeze3A_3543 = vector.extract %slice3A_3542[0] : f32 from vector<1xf32>
      %get3A_3544 = arith.constant 120 : i32
      %get3A_3545 = arith.index_cast %get3A_3544 : i32 to index
      %get3A_3546 = arith.constant 0 : index
      %get3A_3547 = tpu.vector_load %arg11[%get3A_3545, %get3A_3546] {strides = array<i32>} : memref<128x32xf32, #tpu.memory_space<vmem>>, vector<1x16xf32>,
      %get3A_3548 = vector.shape_cast %get3A_3547 : vector<1x16xf32> to vector<16xf32>
      %mul3A_3549 = vector.broadcast %squeeze3A_3543 : f32 to vector<16xf32>
      %mul3A_3550 = arith.mulf %get3A_3548, %mul3A_3549 : vector<16xf32>
      %swap3A_3551 = arith.constant 120 : i32
      %swap3A_3552 = arith.index_cast %swap3A_3551 : i32 to index
      %swap3A_3553 = arith.constant 0 : index
      %swap3A_3554 = tpu.vector_load %arg11[%swap3A_3552, %swap3A_3553] {strides = array<i32>} : memref<128x32xf32, #tpu.memory_space<vmem>>, vector<1x16xf32>,
      %swap3A_3555 = vector.shape_cast %swap3A_3554 : vector<1x16xf32> to vector<16xf32>
      %swap3A_3556 = vector.shape_cast %mul3A_3550 : vector<16xf32> to vector<1x16xf32>
      tpu.vector_store %arg11[%swap3A_3552, %swap3A_3553], %swap3A_3556 {strides = array<i32>} : memref<128x32xf32, #tpu.memory_space<vmem>>, vector<1x16xf32>,
      %get3A_3557 = arith.constant 120 : i32
      %get3A_3558 = arith.index_cast %get3A_3557 : i32 to index
      %get3A_3559 = arith.constant 16 : index
      %get3A_3560 = tpu.vector_load %arg11[%get3A_3558, %get3A_3559] {strides = array<i32>} : memref<128x32xf32, #tpu.memory_space<vmem>>, vector<1x16xf32>,
      %get3A_3561 = vector.shape_cast %get3A_3560 : vector<1x16xf32> to vector<16xf32>
      %mul3A_3562 = vector.broadcast %squeeze3A_3543 : f32 to vector<16xf32>
      %mul3A_3563 = arith.mulf %get3A_3561, %mul3A_3562 : vector<16xf32>
      %swap3A_3564 = arith.constant 120 : i32
      %swap3A_3565 = arith.index_cast %swap3A_3564 : i32 to index
      %swap3A_3566 = arith.constant 16 : index
      %swap3A_3567 = tpu.vector_load %arg11[%swap3A_3565, %swap3A_3566] {strides = array<i32>} : memref<128x32xf32, #tpu.memory_space<vmem>>, vector<1x16xf32>,
      %swap3A_3568 = vector.shape_cast %swap3A_3567 : vector<1x16xf32> to vector<16xf32>
      %swap3A_3569 = vector.shape_cast %mul3A_3563 : vector<16xf32> to vector<1x16xf32>
      tpu.vector_store %arg11[%swap3A_3565, %swap3A_3566], %swap3A_3569 {strides = array<i32>} : memref<128x32xf32, #tpu.memory_space<vmem>>, vector<1x16xf32>,
      %slice3A_3570 = vector.extract_strided_slice %get3A_3317 {offsets = [9], sizes = [1], strides = [1]} : vector<16xf32> to vector<1xf32>
      %squeeze3A_3571 = vector.extract %slice3A_3570[0] : f32 from vector<1xf32>
      %get3A_3572 = arith.constant 121 : i32
      %get3A_3573 = arith.index_cast %get3A_3572 : i32 to index
      %get3A_3574 = arith.constant 0 : index
      %get3A_3575 = tpu.vector_load %arg11[%get3A_3573, %get3A_3574] {strides = array<i32>} : memref<128x32xf32, #tpu.memory_space<vmem>>, vector<1x16xf32>,
      %get3A_3576 = vector.shape_cast %get3A_3575 : vector<1x16xf32> to vector<16xf32>
      %mul3A_3577 = vector.broadcast %squeeze3A_3571 : f32 to vector<16xf32>
      %mul3A_3578 = arith.mulf %get3A_3576, %mul3A_3577 : vector<16xf32>
      %swap3A_3579 = arith.constant 121 : i32
      %swap3A_3580 = arith.index_cast %swap3A_3579 : i32 to index
      %swap3A_3581 = arith.constant 0 : index
      %swap3A_3582 = tpu.vector_load %arg11[%swap3A_3580, %swap3A_3581] {strides = array<i32>} : memref<128x32xf32, #tpu.memory_space<vmem>>, vector<1x16xf32>,
      %swap3A_3583 = vector.shape_cast %swap3A_3582 : vector<1x16xf32> to vector<16xf32>
      %swap3A_3584 = vector.shape_cast %mul3A_3578 : vector<16xf32> to vector<1x16xf32>
      tpu.vector_store %arg11[%swap3A_3580, %swap3A_3581], %swap3A_3584 {strides = array<i32>} : memref<128x32xf32, #tpu.memory_space<vmem>>, vector<1x16xf32>,
      %get3A_3585 = arith.constant 121 : i32
      %get3A_3586 = arith.index_cast %get3A_3585 : i32 to index
      %get3A_3587 = arith.constant 16 : index
      %get3A_3588 = tpu.vector_load %arg11[%get3A_3586, %get3A_3587] {strides = array<i32>} : memref<128x32xf32, #tpu.memory_space<vmem>>, vector<1x16xf32>,
      %get3A_3589 = vector.shape_cast %get3A_3588 : vector<1x16xf32> to vector<16xf32>
      %mul3A_3590 = vector.broadcast %squeeze3A_3571 : f32 to vector<16xf32>
      %mul3A_3591 = arith.mulf %get3A_3589, %mul3A_3590 : vector<16xf32>
      %swap3A_3592 = arith.constant 121 : i32
      %swap3A_3593 = arith.index_cast %swap3A_3592 : i32 to index
      %swap3A_3594 = arith.constant 16 : index
      %swap3A_3595 = tpu.vector_load %arg11[%swap3A_3593, %swap3A_3594] {strides = array<i32>} : memref<128x32xf32, #tpu.memory_space<vmem>>, vector<1x16xf32>,
      %swap3A_3596 = vector.shape_cast %swap3A_3595 : vector<1x16xf32> to vector<16xf32>
      %swap3A_3597 = vector.shape_cast %mul3A_3591 : vector<16xf32> to vector<1x16xf32>
      tpu.vector_store %arg11[%swap3A_3593, %swap3A_3594], %swap3A_3597 {strides = array<i32>} : memref<128x32xf32, #tpu.memory_space<vmem>>, vector<1x16xf32>,
      %slice3A_3598 = vector.extract_strided_slice %get3A_3317 {offsets = [10], sizes = [1], strides = [1]} : vector<16xf32> to vector<1xf32>
      %squeeze3A_3599 = vector.extract %slice3A_3598[0] : f32 from vector<1xf32>
      %get3A_3600 = arith.constant 122 : i32
      %get3A_3601 = arith.index_cast %get3A_3600 : i32 to index
      %get3A_3602 = arith.constant 0 : index
      %get3A_3603 = tpu.vector_load %arg11[%get3A_3601, %get3A_3602] {strides = array<i32>} : memref<128x32xf32, #tpu.memory_space<vmem>>, vector<1x16xf32>,
      %get3A_3604 = vector.shape_cast %get3A_3603 : vector<1x16xf32> to vector<16xf32>
      %mul3A_3605 = vector.broadcast %squeeze3A_3599 : f32 to vector<16xf32>
      %mul3A_3606 = arith.mulf %get3A_3604, %mul3A_3605 : vector<16xf32>
      %swap3A_3607 = arith.constant 122 : i32
      %swap3A_3608 = arith.index_cast %swap3A_3607 : i32 to index
      %swap3A_3609 = arith.constant 0 : index
      %swap3A_3610 = tpu.vector_load %arg11[%swap3A_3608, %swap3A_3609] {strides = array<i32>} : memref<128x32xf32, #tpu.memory_space<vmem>>, vector<1x16xf32>,
      %swap3A_3611 = vector.shape_cast %swap3A_3610 : vector<1x16xf32> to vector<16xf32>
      %swap3A_3612 = vector.shape_cast %mul3A_3606 : vector<16xf32> to vector<1x16xf32>
      tpu.vector_store %arg11[%swap3A_3608, %swap3A_3609], %swap3A_3612 {strides = array<i32>} : memref<128x32xf32, #tpu.memory_space<vmem>>, vector<1x16xf32>,
      %get3A_3613 = arith.constant 122 : i32
      %get3A_3614 = arith.index_cast %get3A_3613 : i32 to index
      %get3A_3615 = arith.constant 16 : index
      %get3A_3616 = tpu.vector_load %arg11[%get3A_3614, %get3A_3615] {strides = array<i32>} : memref<128x32xf32, #tpu.memory_space<vmem>>, vector<1x16xf32>,
      %get3A_3617 = vector.shape_cast %get3A_3616 : vector<1x16xf32> to vector<16xf32>
      %mul3A_3618 = vector.broadcast %squeeze3A_3599 : f32 to vector<16xf32>
      %mul3A_3619 = arith.mulf %get3A_3617, %mul3A_3618 : vector<16xf32>
      %swap3A_3620 = arith.constant 122 : i32
      %swap3A_3621 = arith.index_cast %swap3A_3620 : i32 to index
      %swap3A_3622 = arith.constant 16 : index
      %swap3A_3623 = tpu.vector_load %arg11[%swap3A_3621, %swap3A_3622] {strides = array<i32>} : memref<128x32xf32, #tpu.memory_space<vmem>>, vector<1x16xf32>,
      %swap3A_3624 = vector.shape_cast %swap3A_3623 : vector<1x16xf32> to vector<16xf32>
      %swap3A_3625 = vector.shape_cast %mul3A_3619 : vector<16xf32> to vector<1x16xf32>
      tpu.vector_store %arg11[%swap3A_3621, %swap3A_3622], %swap3A_3625 {strides = array<i32>} : memref<128x32xf32, #tpu.memory_space<vmem>>, vector<1x16xf32>,
      %slice3A_3626 = vector.extract_strided_slice %get3A_3317 {offsets = [11], sizes = [1], strides = [1]} : vector<16xf32> to vector<1xf32>
      %squeeze3A_3627 = vector.extract %slice3A_3626[0] : f32 from vector<1xf32>
      %get3A_3628 = arith.constant 123 : i32
      %get3A_3629 = arith.index_cast %get3A_3628 : i32 to index
      %get3A_3630 = arith.constant 0 : index
      %get3A_3631 = tpu.vector_load %arg11[%get3A_3629, %get3A_3630] {strides = array<i32>} : memref<128x32xf32, #tpu.memory_space<vmem>>, vector<1x16xf32>,
      %get3A_3632 = vector.shape_cast %get3A_3631 : vector<1x16xf32> to vector<16xf32>
      %mul3A_3633 = vector.broadcast %squeeze3A_3627 : f32 to vector<16xf32>
      %mul3A_3634 = arith.mulf %get3A_3632, %mul3A_3633 : vector<16xf32>
      %swap3A_3635 = arith.constant 123 : i32
      %swap3A_3636 = arith.index_cast %swap3A_3635 : i32 to index
      %swap3A_3637 = arith.constant 0 : index
      %swap3A_3638 = tpu.vector_load %arg11[%swap3A_3636, %swap3A_3637] {strides = array<i32>} : memref<128x32xf32, #tpu.memory_space<vmem>>, vector<1x16xf32>,
      %swap3A_3639 = vector.shape_cast %swap3A_3638 : vector<1x16xf32> to vector<16xf32>
      %swap3A_3640 = vector.shape_cast %mul3A_3634 : vector<16xf32> to vector<1x16xf32>
      tpu.vector_store %arg11[%swap3A_3636, %swap3A_3637], %swap3A_3640 {strides = array<i32>} : memref<128x32xf32, #tpu.memory_space<vmem>>, vector<1x16xf32>,
      %get3A_3641 = arith.constant 123 : i32
      %get3A_3642 = arith.index_cast %get3A_3641 : i32 to index
      %get3A_3643 = arith.constant 16 : index
      %get3A_3644 = tpu.vector_load %arg11[%get3A_3642, %get3A_3643] {strides = array<i32>} : memref<128x32xf32, #tpu.memory_space<vmem>>, vector<1x16xf32>,
      %get3A_3645 = vector.shape_cast %get3A_3644 : vector<1x16xf32> to vector<16xf32>
      %mul3A_3646 = vector.broadcast %squeeze3A_3627 : f32 to vector<16xf32>
      %mul3A_3647 = arith.mulf %get3A_3645, %mul3A_3646 : vector<16xf32>
      %swap3A_3648 = arith.constant 123 : i32
      %swap3A_3649 = arith.index_cast %swap3A_3648 : i32 to index
      %swap3A_3650 = arith.constant 16 : index
      %swap3A_3651 = tpu.vector_load %arg11[%swap3A_3649, %swap3A_3650] {strides = array<i32>} : memref<128x32xf32, #tpu.memory_space<vmem>>, vector<1x16xf32>,
      %swap3A_3652 = vector.shape_cast %swap3A_3651 : vector<1x16xf32> to vector<16xf32>
      %swap3A_3653 = vector.shape_cast %mul3A_3647 : vector<16xf32> to vector<1x16xf32>
      tpu.vector_store %arg11[%swap3A_3649, %swap3A_3650], %swap3A_3653 {strides = array<i32>} : memref<128x32xf32, #tpu.memory_space<vmem>>, vector<1x16xf32>,
      %slice3A_3654 = vector.extract_strided_slice %get3A_3317 {offsets = [12], sizes = [1], strides = [1]} : vector<16xf32> to vector<1xf32>
      %squeeze3A_3655 = vector.extract %slice3A_3654[0] : f32 from vector<1xf32>
      %get3A_3656 = arith.constant 124 : i32
      %get3A_3657 = arith.index_cast %get3A_3656 : i32 to index
      %get3A_3658 = arith.constant 0 : index
      %get3A_3659 = tpu.vector_load %arg11[%get3A_3657, %get3A_3658] {strides = array<i32>} : memref<128x32xf32, #tpu.memory_space<vmem>>, vector<1x16xf32>,
      %get3A_3660 = vector.shape_cast %get3A_3659 : vector<1x16xf32> to vector<16xf32>
      %mul3A_3661 = vector.broadcast %squeeze3A_3655 : f32 to vector<16xf32>
      %mul3A_3662 = arith.mulf %get3A_3660, %mul3A_3661 : vector<16xf32>
      %swap3A_3663 = arith.constant 124 : i32
      %swap3A_3664 = arith.index_cast %swap3A_3663 : i32 to index
      %swap3A_3665 = arith.constant 0 : index
      %swap3A_3666 = tpu.vector_load %arg11[%swap3A_3664, %swap3A_3665] {strides = array<i32>} : memref<128x32xf32, #tpu.memory_space<vmem>>, vector<1x16xf32>,
      %swap3A_3667 = vector.shape_cast %swap3A_3666 : vector<1x16xf32> to vector<16xf32>
      %swap3A_3668 = vector.shape_cast %mul3A_3662 : vector<16xf32> to vector<1x16xf32>
      tpu.vector_store %arg11[%swap3A_3664, %swap3A_3665], %swap3A_3668 {strides = array<i32>} : memref<128x32xf32, #tpu.memory_space<vmem>>, vector<1x16xf32>,
      %get3A_3669 = arith.constant 124 : i32
      %get3A_3670 = arith.index_cast %get3A_3669 : i32 to index
      %get3A_3671 = arith.constant 16 : index
      %get3A_3672 = tpu.vector_load %arg11[%get3A_3670, %get3A_3671] {strides = array<i32>} : memref<128x32xf32, #tpu.memory_space<vmem>>, vector<1x16xf32>,
      %get3A_3673 = vector.shape_cast %get3A_3672 : vector<1x16xf32> to vector<16xf32>
      %mul3A_3674 = vector.broadcast %squeeze3A_3655 : f32 to vector<16xf32>
      %mul3A_3675 = arith.mulf %get3A_3673, %mul3A_3674 : vector<16xf32>
      %swap3A_3676 = arith.constant 124 : i32
      %swap3A_3677 = arith.index_cast %swap3A_3676 : i32 to index
      %swap3A_3678 = arith.constant 16 : index
      %swap3A_3679 = tpu.vector_load %arg11[%swap3A_3677, %swap3A_3678] {strides = array<i32>} : memref<128x32xf32, #tpu.memory_space<vmem>>, vector<1x16xf32>,
      %swap3A_3680 = vector.shape_cast %swap3A_3679 : vector<1x16xf32> to vector<16xf32>
      %swap3A_3681 = vector.shape_cast %mul3A_3675 : vector<16xf32> to vector<1x16xf32>
      tpu.vector_store %arg11[%swap3A_3677, %swap3A_3678], %swap3A_3681 {strides = array<i32>} : memref<128x32xf32, #tpu.memory_space<vmem>>, vector<1x16xf32>,
      %slice3A_3682 = vector.extract_strided_slice %get3A_3317 {offsets = [13], sizes = [1], strides = [1]} : vector<16xf32> to vector<1xf32>
      %squeeze3A_3683 = vector.extract %slice3A_3682[0] : f32 from vector<1xf32>
      %get3A_3684 = arith.constant 125 : i32
      %get3A_3685 = arith.index_cast %get3A_3684 : i32 to index
      %get3A_3686 = arith.constant 0 : index
      %get3A_3687 = tpu.vector_load %arg11[%get3A_3685, %get3A_3686] {strides = array<i32>} : memref<128x32xf32, #tpu.memory_space<vmem>>, vector<1x16xf32>,
      %get3A_3688 = vector.shape_cast %get3A_3687 : vector<1x16xf32> to vector<16xf32>
      %mul3A_3689 = vector.broadcast %squeeze3A_3683 : f32 to vector<16xf32>
      %mul3A_3690 = arith.mulf %get3A_3688, %mul3A_3689 : vector<16xf32>
      %swap3A_3691 = arith.constant 125 : i32
      %swap3A_3692 = arith.index_cast %swap3A_3691 : i32 to index
      %swap3A_3693 = arith.constant 0 : index
      %swap3A_3694 = tpu.vector_load %arg11[%swap3A_3692, %swap3A_3693] {strides = array<i32>} : memref<128x32xf32, #tpu.memory_space<vmem>>, vector<1x16xf32>,
      %swap3A_3695 = vector.shape_cast %swap3A_3694 : vector<1x16xf32> to vector<16xf32>
      %swap3A_3696 = vector.shape_cast %mul3A_3690 : vector<16xf32> to vector<1x16xf32>
      tpu.vector_store %arg11[%swap3A_3692, %swap3A_3693], %swap3A_3696 {strides = array<i32>} : memref<128x32xf32, #tpu.memory_space<vmem>>, vector<1x16xf32>,
      %get3A_3697 = arith.constant 125 : i32
      %get3A_3698 = arith.index_cast %get3A_3697 : i32 to index
      %get3A_3699 = arith.constant 16 : index
      %get3A_3700 = tpu.vector_load %arg11[%get3A_3698, %get3A_3699] {strides = array<i32>} : memref<128x32xf32, #tpu.memory_space<vmem>>, vector<1x16xf32>,
      %get3A_3701 = vector.shape_cast %get3A_3700 : vector<1x16xf32> to vector<16xf32>
      %mul3A_3702 = vector.broadcast %squeeze3A_3683 : f32 to vector<16xf32>
      %mul3A_3703 = arith.mulf %get3A_3701, %mul3A_3702 : vector<16xf32>
      %swap3A_3704 = arith.constant 125 : i32
      %swap3A_3705 = arith.index_cast %swap3A_3704 : i32 to index
      %swap3A_3706 = arith.constant 16 : index
      %swap3A_3707 = tpu.vector_load %arg11[%swap3A_3705, %swap3A_3706] {strides = array<i32>} : memref<128x32xf32, #tpu.memory_space<vmem>>, vector<1x16xf32>,
      %swap3A_3708 = vector.shape_cast %swap3A_3707 : vector<1x16xf32> to vector<16xf32>
      %swap3A_3709 = vector.shape_cast %mul3A_3703 : vector<16xf32> to vector<1x16xf32>
      tpu.vector_store %arg11[%swap3A_3705, %swap3A_3706], %swap3A_3709 {strides = array<i32>} : memref<128x32xf32, #tpu.memory_space<vmem>>, vector<1x16xf32>,
      %slice3A_3710 = vector.extract_strided_slice %get3A_3317 {offsets = [14], sizes = [1], strides = [1]} : vector<16xf32> to vector<1xf32>
      %squeeze3A_3711 = vector.extract %slice3A_3710[0] : f32 from vector<1xf32>
      %get3A_3712 = arith.constant 126 : i32
      %get3A_3713 = arith.index_cast %get3A_3712 : i32 to index
      %get3A_3714 = arith.constant 0 : index
      %get3A_3715 = tpu.vector_load %arg11[%get3A_3713, %get3A_3714] {strides = array<i32>} : memref<128x32xf32, #tpu.memory_space<vmem>>, vector<1x16xf32>,
      %get3A_3716 = vector.shape_cast %get3A_3715 : vector<1x16xf32> to vector<16xf32>
      %mul3A_3717 = vector.broadcast %squeeze3A_3711 : f32 to vector<16xf32>
      %mul3A_3718 = arith.mulf %get3A_3716, %mul3A_3717 : vector<16xf32>
      %swap3A_3719 = arith.constant 126 : i32
      %swap3A_3720 = arith.index_cast %swap3A_3719 : i32 to index
      %swap3A_3721 = arith.constant 0 : index
      %swap3A_3722 = tpu.vector_load %arg11[%swap3A_3720, %swap3A_3721] {strides = array<i32>} : memref<128x32xf32, #tpu.memory_space<vmem>>, vector<1x16xf32>,
      %swap3A_3723 = vector.shape_cast %swap3A_3722 : vector<1x16xf32> to vector<16xf32>
      %swap3A_3724 = vector.shape_cast %mul3A_3718 : vector<16xf32> to vector<1x16xf32>
      tpu.vector_store %arg11[%swap3A_3720, %swap3A_3721], %swap3A_3724 {strides = array<i32>} : memref<128x32xf32, #tpu.memory_space<vmem>>, vector<1x16xf32>,
      %get3A_3725 = arith.constant 126 : i32
      %get3A_3726 = arith.index_cast %get3A_3725 : i32 to index
      %get3A_3727 = arith.constant 16 : index
      %get3A_3728 = tpu.vector_load %arg11[%get3A_3726, %get3A_3727] {strides = array<i32>} : memref<128x32xf32, #tpu.memory_space<vmem>>, vector<1x16xf32>,
      %get3A_3729 = vector.shape_cast %get3A_3728 : vector<1x16xf32> to vector<16xf32>
      %mul3A_3730 = vector.broadcast %squeeze3A_3711 : f32 to vector<16xf32>
      %mul3A_3731 = arith.mulf %get3A_3729, %mul3A_3730 : vector<16xf32>
      %swap3A_3732 = arith.constant 126 : i32
      %swap3A_3733 = arith.index_cast %swap3A_3732 : i32 to index
      %swap3A_3734 = arith.constant 16 : index
      %swap3A_3735 = tpu.vector_load %arg11[%swap3A_3733, %swap3A_3734] {strides = array<i32>} : memref<128x32xf32, #tpu.memory_space<vmem>>, vector<1x16xf32>,
      %swap3A_3736 = vector.shape_cast %swap3A_3735 : vector<1x16xf32> to vector<16xf32>
      %swap3A_3737 = vector.shape_cast %mul3A_3731 : vector<16xf32> to vector<1x16xf32>
      tpu.vector_store %arg11[%swap3A_3733, %swap3A_3734], %swap3A_3737 {strides = array<i32>} : memref<128x32xf32, #tpu.memory_space<vmem>>, vector<1x16xf32>,
      %slice3A_3738 = vector.extract_strided_slice %get3A_3317 {offsets = [15], sizes = [1], strides = [1]} : vector<16xf32> to vector<1xf32>
      %squeeze3A_3739 = vector.extract %slice3A_3738[0] : f32 from vector<1xf32>
      %get3A_3740 = arith.constant 127 : i32
      %get3A_3741 = arith.index_cast %get3A_3740 : i32 to index
      %get3A_3742 = arith.constant 0 : index
      %get3A_3743 = tpu.vector_load %arg11[%get3A_3741, %get3A_3742] {strides = array<i32>} : memref<128x32xf32, #tpu.memory_space<vmem>>, vector<1x16xf32>,
      %get3A_3744 = vector.shape_cast %get3A_3743 : vector<1x16xf32> to vector<16xf32>
      %mul3A_3745 = vector.broadcast %squeeze3A_3739 : f32 to vector<16xf32>
      %mul3A_3746 = arith.mulf %get3A_3744, %mul3A_3745 : vector<16xf32>
      %swap3A_3747 = arith.constant 127 : i32
      %swap3A_3748 = arith.index_cast %swap3A_3747 : i32 to index
      %swap3A_3749 = arith.constant 0 : index
      %swap3A_3750 = tpu.vector_load %arg11[%swap3A_3748, %swap3A_3749] {strides = array<i32>} : memref<128x32xf32, #tpu.memory_space<vmem>>, vector<1x16xf32>,
      %swap3A_3751 = vector.shape_cast %swap3A_3750 : vector<1x16xf32> to vector<16xf32>
      %swap3A_3752 = vector.shape_cast %mul3A_3746 : vector<16xf32> to vector<1x16xf32>
      tpu.vector_store %arg11[%swap3A_3748, %swap3A_3749], %swap3A_3752 {strides = array<i32>} : memref<128x32xf32, #tpu.memory_space<vmem>>, vector<1x16xf32>,
      %get3A_3753 = arith.constant 127 : i32
      %get3A_3754 = arith.index_cast %get3A_3753 : i32 to index
      %get3A_3755 = arith.constant 16 : index
      %get3A_3756 = tpu.vector_load %arg11[%get3A_3754, %get3A_3755] {strides = array<i32>} : memref<128x32xf32, #tpu.memory_space<vmem>>, vector<1x16xf32>,
      %get3A_3757 = vector.shape_cast %get3A_3756 : vector<1x16xf32> to vector<16xf32>
      %mul3A_3758 = vector.broadcast %squeeze3A_3739 : f32 to vector<16xf32>
      %mul3A_3759 = arith.mulf %get3A_3757, %mul3A_3758 : vector<16xf32>
      %swap3A_3760 = arith.constant 127 : i32
      %swap3A_3761 = arith.index_cast %swap3A_3760 : i32 to index
      %swap3A_3762 = arith.constant 16 : index
      %swap3A_3763 = tpu.vector_load %arg11[%swap3A_3761, %swap3A_3762] {strides = array<i32>} : memref<128x32xf32, #tpu.memory_space<vmem>>, vector<1x16xf32>,
      %swap3A_3764 = vector.shape_cast %swap3A_3763 : vector<1x16xf32> to vector<16xf32>
      %swap3A_3765 = vector.shape_cast %mul3A_3759 : vector<16xf32> to vector<1x16xf32>
      tpu.vector_store %arg11[%swap3A_3761, %swap3A_3762], %swap3A_3765 {strides = array<i32>} : memref<128x32xf32, #tpu.memory_space<vmem>>, vector<1x16xf32>,
      "tpu.region"() ({
        %run_scoped3A = tpu.sem_alloc : memref<!tpu.dma_semaphore, #tpu.memory_space<semaphore_mem>>
        %dma_start3A_3766 = arith.constant 0 : i32
        %dma_start3A_3767 = arith.constant 0 : i32
        %dma_start3A_3768 = tpu.memref_slice %arg12[%dma_start3A_3766, %dma_start3A_3767] : memref<8192x32xf32, #tpu.memory_space<vmem_shared>> -> memref<8192x32xf32, #tpu.memory_space<vmem_shared>>
        tpu.enqueue_indirect_dma source(%arg11 : memref<128x32xf32, #tpu.memory_space<vmem>>) target(%dma_start3A_3768 : memref<8192x32xf32, #tpu.memory_space<vmem_shared>>) offsets(%arg9 : memref<128xi32, #tpu.memory_space<vmem>>) semaphore(%run_scoped3A : memref<!tpu.dma_semaphore, #tpu.memory_space<semaphore_mem>>) {add = true}
        %dma_wait3A_3769 = arith.constant 0 : i32
        %dma_wait3A_3770 = arith.constant 0 : i32
        %dma_wait3A_3771 = tpu.memref_slice %arg12[%dma_wait3A_3769, %dma_wait3A_3770] : memref<8192x32xf32, #tpu.memory_space<vmem_shared>> -> memref<8192x32xf32, #tpu.memory_space<vmem_shared>>
        tpu.wait_indirect_dma semaphore(%run_scoped3A : memref<!tpu.dma_semaphore, #tpu.memory_space<semaphore_mem>>) src(%arg11 : memref<128x32xf32, #tpu.memory_space<vmem>>) dst(%dma_wait3A_3771 : memref<8192x32xf32, #tpu.memory_space<vmem_shared>>)
        tpu.yield
      }) : () -> ()
    }
    %scan3A_11 = arith.constant 164 : i32
    %barrier3A_12 = arith.constant 0 : index
    tpu.barrier barrier_id(%barrier3A_12)
    %mul3A_13 = arith.constant 512 : i32
    %mul3A_14 = arith.muli %arg1, %mul3A_13 : i32
    %mul3A_15 = arith.constant 8192 : i32
    %mul3A_16 = arith.muli %arg0, %mul3A_15 : i32
    %mul3A_17 = arith.constant 512 : i32
    %mul3A_18 = arith.muli %arg1, %mul3A_17 : i32
    %add3A_19 = arith.addi %mul3A_16, %mul3A_18 : i32
    "tpu.region"() ({
      %run_scoped3A = tpu.sem_alloc : memref<!tpu.dma_semaphore, #tpu.memory_space<semaphore_mem>>
      %dma_start3A = arith.constant 0 : i32
      %dma_start3A_20 = tpu.memref_slice %arg6[%add3A_19, %dma_start3A] : memref<16384x32xf32, #tpu.memory_space<hbm>> -> memref<512x32xf32, #tpu.memory_space<hbm>>
      %dma_start3A_21 = arith.constant 0 : i32
      %dma_start3A_22 = tpu.memref_slice %arg12[%mul3A_14, %dma_start3A_21] : memref<8192x32xf32, #tpu.memory_space<vmem_shared>> -> memref<512x32xf32, #tpu.memory_space<vmem_shared>>
      tpu.enqueue_dma source(%dma_start3A_22 : memref<512x32xf32, #tpu.memory_space<vmem_shared>>) target(%dma_start3A_20 : memref<512x32xf32, #tpu.memory_space<hbm>>) target_semaphore(%run_scoped3A : memref<!tpu.dma_semaphore, #tpu.memory_space<semaphore_mem>>)
      %dma_wait3A = arith.constant 0 : i32
      %dma_wait3A_23 = tpu.memref_slice %arg6[%add3A_19, %dma_wait3A] : memref<16384x32xf32, #tpu.memory_space<hbm>> -> memref<512x32xf32, #tpu.memory_space<hbm>>
      %dma_wait3A_24 = arith.constant 0 : i32
      %dma_wait3A_25 = tpu.memref_slice %arg12[%mul3A_14, %dma_wait3A_24] : memref<8192x32xf32, #tpu.memory_space<vmem_shared>> -> memref<512x32xf32, #tpu.memory_space<vmem_shared>>
      tpu.wait_dma2 semaphore(%run_scoped3A : memref<!tpu.dma_semaphore, #tpu.memory_space<semaphore_mem>>) src(%dma_wait3A_25 : memref<512x32xf32, #tpu.memory_space<vmem_shared>>) dst(%dma_wait3A_23 : memref<512x32xf32, #tpu.memory_space<hbm>>)
      tpu.yield
    }) : () -> ()
    return
  }
}

module attributes {stable_mosaic.version = 14 : i64} {
  func.func @_mm_body(%arg0: i32, %arg1: memref<32x8192xf32, #tpu.memory_space<vmem>>, %arg2: memref<8192x256xf32, #tpu.memory_space<vmem>>, %arg3: memref<2x256x32xf32, #tpu.memory_space<vmem>>, %arg4: memref<32x256xf32, #tpu.memory_space<vmem>>) attributes {dimension_semantics = [#tpu.dimension_semantics<arbitrary>], iteration_bounds = array<i64: 32>, scalar_prefetch = 0 : i64, scratch_operands = 0 : i64, tpu.core_type = #tpu.core_type<tc>, window_params = [{pipeline_mode = #tpu.pipeline_mode<synchronous>, transform_indices = @transform_0, window_bounds = array<i64: 32, 8192>}, {transform_indices = @transform_1, window_bounds = array<i64: 8192, 256>}, {transform_indices = @transform_2, window_bounds = array<i64: 2, 256, 32>}, {transform_indices = @transform_3, window_bounds = array<i64: 32, 256>}]} {
    %get3A = arith.constant 0 : index
    %get3A_0 = arith.constant 0 : index
    %get3A_1 = vector.load %arg1[%get3A, %get3A_0] : memref<32x8192xf32, #tpu.memory_space<vmem>>, vector<32x8192xf32>
    %get3A_2 = arith.constant 0 : index
    %get3A_3 = arith.constant 0 : index
    %get3A_4 = vector.load %arg2[%get3A_2, %get3A_3] : memref<8192x256xf32, #tpu.memory_space<vmem>>, vector<8192x256xf32>
    %dot_general3A = arith.constant dense<0.000000e+00> : vector<32x256xf32>
    %dot_general3A_5 = tpu.matmul %get3A_1, %get3A_4, %dot_general3A {dimension_numbers = #tpu.dot_dimension_numbers<[1], [0], [0], [1], [0, 0, 1, 1], [], []>, transpose_lhs_hint = false} : vector<32x8192xf32>, vector<8192x256xf32>, vector<32x256xf32> -> vector<32x256xf32>
    %get3A_6 = arith.constant 0 : index
    %get3A_7 = arith.constant 0 : index
    %get3A_8 = arith.constant 0 : index
    %get3A_9 = vector.load %arg3[%get3A_6, %get3A_7, %get3A_8] : memref<2x256x32xf32, #tpu.memory_space<vmem>>, vector<1x256x32xf32>
    %get3A_10 = vector.shape_cast %get3A_9 : vector<1x256x32xf32> to vector<256x32xf32>
    %get3A_11 = arith.constant 1 : index
    %get3A_12 = arith.constant 0 : index
    %get3A_13 = arith.constant 0 : index
    %get3A_14 = vector.load %arg3[%get3A_11, %get3A_12, %get3A_13] : memref<2x256x32xf32, #tpu.memory_space<vmem>>, vector<1x256x32xf32>
    %get3A_15 = vector.shape_cast %get3A_14 : vector<1x256x32xf32> to vector<256x32xf32>
    %add3A = arith.addf %get3A_10, %get3A_15 : vector<256x32xf32>
    %transpose3A = tpu.transpose %add3A, [1, 0] : vector<256x32xf32> -> vector<32x256xf32>
    %add3A_16 = arith.addf %dot_general3A_5, %transpose3A : vector<32x256xf32>
    %swap3A = arith.constant 0 : index
    %swap3A_17 = arith.constant 0 : index
    %swap3A_18 = vector.load %arg4[%swap3A, %swap3A_17] : memref<32x256xf32, #tpu.memory_space<vmem>>, vector<32x256xf32>
    tpu.vector_store %arg4[%swap3A, %swap3A_17], %add3A_16 {strides = array<i32>} : memref<32x256xf32, #tpu.memory_space<vmem>>, vector<32x256xf32>,
    return
  }
  func.func @transform_0(%arg0: i32) -> (i32, i32) {
    %c0_i32 = arith.constant 0 : i32
    %c0_i32_0 = arith.constant 0 : i32
    %c0_i32_1 = arith.constant 0 : i32
    return %c0_i32, %c0_i32_0 : i32, i32
  }
  func.func @transform_1(%arg0: i32) -> (i32, i32) {
    %c0_i32 = arith.constant 0 : i32
    %c0_i32_0 = arith.constant 0 : i32
    return %c0_i32, %arg0 : i32, i32
  }
  func.func @transform_2(%arg0: i32) -> (i32, i32, i32) {
    %c0_i32 = arith.constant 0 : i32
    %c0_i32_0 = arith.constant 0 : i32
    %c0_i32_1 = arith.constant 0 : i32
    return %c0_i32, %arg0, %c0_i32_0 : i32, i32, i32
  }
  func.func @transform_3(%arg0: i32) -> (i32, i32) {
    %c0_i32 = arith.constant 0 : i32
    %c0_i32_0 = arith.constant 0 : i32
    return %c0_i32, %arg0 : i32, i32
  }
}

</mosaic_0001>

<sc_bundles>
// kernel: kernel.4.cloned.1.call-start
scs
__scs_entry_jumppad:
0x0: {  	(pc) =	sbr.rel $0x88, $3  }
0x1: {  	(tag) =	ssettag $0x0;
	lr =	simm.s32 $0x1  }
0x2: {  	[smem:$0x3F9D] =	sst lr;
	_ =	strace $0xD0000000  }
0x3: {  	_ = 	snop  }
0x4: {  	_ = 	snop  }
0x5: {  	_ = 	snop  }
0x6: {  	_ = 	snop  }
0x7: {  	_ = 	snop  }
__scs_overlays_trampoline_lowered:
0x8: {  	[smem:$0x3FAC] =	sst s0  }
0x9: {  	[smem:$0x3FAD] =	sst s1  }
0xa: {  	[smem:$0x3FAE] =	sst s2  }
0xb: {  	[smem:$0x3FAF] =	sst s3  }
0xc: {  	[smem:$0x3FB0] =	sst s4  }
0xd: {  	[smem:$0x3FB1] =	sst s5  }
0xe: {  	[smem:$0x3FB2] =	sst s6  }
0xf: {  	[smem:$0x3FB3] =	sst s7  }
0x10: {  	[smem:$0x3FB4] =	sst s8  }
0x11: {  	[smem:$0x3FB5] =	sst s9;
	s0 =	simm.s32 @!p0 $0x0  }
0x12: {  	s1 =	sld [smem:$0x3F9B];
	s0 =	simm.s32 @p0 $0x1  }
0x13: {  	[smem:$0x3FB6] =	sst s0;
	s0 =	simm.s32 @!p1 $0x0  }
0x14: {  	s2 =	sld [smem:$0x3F9A];
	s0 =	simm.s32 @p1 $0x1  }
0x15: {  	[smem:$0x3FB7] =	sst s0;
	s0 =	simm.s32 @!p2 $0x0  }
0x16: {  	s3 =	sld [smem:$0x3FDB];
	s0 =	simm.s32 @p2 $0x1  }
0x17: {  	s4 =	simm.s32 $0x1BF5;
	[smem:$0x3FB9] =	sst s0  }
0x18: {  	s0 =	sld [smem:$0x3F9C];
	_ =	swait.ge [sflag:s4], $0x0  }
0x19: {  	s7 =	sld [smem:$0x3F9D]  }
0x1a: {  	s8 =	sadd.s32 $0xFFFFE003, lr  }
0x1b: {  	s9 =	sadd.s32 $0xFFFFFEF7, lr;
	s5 =	simm.s32 $0xFFFFFFFF;
	p2 =	slt.u32 s8, $0xFFFFF086  }
0x1c: {  	p1 =	slt.u32 s9, $0xF7A;
	s5 =	simm.s32 @!p2 $0x0  }
0x1d: {  	s5 =	simm.s32 @p1 $0x1;
	p0 =	seq.s32 s7, s2  }
0x1e: {  	s7 =	smul.u32 @!p0 $0xF7A, s2;
	p2 =	seq.s32 @!p0 s5, $0x0  }
0x1f: {  	s9 =	smul.u32 $0xF7A, s1;
	s8 =	simm.s32 @!p0 $0x1BF5;
	p2 =	por !p2, p0  }
0x20: {  	[sflag:s8] =	ssyncset.s32 @!p0 $0xFFFFF086;
	s6 =	sadd.s32 @!p0 s3, s7;
	s7 =	simm.s32 @!p0 $0x108  }
0x21: {  	s3 =	sadd.s32 s3, s9;
	s6 =	sadd.s32 @!p0 $0x88, s6;
	s7 =	simm.s32 @p2 $0x1082  }
0x22: {  	[simem:s7], [sflag:s8] =	dma.local @!p0 [hbm:s6], $0xF7A  }
0x23: {  	s9 =	sor.u32 $0xD0000000, s2;
	s6 =	simm.s32 $0x108;
	_ =	swait.ge @!p0 [sflag:s8], $0x0  }
0x24: {  	s3 =	sadd.s32 $0x88, s3;
	s6 =	simm.s32 @!p1 $0x1082;
	[sflag:s4] =	ssyncset.s32 $0xFFFFF086  }
0x25: {  	[simem:s6], [sflag:s4] =	dma.local [hbm:s3], $0xF7A  }
0x26: {  	[smem:$0x3F9D] =	sst s1;
	(tag) =	ssettag s2;
	_ =	strace s9  }
0x27: {  	s1 =	sld [smem:$0x3FAD]  }
0x28: {  	s2 =	sld [smem:$0x3FAE]  }
0x29: {  	s4 =	sld [smem:$0x3FB0]  }
0x2a: {  	p0 =	seq.s32 s5, $0x0;
	s5 =	sld [smem:$0x3FB1]  }
0x2b: {  	s6 =	sld [smem:$0x3FB2]  }
0x2c: {  	s7 =	sld [smem:$0x3FB3]  }
0x2d: {  	s3 =	simm.s32 $0x108;
	s8 =	sld [smem:$0x3FB4]  }
0x2e: {  	s3 =	simm.s32 @!p0 $0x1082;
	s9 =	sld [smem:$0x3FB5]  }
0x2f: {  	lr =	sadd.s32 s0, s3;
	s0 =	sld [smem:$0x3FAC]  }
0x30: {  	s3 =	sld [smem:$0x3FAF]  }
0x31: {  	[smem:$0x3FB8] =	sst s10  }
0x32: {  	s10 =	sld [smem:$0x3FB6];
	_ =	sdelay $0x3  }
0x33: {  	p0 =	seq.s32 s10, $0x1;
	s10 =	sld [smem:$0x3FB8];
	_ =	sdelay $0x3  }
0x34: {  	[smem:$0x3FB8] =	sst s10  }
0x35: {  	s10 =	sld [smem:$0x3FB7];
	_ =	sdelay $0x3  }
0x36: {  	p1 =	seq.s32 s10, $0x1;
	s10 =	sld [smem:$0x3FB8];
	_ =	sdelay $0x3  }
0x37: {  	[smem:$0x3FB8] =	sst s10  }
0x38: {  	s10 =	sld [smem:$0x3FB9]  }
0x39: {  	_ = 	snop;
	(pc) =	sbr.ind lr, $3  }
0x3a: {  	_ = 	snop  }
0x3b: {  	_ = 	snop  }
0x3c: {  	p2 =	seq.s32 s10, $0x1;
	s10 =	sld [smem:$0x3FB8]  }
0x3d: {  	_ =	shalt  }
0x3e: {  	_ =	shalt  }
0x3f: {  	_ =	shalt  }
0x40: {  	_ =	shalt  }
0x41: {  	_ =	shalt  }
0x42: {  	_ =	shalt  }
0x43: {  	_ =	shalt  }
0x44: {  	_ =	shalt  }
0x45: {  	_ =	shalt  }
0x46: {  	_ =	shalt  }
0x47: {  	_ =	shalt  }
0x48: {  	_ =	shalt  }
0x49: {  	_ =	shalt  }
0x4a: {  	_ =	shalt  }
0x4b: {  	_ =	shalt  }
0x4c: {  	_ =	shalt  }
0x4d: {  	_ =	shalt  }
0x4e: {  	_ =	shalt  }
0x4f: {  	_ =	shalt  }
0x50: {  	_ =	shalt  }
0x51: {  	_ =	shalt  }
0x52: {  	_ =	shalt  }
0x53: {  	_ =	shalt  }
0x54: {  	_ =	shalt  }
0x55: {  	_ =	shalt  }
0x56: {  	_ =	shalt  }
0x57: {  	_ =	shalt  }
0x58: {  	_ =	shalt  }
0x59: {  	_ =	shalt  }
0x5a: {  	_ =	shalt  }
0x5b: {  	_ =	shalt  }
0x5c: {  	_ =	shalt  }
0x5d: {  	_ =	shalt  }
0x5e: {  	_ =	shalt  }
0x5f: {  	_ =	shalt  }
0x60: {  	_ =	shalt  }
0x61: {  	_ =	shalt  }
0x62: {  	_ =	shalt  }
0x63: {  	_ =	shalt  }
0x64: {  	_ =	shalt  }
0x65: {  	_ =	shalt  }
0x66: {  	_ =	shalt  }
0x67: {  	_ =	shalt  }
0x68: {  	_ =	shalt  }
0x69: {  	_ =	shalt  }
0x6a: {  	_ =	shalt  }
0x6b: {  	_ =	shalt  }
0x6c: {  	_ =	shalt  }
0x6d: {  	_ =	shalt  }
0x6e: {  	_ =	shalt  }
0x6f: {  	_ =	shalt  }
0x70: {  	_ =	shalt  }
0x71: {  	_ =	shalt  }
0x72: {  	_ =	shalt  }
0x73: {  	_ =	shalt  }
0x74: {  	_ =	shalt  }
0x75: {  	_ =	shalt  }
0x76: {  	_ =	shalt  }
0x77: {  	_ =	shalt  }
0x78: {  	_ =	shalt  }
0x79: {  	_ =	shalt  }
0x7a: {  	_ =	shalt  }
0x7b: {  	_ =	shalt  }
0x7c: {  	_ =	shalt  }
0x7d: {  	_ =	shalt  }
0x7e: {  	_ =	shalt  }
0x7f: {  	_ =	shalt  }
0x80: {  	_ =	shalt  }
0x81: {  	_ =	shalt  }
0x82: {  	_ =	shalt  }
0x83: {  	_ =	shalt  }
0x84: {  	_ =	shalt  }
0x85: {  	_ =	shalt  }
0x86: {  	_ =	shalt  }
0x87: {  	_ =	shalt  }
.Lfunc_end0:
.L_simem_size_0:
called_computation_lowered:
.L_overlay_start_0:
0x88: {  	s2 =	sld [smem:$0x3FD9]  }
0x89: {  	s3 =	sld [smem:$0x3FFE];
	_ =	sdelay $0x1  }
0x8a: {  	s1 =	srdreg.scid  }
0x8b: {  	s0 =	sand.u32 $0x1, s1  }
0x8c: {  	s17 =	sshll.u32 s0, $0xA;
	s2 =	sadd.s32 s3, s2  }
0x8d: {  	s2 =	sadd.s32 s2, s17  }
0x8e: {  	[smem:$0x3FC4] =	sst s2  }
0x8f: {  	_ = 	snop  }
0x90: {  	s2 =	sld [smem:$0x3FD0];
	(tm) =	ssettm $0x1  }
0x91: {  	s18 =	sld [smem:$0x3FFB];
	_ =	sdelay $0x3  }
0x92: {  	_ =	strace s18  }
0x93: {  	s3 =	sld [smem:$0x3FFC];
	_ =	sdelay $0x3  }
0x94: {  	_ =	strace s3  }
0x95: {  	s3 =	sld [smem:$0x3FFD];
	_ =	sdelay $0x3  }
0x96: {  	_ =	strace s3  }
0x97: {  	_ =	strace $0x8FFFFFFF  }
0x98: {  	s19 =	sld [smem:$0x3FDB];
	_ =	sdelay $0x1  }
0x99: {  	s4 =	simm.s32 $_scs_section_size  }
0x9a: {  	s5 =	simm.s32 $_size__tile_overlayer_lowered;
	s6 =	simm.s32 $_tile_overlayer_lowered  }
0x9b: {  	s22 =	simm.s32 $0x1BFF;
	s21 =	sshll.u32 s6, $0x1;
	s3 =	sadd.s32 s4, s19  }
0x9c: {  	s7 =	simm.s32 $0x0;
	s20 =	sshll.u32 s5, $0x1;
	s5 =	sadd.s32 s21, s3  }
0x9d: {  	[timem:s7], [sflag:s22] =	dma.local [hbm:s5], s20  }
0x9e: {  	_ =	swait.ge [sflag:s22], s20  }
0x9f: {  	s4 =	ssub.s32 $0x0, s20;
	[sflag:s22] =	ssyncset.done $0x0  }
0xa0: {  	[sflag:s22] =	ssyncadd.s32 s4;
	_ =	sdelay $0x1  }
0xa1: {  	s23 =	simm.s32 $0x1B8B  }
0xa2: {  	_ =	swait.ge [sflag:s23], $0x1  }
0xa3: {  	[sflag:s23] =	ssyncset.done $0x0  }
0xa4: {  	s25 =	simm.s32 $0x1B8E;
	s24 =	sld [smem:$0x3FFE];
	[sflag:s23] =	ssyncadd.s32 $0xFFFFFFFF  }
0xa5: {  	s26 =	simm.s32 $execute0_lowered;
	[smem:$0x3FD2] =	sst s25  }
0xa6: {  	s5 =	sshll.u32 s26, $0x1;
	_ =	strace $0x80000046;
	[dreg:$0x1] =	wrdreg $0xFFFFFFFF  }
0xa7: {  	s28 =	simm.s32 $_size_execute0_lowered;
	s3 =	sadd.s32 s3, s5;
	[dreg:$0x0] =	wrdreg $0x0  }
0xa8: {  	s5 =	sshll.u32 s28, $0x1;
	[dreg:$0x2] =	wrdreg s3  }
0xa9: {  	[dreg:$0x3] =	wrdreg s5  }
0xaa: {  	[dreg:$0x4] =	wrdreg $0xC0  }
0xab: {  	_ =	task [dreg:s7], $0x5FFFF  }
0xac: {  	[dreg:$0x1] =	wrdreg $0xFFFFFFFF  }
0xad: {  	[dreg:$0x0] =	wrdreg $0x60  }
0xae: {  	[dreg:$0x2] =	wrdreg s2  }
0xaf: {  	[dreg:$0x3] =	wrdreg s24  }
0xb0: {  	[dreg:$0x4] =	wrdreg $0x12000  }
0xb1: {  	[dreg:$0x5] =	wrdreg $0x9  }
0xb2: {  	_ =	task.clear_ibuf [dreg:s7], $0x6FFFF;
	_ =	strace $0x90000046  }
0xb3: {  	s29 =	simm.s32 $0x9;
	_ =	strace $0x80000048  }
0xb4: {  	_ =	swait.ge [sflag:s29], $0x1  }
0xb5: {  	[sflag:s29] =	ssyncadd.s32 $0xFFFFFFFF  }
0xb6: {  	_ =	strace $0x90000048  }
0xb7: {  	_ =	sfence  }
0xb8: {  	s30 =	sld [smem:$0x0];
	_ =	sdelay $0x2  }
0xb9: {  	s31 =	sshll.u32 s1, $0xD;
	s1 =	sshrl.u32 s1, $0x2  }
0xba: {  	s3 =	sand.u32 $0x4000, s31;
	s1 =	sadd.s32 s1, s30  }
0xbb: {  	s0 =	sor.u32 s3, s0;
	s1 =	sshll.u32 s1, $0x11  }
0xbc: {  	s0 =	sor.u32 s1, s0  }
0xbd: {  	s0 =	sadd.s32 $0x8F2B, s0  }
0xbe: {  	[sflag:s0] =	ssyncadd.remote.s32 $0x1  }
0xbf: {  	_ =	sfence.sel $0xFFFF  }
0xc0: {  	[dreg:$0x0] =	wrdreg $0xFFFFFFFF;
	(pc) =	sbr.abs _section_cstart, $3  }
0xc1: {  	[dreg:$0x1] =	wrdreg $0xFFFFFFFF  }
0xc2: {  	_ =	task.clear_ibuf [dreg:s7], $0x2FFFF;
	_ =	strace $0x9FFFFFFF  }
0xc3: {  	(tm) =	ssettm $0x7FFFFFFF  }
tec
execute0_lowered:
.L_overlay_start_1:
0x0: {  	(tag) =	ssettag $0x1  }
0x1: {  	s1 =	rddreg [dreg:$0x0]  }
0x2: {  	s5 =	rddreg [dreg:$0x1]  }
0x3: {  	s3 =	rddreg [dreg:$0x2]  }
0x4: {  	s0 =	srdreg.scid;
	s2 =	rddreg [dreg:$0x3];
	s4 =	simm.s32 $0x0  }
0x5: {  	s13 =	simm.s32 $0x180;
	s14 =	simm.s32 $0x80;
	s15 =	simm.s32 $0x200  }
0x6: {  	s16 =	simm.s32 $0x1;
	s6 =	sand.u32 $0x1, s0;
	s0 =	stileid.u32  }
0x7: {  	s17 =	simm.s32 $0x100;
	[smem:$0x7FF] =	sst s4;
	s7 =	smul.u32 $0x52000, s6  }
0x8: {  	s18 =	simm.s32 $0x0;
	s8 =	smul.u32 $0x5200, s0;
	_ =	strace $0x80000047  }
0x9: {  	s28 =	ssub.s32 $0x2, s6;
	s29 =	sshll.u32 s0, $0xB;
	s30 =	sshll.u32 s0, $0xE  }
0xa: {  	s31 =	sshll.u32 s0, $0x6;
	s12 =	sshll.u32 s6, $0xF;
	s9 =	sshrl.u32 s28, $0x1  }
0xb: {  	s11 =	sadd.s32 s30, s3;
	s6 =	sor.u32 $0x1C02, s31;
	s7 =	sadd.s32 s8, s7  }
0xc: {  	s8 =	ssub.s32 s28, s9;
	s11 =	sshrl.u32 s11, $0x3;
	s7 =	sshrl.u32 s7, $0x3  }
0xd: {  	s8 =	smax.u32 s8, $0x1;
	s10 =	sadd.s32 s7, s5;
	s7 =	sadd.s32 s29, s5  }
0xe: {  	s5 =	sadd.s32 $0x29A00, s7;
	s7 =	sadd.s32 s12, s7;
	s9 =	sadd.s32 $0xA00, s10  }
0xf: {  	s10 =	sadd.s32 $0x15200, s10;
	s12 =	simm.s32 $0x2;
	s7 =	sadd.s32 $0x31A00, s7  }
.LBB2_1:
0x10: {  	[spmem:s11], [sflag:s6] =	dma.local [hbm:s5], $0x800  }
0x11: {  	_ =	swait.ge [sflag:s12], $0x800  }
0x12: {  	[sflag:s12] =	ssyncset.done $0x0  }
0x13: {  	[sflag:s12] =	ssyncadd.s32 $0xFFFFF800  }
0x14: {  	s19 =	simm.s32 $0x0;
	[bflag:$0x0] =	sbarrier.arrive $0xFFFF  }
.LBB2_2:
0x15: {  	s20 =	sadd.s32 s19, s10  }
0x16: {  	[tilespmem:s4], [sflag:$0x2] =	stream.linear.gather [hbm4b:s20+s4], $0x80, $0x38;
	[tilespmem:$0x5200] =	vst v63  }
0x17: {  	_ =	swait.ge [sflag:s12], $0x80  }
0x18: {  	[sflag:s12] =	ssyncset.done $0x0  }
0x19: {  	s31 =	sadd.s32 s19, s9;
	[sflag:s12] =	ssyncadd.s32 $0xFFFFFF80  }
0x1a: {  	[tilespmem:s13], [sflag:$0x2] =	stream.linear.gather [hbm4b:s31+s4], $0x80, $0x38;
	[tilespmem:$0x5200] =	vst v63  }
0x1b: {  	_ =	swait.ge [sflag:s12], $0x80  }
0x1c: {  	[sflag:s12] =	ssyncset.done $0x0  }
0x1d: {  	[sflag:s12] =	ssyncadd.s32 $0xFFFFFF80  }
0x1e: {  	v0 =	vld [tilespmem:$0x0];
	_ =	sdelay $0x1  }
0x1f: {  	v1 =	vld [tilespmem:$0x10];
	_ =	sdelay $0x1  }
0x20: {  	v2 =	vld [tilespmem:$0x20]  }
0x21: {  	v3 =	vshrl.u32 v0, $0xD  }
0x22: {  	v38 =	vld [tilespmem:$0x30];
	v0 =	vand.u32 $0x1FFF, v0;
	[tilespmem:$0x80] =	vst v3  }
0x23: {  	v39 =	vshrl.u32 v1, $0xD;
	[tilespmem:$0x100] =	vst v0  }
0x24: {  	v41 =	vld [tilespmem:$0x40];
	v40 =	vand.u32 $0x1FFF, v1;
	[tilespmem:$0x90] =	vst v39  }
0x25: {  	v42 =	vshrl.u32 v2, $0xD;
	[tilespmem:$0x110] =	vst v40  }
0x26: {  	v44 =	vld [tilespmem:$0x50];
	v43 =	vand.u32 $0x1FFF, v2;
	[tilespmem:$0xA0] =	vst v42  }
0x27: {  	v45 =	vshrl.u32 v38, $0xD;
	[tilespmem:$0x120] =	vst v43  }
0x28: {  	v47 =	vld [tilespmem:$0x60];
	v46 =	vand.u32 $0x1FFF, v38;
	[tilespmem:$0xB0] =	vst v45  }
0x29: {  	v48 =	vshrl.u32 v41, $0xD;
	[tilespmem:$0x130] =	vst v46  }
0x2a: {  	v50 =	vld [tilespmem:$0x70];
	v49 =	vand.u32 $0x1FFF, v41;
	[tilespmem:$0xC0] =	vst v48  }
0x2b: {  	v51 =	vshrl.u32 v44, $0xD;
	[tilespmem:$0x140] =	vst v49  }
0x2c: {  	v52 =	vand.u32 $0x1FFF, v44;
	[tilespmem:$0xD0] =	vst v51  }
0x2d: {  	v53 =	vshrl.u32 v47, $0xD;
	[tilespmem:$0x150] =	vst v52  }
0x2e: {  	v54 =	vand.u32 $0x1FFF, v47;
	[tilespmem:$0xE0] =	vst v53  }
0x2f: {  	v55 =	vshrl.u32 v50, $0xD;
	[tilespmem:$0x160] =	vst v54  }
0x30: {  	v56 =	vand.u32 $0x1FFF, v50;
	[tilespmem:$0xF0] =	vst v55  }
0x31: {  	[tilespmem:$0x170] =	vst v56  }
0x32: {  	[tilespmem:s15], [sflag:$0x1] =	stream.indirect.gather [hbm4b:s1+s14], $0x20, s14, s14, $0xb8;
	[tilespmem:$0x5200] =	vst v63  }
0x33: {  	_ =	swait.ge [sflag:s16], $0x1000  }
0x34: {  	[sflag:s16] =	ssyncset.done $0x0  }
0x35: {  	[sflag:s16] =	ssyncadd.s32 $0xFFFFF000  }
0x36: {  	v1 =	vld [tilespmem:$0x180];
	_ =	sdelay $0x1  }
0x37: {  	v57 =	vld [tilespmem:$0x200]  }
0x38: {  	v58 =	vld [tilespmem:$0x210]  }
0x39: {  	v59 =	vld [tilespmem:$0x220]  }
0x3a: {  	v5 =	vld [tilespmem:$0x230];
	v4 =	vbroadcast v1, $0x0  }
0x3b: {  	v6 =	vld [tilespmem:$0x240]  }
0x3c: {  	v8 =	vld [tilespmem:$0x250];
	v7 =	vbroadcast v1, $0x1;
	v0 =	vmul.f32 v4, v57  }
0x3d: {  	v60 =	vld [tilespmem:$0x260];
	v2 =	vmul.f32 v58, v4  }
0x3e: {  	v9 =	vld [tilespmem:$0x270];
	v62 =	vbroadcast v1, $0x2;
	v61 =	vmul.f32 v59, v7;
	[tilespmem:$0x200] =	vst v0  }
0x3f: {  	v10 =	vld [tilespmem:$0x280];
	v63 =	vmul.f32 v5, v7;
	[tilespmem:$0x210] =	vst v2  }
0x40: {  	v13 =	vld [tilespmem:$0x290];
	v12 =	vbroadcast v1, $0x3;
	v11 =	vmul.f32 v6, v62;
	[tilespmem:$0x220] =	vst v61  }
0x41: {  	v15 =	vld [tilespmem:$0x2A0];
	v14 =	vmul.f32 v8, v62;
	[tilespmem:$0x230] =	vst v63  }
0x42: {  	v17 =	vbroadcast v1, $0x4;
	v16 =	vmul.f32 v60, v12;
	[tilespmem:$0x240] =	vst v11  }
0x43: {  	v18 =	vmul.f32 v9, v12;
	[tilespmem:$0x250] =	vst v14  }
0x44: {  	v20 =	vbroadcast v1, $0x5;
	v19 =	vmul.f32 v10, v17;
	[tilespmem:$0x260] =	vst v16  }
0x45: {  	v21 =	vmul.f32 v13, v17;
	[tilespmem:$0x270] =	vst v18  }
0x46: {  	v22 =	vmul.f32 v15, v20;
	[tilespmem:$0x280] =	vst v19  }
0x47: {  	[tilespmem:$0x290] =	vst v21  }
0x48: {  	[tilespmem:$0x2A0] =	vst v22  }
0x49: {  	v0 =	vld [tilespmem:$0x2B0]  }
0x4a: {  	v23 =	vld [tilespmem:$0x2C0]  }
0x4b: {  	v24 =	vld [tilespmem:$0x2D0]  }
0x4c: {  	v25 =	vld [tilespmem:$0x2E0]  }
0x4d: {  	v26 =	vld [tilespmem:$0x2F0]  }
0x4e: {  	v27 =	vld [tilespmem:$0x300]  }
0x4f: {  	v28 =	vld [tilespmem:$0x310]  }
0x50: {  	v29 =	vld [tilespmem:$0x320]  }
0x51: {  	v10 =	vld [tilespmem:$0x330]  }
0x52: {  	v11 =	vld [tilespmem:$0x340]  }
0x53: {  	v12 =	vld [tilespmem:$0x350]  }
0x54: {  	v13 =	vbroadcast v1, $0x6;
	v14 =	vld [tilespmem:$0x360]  }
0x55: {  	v30 =	vld [tilespmem:$0x370];
	v0 =	vmul.f32 v0, v20  }
0x56: {  	v15 =	vbroadcast v1, $0x7;
	v16 =	vld [tilespmem:$0x380];
	v2 =	vmul.f32 v23, v13  }
0x57: {  	v32 =	vld [tilespmem:$0x390];
	v31 =	vmul.f32 v24, v13;
	[tilespmem:$0x2B0] =	vst v0  }
0x58: {  	v34 =	vbroadcast v1, $0x8;
	v35 =	vld [tilespmem:$0x3A0];
	v33 =	vmul.f32 v25, v15;
	[tilespmem:$0x2C0] =	vst v2  }
0x59: {  	v37 =	vld [tilespmem:$0x3B0];
	v36 =	vmul.f32 v26, v15;
	[tilespmem:$0x2D0] =	vst v31  }
0x5a: {  	v39 =	vbroadcast v1, $0x9;
	v40 =	vld [tilespmem:$0x3C0];
	v38 =	vmul.f32 v27, v34;
	[tilespmem:$0x2E0] =	vst v33  }
0x5b: {  	v42 =	vld [tilespmem:$0x3D0];
	v41 =	vmul.f32 v28, v34;
	[tilespmem:$0x2F0] =	vst v36  }
0x5c: {  	v44 =	vbroadcast v1, $0xA;
	v45 =	vld [tilespmem:$0x3E0];
	v43 =	vmul.f32 v29, v39;
	[tilespmem:$0x300] =	vst v38  }
0x5d: {  	v46 =	vld [tilespmem:$0x3F0];
	v7 =	vmul.f32 v10, v39;
	[tilespmem:$0x310] =	vst v41  }
0x5e: {  	v48 =	vbroadcast v1, $0xB;
	v50 =	vld [tilespmem:$0x400];
	v47 =	vmul.f32 v11, v44;
	[tilespmem:$0x320] =	vst v43  }
0x5f: {  	v53 =	vld [tilespmem:$0x410];
	v49 =	vmul.f32 v12, v44;
	[tilespmem:$0x330] =	vst v7  }
0x60: {  	v52 =	vbroadcast v1, $0xC;
	v54 =	vld [tilespmem:$0x420];
	v51 =	vmul.f32 v14, v48;
	[tilespmem:$0x340] =	vst v47  }
0x61: {  	v57 =	vld [tilespmem:$0x430];
	v5 =	vmul.f32 v30, v48;
	[tilespmem:$0x350] =	vst v49  }
0x62: {  	v56 =	vbroadcast v1, $0xD;
	v58 =	vld [tilespmem:$0x440];
	v55 =	vmul.f32 v16, v52;
	[tilespmem:$0x360] =	vst v51  }
0x63: {  	v3 =	vmul.f32 v32, v52;
	v0 =	vld [tilespmem:$0x190];
	[tilespmem:$0x370] =	vst v5  }
0x64: {  	v60 =	vbroadcast v1, $0xE;
	v61 =	vld [tilespmem:$0x450];
	v59 =	vmul.f32 v35, v56;
	[tilespmem:$0x380] =	vst v55  }
0x65: {  	v63 =	vld [tilespmem:$0x460];
	v62 =	vmul.f32 v37, v56;
	[tilespmem:$0x390] =	vst v3  }
0x66: {  	v1 =	vbroadcast v1, $0xF;
	v19 =	vld [tilespmem:$0x470];
	v18 =	vmul.f32 v40, v60;
	[tilespmem:$0x3A0] =	vst v59  }
0x67: {  	v21 =	vld [tilespmem:$0x480];
	v20 =	vmul.f32 v42, v60;
	[tilespmem:$0x3B0] =	vst v62  }
0x68: {  	v22 =	vmul.f32 v45, v1;
	v24 =	vld [tilespmem:$0x490];
	[tilespmem:$0x3C0] =	vst v18;
	v23 =	vbroadcast v0, $0x0  }
0x69: {  	v1 =	vmul.f32 v46, v1;
	v25 =	vld [tilespmem:$0x4A0];
	[tilespmem:$0x3D0] =	vst v20  }
0x6a: {  	v28 =	vld [tilespmem:$0x4B0];
	[tilespmem:$0x3E0] =	vst v22;
	v27 =	vbroadcast v0, $0x1;
	v26 =	vmul.f32 v23, v50  }
0x6b: {  	v30 =	vld [tilespmem:$0x4C0];
	[tilespmem:$0x3F0] =	vst v1;
	v29 =	vmul.f32 v53, v23  }
0x6c: {  	v35 =	vld [tilespmem:$0x4E0];
	v32 =	vbroadcast v0, $0x2;
	v31 =	vmul.f32 v54, v27;
	[tilespmem:$0x400] =	vst v26  }
0x6d: {  	v40 =	vld [tilespmem:$0x500];
	v34 =	vmul.f32 v57, v27;
	[tilespmem:$0x410] =	vst v29  }
0x6e: {  	v45 =	vld [tilespmem:$0x520];
	v37 =	vbroadcast v0, $0x3;
	v36 =	vmul.f32 v58, v32;
	[tilespmem:$0x420] =	vst v31  }
0x6f: {  	v48 =	vld [tilespmem:$0x530];
	v39 =	vmul.f32 v61, v32;
	[tilespmem:$0x430] =	vst v34  }
0x70: {  	v60 =	vld [tilespmem:$0x580];
	v42 =	vbroadcast v0, $0x4;
	v41 =	vmul.f32 v63, v37;
	[tilespmem:$0x440] =	vst v36  }
0x71: {  	v12 =	vld [tilespmem:$0x1D0];
	v44 =	vmul.f32 v19, v37;
	[tilespmem:$0x450] =	vst v39  }
0x72: {  	v33 =	vld [tilespmem:$0x4D0];
	v47 =	vbroadcast v0, $0x5;
	v46 =	vmul.f32 v21, v42;
	[tilespmem:$0x460] =	vst v41  }
0x73: {  	v13 =	vld [tilespmem:$0xD00];
	v49 =	vmul.f32 v24, v42;
	[tilespmem:$0x470] =	vst v44  }
0x74: {  	v43 =	vld [tilespmem:$0x510];
	v52 =	vbroadcast v0, $0x6;
	v51 =	vmul.f32 v25, v47;
	[tilespmem:$0x480] =	vst v46  }
0x75: {  	v38 =	vld [tilespmem:$0x4F0];
	v54 =	vmul.f32 v28, v47;
	[tilespmem:$0x490] =	vst v49  }
0x76: {  	v55 =	vld [tilespmem:$0x560];
	v62 =	vbroadcast v0, $0x8;
	v56 =	vmul.f32 v30, v52;
	[tilespmem:$0x4A0] =	vst v51  }
0x77: {  	v22 =	vld [tilespmem:$0x5B0];
	v59 =	vmul.f32 v33, v52;
	[tilespmem:$0x4B0] =	vst v54  }
0x78: {  	v1 =	vld [tilespmem:$0x1A0];
	v57 =	vbroadcast v0, $0x7;
	v20 =	vmul.f32 v40, v62;
	[tilespmem:$0x4C0] =	vst v56  }
0x79: {  	v50 =	vld [tilespmem:$0x540];
	v23 =	vmul.f32 v43, v62;
	[tilespmem:$0x4D0] =	vst v59  }
0x7a: {  	v53 =	vld [tilespmem:$0x550];
	v21 =	vbroadcast v0, $0x9;
	v61 =	vmul.f32 v35, v57;
	[tilespmem:$0x500] =	vst v20  }
0x7b: {  	v58 =	vld [tilespmem:$0x570];
	v18 =	vmul.f32 v38, v57;
	[tilespmem:$0x510] =	vst v23  }
0x7c: {  	v63 =	vld [tilespmem:$0x590];
	v25 =	vmul.f32 v45, v21;
	v31 =	vbroadcast v0, $0xB;
	[tilespmem:$0x4E0] =	vst v61  }
0x7d: {  	v19 =	vld [tilespmem:$0x5A0];
	v28 =	vmul.f32 v48, v21;
	v34 =	vbroadcast v0, $0xC;
	[tilespmem:$0x4F0] =	vst v18  }
0x7e: {  	v24 =	vld [tilespmem:$0x5C0];
	v39 =	vbroadcast v0, $0xD;
	[tilespmem:$0x520] =	vst v25;
	v33 =	vmul.f32 v55, v31  }
0x7f: {  	v27 =	vld [tilespmem:$0x5D0];
	v26 =	vbroadcast v0, $0xA;
	[tilespmem:$0x530] =	vst v28;
	v38 =	vmul.f32 v60, v34  }
0x80: {  	v32 =	vld [tilespmem:$0x5F0];
	v3 =	vmul.f32 v22, v39;
	[tilespmem:$0x560] =	vst v33  }
0x81: {  	v37 =	vld [tilespmem:$0x610];
	v30 =	vmul.f32 v50, v26;
	[tilespmem:$0x580] =	vst v38  }
0x82: {  	v40 =	vld [tilespmem:$0x620];
	v5 =	vmul.f32 v53, v26;
	[tilespmem:$0x5B0] =	vst v3  }
0x83: {  	v47 =	vld [tilespmem:$0x660];
	v36 =	vmul.f32 v58, v31;
	[tilespmem:$0x540] =	vst v30  }
0x84: {  	v43 =	vbroadcast v0, $0xE;
	v52 =	vld [tilespmem:$0x680];
	v4 =	vmul.f32 v63, v34;
	[tilespmem:$0x550] =	vst v5  }
0x85: {  	v29 =	vld [tilespmem:$0x5E0];
	v42 =	vmul.f32 v19, v39;
	[tilespmem:$0x570] =	vst v36  }
0x86: {  	v35 =	vld [tilespmem:$0x600];
	v51 =	vbroadcast v1, $0x0;
	v46 =	vmul.f32 v24, v43;
	[tilespmem:$0x590] =	vst v4  }
0x87: {  	v17 =	vbroadcast v1, $0x3;
	v41 =	vld [tilespmem:$0x630];
	v48 =	vmul.f32 v27, v43;
	[tilespmem:$0x5A0] =	vst v42  }
0x88: {  	v44 =	vld [tilespmem:$0x640];
	v55 =	vbroadcast v1, $0x1;
	v57 =	vmul.f32 v37, v51;
	[tilespmem:$0x5C0] =	vst v46  }
0x89: {  	v45 =	vld [tilespmem:$0x650];
	v22 =	vbroadcast v1, $0x4;
	v21 =	vmul.f32 v47, v17;
	[tilespmem:$0x5D0] =	vst v48  }
0x8a: {  	v0 =	vbroadcast v0, $0xF;
	v49 =	vld [tilespmem:$0x670];
	v59 =	vmul.f32 v40, v55;
	[tilespmem:$0x610] =	vst v57  }
0x8b: {  	v56 =	vld [tilespmem:$0x6A0];
	v26 =	vmul.f32 v52, v22;
	[tilespmem:$0x660] =	vst v21  }
0x8c: {  	v20 =	vld [tilespmem:$0x6F0];
	v50 =	vmul.f32 v29, v0;
	[tilespmem:$0x620] =	vst v59  }
0x8d: {  	v23 =	vld [tilespmem:$0x700];
	v0 =	vmul.f32 v32, v0;
	[tilespmem:$0x680] =	vst v26  }
0x8e: {  	v60 =	vbroadcast v1, $0x2;
	v61 =	vld [tilespmem:$0x6C0];
	v54 =	vmul.f32 v51, v35;
	[tilespmem:$0x5E0] =	vst v50  }
0x8f: {  	v18 =	vld [tilespmem:$0x6E0];
	v62 =	vmul.f32 v41, v55;
	[tilespmem:$0x5F0] =	vst v0  }
0x90: {  	v25 =	vld [tilespmem:$0x710];
	v16 =	vmul.f32 v44, v60;
	[tilespmem:$0x600] =	vst v54  }
0x91: {  	v28 =	vld [tilespmem:$0x720];
	v27 =	vbroadcast v1, $0x5;
	v19 =	vmul.f32 v45, v60;
	[tilespmem:$0x630] =	vst v62  }
0x92: {  	v53 =	vld [tilespmem:$0x690];
	v37 =	vbroadcast v1, $0x7;
	v24 =	vmul.f32 v49, v17;
	[tilespmem:$0x640] =	vst v16  }
0x93: {  	v58 =	vld [tilespmem:$0x6B0];
	v31 =	vmul.f32 v56, v27;
	v32 =	vbroadcast v1, $0x6;
	[tilespmem:$0x650] =	vst v19  }
0x94: {  	v63 =	vld [tilespmem:$0x6D0];
	v44 =	vmul.f32 v20, v37;
	[tilespmem:$0x670] =	vst v24  }
0x95: {  	v43 =	vld [tilespmem:$0x780];
	v42 =	vbroadcast v1, $0x8;
	[tilespmem:$0x6A0] =	vst v31;
	v36 =	vmul.f32 v61, v32  }
0x96: {  	v33 =	vld [tilespmem:$0x740];
	v41 =	vmul.f32 v18, v37;
	[tilespmem:$0x6F0] =	vst v44  }
0x97: {  	v47 =	vbroadcast v1, $0x9;
	v38 =	vld [tilespmem:$0x760];
	v46 =	vmul.f32 v23, v42;
	[tilespmem:$0x6C0] =	vst v36  }
0x98: {  	v40 =	vld [tilespmem:$0x770];
	v49 =	vmul.f32 v25, v42;
	[tilespmem:$0x6E0] =	vst v41  }
0x99: {  	v30 =	vld [tilespmem:$0x730];
	v51 =	vmul.f32 v28, v47;
	[tilespmem:$0x700] =	vst v46  }
0x9a: {  	v35 =	vld [tilespmem:$0x750];
	v29 =	vmul.f32 v53, v22;
	[tilespmem:$0x710] =	vst v49  }
0x9b: {  	v52 =	vbroadcast v1, $0xA;
	v45 =	vld [tilespmem:$0x790];
	v34 =	vmul.f32 v58, v27;
	[tilespmem:$0x720] =	vst v51  }
0x9c: {  	v48 =	vld [tilespmem:$0x7A0];
	v57 =	vbroadcast v1, $0xB;
	v39 =	vmul.f32 v63, v32;
	[tilespmem:$0x690] =	vst v29  }
0x9d: {  	v55 =	vld [tilespmem:$0x7D0];
	v56 =	vmul.f32 v33, v52;
	[tilespmem:$0x6B0] =	vst v34  }
0x9e: {  	v17 =	vld [tilespmem:$0x810];
	v61 =	vbroadcast v1, $0xC;
	v60 =	vmul.f32 v38, v57;
	[tilespmem:$0x6D0] =	vst v39  }
0x9f: {  	v21 =	vld [tilespmem:$0x830];
	v5 =	vmul.f32 v40, v57;
	[tilespmem:$0x740] =	vst v56  }
0xa0: {  	v50 =	vld [tilespmem:$0x7B0];
	v63 =	vmul.f32 v43, v61;
	[tilespmem:$0x760] =	vst v60  }
0xa1: {  	v0 =	vld [tilespmem:$0x1B0];
	v54 =	vmul.f32 v30, v47;
	[tilespmem:$0x770] =	vst v5  }
0xa2: {  	v16 =	vbroadcast v1, $0xD;
	v53 =	vld [tilespmem:$0x7C0];
	v6 =	vmul.f32 v35, v52;
	[tilespmem:$0x780] =	vst v63  }
0xa3: {  	v20 =	vbroadcast v1, $0xE;
	v58 =	vld [tilespmem:$0x7E0];
	v4 =	vmul.f32 v45, v61;
	[tilespmem:$0x730] =	vst v54  }
0xa4: {  	v59 =	vld [tilespmem:$0x7F0];
	v19 =	vmul.f32 v48, v16;
	[tilespmem:$0x750] =	vst v6  }
0xa5: {  	v62 =	vld [tilespmem:$0x800];
	v3 =	vmul.f32 v55, v20;
	[tilespmem:$0x790] =	vst v4  }
0xa6: {  	v26 =	vld [tilespmem:$0x860];
	v1 =	vbroadcast v1, $0xF;
	v22 =	vmul.f32 v50, v16;
	[tilespmem:$0x7A0] =	vst v19  }
0xa7: {  	v18 =	vld [tilespmem:$0x820];
	[tilespmem:$0x7D0] =	vst v3;
	v24 =	vmul.f32 v53, v20  }
0xa8: {  	v23 =	vld [tilespmem:$0x840];
	v28 =	vbroadcast v0, $0x0;
	v27 =	vmul.f32 v58, v1;
	[tilespmem:$0x7B0] =	vst v22  }
0xa9: {  	v25 =	vld [tilespmem:$0x850];
	v1 =	vmul.f32 v59, v1;
	[tilespmem:$0x7C0] =	vst v24  }
0xaa: {  	v33 =	vld [tilespmem:$0x890];
	v32 =	vbroadcast v0, $0x1;
	v31 =	vmul.f32 v28, v62;
	[tilespmem:$0x7E0] =	vst v27  }
0xab: {  	v38 =	vld [tilespmem:$0x8B0];
	v34 =	vmul.f32 v17, v28;
	[tilespmem:$0x7F0] =	vst v1  }
0xac: {  	v40 =	vld [tilespmem:$0x8C0];
	v37 =	vbroadcast v0, $0x2;
	v36 =	vmul.f32 v18, v32;
	[tilespmem:$0x800] =	vst v31  }
0xad: {  	v43 =	vld [tilespmem:$0x8D0];
	v39 =	vmul.f32 v21, v32;
	[tilespmem:$0x810] =	vst v34  }
0xae: {  	v29 =	vld [tilespmem:$0x870];
	v42 =	vbroadcast v0, $0x3;
	v41 =	vmul.f32 v23, v37;
	[tilespmem:$0x820] =	vst v36  }
0xaf: {  	v30 =	vld [tilespmem:$0x880];
	v47 =	vbroadcast v0, $0x4;
	v44 =	vmul.f32 v25, v37;
	[tilespmem:$0x830] =	vst v39  }
0xb0: {  	v35 =	vld [tilespmem:$0x8A0];
	v52 =	vbroadcast v0, $0x5;
	v46 =	vmul.f32 v26, v42;
	[tilespmem:$0x840] =	vst v41  }
0xb1: {  	v45 =	vld [tilespmem:$0x8E0];
	v57 =	vbroadcast v0, $0x6;
	v54 =	vmul.f32 v33, v47;
	[tilespmem:$0x850] =	vst v44  }
0xb2: {  	v48 =	vld [tilespmem:$0x8F0];
	v59 =	vmul.f32 v38, v52;
	[tilespmem:$0x860] =	vst v46  }
0xb3: {  	v55 =	vld [tilespmem:$0x920];
	v61 =	vmul.f32 v40, v57;
	[tilespmem:$0x890] =	vst v54  }
0xb4: {  	v60 =	vld [tilespmem:$0x940];
	v16 =	vmul.f32 v43, v57;
	[tilespmem:$0x8B0] =	vst v59  }
0xb5: {  	v50 =	vld [tilespmem:$0x900];
	v49 =	vmul.f32 v29, v42;
	[tilespmem:$0x8C0] =	vst v61  }
0xb6: {  	v63 =	vld [tilespmem:$0x950];
	v62 =	vbroadcast v0, $0x7;
	v51 =	vmul.f32 v30, v47;
	[tilespmem:$0x8D0] =	vst v16  }
0xb7: {  	v6 =	vld [tilespmem:$0x1E0];
	v56 =	vmul.f32 v35, v52;
	[tilespmem:$0x870] =	vst v49  }
0xb8: {  	v19 =	vbroadcast v0, $0x8;
	v53 =	vld [tilespmem:$0x910];
	v18 =	vmul.f32 v45, v62;
	[tilespmem:$0x880] =	vst v51  }
0xb9: {  	v58 =	vld [tilespmem:$0x930];
	v24 =	vbroadcast v0, $0x9;
	v21 =	vmul.f32 v48, v62;
	[tilespmem:$0x8A0] =	vst v56  }
0xba: {  	v20 =	vld [tilespmem:$0x970];
	v29 =	vbroadcast v0, $0xA;
	v23 =	vmul.f32 v50, v19;
	[tilespmem:$0x8E0] =	vst v18  }
0xbb: {  	v17 =	vld [tilespmem:$0x960];
	v28 =	vmul.f32 v55, v24;
	[tilespmem:$0x8F0] =	vst v21  }
0xbc: {  	v22 =	vld [tilespmem:$0x980];
	v33 =	vmul.f32 v60, v29;
	[tilespmem:$0x900] =	vst v23  }
0xbd: {  	v25 =	vld [tilespmem:$0x990];
	v36 =	vmul.f32 v63, v29;
	[tilespmem:$0x920] =	vst v28  }
0xbe: {  	v32 =	vld [tilespmem:$0x9C0];
	v34 =	vbroadcast v0, $0xB;
	v26 =	vmul.f32 v53, v19;
	[tilespmem:$0x940] =	vst v33  }
0xbf: {  	v37 =	vld [tilespmem:$0x9E0];
	v31 =	vmul.f32 v58, v24;
	[tilespmem:$0x950] =	vst v36  }
0xc0: {  	v40 =	vld [tilespmem:$0x9F0];
	v39 =	vbroadcast v0, $0xC;
	v3 =	vmul.f32 v20, v34;
	[tilespmem:$0x910] =	vst v26  }
0xc1: {  	v27 =	vld [tilespmem:$0x9A0];
	v42 =	vbroadcast v0, $0xD;
	v38 =	vmul.f32 v17, v34;
	[tilespmem:$0x930] =	vst v31  }
0xc2: {  	v30 =	vld [tilespmem:$0x9B0];
	v47 =	vbroadcast v0, $0xE;
	v41 =	vmul.f32 v22, v39;
	[tilespmem:$0x970] =	vst v3  }
0xc3: {  	v1 =	vld [tilespmem:$0x1C0];
	v0 =	vbroadcast v0, $0xF;
	v44 =	vmul.f32 v25, v39;
	[tilespmem:$0x960] =	vst v38  }
0xc4: {  	v35 =	vld [tilespmem:$0x9D0];
	v51 =	vmul.f32 v32, v47;
	[tilespmem:$0x980] =	vst v41  }
0xc5: {  	v43 =	vld [tilespmem:$0xA00];
	v55 =	vmul.f32 v37, v0;
	[tilespmem:$0x990] =	vst v44  }
0xc6: {  	v45 =	vld [tilespmem:$0xA10];
	v0 =	vmul.f32 v40, v0;
	[tilespmem:$0x9C0] =	vst v51  }
0xc7: {  	v48 =	vld [tilespmem:$0xA20];
	v46 =	vmul.f32 v27, v42;
	[tilespmem:$0x9E0] =	vst v55  }
0xc8: {  	v50 =	vld [tilespmem:$0xA30];
	v49 =	vmul.f32 v30, v42;
	v56 =	vbroadcast v1, $0x0;
	[tilespmem:$0x9F0] =	vst v0  }
0xc9: {  	v52 =	vld [tilespmem:$0xA40];
	v53 =	vmul.f32 v35, v47;
	[tilespmem:$0x9A0] =	vst v46  }
0xca: {  	v54 =	vld [tilespmem:$0xA50];
	v60 =	vbroadcast v1, $0x1;
	[tilespmem:$0x9B0] =	vst v49;
	v59 =	vmul.f32 v56, v43  }
0xcb: {  	v57 =	vld [tilespmem:$0xA60];
	[tilespmem:$0x9D0] =	vst v53;
	v62 =	vmul.f32 v45, v56  }
0xcc: {  	v61 =	vld [tilespmem:$0xA80];
	v17 =	vbroadcast v1, $0x2;
	v16 =	vmul.f32 v48, v60;
	[tilespmem:$0xA00] =	vst v59  }
0xcd: {  	v63 =	vld [tilespmem:$0xA90];
	v19 =	vmul.f32 v50, v60;
	[tilespmem:$0xA10] =	vst v62  }
0xce: {  	v58 =	vld [tilespmem:$0xA70];
	v22 =	vbroadcast v1, $0x3;
	v21 =	vmul.f32 v52, v17;
	[tilespmem:$0xA20] =	vst v16  }
0xcf: {  	v18 =	vld [tilespmem:$0xAA0];
	v27 =	vbroadcast v1, $0x4;
	v24 =	vmul.f32 v54, v17;
	[tilespmem:$0xA30] =	vst v19  }
0xd0: {  	v20 =	vld [tilespmem:$0xAB0];
	v26 =	vmul.f32 v57, v22;
	[tilespmem:$0xA40] =	vst v21  }
0xd1: {  	v23 =	vld [tilespmem:$0xAC0];
	v31 =	vmul.f32 v61, v27;
	[tilespmem:$0xA50] =	vst v24  }
0xd2: {  	v25 =	vld [tilespmem:$0xAD0];
	v32 =	vbroadcast v1, $0x5;
	v34 =	vmul.f32 v63, v27;
	[tilespmem:$0xA60] =	vst v26  }
0xd3: {  	v28 =	vld [tilespmem:$0xAE0];
	v29 =	vmul.f32 v58, v22;
	[tilespmem:$0xA80] =	vst v31  }
0xd4: {  	v33 =	vld [tilespmem:$0xB00];
	v37 =	vbroadcast v1, $0x6;
	v36 =	vmul.f32 v18, v32;
	[tilespmem:$0xA90] =	vst v34  }
0xd5: {  	v40 =	vld [tilespmem:$0xB30];
	v39 =	vmul.f32 v20, v32;
	[tilespmem:$0xA70] =	vst v29  }
0xd6: {  	v30 =	vld [tilespmem:$0xAF0];
	v42 =	vbroadcast v1, $0x7;
	v41 =	vmul.f32 v23, v37;
	[tilespmem:$0xAA0] =	vst v36  }
0xd7: {  	v35 =	vld [tilespmem:$0xB10];
	v47 =	vbroadcast v1, $0x8;
	v44 =	vmul.f32 v25, v37;
	[tilespmem:$0xAB0] =	vst v39  }
0xd8: {  	v38 =	vld [tilespmem:$0xB20];
	v52 =	vbroadcast v1, $0x9;
	v46 =	vmul.f32 v28, v42;
	[tilespmem:$0xAC0] =	vst v41  }
0xd9: {  	v55 =	vld [tilespmem:$0xB90];
	v51 =	vmul.f32 v33, v47;
	[tilespmem:$0xAD0] =	vst v44  }
0xda: {  	v43 =	vld [tilespmem:$0xB40];
	v59 =	vmul.f32 v40, v52;
	[tilespmem:$0xAE0] =	vst v46  }
0xdb: {  	v45 =	vld [tilespmem:$0xB50];
	v49 =	vmul.f32 v30, v42;
	[tilespmem:$0xB00] =	vst v51  }
0xdc: {  	v48 =	vld [tilespmem:$0xB60];
	v19 =	vbroadcast v1, $0xC;
	v54 =	vmul.f32 v35, v47;
	[tilespmem:$0xB30] =	vst v59  }
0xdd: {  	v50 =	vld [tilespmem:$0xB70];
	v57 =	vbroadcast v1, $0xA;
	v56 =	vmul.f32 v38, v52;
	[tilespmem:$0xAF0] =	vst v49  }
0xde: {  	v53 =	vld [tilespmem:$0xB80];
	v25 =	vmul.f32 v55, v19;
	[tilespmem:$0xB10] =	vst v54  }
0xdf: {  	v60 =	vld [tilespmem:$0xBB0];
	v62 =	vbroadcast v1, $0xB;
	v61 =	vmul.f32 v43, v57;
	[tilespmem:$0xB20] =	vst v56  }
0xe0: {  	v63 =	vld [tilespmem:$0xBC0];
	v16 =	vmul.f32 v45, v57;
	[tilespmem:$0xB90] =	vst v25  }
0xe1: {  	v17 =	vld [tilespmem:$0xBD0];
	v18 =	vmul.f32 v48, v62;
	[tilespmem:$0xB40] =	vst v61  }
0xe2: {  	v58 =	vld [tilespmem:$0xBA0];
	v24 =	vbroadcast v1, $0xD;
	v21 =	vmul.f32 v50, v62;
	[tilespmem:$0xB50] =	vst v16  }
0xe3: {  	v20 =	vld [tilespmem:$0xBE0];
	v28 =	vbroadcast v1, $0xE;
	v23 =	vmul.f32 v53, v19;
	[tilespmem:$0xB60] =	vst v18  }
0xe4: {  	v22 =	vld [tilespmem:$0xBF0];
	v30 =	vmul.f32 v60, v24;
	[tilespmem:$0xB70] =	vst v21  }
0xe5: {  	v26 =	vld [tilespmem:$0xC00];
	v32 =	vmul.f32 v63, v28;
	[tilespmem:$0xB80] =	vst v23  }
0xe6: {  	v31 =	vld [tilespmem:$0xC20];
	v1 =	vbroadcast v1, $0xF;
	v34 =	vmul.f32 v17, v28;
	[tilespmem:$0xBB0] =	vst v30  }
0xe7: {  	v33 =	vld [tilespmem:$0xC30];
	v27 =	vmul.f32 v58, v24;
	[tilespmem:$0xBC0] =	vst v32  }
0xe8: {  	v37 =	vbroadcast v12, $0x0;
	v40 =	vld [tilespmem:$0xC60];
	v36 =	vmul.f32 v20, v1;
	[tilespmem:$0xBD0] =	vst v34  }
0xe9: {  	v29 =	vld [tilespmem:$0xC10];
	v42 =	vbroadcast v12, $0x1;
	v39 =	vmul.f32 v22, v1;
	[tilespmem:$0xBA0] =	vst v27  }
0xea: {  	v35 =	vld [tilespmem:$0xC40];
	v41 =	vmul.f32 v37, v26;
	[tilespmem:$0xBE0] =	vst v36  }
0xeb: {  	v3 =	vld [tilespmem:$0x1F0];
	v52 =	vbroadcast v12, $0x3;
	v46 =	vmul.f32 v31, v42;
	[tilespmem:$0xBF0] =	vst v39  }
0xec: {  	v38 =	vld [tilespmem:$0xC50];
	v49 =	vmul.f32 v33, v42;
	[tilespmem:$0xC00] =	vst v41  }
0xed: {  	v47 =	vbroadcast v12, $0x2;
	v55 =	vld [tilespmem:$0xCC0];
	v1 =	vmul.f32 v40, v52;
	[tilespmem:$0xC20] =	vst v46  }
0xee: {  	v59 =	vld [tilespmem:$0xCE0];
	v25 =	vbroadcast v12, $0x8;
	v44 =	vmul.f32 v29, v37;
	[tilespmem:$0xC30] =	vst v49  }
0xef: {  	v43 =	vld [tilespmem:$0xC70];
	v51 =	vmul.f32 v35, v47;
	[tilespmem:$0xC60] =	vst v1  }
0xf0: {  	v15 =	vbroadcast v12, $0x6;
	v45 =	vld [tilespmem:$0xC80];
	v29 =	vmul.f32 v13, v25;
	[tilespmem:$0xC10] =	vst v44  }
0xf1: {  	v48 =	vld [tilespmem:$0xC90];
	v20 =	vbroadcast v12, $0x7;
	v54 =	vmul.f32 v38, v47;
	[tilespmem:$0xC40] =	vst v51  }
0xf2: {  	v50 =	vld [tilespmem:$0xCA0];
	v19 =	vmul.f32 v55, v15;
	[tilespmem:$0xD00] =	vst v29  }
0xf3: {  	v53 =	vld [tilespmem:$0xCB0];
	v56 =	vbroadcast v12, $0x4;
	v24 =	vmul.f32 v59, v20;
	[tilespmem:$0xC50] =	vst v54  }
0xf4: {  	v57 =	vld [tilespmem:$0xCD0];
	v58 =	vmul.f32 v43, v52;
	[tilespmem:$0xCC0] =	vst v19  }
0xf5: {  	v62 =	vld [tilespmem:$0xCF0];
	v61 =	vbroadcast v12, $0x5;
	v60 =	vmul.f32 v45, v56;
	[tilespmem:$0xCE0] =	vst v24  }
0xf6: {  	v28 =	vld [tilespmem:$0xD60];
	v63 =	vmul.f32 v48, v56;
	[tilespmem:$0xC70] =	vst v58  }
0xf7: {  	v16 =	vld [tilespmem:$0xD10];
	v14 =	vmul.f32 v50, v61;
	[tilespmem:$0xC80] =	vst v60  }
0xf8: {  	v18 =	vld [tilespmem:$0xD20];
	v17 =	vmul.f32 v53, v61;
	[tilespmem:$0xC90] =	vst v63  }
0xf9: {  	v21 =	vld [tilespmem:$0xD30];
	v40 =	vbroadcast v12, $0xB;
	v22 =	vmul.f32 v57, v15;
	[tilespmem:$0xCA0] =	vst v14  }
0xfa: {  	v23 =	vld [tilespmem:$0xD40];
	v27 =	vmul.f32 v62, v20;
	[tilespmem:$0xCB0] =	vst v17  }
0xfb: {  	v26 =	vld [tilespmem:$0xD50];
	v30 =	vbroadcast v12, $0x9;
	v44 =	vmul.f32 v28, v40;
	[tilespmem:$0xCD0] =	vst v22  }
0xfc: {  	v31 =	vld [tilespmem:$0xD70];
	[tilespmem:$0xCF0] =	vst v27;
	v32 =	vmul.f32 v16, v25  }
0xfd: {  	v33 =	vld [tilespmem:$0xD80];
	v35 =	vbroadcast v12, $0xA;
	v34 =	vmul.f32 v18, v30;
	[tilespmem:$0xD60] =	vst v44  }
0xfe: {  	v36 =	vld [tilespmem:$0xD90];
	v37 =	vmul.f32 v21, v30;
	[tilespmem:$0xD10] =	vst v32  }
0xff: {  	v38 =	vld [tilespmem:$0xDA0];
	v39 =	vmul.f32 v23, v35;
	[tilespmem:$0xD20] =	vst v34  }
0x100: {  	v41 =	vld [tilespmem:$0xDB0];
	v45 =	vbroadcast v12, $0xC;
	v42 =	vmul.f32 v26, v35;
	[tilespmem:$0xD30] =	vst v37  }
0x101: {  	v46 =	vld [tilespmem:$0xDD0];
	v47 =	vmul.f32 v31, v40;
	[tilespmem:$0xD40] =	vst v39  }
0x102: {  	v55 =	vld [tilespmem:$0xE00];
	v50 =	vbroadcast v12, $0xD;
	v49 =	vmul.f32 v33, v45;
	[tilespmem:$0xD50] =	vst v42  }
0x103: {  	v13 =	vld [tilespmem:$0xE40];
	v59 =	vbroadcast v12, $0xF;
	v52 =	vmul.f32 v36, v45;
	[tilespmem:$0xD70] =	vst v47  }
0x104: {  	v43 =	vld [tilespmem:$0xDC0];
	v54 =	vbroadcast v12, $0xE;
	[tilespmem:$0xD80] =	vst v49;
	v53 =	vmul.f32 v38, v50  }
0x105: {  	v48 =	vld [tilespmem:$0xDE0];
	v12 =	vbroadcast v6, $0x0;
	v56 =	vmul.f32 v41, v50;
	[tilespmem:$0xD90] =	vst v52  }
0x106: {  	v51 =	vld [tilespmem:$0xDF0];
	v22 =	vbroadcast v6, $0x2;
	v61 =	vmul.f32 v46, v54;
	[tilespmem:$0xDA0] =	vst v53  }
0x107: {  	v57 =	vld [tilespmem:$0xE10];
	v16 =	vmul.f32 v12, v55;
	[tilespmem:$0xDB0] =	vst v56  }
0x108: {  	v62 =	vld [tilespmem:$0xE30];
	v26 =	vmul.f32 v13, v22;
	[tilespmem:$0xDD0] =	vst v61  }
0x109: {  	v15 =	vld [tilespmem:$0xE50];
	v58 =	vmul.f32 v43, v54;
	[tilespmem:$0xE00] =	vst v16  }
0x10a: {  	v20 =	vld [tilespmem:$0xE70];
	v63 =	vmul.f32 v48, v59;
	[tilespmem:$0xE40] =	vst v26  }
0x10b: {  	v28 =	vld [tilespmem:$0xEA0];
	v17 =	vbroadcast v6, $0x1;
	v14 =	vmul.f32 v51, v59;
	[tilespmem:$0xDC0] =	vst v58  }
0x10c: {  	v60 =	vld [tilespmem:$0xE20];
	v19 =	vmul.f32 v57, v12;
	[tilespmem:$0xDE0] =	vst v63  }
0x10d: {  	v18 =	vld [tilespmem:$0xE60];
	v27 =	vbroadcast v6, $0x3;
	v24 =	vmul.f32 v62, v17;
	[tilespmem:$0xDF0] =	vst v14  }
0x10e: {  	v23 =	vld [tilespmem:$0xE80];
	v37 =	vbroadcast v6, $0x5;
	v29 =	vmul.f32 v15, v22;
	[tilespmem:$0xE10] =	vst v19  }
0x10f: {  	v25 =	vld [tilespmem:$0xE90];
	v34 =	vmul.f32 v20, v27;
	[tilespmem:$0xE30] =	vst v24  }
0x110: {  	v30 =	vld [tilespmem:$0xEB0];
	v41 =	vmul.f32 v28, v37;
	[tilespmem:$0xE50] =	vst v29  }
0x111: {  	v33 =	vld [tilespmem:$0xEC0];
	v32 =	vbroadcast v6, $0x4;
	v21 =	vmul.f32 v60, v17;
	[tilespmem:$0xE70] =	vst v34  }
0x112: {  	v35 =	vld [tilespmem:$0xED0];
	v31 =	vmul.f32 v18, v27;
	[tilespmem:$0xEA0] =	vst v41  }
0x113: {  	v40 =	vld [tilespmem:$0xEF0];
	v36 =	vmul.f32 v23, v32;
	[tilespmem:$0xE20] =	vst v21  }
0x114: {  	v45 =	vld [tilespmem:$0xF10];
	v42 =	vbroadcast v6, $0x6;
	v39 =	vmul.f32 v25, v32;
	[tilespmem:$0xE60] =	vst v31  }
0x115: {  	v38 =	vld [tilespmem:$0xEE0];
	v44 =	vmul.f32 v30, v37;
	[tilespmem:$0xE80] =	vst v36  }
0x116: {  	v47 =	vbroadcast v6, $0x7;
	v50 =	vld [tilespmem:$0xF30];
	v46 =	vmul.f32 v33, v42;
	[tilespmem:$0xE90] =	vst v39  }
0x117: {  	v55 =	vld [tilespmem:$0xF50];
	v52 =	vbroadcast v6, $0x8;
	v49 =	vmul.f32 v35, v42;
	[tilespmem:$0xEB0] =	vst v44  }
0x118: {  	v13 =	vld [tilespmem:$0xF90];
	v54 =	vmul.f32 v40, v47;
	[tilespmem:$0xEC0] =	vst v46  }
0x119: {  	v43 =	vld [tilespmem:$0xF00];
	v57 =	vbroadcast v6, $0x9;
	v59 =	vmul.f32 v45, v52;
	[tilespmem:$0xED0] =	vst v49  }
0x11a: {  	v48 =	vld [tilespmem:$0xF20];
	v62 =	vbroadcast v6, $0xA;
	v51 =	vmul.f32 v38, v47;
	[tilespmem:$0xEF0] =	vst v54  }
0x11b: {  	v20 =	vbroadcast v6, $0xC;
	v53 =	vld [tilespmem:$0xF40];
	v12 =	vmul.f32 v50, v57;
	[tilespmem:$0xF10] =	vst v59  }
0x11c: {  	v16 =	vld [tilespmem:$0xFA0];
	v17 =	vmul.f32 v55, v62;
	[tilespmem:$0xEE0] =	vst v51  }
0x11d: {  	v15 =	vbroadcast v6, $0xB;
	v26 =	vld [tilespmem:$0xFE0];
	v27 =	vmul.f32 v13, v20;
	[tilespmem:$0xF30] =	vst v12  }
0x11e: {  	v58 =	vld [tilespmem:$0xF60];
	v25 =	vbroadcast v6, $0xD;
	v56 =	vmul.f32 v43, v52;
	[tilespmem:$0xF50] =	vst v17  }
0x11f: {  	v60 =	vld [tilespmem:$0xF70];
	v29 =	vbroadcast v6, $0xE;
	v61 =	vmul.f32 v48, v57;
	[tilespmem:$0xF90] =	vst v27  }
0x120: {  	v63 =	vld [tilespmem:$0xF80];
	v6 =	vbroadcast v6, $0xF;
	v14 =	vmul.f32 v53, v62;
	[tilespmem:$0xF00] =	vst v56  }
0x121: {  	v18 =	vld [tilespmem:$0xFB0];
	v28 =	vmul.f32 v16, v25;
	[tilespmem:$0xF20] =	vst v61  }
0x122: {  	v23 =	vld [tilespmem:$0xFD0];
	v37 =	vmul.f32 v26, v6;
	[tilespmem:$0xF40] =	vst v14  }
0x123: {  	v30 =	vld [tilespmem:$0xFF0];
	v19 =	vmul.f32 v58, v15;
	[tilespmem:$0xFA0] =	vst v28  }
0x124: {  	v32 =	vld [tilespmem:$0x1000];
	v22 =	vmul.f32 v60, v15;
	[tilespmem:$0xFE0] =	vst v37  }
0x125: {  	v34 =	vld [tilespmem:$0x1010];
	v24 =	vmul.f32 v63, v20;
	[tilespmem:$0xF60] =	vst v19  }
0x126: {  	v41 =	vld [tilespmem:$0x1040];
	v31 =	vmul.f32 v18, v25;
	[tilespmem:$0xF70] =	vst v22  }
0x127: {  	v21 =	vld [tilespmem:$0xFC0];
	v38 =	vbroadcast v3, $0x0;
	v35 =	vmul.f32 v23, v29;
	[tilespmem:$0xF80] =	vst v24  }
0x128: {  	v36 =	vld [tilespmem:$0x1020];
	v40 =	vmul.f32 v30, v6;
	[tilespmem:$0xFB0] =	vst v31  }
0x129: {  	v39 =	vld [tilespmem:$0x1030];
	v48 =	vbroadcast v3, $0x2;
	v42 =	vmul.f32 v38, v32;
	[tilespmem:$0xFD0] =	vst v35  }
0x12a: {  	v44 =	vld [tilespmem:$0x1050];
	v45 =	vmul.f32 v34, v38;
	[tilespmem:$0xFF0] =	vst v40  }
0x12b: {  	v46 =	vld [tilespmem:$0x1060];
	v43 =	vbroadcast v3, $0x1;
	v52 =	vmul.f32 v41, v48;
	[tilespmem:$0x1000] =	vst v42  }
0x12c: {  	v49 =	vld [tilespmem:$0x1070];
	v33 =	vmul.f32 v21, v29;
	[tilespmem:$0x1010] =	vst v45  }
0x12d: {  	v54 =	vld [tilespmem:$0x1090];
	v47 =	vmul.f32 v36, v43;
	[tilespmem:$0x1040] =	vst v52  }
0x12e: {  	v59 =	vld [tilespmem:$0x10B0];
	v53 =	vbroadcast v3, $0x3;
	v50 =	vmul.f32 v39, v43;
	[tilespmem:$0xFC0] =	vst v33  }
0x12f: {  	v51 =	vld [tilespmem:$0x1080];
	v55 =	vmul.f32 v44, v48;
	[tilespmem:$0x1020] =	vst v47  }
0x130: {  	v12 =	vld [tilespmem:$0x10D0];
	v58 =	vbroadcast v3, $0x4;
	v57 =	vmul.f32 v46, v53;
	[tilespmem:$0x1030] =	vst v50  }
0x131: {  	v17 =	vld [tilespmem:$0x10F0];
	v63 =	vbroadcast v3, $0x5;
	v60 =	vmul.f32 v49, v53;
	[tilespmem:$0x1050] =	vst v55  }
0x132: {  	v27 =	vld [tilespmem:$0x1130];
	v13 =	vmul.f32 v54, v58;
	[tilespmem:$0x1060] =	vst v57  }
0x133: {  	v16 =	vbroadcast v3, $0x6;
	v56 =	vld [tilespmem:$0x10A0];
	v18 =	vmul.f32 v59, v63;
	[tilespmem:$0x1070] =	vst v60  }
0x134: {  	v61 =	vld [tilespmem:$0x10C0];
	v21 =	vbroadcast v3, $0x7;
	v62 =	vmul.f32 v51, v58;
	[tilespmem:$0x1090] =	vst v13  }
0x135: {  	v32 =	vld [tilespmem:$0x1150];
	v31 =	vbroadcast v3, $0x9;
	v23 =	vmul.f32 v12, v16;
	[tilespmem:$0x10B0] =	vst v18  }
0x136: {  	v34 =	vld [tilespmem:$0x1160];
	v28 =	vmul.f32 v17, v21;
	[tilespmem:$0x1080] =	vst v62  }
0x137: {  	v14 =	vld [tilespmem:$0x10E0];
	v38 =	vmul.f32 v27, v31;
	[tilespmem:$0x10D0] =	vst v23  }
0x138: {  	v37 =	vld [tilespmem:$0x1170];
	v36 =	vbroadcast v3, $0xA;
	v15 =	vmul.f32 v56, v63;
	[tilespmem:$0x10F0] =	vst v28  }
0x139: {  	v41 =	vbroadcast v3, $0xB;
	v19 =	vld [tilespmem:$0x1100];
	v20 =	vmul.f32 v61, v16;
	[tilespmem:$0x1130] =	vst v38  }
0x13a: {  	v22 =	vld [tilespmem:$0x1110];
	v43 =	vmul.f32 v32, v36;
	[tilespmem:$0x10A0] =	vst v15  }
0x13b: {  	v24 =	vld [tilespmem:$0x1120];
	v45 =	vmul.f32 v34, v41;
	[tilespmem:$0x10C0] =	vst v20  }
0x13c: {  	v26 =	vbroadcast v3, $0x8;
	v29 =	vld [tilespmem:$0x1140];
	v25 =	vmul.f32 v14, v21;
	[tilespmem:$0x1150] =	vst v43  }
0x13d: {  	v39 =	vld [tilespmem:$0x1180];
	v48 =	vmul.f32 v37, v41;
	[tilespmem:$0x1160] =	vst v45  }
0x13e: {  	v42 =	vld [tilespmem:$0x1190];
	v30 =	vmul.f32 v19, v26;
	[tilespmem:$0x10E0] =	vst v25  }
0x13f: {  	v44 =	vld [tilespmem:$0x11A0];
	v33 =	vmul.f32 v22, v26;
	[tilespmem:$0x1170] =	vst v48  }
0x140: {  	v46 =	vbroadcast v3, $0xC;
	v49 =	vld [tilespmem:$0x11C0];
	v35 =	vmul.f32 v24, v31;
	[tilespmem:$0x1100] =	vst v30  }
0x141: {  	v54 =	vld [tilespmem:$0x11E0];
	v40 =	vmul.f32 v29, v36;
	[tilespmem:$0x1110] =	vst v33  }
0x142: {  	v52 =	vld [tilespmem:$0x11D0];
	v51 =	vbroadcast v3, $0xD;
	v50 =	vmul.f32 v39, v46;
	[tilespmem:$0x1120] =	vst v35  }
0x143: {  	v47 =	vld [tilespmem:$0x11B0];
	v56 =	vbroadcast v3, $0xE;
	v53 =	vmul.f32 v42, v46;
	[tilespmem:$0x1140] =	vst v40  }
0x144: {  	v57 =	vld [tilespmem:$0x11F0];
	v60 =	vbroadcast v3, $0xF;
	v55 =	vmul.f32 v44, v51;
	[tilespmem:$0x1180] =	vst v50  }
0x145: {  	v59 =	vmul.f32 v49, v56;
	[tilespmem:$0x1190] =	vst v53  }
0x146: {  	v62 =	vmul.f32 v54, v60;
	[tilespmem:$0x11A0] =	vst v55  }
0x147: {  	v61 =	vmul.f32 v52, v56;
	[tilespmem:$0x11C0] =	vst v59  }
0x148: {  	v58 =	vmul.f32 v47, v51;
	[tilespmem:$0x11E0] =	vst v62  }
0x149: {  	v63 =	vmul.f32 v57, v60;
	[tilespmem:$0x11D0] =	vst v61  }
0x14a: {  	p0 =	sne.s32 s19, $0xA30;
	[tilespmem:$0x11B0] =	vst v58  }
.Ltmp0:
0x14b: {  	[tilespmem:$0x11F0] =	vst v63;
	(pc) =	sbr.rel @p0 .LBB2_2-.Ltmp0, $4  }
0x14c: {  	[spmem:s3] =	stream.indirect.scatter.add.f32 [tilespmem:s15], [sflag:$0x2], $0x20, s17, s14, $0xb8;
	[tilespmem:$0x5200] =	vst v63  }
0x14d: {  	_ =	swait.ge [sflag:s12], $0x1000  }
0x14e: {  	[sflag:s12] =	ssyncset.done $0x0  }
0x14f: {  	s19 =	sadd.s32 $0x10, s19;
	[sflag:s12] =	ssyncadd.s32 $0xFFFFF000  }
0x150: {  	s18 =	sadd.s32 $0x1, s18  }
0x151: {  	p0 =	sne.s32 s18, s8  }
.Ltmp1:
0x152: {  	[bflag:$0x0] =	sbarrier.arrive $0xFFFF;
	(pc) =	sbr.rel @p0 .LBB2_1-.Ltmp1, $4  }
0x153: {  	[hbm:s7], [sflag:s6] =	dma.local [spmem:s11], $0x800  }
0x154: {  	_ =	swait.ge [sflag:s12], $0x800  }
0x155: {  	[sflag:s12] =	ssyncset.done $0x0  }
0x156: {  	[sflag:s12] =	ssyncadd.s32 $0xFFFFF800  }
0x157: {  	_ =	sfence.sel $0x180000  }
0x158: {  	[bflag:$0x0] =	sbarrier.arrive $0xFFFF  }
0x159: {  	p0 =	sne.s32 s0, $0x0;
	_ =	strace $0x90000047  }
0x15a: {  	s0 =	sadd.s32 @!p0 $0x100000, s2;
	[bflag:$0x2] =	sbarrier.arrive $0xFFFF  }
0x15b: {  	[sflag:s0] =	ssyncadd.tile.s32 @!p0 $0x1;
	_ =	shalt  }
.Lfunc_end2:
_tile_overlayer_lowered:
.L_overlay_start_2:
0x15c: {  	(tag) =	ssettag $0x2  }
0x15d: {  	s0 =	rddreg [dreg:$0x0];
	s2 =	stileid.u32  }
0x15e: {  	s1 =	rddreg [dreg:$0x1];
	p0 =	sne.s32 s2, $0x0  }
0x15f: {  	s3 =	rddreg [dreg:$0x2];
	[bflag:$0x3] =	sbarrier.arrive $0xFFFF;
	s2 =	simm.s32 @!p0 $0x1C02  }
0x160: {  	[timem:s3], [sflag:s2] =	dma.local @!p0 [hbm:s0], s1  }
0x161: {  	s0 =	simm.s32 @!p0 $0x2  }
0x162: {  	_ =	swait.ge @!p0 [sflag:s0], s1  }
0x163: {  	s1 =	ssub.s32 @!p0 $0x0, s1;
	[sflag:s0] =	ssyncset.done @!p0 $0x0  }
0x164: {  	[sflag:s0] =	ssyncadd.s32 @!p0 s1  }
0x165: {  	[bflag:$0x3] =	sbarrier.arrive $0xFFFF  }
0x166: {  	_ =	shalt  }

</sc_bundles>
